<compile_context>
chip_gen: v7x
topology: tpu7x:2x2x1
jax: 0.10.2.dev20260603
libtpu: 0.0.44.dev20260713+nightly
codegen_flags: <defaults>
</compile_context>

<pallas_src>
import functools

import jax
import jax.numpy as jnp
from jax import lax
from jax.experimental import pallas as pl
from jax.experimental.pallas import tpu as pltpu
from jax.experimental.pallas import tpu_sc as plsc

D = 64
LANES = 16
NC = 2
NS = 16
NW = NC * NS
NBUF = 6
INFLT = 3
SCALE = 8.0
XPAD = 128
G = 56


def _build(n_sent, seq_len):
  assert n_sent % NW == 0
  spw = n_sent // NW
  opr = seq_len * D // 128
  n_orow = n_sent * opr
  mesh = plsc.VectorSubcoreMesh(core_axis_name="c", subcore_axis_name="s")

  @functools.partial(
      pl.kernel,
      out_type=jax.ShapeDtypeStruct((n_orow, 128), jnp.float32),
      mesh=mesh,
      scratch_types=[
          pltpu.VMEM((spw, XPAD), jnp.int32),
          pltpu.VMEM((NBUF, G, D), jnp.float32),
          pltpu.VMEM((NBUF, opr, 128), jnp.float32),
          pltpu.SemaphoreType.DMA,
          pltpu.SemaphoreType.DMA,
      ],
      compiler_params=pltpu.CompilerParams(use_tc_tiling_on_sc=False),
  )
  def emb(x_hbm, table_hbm, out_hbm, idx_v, rows_g, rows_w, sem_in, sem_out):
    wid = lax.axis_index("s") * NC + lax.axis_index("c")
    sent0 = wid * spw
    orow0 = sent0 * opr
    pltpu.sync_copy(x_hbm.at[pl.ds(sent0, spw)], idx_v)

    def start_gather(j, b):
      pltpu.make_async_copy(
          table_hbm.at[idx_v.at[j, pl.ds(0, G)]], rows_g.at[b], sem_in
      ).start()

    def wait_gather():
      pltpu.make_async_copy(
          table_hbm.at[idx_v.at[0, pl.ds(0, G)]], rows_g.at[0], sem_in
      ).wait()

    def start_write(j, b):
      pltpu.make_async_copy(
          rows_w.at[b], out_hbm.at[pl.ds(orow0 + j * opr, opr)], sem_out
      ).start()

    def wait_write():
      pltpu.make_async_copy(
          rows_w.at[0], out_hbm.at[pl.ds(orow0, opr)], sem_out
      ).wait()

    def scale(b, bw):
      @plsc.parallel_loop(0, opr, unroll=5)
      def _(r2):
        for h in range(8):
          src = rows_g[b, 2 * r2 + h // 4, pl.ds((h % 4) * LANES, LANES)]
          rows_w[bw, r2, pl.ds(h * LANES, LANES)] = src * SCALE

    for j in range(INFLT):
      start_gather(j, j)
    for j in range(INFLT):
      wait_gather()
      scale(j, j)
      start_gather(j + INFLT, j + INFLT)
      start_write(j, j)

    def steady(j, carry):
      b = j % NBUF
      wait_gather()
      wait_write()
      scale(b, b)
      start_gather(j + INFLT, (j + INFLT) % NBUF)
      start_write(j, b)
      return carry

    lax.fori_loop(INFLT, spw - INFLT, steady, 0)

    for j in range(spw - INFLT, spw):
      b = j % NBUF
      wait_gather()
      scale(b, b)
      start_write(j, b)

    for _ in range(NBUF):
      wait_write()

  return emb


_EMB = _build(16384, 50)


def kernel(x, table):
  x_pad = jnp.pad(x.astype(jnp.int32), ((0, 0), (0, XPAD - x.shape[1])))
  out = _EMB(x_pad, table)
  return out.reshape(x.shape[0], x.shape[1], D)

# --- scband reference (transcript-rebuilt; emitter-appended) ---
"""Pipeline reference for scband-embeddings-16544214024345 (READ-ONLY COPY).

The authoritative reference and input builder live on the scoring server;
editing this copy changes nothing except your own understanding.
"""

import jax, jax.numpy as jnp
import numpy as np

VOCAB = 1000000
D_MODEL = 64
B = 16384
L = 50

def setup_inputs(seed: int = 0) -> dict:
    key = jax.random.key(seed)
    k_idx, k_tab = jax.random.split(key)
    x = jax.random.randint(k_idx, (B, L), 0, VOCAB, dtype=jnp.int64 if jax.config.jax_enable_x64 else jnp.int32)
    table = jax.random.normal(k_tab, (VOCAB, D_MODEL), dtype=jnp.float32) * 0.02
    return {"x": x, "table": table}

def reference(x, table):
    emb = jnp.take(table, x, axis=0)
    return emb * jnp.sqrt(jnp.asarray(D_MODEL, dtype=jnp.float32))

if __name__ == "__main__":
    import jax
    _d = setup_inputs()
    print(jax.jit(kernel)(*tuple(_d.values())))

</pallas_src>

<mosaic_0001>
#map = affine_map<(d0, d1) -> (0, 0)>
module attributes {stable_mosaic.version = 14 : i64} {
  func.func @emb(%arg0: i32, %arg1: i32, %arg2: memref<16384x128xi32, #tpu.memory_space<hbm>>, %arg3: memref<1000000x64xf32, #tpu.memory_space<hbm>>, %arg4: memref<409600x128xf32, #tpu.memory_space<hbm>>, %arg5: memref<512x128xi32, #tpu.memory_space<vmem>>, %arg6: memref<6x56x64xf32, #tpu.memory_space<vmem>>, %arg7: memref<6x25x128xf32, #tpu.memory_space<vmem>>, %arg8: memref<!tpu.dma_semaphore, #tpu.memory_space<semaphore_mem>>, %arg9: memref<!tpu.dma_semaphore, #tpu.memory_space<semaphore_mem>>) attributes {dimension_semantics = [#tpu.dimension_semantics<core_parallel>, #tpu.dimension_semantics<subcore_parallel>], iteration_bounds = array<i64: 2, 16>, scalar_prefetch = 0 : i64, scratch_operands = 5 : i64, tpu.core_type = #tpu.core_type<sc_vector_subcore>, window_params = [{transform_indices = #map}, {transform_indices = #map}, {transform_indices = #map}]} {
    %mul3A = arith.constant 2 : i32
    %mul3A_0 = arith.muli %arg1, %mul3A : i32
    %add3A = arith.addi %mul3A_0, %arg0 : i32
    %mul3A_1 = arith.constant 512 : i32
    %mul3A_2 = arith.muli %add3A, %mul3A_1 : i32
    %mul3A_3 = arith.constant 25 : i32
    %mul3A_4 = arith.muli %mul3A_2, %mul3A_3 : i32
    "tpu.region"() ({
      %run_scoped3A = tpu.sem_alloc : memref<!tpu.dma_semaphore, #tpu.memory_space<semaphore_mem>>
      %dma_start3A_337 = arith.constant 0 : i32
      %dma_start3A_338 = tpu.memref_slice %arg2[%mul3A_2, %dma_start3A_337] : memref<16384x128xi32, #tpu.memory_space<hbm>> -> memref<512x128xi32, #tpu.memory_space<hbm>>
      %dma_start3A_339 = arith.constant 0 : i32
      %dma_start3A_340 = tpu.memref_slice %arg2[%mul3A_2, %dma_start3A_339] : memref<16384x128xi32, #tpu.memory_space<hbm>> -> memref<512x128xi32, #tpu.memory_space<hbm>>
      tpu.enqueue_dma source(%dma_start3A_340 : memref<512x128xi32, #tpu.memory_space<hbm>>) target(%arg5 : memref<512x128xi32, #tpu.memory_space<vmem>>) target_semaphore(%run_scoped3A : memref<!tpu.dma_semaphore, #tpu.memory_space<semaphore_mem>>)
      %dma_wait3A_341 = arith.constant 0 : i32
      %dma_wait3A_342 = tpu.memref_slice %arg2[%mul3A_2, %dma_wait3A_341] : memref<16384x128xi32, #tpu.memory_space<hbm>> -> memref<512x128xi32, #tpu.memory_space<hbm>>
      %dma_wait3A_343 = arith.constant 0 : i32
      %dma_wait3A_344 = tpu.memref_slice %arg2[%mul3A_2, %dma_wait3A_343] : memref<16384x128xi32, #tpu.memory_space<hbm>> -> memref<512x128xi32, #tpu.memory_space<hbm>>
      tpu.wait_dma2 semaphore(%run_scoped3A : memref<!tpu.dma_semaphore, #tpu.memory_space<semaphore_mem>>) src(%dma_wait3A_344 : memref<512x128xi32, #tpu.memory_space<hbm>>) dst(%arg5 : memref<512x128xi32, #tpu.memory_space<vmem>>)
      tpu.yield
    }) : () -> ()
    %dma_start3A = arith.constant 0 : i32
    %dma_start3A_5 = arith.constant 0 : i32
    %dma_start3A_6 = arith.constant 0 : i32
    %dma_start3A_7 = arith.constant 0 : i32
    %dma_start3A_8 = tpu.memref_slice %arg6[%dma_start3A_5, %dma_start3A_6, %dma_start3A_7] : memref<6x56x64xf32, #tpu.memory_space<vmem>> -> memref<1x56x64xf32, #tpu.memory_space<vmem>>
    %dma_start3A_9 = tpu.memref_squeeze %dma_start3A_8 : memref<1x56x64xf32, #tpu.memory_space<vmem>> -> memref<56x64xf32, #tpu.memory_space<vmem>>
    %dma_start3A_10 = arith.constant 0 : i32
    %dma_start3A_11 = tpu.memref_slice %arg5[%dma_start3A, %dma_start3A_10] : memref<512x128xi32, #tpu.memory_space<vmem>> -> memref<1x56xi32, #tpu.memory_space<vmem>>
    %dma_start3A_12 = tpu.memref_squeeze %dma_start3A_11 : memref<1x56xi32, #tpu.memory_space<vmem>> -> memref<56xi32, #tpu.memory_space<vmem>>
    %dma_start3A_13 = arith.constant 0 : i32
    %dma_start3A_14 = arith.constant 0 : i32
    %dma_start3A_15 = tpu.memref_slice %arg3[%dma_start3A_13, %dma_start3A_14] : memref<1000000x64xf32, #tpu.memory_space<hbm>> -> memref<1000000x64xf32, #tpu.memory_space<hbm>>
    tpu.enqueue_indirect_dma source(%dma_start3A_15 : memref<1000000x64xf32, #tpu.memory_space<hbm>>) target(%dma_start3A_9 : memref<56x64xf32, #tpu.memory_space<vmem>>) offsets(%dma_start3A_12 : memref<56xi32, #tpu.memory_space<vmem>>) semaphore(%arg8 : memref<!tpu.dma_semaphore, #tpu.memory_space<semaphore_mem>>)
    %dma_start3A_16 = arith.constant 1 : i32
    %dma_start3A_17 = arith.constant 1 : i32
    %dma_start3A_18 = arith.constant 0 : i32
    %dma_start3A_19 = arith.constant 0 : i32
    %dma_start3A_20 = tpu.memref_slice %arg6[%dma_start3A_17, %dma_start3A_18, %dma_start3A_19] : memref<6x56x64xf32, #tpu.memory_space<vmem>> -> memref<1x56x64xf32, #tpu.memory_space<vmem>>
    %dma_start3A_21 = tpu.memref_squeeze %dma_start3A_20 : memref<1x56x64xf32, #tpu.memory_space<vmem>> -> memref<56x64xf32, #tpu.memory_space<vmem>>
    %dma_start3A_22 = arith.constant 0 : i32
    %dma_start3A_23 = tpu.memref_slice %arg5[%dma_start3A_16, %dma_start3A_22] : memref<512x128xi32, #tpu.memory_space<vmem>> -> memref<1x56xi32, #tpu.memory_space<vmem>>
    %dma_start3A_24 = tpu.memref_squeeze %dma_start3A_23 : memref<1x56xi32, #tpu.memory_space<vmem>> -> memref<56xi32, #tpu.memory_space<vmem>>
    %dma_start3A_25 = arith.constant 0 : i32
    %dma_start3A_26 = arith.constant 0 : i32
    %dma_start3A_27 = tpu.memref_slice %arg3[%dma_start3A_25, %dma_start3A_26] : memref<1000000x64xf32, #tpu.memory_space<hbm>> -> memref<1000000x64xf32, #tpu.memory_space<hbm>>
    tpu.enqueue_indirect_dma source(%dma_start3A_27 : memref<1000000x64xf32, #tpu.memory_space<hbm>>) target(%dma_start3A_21 : memref<56x64xf32, #tpu.memory_space<vmem>>) offsets(%dma_start3A_24 : memref<56xi32, #tpu.memory_space<vmem>>) semaphore(%arg8 : memref<!tpu.dma_semaphore, #tpu.memory_space<semaphore_mem>>)
    %dma_start3A_28 = arith.constant 2 : i32
    %dma_start3A_29 = arith.constant 2 : i32
    %dma_start3A_30 = arith.constant 0 : i32
    %dma_start3A_31 = arith.constant 0 : i32
    %dma_start3A_32 = tpu.memref_slice %arg6[%dma_start3A_29, %dma_start3A_30, %dma_start3A_31] : memref<6x56x64xf32, #tpu.memory_space<vmem>> -> memref<1x56x64xf32, #tpu.memory_space<vmem>>
    %dma_start3A_33 = tpu.memref_squeeze %dma_start3A_32 : memref<1x56x64xf32, #tpu.memory_space<vmem>> -> memref<56x64xf32, #tpu.memory_space<vmem>>
    %dma_start3A_34 = arith.constant 0 : i32
    %dma_start3A_35 = tpu.memref_slice %arg5[%dma_start3A_28, %dma_start3A_34] : memref<512x128xi32, #tpu.memory_space<vmem>> -> memref<1x56xi32, #tpu.memory_space<vmem>>
    %dma_start3A_36 = tpu.memref_squeeze %dma_start3A_35 : memref<1x56xi32, #tpu.memory_space<vmem>> -> memref<56xi32, #tpu.memory_space<vmem>>
    %dma_start3A_37 = arith.constant 0 : i32
    %dma_start3A_38 = arith.constant 0 : i32
    %dma_start3A_39 = tpu.memref_slice %arg3[%dma_start3A_37, %dma_start3A_38] : memref<1000000x64xf32, #tpu.memory_space<hbm>> -> memref<1000000x64xf32, #tpu.memory_space<hbm>>
    tpu.enqueue_indirect_dma source(%dma_start3A_39 : memref<1000000x64xf32, #tpu.memory_space<hbm>>) target(%dma_start3A_33 : memref<56x64xf32, #tpu.memory_space<vmem>>) offsets(%dma_start3A_36 : memref<56xi32, #tpu.memory_space<vmem>>) semaphore(%arg8 : memref<!tpu.dma_semaphore, #tpu.memory_space<semaphore_mem>>)
    %dma_wait3A = arith.constant 0 : i32
    %dma_wait3A_40 = arith.constant 0 : i32
    %dma_wait3A_41 = arith.constant 0 : i32
    %dma_wait3A_42 = arith.constant 0 : i32
    %dma_wait3A_43 = tpu.memref_slice %arg6[%dma_wait3A_40, %dma_wait3A_41, %dma_wait3A_42] : memref<6x56x64xf32, #tpu.memory_space<vmem>> -> memref<1x56x64xf32, #tpu.memory_space<vmem>>
    %dma_wait3A_44 = tpu.memref_squeeze %dma_wait3A_43 : memref<1x56x64xf32, #tpu.memory_space<vmem>> -> memref<56x64xf32, #tpu.memory_space<vmem>>
    %dma_wait3A_45 = arith.constant 0 : i32
    %dma_wait3A_46 = tpu.memref_slice %arg5[%dma_wait3A, %dma_wait3A_45] : memref<512x128xi32, #tpu.memory_space<vmem>> -> memref<1x56xi32, #tpu.memory_space<vmem>>
    %dma_wait3A_47 = tpu.memref_squeeze %dma_wait3A_46 : memref<1x56xi32, #tpu.memory_space<vmem>> -> memref<56xi32, #tpu.memory_space<vmem>>
    %dma_wait3A_48 = arith.constant 0 : i32
    %dma_wait3A_49 = arith.constant 0 : i32
    %dma_wait3A_50 = tpu.memref_slice %arg3[%dma_wait3A_48, %dma_wait3A_49] : memref<1000000x64xf32, #tpu.memory_space<hbm>> -> memref<1000000x64xf32, #tpu.memory_space<hbm>>
    tpu.wait_indirect_dma semaphore(%arg8 : memref<!tpu.dma_semaphore, #tpu.memory_space<semaphore_mem>>) src(%dma_wait3A_50 : memref<1000000x64xf32, #tpu.memory_space<hbm>>) dst(%dma_wait3A_44 : memref<56x64xf32, #tpu.memory_space<vmem>>)
    %parallel_loop3A = arith.constant 0 : i32
    %parallel_loop3A_51 = arith.constant 25 : i32
    %parallel_loop3A_52 = arith.constant 1 : i32
    scf.for %parallel_loop3A_337 = %parallel_loop3A to %parallel_loop3A_51 step %parallel_loop3A_52  : i32 {
      %parallel_loop3A_338 = arith.constant 2 : i32
      %parallel_loop3A_339 = arith.muli %parallel_loop3A_338, %parallel_loop3A_337 : i32
      %parallel_loop3A_340 = arith.constant 0 : i32
      %parallel_loop3A_341 = arith.addi %parallel_loop3A_339, %parallel_loop3A_340 : i32
      %parallel_loop3A_342 = arith.constant 0 : i32
      %parallel_loop3A_343 = arith.index_cast %parallel_loop3A_342 : i32 to index
      %parallel_loop3A_344 = arith.index_cast %parallel_loop3A_341 : i32 to index
      %parallel_loop3A_345 = arith.constant 0 : index
      %parallel_loop3A_346 = tpu.vector_load %arg6[%parallel_loop3A_343, %parallel_loop3A_344, %parallel_loop3A_345] {strides = array<i32>} : memref<6x56x64xf32, #tpu.memory_space<vmem>>, vector<1x1x16xf32>,
      %parallel_loop3A_347 = vector.shape_cast %parallel_loop3A_346 : vector<1x1x16xf32> to vector<16xf32>
      %parallel_loop3A_348 = arith.constant 8.000000e+00 : f32
      %parallel_loop3A_349 = vector.broadcast %parallel_loop3A_348 : f32 to vector<16xf32>
      %parallel_loop3A_350 = arith.mulf %parallel_loop3A_347, %parallel_loop3A_349 : vector<16xf32>
      %parallel_loop3A_351 = arith.constant 0 : i32
      %parallel_loop3A_352 = arith.index_cast %parallel_loop3A_351 : i32 to index
      %parallel_loop3A_353 = arith.index_cast %parallel_loop3A_337 : i32 to index
      %parallel_loop3A_354 = arith.constant 0 : index
      %parallel_loop3A_355 = tpu.vector_load %arg7[%parallel_loop3A_352, %parallel_loop3A_353, %parallel_loop3A_354] {strides = array<i32>} : memref<6x25x128xf32, #tpu.memory_space<vmem>>, vector<1x1x16xf32>,
      %parallel_loop3A_356 = vector.shape_cast %parallel_loop3A_355 : vector<1x1x16xf32> to vector<16xf32>
      %parallel_loop3A_357 = vector.shape_cast %parallel_loop3A_350 : vector<16xf32> to vector<1x1x16xf32>
      tpu.vector_store %arg7[%parallel_loop3A_352, %parallel_loop3A_353, %parallel_loop3A_354], %parallel_loop3A_357 {strides = array<i32>} : memref<6x25x128xf32, #tpu.memory_space<vmem>>, vector<1x1x16xf32>,
      %parallel_loop3A_358 = arith.constant 2 : i32
      %parallel_loop3A_359 = arith.muli %parallel_loop3A_358, %parallel_loop3A_337 : i32
      %parallel_loop3A_360 = arith.constant 0 : i32
      %parallel_loop3A_361 = arith.addi %parallel_loop3A_359, %parallel_loop3A_360 : i32
      %parallel_loop3A_362 = arith.constant 0 : i32
      %parallel_loop3A_363 = arith.index_cast %parallel_loop3A_362 : i32 to index
      %parallel_loop3A_364 = arith.index_cast %parallel_loop3A_361 : i32 to index
      %parallel_loop3A_365 = arith.constant 16 : index
      %parallel_loop3A_366 = tpu.vector_load %arg6[%parallel_loop3A_363, %parallel_loop3A_364, %parallel_loop3A_365] {strides = array<i32>} : memref<6x56x64xf32, #tpu.memory_space<vmem>>, vector<1x1x16xf32>,
      %parallel_loop3A_367 = vector.shape_cast %parallel_loop3A_366 : vector<1x1x16xf32> to vector<16xf32>
      %parallel_loop3A_368 = arith.constant 8.000000e+00 : f32
      %parallel_loop3A_369 = vector.broadcast %parallel_loop3A_368 : f32 to vector<16xf32>
      %parallel_loop3A_370 = arith.mulf %parallel_loop3A_367, %parallel_loop3A_369 : vector<16xf32>
      %parallel_loop3A_371 = arith.constant 0 : i32
      %parallel_loop3A_372 = arith.index_cast %parallel_loop3A_371 : i32 to index
      %parallel_loop3A_373 = arith.index_cast %parallel_loop3A_337 : i32 to index
      %parallel_loop3A_374 = arith.constant 16 : index
      %parallel_loop3A_375 = tpu.vector_load %arg7[%parallel_loop3A_372, %parallel_loop3A_373, %parallel_loop3A_374] {strides = array<i32>} : memref<6x25x128xf32, #tpu.memory_space<vmem>>, vector<1x1x16xf32>,
      %parallel_loop3A_376 = vector.shape_cast %parallel_loop3A_375 : vector<1x1x16xf32> to vector<16xf32>
      %parallel_loop3A_377 = vector.shape_cast %parallel_loop3A_370 : vector<16xf32> to vector<1x1x16xf32>
      tpu.vector_store %arg7[%parallel_loop3A_372, %parallel_loop3A_373, %parallel_loop3A_374], %parallel_loop3A_377 {strides = array<i32>} : memref<6x25x128xf32, #tpu.memory_space<vmem>>, vector<1x1x16xf32>,
      %parallel_loop3A_378 = arith.constant 2 : i32
      %parallel_loop3A_379 = arith.muli %parallel_loop3A_378, %parallel_loop3A_337 : i32
      %parallel_loop3A_380 = arith.constant 0 : i32
      %parallel_loop3A_381 = arith.addi %parallel_loop3A_379, %parallel_loop3A_380 : i32
      %parallel_loop3A_382 = arith.constant 0 : i32
      %parallel_loop3A_383 = arith.index_cast %parallel_loop3A_382 : i32 to index
      %parallel_loop3A_384 = arith.index_cast %parallel_loop3A_381 : i32 to index
      %parallel_loop3A_385 = arith.constant 32 : index
      %parallel_loop3A_386 = tpu.vector_load %arg6[%parallel_loop3A_383, %parallel_loop3A_384, %parallel_loop3A_385] {strides = array<i32>} : memref<6x56x64xf32, #tpu.memory_space<vmem>>, vector<1x1x16xf32>,
      %parallel_loop3A_387 = vector.shape_cast %parallel_loop3A_386 : vector<1x1x16xf32> to vector<16xf32>
      %parallel_loop3A_388 = arith.constant 8.000000e+00 : f32
      %parallel_loop3A_389 = vector.broadcast %parallel_loop3A_388 : f32 to vector<16xf32>
      %parallel_loop3A_390 = arith.mulf %parallel_loop3A_387, %parallel_loop3A_389 : vector<16xf32>
      %parallel_loop3A_391 = arith.constant 0 : i32
      %parallel_loop3A_392 = arith.index_cast %parallel_loop3A_391 : i32 to index
      %parallel_loop3A_393 = arith.index_cast %parallel_loop3A_337 : i32 to index
      %parallel_loop3A_394 = arith.constant 32 : index
      %parallel_loop3A_395 = tpu.vector_load %arg7[%parallel_loop3A_392, %parallel_loop3A_393, %parallel_loop3A_394] {strides = array<i32>} : memref<6x25x128xf32, #tpu.memory_space<vmem>>, vector<1x1x16xf32>,
      %parallel_loop3A_396 = vector.shape_cast %parallel_loop3A_395 : vector<1x1x16xf32> to vector<16xf32>
      %parallel_loop3A_397 = vector.shape_cast %parallel_loop3A_390 : vector<16xf32> to vector<1x1x16xf32>
      tpu.vector_store %arg7[%parallel_loop3A_392, %parallel_loop3A_393, %parallel_loop3A_394], %parallel_loop3A_397 {strides = array<i32>} : memref<6x25x128xf32, #tpu.memory_space<vmem>>, vector<1x1x16xf32>,
      %parallel_loop3A_398 = arith.constant 2 : i32
      %parallel_loop3A_399 = arith.muli %parallel_loop3A_398, %parallel_loop3A_337 : i32
      %parallel_loop3A_400 = arith.constant 0 : i32
      %parallel_loop3A_401 = arith.addi %parallel_loop3A_399, %parallel_loop3A_400 : i32
      %parallel_loop3A_402 = arith.constant 0 : i32
      %parallel_loop3A_403 = arith.index_cast %parallel_loop3A_402 : i32 to index
      %parallel_loop3A_404 = arith.index_cast %parallel_loop3A_401 : i32 to index
      %parallel_loop3A_405 = arith.constant 48 : index
      %parallel_loop3A_406 = tpu.vector_load %arg6[%parallel_loop3A_403, %parallel_loop3A_404, %parallel_loop3A_405] {strides = array<i32>} : memref<6x56x64xf32, #tpu.memory_space<vmem>>, vector<1x1x16xf32>,
      %parallel_loop3A_407 = vector.shape_cast %parallel_loop3A_406 : vector<1x1x16xf32> to vector<16xf32>
      %parallel_loop3A_408 = arith.constant 8.000000e+00 : f32
      %parallel_loop3A_409 = vector.broadcast %parallel_loop3A_408 : f32 to vector<16xf32>
      %parallel_loop3A_410 = arith.mulf %parallel_loop3A_407, %parallel_loop3A_409 : vector<16xf32>
      %parallel_loop3A_411 = arith.constant 0 : i32
      %parallel_loop3A_412 = arith.index_cast %parallel_loop3A_411 : i32 to index
      %parallel_loop3A_413 = arith.index_cast %parallel_loop3A_337 : i32 to index
      %parallel_loop3A_414 = arith.constant 48 : index
      %parallel_loop3A_415 = tpu.vector_load %arg7[%parallel_loop3A_412, %parallel_loop3A_413, %parallel_loop3A_414] {strides = array<i32>} : memref<6x25x128xf32, #tpu.memory_space<vmem>>, vector<1x1x16xf32>,
      %parallel_loop3A_416 = vector.shape_cast %parallel_loop3A_415 : vector<1x1x16xf32> to vector<16xf32>
      %parallel_loop3A_417 = vector.shape_cast %parallel_loop3A_410 : vector<16xf32> to vector<1x1x16xf32>
      tpu.vector_store %arg7[%parallel_loop3A_412, %parallel_loop3A_413, %parallel_loop3A_414], %parallel_loop3A_417 {strides = array<i32>} : memref<6x25x128xf32, #tpu.memory_space<vmem>>, vector<1x1x16xf32>,
      %parallel_loop3A_418 = arith.constant 2 : i32
      %parallel_loop3A_419 = arith.muli %parallel_loop3A_418, %parallel_loop3A_337 : i32
      %parallel_loop3A_420 = arith.constant 1 : i32
      %parallel_loop3A_421 = arith.addi %parallel_loop3A_419, %parallel_loop3A_420 : i32
      %parallel_loop3A_422 = arith.constant 0 : i32
      %parallel_loop3A_423 = arith.index_cast %parallel_loop3A_422 : i32 to index
      %parallel_loop3A_424 = arith.index_cast %parallel_loop3A_421 : i32 to index
      %parallel_loop3A_425 = arith.constant 0 : index
      %parallel_loop3A_426 = tpu.vector_load %arg6[%parallel_loop3A_423, %parallel_loop3A_424, %parallel_loop3A_425] {strides = array<i32>} : memref<6x56x64xf32, #tpu.memory_space<vmem>>, vector<1x1x16xf32>,
      %parallel_loop3A_427 = vector.shape_cast %parallel_loop3A_426 : vector<1x1x16xf32> to vector<16xf32>
      %parallel_loop3A_428 = arith.constant 8.000000e+00 : f32
      %parallel_loop3A_429 = vector.broadcast %parallel_loop3A_428 : f32 to vector<16xf32>
      %parallel_loop3A_430 = arith.mulf %parallel_loop3A_427, %parallel_loop3A_429 : vector<16xf32>
      %parallel_loop3A_431 = arith.constant 0 : i32
      %parallel_loop3A_432 = arith.index_cast %parallel_loop3A_431 : i32 to index
      %parallel_loop3A_433 = arith.index_cast %parallel_loop3A_337 : i32 to index
      %parallel_loop3A_434 = arith.constant 64 : index
      %parallel_loop3A_435 = tpu.vector_load %arg7[%parallel_loop3A_432, %parallel_loop3A_433, %parallel_loop3A_434] {strides = array<i32>} : memref<6x25x128xf32, #tpu.memory_space<vmem>>, vector<1x1x16xf32>,
      %parallel_loop3A_436 = vector.shape_cast %parallel_loop3A_435 : vector<1x1x16xf32> to vector<16xf32>
      %parallel_loop3A_437 = vector.shape_cast %parallel_loop3A_430 : vector<16xf32> to vector<1x1x16xf32>
      tpu.vector_store %arg7[%parallel_loop3A_432, %parallel_loop3A_433, %parallel_loop3A_434], %parallel_loop3A_437 {strides = array<i32>} : memref<6x25x128xf32, #tpu.memory_space<vmem>>, vector<1x1x16xf32>,
      %parallel_loop3A_438 = arith.constant 2 : i32
      %parallel_loop3A_439 = arith.muli %parallel_loop3A_438, %parallel_loop3A_337 : i32
      %parallel_loop3A_440 = arith.constant 1 : i32
      %parallel_loop3A_441 = arith.addi %parallel_loop3A_439, %parallel_loop3A_440 : i32
      %parallel_loop3A_442 = arith.constant 0 : i32
      %parallel_loop3A_443 = arith.index_cast %parallel_loop3A_442 : i32 to index
      %parallel_loop3A_444 = arith.index_cast %parallel_loop3A_441 : i32 to index
      %parallel_loop3A_445 = arith.constant 16 : index
      %parallel_loop3A_446 = tpu.vector_load %arg6[%parallel_loop3A_443, %parallel_loop3A_444, %parallel_loop3A_445] {strides = array<i32>} : memref<6x56x64xf32, #tpu.memory_space<vmem>>, vector<1x1x16xf32>,
      %parallel_loop3A_447 = vector.shape_cast %parallel_loop3A_446 : vector<1x1x16xf32> to vector<16xf32>
      %parallel_loop3A_448 = arith.constant 8.000000e+00 : f32
      %parallel_loop3A_449 = vector.broadcast %parallel_loop3A_448 : f32 to vector<16xf32>
      %parallel_loop3A_450 = arith.mulf %parallel_loop3A_447, %parallel_loop3A_449 : vector<16xf32>
      %parallel_loop3A_451 = arith.constant 0 : i32
      %parallel_loop3A_452 = arith.index_cast %parallel_loop3A_451 : i32 to index
      %parallel_loop3A_453 = arith.index_cast %parallel_loop3A_337 : i32 to index
      %parallel_loop3A_454 = arith.constant 80 : index
      %parallel_loop3A_455 = tpu.vector_load %arg7[%parallel_loop3A_452, %parallel_loop3A_453, %parallel_loop3A_454] {strides = array<i32>} : memref<6x25x128xf32, #tpu.memory_space<vmem>>, vector<1x1x16xf32>,
      %parallel_loop3A_456 = vector.shape_cast %parallel_loop3A_455 : vector<1x1x16xf32> to vector<16xf32>
      %parallel_loop3A_457 = vector.shape_cast %parallel_loop3A_450 : vector<16xf32> to vector<1x1x16xf32>
      tpu.vector_store %arg7[%parallel_loop3A_452, %parallel_loop3A_453, %parallel_loop3A_454], %parallel_loop3A_457 {strides = array<i32>} : memref<6x25x128xf32, #tpu.memory_space<vmem>>, vector<1x1x16xf32>,
      %parallel_loop3A_458 = arith.constant 2 : i32
      %parallel_loop3A_459 = arith.muli %parallel_loop3A_458, %parallel_loop3A_337 : i32
      %parallel_loop3A_460 = arith.constant 1 : i32
      %parallel_loop3A_461 = arith.addi %parallel_loop3A_459, %parallel_loop3A_460 : i32
      %parallel_loop3A_462 = arith.constant 0 : i32
      %parallel_loop3A_463 = arith.index_cast %parallel_loop3A_462 : i32 to index
      %parallel_loop3A_464 = arith.index_cast %parallel_loop3A_461 : i32 to index
      %parallel_loop3A_465 = arith.constant 32 : index
      %parallel_loop3A_466 = tpu.vector_load %arg6[%parallel_loop3A_463, %parallel_loop3A_464, %parallel_loop3A_465] {strides = array<i32>} : memref<6x56x64xf32, #tpu.memory_space<vmem>>, vector<1x1x16xf32>,
      %parallel_loop3A_467 = vector.shape_cast %parallel_loop3A_466 : vector<1x1x16xf32> to vector<16xf32>
      %parallel_loop3A_468 = arith.constant 8.000000e+00 : f32
      %parallel_loop3A_469 = vector.broadcast %parallel_loop3A_468 : f32 to vector<16xf32>
      %parallel_loop3A_470 = arith.mulf %parallel_loop3A_467, %parallel_loop3A_469 : vector<16xf32>
      %parallel_loop3A_471 = arith.constant 0 : i32
      %parallel_loop3A_472 = arith.index_cast %parallel_loop3A_471 : i32 to index
      %parallel_loop3A_473 = arith.index_cast %parallel_loop3A_337 : i32 to index
      %parallel_loop3A_474 = arith.constant 96 : index
      %parallel_loop3A_475 = tpu.vector_load %arg7[%parallel_loop3A_472, %parallel_loop3A_473, %parallel_loop3A_474] {strides = array<i32>} : memref<6x25x128xf32, #tpu.memory_space<vmem>>, vector<1x1x16xf32>,
      %parallel_loop3A_476 = vector.shape_cast %parallel_loop3A_475 : vector<1x1x16xf32> to vector<16xf32>
      %parallel_loop3A_477 = vector.shape_cast %parallel_loop3A_470 : vector<16xf32> to vector<1x1x16xf32>
      tpu.vector_store %arg7[%parallel_loop3A_472, %parallel_loop3A_473, %parallel_loop3A_474], %parallel_loop3A_477 {strides = array<i32>} : memref<6x25x128xf32, #tpu.memory_space<vmem>>, vector<1x1x16xf32>,
      %parallel_loop3A_478 = arith.constant 2 : i32
      %parallel_loop3A_479 = arith.muli %parallel_loop3A_478, %parallel_loop3A_337 : i32
      %parallel_loop3A_480 = arith.constant 1 : i32
      %parallel_loop3A_481 = arith.addi %parallel_loop3A_479, %parallel_loop3A_480 : i32
      %parallel_loop3A_482 = arith.constant 0 : i32
      %parallel_loop3A_483 = arith.index_cast %parallel_loop3A_482 : i32 to index
      %parallel_loop3A_484 = arith.index_cast %parallel_loop3A_481 : i32 to index
      %parallel_loop3A_485 = arith.constant 48 : index
      %parallel_loop3A_486 = tpu.vector_load %arg6[%parallel_loop3A_483, %parallel_loop3A_484, %parallel_loop3A_485] {strides = array<i32>} : memref<6x56x64xf32, #tpu.memory_space<vmem>>, vector<1x1x16xf32>,
      %parallel_loop3A_487 = vector.shape_cast %parallel_loop3A_486 : vector<1x1x16xf32> to vector<16xf32>
      %parallel_loop3A_488 = arith.constant 8.000000e+00 : f32
      %parallel_loop3A_489 = vector.broadcast %parallel_loop3A_488 : f32 to vector<16xf32>
      %parallel_loop3A_490 = arith.mulf %parallel_loop3A_487, %parallel_loop3A_489 : vector<16xf32>
      %parallel_loop3A_491 = arith.constant 0 : i32
      %parallel_loop3A_492 = arith.index_cast %parallel_loop3A_491 : i32 to index
      %parallel_loop3A_493 = arith.index_cast %parallel_loop3A_337 : i32 to index
      %parallel_loop3A_494 = arith.constant 112 : index
      %parallel_loop3A_495 = tpu.vector_load %arg7[%parallel_loop3A_492, %parallel_loop3A_493, %parallel_loop3A_494] {strides = array<i32>} : memref<6x25x128xf32, #tpu.memory_space<vmem>>, vector<1x1x16xf32>,
      %parallel_loop3A_496 = vector.shape_cast %parallel_loop3A_495 : vector<1x1x16xf32> to vector<16xf32>
      %parallel_loop3A_497 = vector.shape_cast %parallel_loop3A_490 : vector<16xf32> to vector<1x1x16xf32>
      tpu.vector_store %arg7[%parallel_loop3A_492, %parallel_loop3A_493, %parallel_loop3A_494], %parallel_loop3A_497 {strides = array<i32>} : memref<6x25x128xf32, #tpu.memory_space<vmem>>, vector<1x1x16xf32>,
    } {sc.loop_unroll_factor = 5 : i64, sc.parallel_access}
    %dma_start3A_53 = arith.constant 3 : i32
    %dma_start3A_54 = arith.constant 3 : i32
    %dma_start3A_55 = arith.constant 0 : i32
    %dma_start3A_56 = arith.constant 0 : i32
    %dma_start3A_57 = tpu.memref_slice %arg6[%dma_start3A_54, %dma_start3A_55, %dma_start3A_56] : memref<6x56x64xf32, #tpu.memory_space<vmem>> -> memref<1x56x64xf32, #tpu.memory_space<vmem>>
    %dma_start3A_58 = tpu.memref_squeeze %dma_start3A_57 : memref<1x56x64xf32, #tpu.memory_space<vmem>> -> memref<56x64xf32, #tpu.memory_space<vmem>>
    %dma_start3A_59 = arith.constant 0 : i32
    %dma_start3A_60 = tpu.memref_slice %arg5[%dma_start3A_53, %dma_start3A_59] : memref<512x128xi32, #tpu.memory_space<vmem>> -> memref<1x56xi32, #tpu.memory_space<vmem>>
    %dma_start3A_61 = tpu.memref_squeeze %dma_start3A_60 : memref<1x56xi32, #tpu.memory_space<vmem>> -> memref<56xi32, #tpu.memory_space<vmem>>
    %dma_start3A_62 = arith.constant 0 : i32
    %dma_start3A_63 = arith.constant 0 : i32
    %dma_start3A_64 = tpu.memref_slice %arg3[%dma_start3A_62, %dma_start3A_63] : memref<1000000x64xf32, #tpu.memory_space<hbm>> -> memref<1000000x64xf32, #tpu.memory_space<hbm>>
    tpu.enqueue_indirect_dma source(%dma_start3A_64 : memref<1000000x64xf32, #tpu.memory_space<hbm>>) target(%dma_start3A_58 : memref<56x64xf32, #tpu.memory_space<vmem>>) offsets(%dma_start3A_61 : memref<56xi32, #tpu.memory_space<vmem>>) semaphore(%arg8 : memref<!tpu.dma_semaphore, #tpu.memory_space<semaphore_mem>>)
    %add3A_65 = arith.constant 0 : i32
    %add3A_66 = arith.addi %mul3A_4, %add3A_65 : i32
    %dma_start3A_67 = arith.constant 0 : i32
    %dma_start3A_68 = arith.constant 0 : i32
    %dma_start3A_69 = arith.constant 0 : i32
    %dma_start3A_70 = tpu.memref_slice %arg7[%dma_start3A_67, %dma_start3A_68, %dma_start3A_69] : memref<6x25x128xf32, #tpu.memory_space<vmem>> -> memref<1x25x128xf32, #tpu.memory_space<vmem>>
    %dma_start3A_71 = tpu.memref_squeeze %dma_start3A_70 : memref<1x25x128xf32, #tpu.memory_space<vmem>> -> memref<25x128xf32, #tpu.memory_space<vmem>>
    %dma_start3A_72 = arith.constant 0 : i32
    %dma_start3A_73 = tpu.memref_slice %arg4[%add3A_66, %dma_start3A_72] : memref<409600x128xf32, #tpu.memory_space<hbm>> -> memref<25x128xf32, #tpu.memory_space<hbm>>
    %dma_start3A_74 = arith.constant 0 : i32
    %dma_start3A_75 = tpu.memref_slice %arg4[%add3A_66, %dma_start3A_74] : memref<409600x128xf32, #tpu.memory_space<hbm>> -> memref<25x128xf32, #tpu.memory_space<hbm>>
    %dma_start3A_76 = arith.constant 0 : i32
    %dma_start3A_77 = arith.constant 0 : i32
    %dma_start3A_78 = tpu.memref_slice %arg7[%dma_start3A_67, %dma_start3A_76, %dma_start3A_77] : memref<6x25x128xf32, #tpu.memory_space<vmem>> -> memref<1x25x128xf32, #tpu.memory_space<vmem>>
    %dma_start3A_79 = tpu.memref_squeeze %dma_start3A_78 : memref<1x25x128xf32, #tpu.memory_space<vmem>> -> memref<25x128xf32, #tpu.memory_space<vmem>>
    tpu.enqueue_dma source(%dma_start3A_79 : memref<25x128xf32, #tpu.memory_space<vmem>>) target(%dma_start3A_75 : memref<25x128xf32, #tpu.memory_space<hbm>>) target_semaphore(%arg9 : memref<!tpu.dma_semaphore, #tpu.memory_space<semaphore_mem>>)
    %dma_wait3A_80 = arith.constant 0 : i32
    %dma_wait3A_81 = arith.constant 0 : i32
    %dma_wait3A_82 = arith.constant 0 : i32
    %dma_wait3A_83 = arith.constant 0 : i32
    %dma_wait3A_84 = tpu.memref_slice %arg6[%dma_wait3A_81, %dma_wait3A_82, %dma_wait3A_83] : memref<6x56x64xf32, #tpu.memory_space<vmem>> -> memref<1x56x64xf32, #tpu.memory_space<vmem>>
    %dma_wait3A_85 = tpu.memref_squeeze %dma_wait3A_84 : memref<1x56x64xf32, #tpu.memory_space<vmem>> -> memref<56x64xf32, #tpu.memory_space<vmem>>
    %dma_wait3A_86 = arith.constant 0 : i32
    %dma_wait3A_87 = tpu.memref_slice %arg5[%dma_wait3A_80, %dma_wait3A_86] : memref<512x128xi32, #tpu.memory_space<vmem>> -> memref<1x56xi32, #tpu.memory_space<vmem>>
    %dma_wait3A_88 = tpu.memref_squeeze %dma_wait3A_87 : memref<1x56xi32, #tpu.memory_space<vmem>> -> memref<56xi32, #tpu.memory_space<vmem>>
    %dma_wait3A_89 = arith.constant 0 : i32
    %dma_wait3A_90 = arith.constant 0 : i32
    %dma_wait3A_91 = tpu.memref_slice %arg3[%dma_wait3A_89, %dma_wait3A_90] : memref<1000000x64xf32, #tpu.memory_space<hbm>> -> memref<1000000x64xf32, #tpu.memory_space<hbm>>
    tpu.wait_indirect_dma semaphore(%arg8 : memref<!tpu.dma_semaphore, #tpu.memory_space<semaphore_mem>>) src(%dma_wait3A_91 : memref<1000000x64xf32, #tpu.memory_space<hbm>>) dst(%dma_wait3A_85 : memref<56x64xf32, #tpu.memory_space<vmem>>)
    %parallel_loop3A_92 = arith.constant 0 : i32
    %parallel_loop3A_93 = arith.constant 25 : i32
    %parallel_loop3A_94 = arith.constant 1 : i32
    scf.for %parallel_loop3A_337 = %parallel_loop3A_92 to %parallel_loop3A_93 step %parallel_loop3A_94  : i32 {
      %parallel_loop3A_338 = arith.constant 2 : i32
      %parallel_loop3A_339 = arith.muli %parallel_loop3A_338, %parallel_loop3A_337 : i32
      %parallel_loop3A_340 = arith.constant 0 : i32
      %parallel_loop3A_341 = arith.addi %parallel_loop3A_339, %parallel_loop3A_340 : i32
      %parallel_loop3A_342 = arith.constant 1 : i32
      %parallel_loop3A_343 = arith.index_cast %parallel_loop3A_342 : i32 to index
      %parallel_loop3A_344 = arith.index_cast %parallel_loop3A_341 : i32 to index
      %parallel_loop3A_345 = arith.constant 0 : index
      %parallel_loop3A_346 = tpu.vector_load %arg6[%parallel_loop3A_343, %parallel_loop3A_344, %parallel_loop3A_345] {strides = array<i32>} : memref<6x56x64xf32, #tpu.memory_space<vmem>>, vector<1x1x16xf32>,
      %parallel_loop3A_347 = vector.shape_cast %parallel_loop3A_346 : vector<1x1x16xf32> to vector<16xf32>
      %parallel_loop3A_348 = arith.constant 8.000000e+00 : f32
      %parallel_loop3A_349 = vector.broadcast %parallel_loop3A_348 : f32 to vector<16xf32>
      %parallel_loop3A_350 = arith.mulf %parallel_loop3A_347, %parallel_loop3A_349 : vector<16xf32>
      %parallel_loop3A_351 = arith.constant 1 : i32
      %parallel_loop3A_352 = arith.index_cast %parallel_loop3A_351 : i32 to index
      %parallel_loop3A_353 = arith.index_cast %parallel_loop3A_337 : i32 to index
      %parallel_loop3A_354 = arith.constant 0 : index
      %parallel_loop3A_355 = tpu.vector_load %arg7[%parallel_loop3A_352, %parallel_loop3A_353, %parallel_loop3A_354] {strides = array<i32>} : memref<6x25x128xf32, #tpu.memory_space<vmem>>, vector<1x1x16xf32>,
      %parallel_loop3A_356 = vector.shape_cast %parallel_loop3A_355 : vector<1x1x16xf32> to vector<16xf32>
      %parallel_loop3A_357 = vector.shape_cast %parallel_loop3A_350 : vector<16xf32> to vector<1x1x16xf32>
      tpu.vector_store %arg7[%parallel_loop3A_352, %parallel_loop3A_353, %parallel_loop3A_354], %parallel_loop3A_357 {strides = array<i32>} : memref<6x25x128xf32, #tpu.memory_space<vmem>>, vector<1x1x16xf32>,
      %parallel_loop3A_358 = arith.constant 2 : i32
      %parallel_loop3A_359 = arith.muli %parallel_loop3A_358, %parallel_loop3A_337 : i32
      %parallel_loop3A_360 = arith.constant 0 : i32
      %parallel_loop3A_361 = arith.addi %parallel_loop3A_359, %parallel_loop3A_360 : i32
      %parallel_loop3A_362 = arith.constant 1 : i32
      %parallel_loop3A_363 = arith.index_cast %parallel_loop3A_362 : i32 to index
      %parallel_loop3A_364 = arith.index_cast %parallel_loop3A_361 : i32 to index
      %parallel_loop3A_365 = arith.constant 16 : index
      %parallel_loop3A_366 = tpu.vector_load %arg6[%parallel_loop3A_363, %parallel_loop3A_364, %parallel_loop3A_365] {strides = array<i32>} : memref<6x56x64xf32, #tpu.memory_space<vmem>>, vector<1x1x16xf32>,
      %parallel_loop3A_367 = vector.shape_cast %parallel_loop3A_366 : vector<1x1x16xf32> to vector<16xf32>
      %parallel_loop3A_368 = arith.constant 8.000000e+00 : f32
      %parallel_loop3A_369 = vector.broadcast %parallel_loop3A_368 : f32 to vector<16xf32>
      %parallel_loop3A_370 = arith.mulf %parallel_loop3A_367, %parallel_loop3A_369 : vector<16xf32>
      %parallel_loop3A_371 = arith.constant 1 : i32
      %parallel_loop3A_372 = arith.index_cast %parallel_loop3A_371 : i32 to index
      %parallel_loop3A_373 = arith.index_cast %parallel_loop3A_337 : i32 to index
      %parallel_loop3A_374 = arith.constant 16 : index
      %parallel_loop3A_375 = tpu.vector_load %arg7[%parallel_loop3A_372, %parallel_loop3A_373, %parallel_loop3A_374] {strides = array<i32>} : memref<6x25x128xf32, #tpu.memory_space<vmem>>, vector<1x1x16xf32>,
      %parallel_loop3A_376 = vector.shape_cast %parallel_loop3A_375 : vector<1x1x16xf32> to vector<16xf32>
      %parallel_loop3A_377 = vector.shape_cast %parallel_loop3A_370 : vector<16xf32> to vector<1x1x16xf32>
      tpu.vector_store %arg7[%parallel_loop3A_372, %parallel_loop3A_373, %parallel_loop3A_374], %parallel_loop3A_377 {strides = array<i32>} : memref<6x25x128xf32, #tpu.memory_space<vmem>>, vector<1x1x16xf32>,
      %parallel_loop3A_378 = arith.constant 2 : i32
      %parallel_loop3A_379 = arith.muli %parallel_loop3A_378, %parallel_loop3A_337 : i32
      %parallel_loop3A_380 = arith.constant 0 : i32
      %parallel_loop3A_381 = arith.addi %parallel_loop3A_379, %parallel_loop3A_380 : i32
      %parallel_loop3A_382 = arith.constant 1 : i32
      %parallel_loop3A_383 = arith.index_cast %parallel_loop3A_382 : i32 to index
      %parallel_loop3A_384 = arith.index_cast %parallel_loop3A_381 : i32 to index
      %parallel_loop3A_385 = arith.constant 32 : index
      %parallel_loop3A_386 = tpu.vector_load %arg6[%parallel_loop3A_383, %parallel_loop3A_384, %parallel_loop3A_385] {strides = array<i32>} : memref<6x56x64xf32, #tpu.memory_space<vmem>>, vector<1x1x16xf32>,
      %parallel_loop3A_387 = vector.shape_cast %parallel_loop3A_386 : vector<1x1x16xf32> to vector<16xf32>
      %parallel_loop3A_388 = arith.constant 8.000000e+00 : f32
      %parallel_loop3A_389 = vector.broadcast %parallel_loop3A_388 : f32 to vector<16xf32>
      %parallel_loop3A_390 = arith.mulf %parallel_loop3A_387, %parallel_loop3A_389 : vector<16xf32>
      %parallel_loop3A_391 = arith.constant 1 : i32
      %parallel_loop3A_392 = arith.index_cast %parallel_loop3A_391 : i32 to index
      %parallel_loop3A_393 = arith.index_cast %parallel_loop3A_337 : i32 to index
      %parallel_loop3A_394 = arith.constant 32 : index
      %parallel_loop3A_395 = tpu.vector_load %arg7[%parallel_loop3A_392, %parallel_loop3A_393, %parallel_loop3A_394] {strides = array<i32>} : memref<6x25x128xf32, #tpu.memory_space<vmem>>, vector<1x1x16xf32>,
      %parallel_loop3A_396 = vector.shape_cast %parallel_loop3A_395 : vector<1x1x16xf32> to vector<16xf32>
      %parallel_loop3A_397 = vector.shape_cast %parallel_loop3A_390 : vector<16xf32> to vector<1x1x16xf32>
      tpu.vector_store %arg7[%parallel_loop3A_392, %parallel_loop3A_393, %parallel_loop3A_394], %parallel_loop3A_397 {strides = array<i32>} : memref<6x25x128xf32, #tpu.memory_space<vmem>>, vector<1x1x16xf32>,
      %parallel_loop3A_398 = arith.constant 2 : i32
      %parallel_loop3A_399 = arith.muli %parallel_loop3A_398, %parallel_loop3A_337 : i32
      %parallel_loop3A_400 = arith.constant 0 : i32
      %parallel_loop3A_401 = arith.addi %parallel_loop3A_399, %parallel_loop3A_400 : i32
      %parallel_loop3A_402 = arith.constant 1 : i32
      %parallel_loop3A_403 = arith.index_cast %parallel_loop3A_402 : i32 to index
      %parallel_loop3A_404 = arith.index_cast %parallel_loop3A_401 : i32 to index
      %parallel_loop3A_405 = arith.constant 48 : index
      %parallel_loop3A_406 = tpu.vector_load %arg6[%parallel_loop3A_403, %parallel_loop3A_404, %parallel_loop3A_405] {strides = array<i32>} : memref<6x56x64xf32, #tpu.memory_space<vmem>>, vector<1x1x16xf32>,
      %parallel_loop3A_407 = vector.shape_cast %parallel_loop3A_406 : vector<1x1x16xf32> to vector<16xf32>
      %parallel_loop3A_408 = arith.constant 8.000000e+00 : f32
      %parallel_loop3A_409 = vector.broadcast %parallel_loop3A_408 : f32 to vector<16xf32>
      %parallel_loop3A_410 = arith.mulf %parallel_loop3A_407, %parallel_loop3A_409 : vector<16xf32>
      %parallel_loop3A_411 = arith.constant 1 : i32
      %parallel_loop3A_412 = arith.index_cast %parallel_loop3A_411 : i32 to index
      %parallel_loop3A_413 = arith.index_cast %parallel_loop3A_337 : i32 to index
      %parallel_loop3A_414 = arith.constant 48 : index
      %parallel_loop3A_415 = tpu.vector_load %arg7[%parallel_loop3A_412, %parallel_loop3A_413, %parallel_loop3A_414] {strides = array<i32>} : memref<6x25x128xf32, #tpu.memory_space<vmem>>, vector<1x1x16xf32>,
      %parallel_loop3A_416 = vector.shape_cast %parallel_loop3A_415 : vector<1x1x16xf32> to vector<16xf32>
      %parallel_loop3A_417 = vector.shape_cast %parallel_loop3A_410 : vector<16xf32> to vector<1x1x16xf32>
      tpu.vector_store %arg7[%parallel_loop3A_412, %parallel_loop3A_413, %parallel_loop3A_414], %parallel_loop3A_417 {strides = array<i32>} : memref<6x25x128xf32, #tpu.memory_space<vmem>>, vector<1x1x16xf32>,
      %parallel_loop3A_418 = arith.constant 2 : i32
      %parallel_loop3A_419 = arith.muli %parallel_loop3A_418, %parallel_loop3A_337 : i32
      %parallel_loop3A_420 = arith.constant 1 : i32
      %parallel_loop3A_421 = arith.addi %parallel_loop3A_419, %parallel_loop3A_420 : i32
      %parallel_loop3A_422 = arith.constant 1 : i32
      %parallel_loop3A_423 = arith.index_cast %parallel_loop3A_422 : i32 to index
      %parallel_loop3A_424 = arith.index_cast %parallel_loop3A_421 : i32 to index
      %parallel_loop3A_425 = arith.constant 0 : index
      %parallel_loop3A_426 = tpu.vector_load %arg6[%parallel_loop3A_423, %parallel_loop3A_424, %parallel_loop3A_425] {strides = array<i32>} : memref<6x56x64xf32, #tpu.memory_space<vmem>>, vector<1x1x16xf32>,
      %parallel_loop3A_427 = vector.shape_cast %parallel_loop3A_426 : vector<1x1x16xf32> to vector<16xf32>
      %parallel_loop3A_428 = arith.constant 8.000000e+00 : f32
      %parallel_loop3A_429 = vector.broadcast %parallel_loop3A_428 : f32 to vector<16xf32>
      %parallel_loop3A_430 = arith.mulf %parallel_loop3A_427, %parallel_loop3A_429 : vector<16xf32>
      %parallel_loop3A_431 = arith.constant 1 : i32
      %parallel_loop3A_432 = arith.index_cast %parallel_loop3A_431 : i32 to index
      %parallel_loop3A_433 = arith.index_cast %parallel_loop3A_337 : i32 to index
      %parallel_loop3A_434 = arith.constant 64 : index
      %parallel_loop3A_435 = tpu.vector_load %arg7[%parallel_loop3A_432, %parallel_loop3A_433, %parallel_loop3A_434] {strides = array<i32>} : memref<6x25x128xf32, #tpu.memory_space<vmem>>, vector<1x1x16xf32>,
      %parallel_loop3A_436 = vector.shape_cast %parallel_loop3A_435 : vector<1x1x16xf32> to vector<16xf32>
      %parallel_loop3A_437 = vector.shape_cast %parallel_loop3A_430 : vector<16xf32> to vector<1x1x16xf32>
      tpu.vector_store %arg7[%parallel_loop3A_432, %parallel_loop3A_433, %parallel_loop3A_434], %parallel_loop3A_437 {strides = array<i32>} : memref<6x25x128xf32, #tpu.memory_space<vmem>>, vector<1x1x16xf32>,
      %parallel_loop3A_438 = arith.constant 2 : i32
      %parallel_loop3A_439 = arith.muli %parallel_loop3A_438, %parallel_loop3A_337 : i32
      %parallel_loop3A_440 = arith.constant 1 : i32
      %parallel_loop3A_441 = arith.addi %parallel_loop3A_439, %parallel_loop3A_440 : i32
      %parallel_loop3A_442 = arith.constant 1 : i32
      %parallel_loop3A_443 = arith.index_cast %parallel_loop3A_442 : i32 to index
      %parallel_loop3A_444 = arith.index_cast %parallel_loop3A_441 : i32 to index
      %parallel_loop3A_445 = arith.constant 16 : index
      %parallel_loop3A_446 = tpu.vector_load %arg6[%parallel_loop3A_443, %parallel_loop3A_444, %parallel_loop3A_445] {strides = array<i32>} : memref<6x56x64xf32, #tpu.memory_space<vmem>>, vector<1x1x16xf32>,
      %parallel_loop3A_447 = vector.shape_cast %parallel_loop3A_446 : vector<1x1x16xf32> to vector<16xf32>
      %parallel_loop3A_448 = arith.constant 8.000000e+00 : f32
      %parallel_loop3A_449 = vector.broadcast %parallel_loop3A_448 : f32 to vector<16xf32>
      %parallel_loop3A_450 = arith.mulf %parallel_loop3A_447, %parallel_loop3A_449 : vector<16xf32>
      %parallel_loop3A_451 = arith.constant 1 : i32
      %parallel_loop3A_452 = arith.index_cast %parallel_loop3A_451 : i32 to index
      %parallel_loop3A_453 = arith.index_cast %parallel_loop3A_337 : i32 to index
      %parallel_loop3A_454 = arith.constant 80 : index
      %parallel_loop3A_455 = tpu.vector_load %arg7[%parallel_loop3A_452, %parallel_loop3A_453, %parallel_loop3A_454] {strides = array<i32>} : memref<6x25x128xf32, #tpu.memory_space<vmem>>, vector<1x1x16xf32>,
      %parallel_loop3A_456 = vector.shape_cast %parallel_loop3A_455 : vector<1x1x16xf32> to vector<16xf32>
      %parallel_loop3A_457 = vector.shape_cast %parallel_loop3A_450 : vector<16xf32> to vector<1x1x16xf32>
      tpu.vector_store %arg7[%parallel_loop3A_452, %parallel_loop3A_453, %parallel_loop3A_454], %parallel_loop3A_457 {strides = array<i32>} : memref<6x25x128xf32, #tpu.memory_space<vmem>>, vector<1x1x16xf32>,
      %parallel_loop3A_458 = arith.constant 2 : i32
      %parallel_loop3A_459 = arith.muli %parallel_loop3A_458, %parallel_loop3A_337 : i32
      %parallel_loop3A_460 = arith.constant 1 : i32
      %parallel_loop3A_461 = arith.addi %parallel_loop3A_459, %parallel_loop3A_460 : i32
      %parallel_loop3A_462 = arith.constant 1 : i32
      %parallel_loop3A_463 = arith.index_cast %parallel_loop3A_462 : i32 to index
      %parallel_loop3A_464 = arith.index_cast %parallel_loop3A_461 : i32 to index
      %parallel_loop3A_465 = arith.constant 32 : index
      %parallel_loop3A_466 = tpu.vector_load %arg6[%parallel_loop3A_463, %parallel_loop3A_464, %parallel_loop3A_465] {strides = array<i32>} : memref<6x56x64xf32, #tpu.memory_space<vmem>>, vector<1x1x16xf32>,
      %parallel_loop3A_467 = vector.shape_cast %parallel_loop3A_466 : vector<1x1x16xf32> to vector<16xf32>
      %parallel_loop3A_468 = arith.constant 8.000000e+00 : f32
      %parallel_loop3A_469 = vector.broadcast %parallel_loop3A_468 : f32 to vector<16xf32>
      %parallel_loop3A_470 = arith.mulf %parallel_loop3A_467, %parallel_loop3A_469 : vector<16xf32>
      %parallel_loop3A_471 = arith.constant 1 : i32
      %parallel_loop3A_472 = arith.index_cast %parallel_loop3A_471 : i32 to index
      %parallel_loop3A_473 = arith.index_cast %parallel_loop3A_337 : i32 to index
      %parallel_loop3A_474 = arith.constant 96 : index
      %parallel_loop3A_475 = tpu.vector_load %arg7[%parallel_loop3A_472, %parallel_loop3A_473, %parallel_loop3A_474] {strides = array<i32>} : memref<6x25x128xf32, #tpu.memory_space<vmem>>, vector<1x1x16xf32>,
      %parallel_loop3A_476 = vector.shape_cast %parallel_loop3A_475 : vector<1x1x16xf32> to vector<16xf32>
      %parallel_loop3A_477 = vector.shape_cast %parallel_loop3A_470 : vector<16xf32> to vector<1x1x16xf32>
      tpu.vector_store %arg7[%parallel_loop3A_472, %parallel_loop3A_473, %parallel_loop3A_474], %parallel_loop3A_477 {strides = array<i32>} : memref<6x25x128xf32, #tpu.memory_space<vmem>>, vector<1x1x16xf32>,
      %parallel_loop3A_478 = arith.constant 2 : i32
      %parallel_loop3A_479 = arith.muli %parallel_loop3A_478, %parallel_loop3A_337 : i32
      %parallel_loop3A_480 = arith.constant 1 : i32
      %parallel_loop3A_481 = arith.addi %parallel_loop3A_479, %parallel_loop3A_480 : i32
      %parallel_loop3A_482 = arith.constant 1 : i32
      %parallel_loop3A_483 = arith.index_cast %parallel_loop3A_482 : i32 to index
      %parallel_loop3A_484 = arith.index_cast %parallel_loop3A_481 : i32 to index
      %parallel_loop3A_485 = arith.constant 48 : index
      %parallel_loop3A_486 = tpu.vector_load %arg6[%parallel_loop3A_483, %parallel_loop3A_484, %parallel_loop3A_485] {strides = array<i32>} : memref<6x56x64xf32, #tpu.memory_space<vmem>>, vector<1x1x16xf32>,
      %parallel_loop3A_487 = vector.shape_cast %parallel_loop3A_486 : vector<1x1x16xf32> to vector<16xf32>
      %parallel_loop3A_488 = arith.constant 8.000000e+00 : f32
      %parallel_loop3A_489 = vector.broadcast %parallel_loop3A_488 : f32 to vector<16xf32>
      %parallel_loop3A_490 = arith.mulf %parallel_loop3A_487, %parallel_loop3A_489 : vector<16xf32>
      %parallel_loop3A_491 = arith.constant 1 : i32
      %parallel_loop3A_492 = arith.index_cast %parallel_loop3A_491 : i32 to index
      %parallel_loop3A_493 = arith.index_cast %parallel_loop3A_337 : i32 to index
      %parallel_loop3A_494 = arith.constant 112 : index
      %parallel_loop3A_495 = tpu.vector_load %arg7[%parallel_loop3A_492, %parallel_loop3A_493, %parallel_loop3A_494] {strides = array<i32>} : memref<6x25x128xf32, #tpu.memory_space<vmem>>, vector<1x1x16xf32>,
      %parallel_loop3A_496 = vector.shape_cast %parallel_loop3A_495 : vector<1x1x16xf32> to vector<16xf32>
      %parallel_loop3A_497 = vector.shape_cast %parallel_loop3A_490 : vector<16xf32> to vector<1x1x16xf32>
      tpu.vector_store %arg7[%parallel_loop3A_492, %parallel_loop3A_493, %parallel_loop3A_494], %parallel_loop3A_497 {strides = array<i32>} : memref<6x25x128xf32, #tpu.memory_space<vmem>>, vector<1x1x16xf32>,
    } {sc.loop_unroll_factor = 5 : i64, sc.parallel_access}
    %dma_start3A_95 = arith.constant 4 : i32
    %dma_start3A_96 = arith.constant 4 : i32
    %dma_start3A_97 = arith.constant 0 : i32
    %dma_start3A_98 = arith.constant 0 : i32
    %dma_start3A_99 = tpu.memref_slice %arg6[%dma_start3A_96, %dma_start3A_97, %dma_start3A_98] : memref<6x56x64xf32, #tpu.memory_space<vmem>> -> memref<1x56x64xf32, #tpu.memory_space<vmem>>
    %dma_start3A_100 = tpu.memref_squeeze %dma_start3A_99 : memref<1x56x64xf32, #tpu.memory_space<vmem>> -> memref<56x64xf32, #tpu.memory_space<vmem>>
    %dma_start3A_101 = arith.constant 0 : i32
    %dma_start3A_102 = tpu.memref_slice %arg5[%dma_start3A_95, %dma_start3A_101] : memref<512x128xi32, #tpu.memory_space<vmem>> -> memref<1x56xi32, #tpu.memory_space<vmem>>
    %dma_start3A_103 = tpu.memref_squeeze %dma_start3A_102 : memref<1x56xi32, #tpu.memory_space<vmem>> -> memref<56xi32, #tpu.memory_space<vmem>>
    %dma_start3A_104 = arith.constant 0 : i32
    %dma_start3A_105 = arith.constant 0 : i32
    %dma_start3A_106 = tpu.memref_slice %arg3[%dma_start3A_104, %dma_start3A_105] : memref<1000000x64xf32, #tpu.memory_space<hbm>> -> memref<1000000x64xf32, #tpu.memory_space<hbm>>
    tpu.enqueue_indirect_dma source(%dma_start3A_106 : memref<1000000x64xf32, #tpu.memory_space<hbm>>) target(%dma_start3A_100 : memref<56x64xf32, #tpu.memory_space<vmem>>) offsets(%dma_start3A_103 : memref<56xi32, #tpu.memory_space<vmem>>) semaphore(%arg8 : memref<!tpu.dma_semaphore, #tpu.memory_space<semaphore_mem>>)
    %add3A_107 = arith.constant 25 : i32
    %add3A_108 = arith.addi %mul3A_4, %add3A_107 : i32
    %dma_start3A_109 = arith.constant 1 : i32
    %dma_start3A_110 = arith.constant 0 : i32
    %dma_start3A_111 = arith.constant 0 : i32
    %dma_start3A_112 = tpu.memref_slice %arg7[%dma_start3A_109, %dma_start3A_110, %dma_start3A_111] : memref<6x25x128xf32, #tpu.memory_space<vmem>> -> memref<1x25x128xf32, #tpu.memory_space<vmem>>
    %dma_start3A_113 = tpu.memref_squeeze %dma_start3A_112 : memref<1x25x128xf32, #tpu.memory_space<vmem>> -> memref<25x128xf32, #tpu.memory_space<vmem>>
    %dma_start3A_114 = arith.constant 0 : i32
    %dma_start3A_115 = tpu.memref_slice %arg4[%add3A_108, %dma_start3A_114] : memref<409600x128xf32, #tpu.memory_space<hbm>> -> memref<25x128xf32, #tpu.memory_space<hbm>>
    %dma_start3A_116 = arith.constant 0 : i32
    %dma_start3A_117 = tpu.memref_slice %arg4[%add3A_108, %dma_start3A_116] : memref<409600x128xf32, #tpu.memory_space<hbm>> -> memref<25x128xf32, #tpu.memory_space<hbm>>
    %dma_start3A_118 = arith.constant 0 : i32
    %dma_start3A_119 = arith.constant 0 : i32
    %dma_start3A_120 = tpu.memref_slice %arg7[%dma_start3A_109, %dma_start3A_118, %dma_start3A_119] : memref<6x25x128xf32, #tpu.memory_space<vmem>> -> memref<1x25x128xf32, #tpu.memory_space<vmem>>
    %dma_start3A_121 = tpu.memref_squeeze %dma_start3A_120 : memref<1x25x128xf32, #tpu.memory_space<vmem>> -> memref<25x128xf32, #tpu.memory_space<vmem>>
    tpu.enqueue_dma source(%dma_start3A_121 : memref<25x128xf32, #tpu.memory_space<vmem>>) target(%dma_start3A_117 : memref<25x128xf32, #tpu.memory_space<hbm>>) target_semaphore(%arg9 : memref<!tpu.dma_semaphore, #tpu.memory_space<semaphore_mem>>)
    %dma_wait3A_122 = arith.constant 0 : i32
    %dma_wait3A_123 = arith.constant 0 : i32
    %dma_wait3A_124 = arith.constant 0 : i32
    %dma_wait3A_125 = arith.constant 0 : i32
    %dma_wait3A_126 = tpu.memref_slice %arg6[%dma_wait3A_123, %dma_wait3A_124, %dma_wait3A_125] : memref<6x56x64xf32, #tpu.memory_space<vmem>> -> memref<1x56x64xf32, #tpu.memory_space<vmem>>
    %dma_wait3A_127 = tpu.memref_squeeze %dma_wait3A_126 : memref<1x56x64xf32, #tpu.memory_space<vmem>> -> memref<56x64xf32, #tpu.memory_space<vmem>>
    %dma_wait3A_128 = arith.constant 0 : i32
    %dma_wait3A_129 = tpu.memref_slice %arg5[%dma_wait3A_122, %dma_wait3A_128] : memref<512x128xi32, #tpu.memory_space<vmem>> -> memref<1x56xi32, #tpu.memory_space<vmem>>
    %dma_wait3A_130 = tpu.memref_squeeze %dma_wait3A_129 : memref<1x56xi32, #tpu.memory_space<vmem>> -> memref<56xi32, #tpu.memory_space<vmem>>
    %dma_wait3A_131 = arith.constant 0 : i32
    %dma_wait3A_132 = arith.constant 0 : i32
    %dma_wait3A_133 = tpu.memref_slice %arg3[%dma_wait3A_131, %dma_wait3A_132] : memref<1000000x64xf32, #tpu.memory_space<hbm>> -> memref<1000000x64xf32, #tpu.memory_space<hbm>>
    tpu.wait_indirect_dma semaphore(%arg8 : memref<!tpu.dma_semaphore, #tpu.memory_space<semaphore_mem>>) src(%dma_wait3A_133 : memref<1000000x64xf32, #tpu.memory_space<hbm>>) dst(%dma_wait3A_127 : memref<56x64xf32, #tpu.memory_space<vmem>>)
    %parallel_loop3A_134 = arith.constant 0 : i32
    %parallel_loop3A_135 = arith.constant 25 : i32
    %parallel_loop3A_136 = arith.constant 1 : i32
    scf.for %parallel_loop3A_337 = %parallel_loop3A_134 to %parallel_loop3A_135 step %parallel_loop3A_136  : i32 {
      %parallel_loop3A_338 = arith.constant 2 : i32
      %parallel_loop3A_339 = arith.muli %parallel_loop3A_338, %parallel_loop3A_337 : i32
      %parallel_loop3A_340 = arith.constant 0 : i32
      %parallel_loop3A_341 = arith.addi %parallel_loop3A_339, %parallel_loop3A_340 : i32
      %parallel_loop3A_342 = arith.constant 2 : i32
      %parallel_loop3A_343 = arith.index_cast %parallel_loop3A_342 : i32 to index
      %parallel_loop3A_344 = arith.index_cast %parallel_loop3A_341 : i32 to index
      %parallel_loop3A_345 = arith.constant 0 : index
      %parallel_loop3A_346 = tpu.vector_load %arg6[%parallel_loop3A_343, %parallel_loop3A_344, %parallel_loop3A_345] {strides = array<i32>} : memref<6x56x64xf32, #tpu.memory_space<vmem>>, vector<1x1x16xf32>,
      %parallel_loop3A_347 = vector.shape_cast %parallel_loop3A_346 : vector<1x1x16xf32> to vector<16xf32>
      %parallel_loop3A_348 = arith.constant 8.000000e+00 : f32
      %parallel_loop3A_349 = vector.broadcast %parallel_loop3A_348 : f32 to vector<16xf32>
      %parallel_loop3A_350 = arith.mulf %parallel_loop3A_347, %parallel_loop3A_349 : vector<16xf32>
      %parallel_loop3A_351 = arith.constant 2 : i32
      %parallel_loop3A_352 = arith.index_cast %parallel_loop3A_351 : i32 to index
      %parallel_loop3A_353 = arith.index_cast %parallel_loop3A_337 : i32 to index
      %parallel_loop3A_354 = arith.constant 0 : index
      %parallel_loop3A_355 = tpu.vector_load %arg7[%parallel_loop3A_352, %parallel_loop3A_353, %parallel_loop3A_354] {strides = array<i32>} : memref<6x25x128xf32, #tpu.memory_space<vmem>>, vector<1x1x16xf32>,
      %parallel_loop3A_356 = vector.shape_cast %parallel_loop3A_355 : vector<1x1x16xf32> to vector<16xf32>
      %parallel_loop3A_357 = vector.shape_cast %parallel_loop3A_350 : vector<16xf32> to vector<1x1x16xf32>
      tpu.vector_store %arg7[%parallel_loop3A_352, %parallel_loop3A_353, %parallel_loop3A_354], %parallel_loop3A_357 {strides = array<i32>} : memref<6x25x128xf32, #tpu.memory_space<vmem>>, vector<1x1x16xf32>,
      %parallel_loop3A_358 = arith.constant 2 : i32
      %parallel_loop3A_359 = arith.muli %parallel_loop3A_358, %parallel_loop3A_337 : i32
      %parallel_loop3A_360 = arith.constant 0 : i32
      %parallel_loop3A_361 = arith.addi %parallel_loop3A_359, %parallel_loop3A_360 : i32
      %parallel_loop3A_362 = arith.constant 2 : i32
      %parallel_loop3A_363 = arith.index_cast %parallel_loop3A_362 : i32 to index
      %parallel_loop3A_364 = arith.index_cast %parallel_loop3A_361 : i32 to index
      %parallel_loop3A_365 = arith.constant 16 : index
      %parallel_loop3A_366 = tpu.vector_load %arg6[%parallel_loop3A_363, %parallel_loop3A_364, %parallel_loop3A_365] {strides = array<i32>} : memref<6x56x64xf32, #tpu.memory_space<vmem>>, vector<1x1x16xf32>,
      %parallel_loop3A_367 = vector.shape_cast %parallel_loop3A_366 : vector<1x1x16xf32> to vector<16xf32>
      %parallel_loop3A_368 = arith.constant 8.000000e+00 : f32
      %parallel_loop3A_369 = vector.broadcast %parallel_loop3A_368 : f32 to vector<16xf32>
      %parallel_loop3A_370 = arith.mulf %parallel_loop3A_367, %parallel_loop3A_369 : vector<16xf32>
      %parallel_loop3A_371 = arith.constant 2 : i32
      %parallel_loop3A_372 = arith.index_cast %parallel_loop3A_371 : i32 to index
      %parallel_loop3A_373 = arith.index_cast %parallel_loop3A_337 : i32 to index
      %parallel_loop3A_374 = arith.constant 16 : index
      %parallel_loop3A_375 = tpu.vector_load %arg7[%parallel_loop3A_372, %parallel_loop3A_373, %parallel_loop3A_374] {strides = array<i32>} : memref<6x25x128xf32, #tpu.memory_space<vmem>>, vector<1x1x16xf32>,
      %parallel_loop3A_376 = vector.shape_cast %parallel_loop3A_375 : vector<1x1x16xf32> to vector<16xf32>
      %parallel_loop3A_377 = vector.shape_cast %parallel_loop3A_370 : vector<16xf32> to vector<1x1x16xf32>
      tpu.vector_store %arg7[%parallel_loop3A_372, %parallel_loop3A_373, %parallel_loop3A_374], %parallel_loop3A_377 {strides = array<i32>} : memref<6x25x128xf32, #tpu.memory_space<vmem>>, vector<1x1x16xf32>,
      %parallel_loop3A_378 = arith.constant 2 : i32
      %parallel_loop3A_379 = arith.muli %parallel_loop3A_378, %parallel_loop3A_337 : i32
      %parallel_loop3A_380 = arith.constant 0 : i32
      %parallel_loop3A_381 = arith.addi %parallel_loop3A_379, %parallel_loop3A_380 : i32
      %parallel_loop3A_382 = arith.constant 2 : i32
      %parallel_loop3A_383 = arith.index_cast %parallel_loop3A_382 : i32 to index
      %parallel_loop3A_384 = arith.index_cast %parallel_loop3A_381 : i32 to index
      %parallel_loop3A_385 = arith.constant 32 : index
      %parallel_loop3A_386 = tpu.vector_load %arg6[%parallel_loop3A_383, %parallel_loop3A_384, %parallel_loop3A_385] {strides = array<i32>} : memref<6x56x64xf32, #tpu.memory_space<vmem>>, vector<1x1x16xf32>,
      %parallel_loop3A_387 = vector.shape_cast %parallel_loop3A_386 : vector<1x1x16xf32> to vector<16xf32>
      %parallel_loop3A_388 = arith.constant 8.000000e+00 : f32
      %parallel_loop3A_389 = vector.broadcast %parallel_loop3A_388 : f32 to vector<16xf32>
      %parallel_loop3A_390 = arith.mulf %parallel_loop3A_387, %parallel_loop3A_389 : vector<16xf32>
      %parallel_loop3A_391 = arith.constant 2 : i32
      %parallel_loop3A_392 = arith.index_cast %parallel_loop3A_391 : i32 to index
      %parallel_loop3A_393 = arith.index_cast %parallel_loop3A_337 : i32 to index
      %parallel_loop3A_394 = arith.constant 32 : index
      %parallel_loop3A_395 = tpu.vector_load %arg7[%parallel_loop3A_392, %parallel_loop3A_393, %parallel_loop3A_394] {strides = array<i32>} : memref<6x25x128xf32, #tpu.memory_space<vmem>>, vector<1x1x16xf32>,
      %parallel_loop3A_396 = vector.shape_cast %parallel_loop3A_395 : vector<1x1x16xf32> to vector<16xf32>
      %parallel_loop3A_397 = vector.shape_cast %parallel_loop3A_390 : vector<16xf32> to vector<1x1x16xf32>
      tpu.vector_store %arg7[%parallel_loop3A_392, %parallel_loop3A_393, %parallel_loop3A_394], %parallel_loop3A_397 {strides = array<i32>} : memref<6x25x128xf32, #tpu.memory_space<vmem>>, vector<1x1x16xf32>,
      %parallel_loop3A_398 = arith.constant 2 : i32
      %parallel_loop3A_399 = arith.muli %parallel_loop3A_398, %parallel_loop3A_337 : i32
      %parallel_loop3A_400 = arith.constant 0 : i32
      %parallel_loop3A_401 = arith.addi %parallel_loop3A_399, %parallel_loop3A_400 : i32
      %parallel_loop3A_402 = arith.constant 2 : i32
      %parallel_loop3A_403 = arith.index_cast %parallel_loop3A_402 : i32 to index
      %parallel_loop3A_404 = arith.index_cast %parallel_loop3A_401 : i32 to index
      %parallel_loop3A_405 = arith.constant 48 : index
      %parallel_loop3A_406 = tpu.vector_load %arg6[%parallel_loop3A_403, %parallel_loop3A_404, %parallel_loop3A_405] {strides = array<i32>} : memref<6x56x64xf32, #tpu.memory_space<vmem>>, vector<1x1x16xf32>,
      %parallel_loop3A_407 = vector.shape_cast %parallel_loop3A_406 : vector<1x1x16xf32> to vector<16xf32>
      %parallel_loop3A_408 = arith.constant 8.000000e+00 : f32
      %parallel_loop3A_409 = vector.broadcast %parallel_loop3A_408 : f32 to vector<16xf32>
      %parallel_loop3A_410 = arith.mulf %parallel_loop3A_407, %parallel_loop3A_409 : vector<16xf32>
      %parallel_loop3A_411 = arith.constant 2 : i32
      %parallel_loop3A_412 = arith.index_cast %parallel_loop3A_411 : i32 to index
      %parallel_loop3A_413 = arith.index_cast %parallel_loop3A_337 : i32 to index
      %parallel_loop3A_414 = arith.constant 48 : index
      %parallel_loop3A_415 = tpu.vector_load %arg7[%parallel_loop3A_412, %parallel_loop3A_413, %parallel_loop3A_414] {strides = array<i32>} : memref<6x25x128xf32, #tpu.memory_space<vmem>>, vector<1x1x16xf32>,
      %parallel_loop3A_416 = vector.shape_cast %parallel_loop3A_415 : vector<1x1x16xf32> to vector<16xf32>
      %parallel_loop3A_417 = vector.shape_cast %parallel_loop3A_410 : vector<16xf32> to vector<1x1x16xf32>
      tpu.vector_store %arg7[%parallel_loop3A_412, %parallel_loop3A_413, %parallel_loop3A_414], %parallel_loop3A_417 {strides = array<i32>} : memref<6x25x128xf32, #tpu.memory_space<vmem>>, vector<1x1x16xf32>,
      %parallel_loop3A_418 = arith.constant 2 : i32
      %parallel_loop3A_419 = arith.muli %parallel_loop3A_418, %parallel_loop3A_337 : i32
      %parallel_loop3A_420 = arith.constant 1 : i32
      %parallel_loop3A_421 = arith.addi %parallel_loop3A_419, %parallel_loop3A_420 : i32
      %parallel_loop3A_422 = arith.constant 2 : i32
      %parallel_loop3A_423 = arith.index_cast %parallel_loop3A_422 : i32 to index
      %parallel_loop3A_424 = arith.index_cast %parallel_loop3A_421 : i32 to index
      %parallel_loop3A_425 = arith.constant 0 : index
      %parallel_loop3A_426 = tpu.vector_load %arg6[%parallel_loop3A_423, %parallel_loop3A_424, %parallel_loop3A_425] {strides = array<i32>} : memref<6x56x64xf32, #tpu.memory_space<vmem>>, vector<1x1x16xf32>,
      %parallel_loop3A_427 = vector.shape_cast %parallel_loop3A_426 : vector<1x1x16xf32> to vector<16xf32>
      %parallel_loop3A_428 = arith.constant 8.000000e+00 : f32
      %parallel_loop3A_429 = vector.broadcast %parallel_loop3A_428 : f32 to vector<16xf32>
      %parallel_loop3A_430 = arith.mulf %parallel_loop3A_427, %parallel_loop3A_429 : vector<16xf32>
      %parallel_loop3A_431 = arith.constant 2 : i32
      %parallel_loop3A_432 = arith.index_cast %parallel_loop3A_431 : i32 to index
      %parallel_loop3A_433 = arith.index_cast %parallel_loop3A_337 : i32 to index
      %parallel_loop3A_434 = arith.constant 64 : index
      %parallel_loop3A_435 = tpu.vector_load %arg7[%parallel_loop3A_432, %parallel_loop3A_433, %parallel_loop3A_434] {strides = array<i32>} : memref<6x25x128xf32, #tpu.memory_space<vmem>>, vector<1x1x16xf32>,
      %parallel_loop3A_436 = vector.shape_cast %parallel_loop3A_435 : vector<1x1x16xf32> to vector<16xf32>
      %parallel_loop3A_437 = vector.shape_cast %parallel_loop3A_430 : vector<16xf32> to vector<1x1x16xf32>
      tpu.vector_store %arg7[%parallel_loop3A_432, %parallel_loop3A_433, %parallel_loop3A_434], %parallel_loop3A_437 {strides = array<i32>} : memref<6x25x128xf32, #tpu.memory_space<vmem>>, vector<1x1x16xf32>,
      %parallel_loop3A_438 = arith.constant 2 : i32
      %parallel_loop3A_439 = arith.muli %parallel_loop3A_438, %parallel_loop3A_337 : i32
      %parallel_loop3A_440 = arith.constant 1 : i32
      %parallel_loop3A_441 = arith.addi %parallel_loop3A_439, %parallel_loop3A_440 : i32
      %parallel_loop3A_442 = arith.constant 2 : i32
      %parallel_loop3A_443 = arith.index_cast %parallel_loop3A_442 : i32 to index
      %parallel_loop3A_444 = arith.index_cast %parallel_loop3A_441 : i32 to index
      %parallel_loop3A_445 = arith.constant 16 : index
      %parallel_loop3A_446 = tpu.vector_load %arg6[%parallel_loop3A_443, %parallel_loop3A_444, %parallel_loop3A_445] {strides = array<i32>} : memref<6x56x64xf32, #tpu.memory_space<vmem>>, vector<1x1x16xf32>,
      %parallel_loop3A_447 = vector.shape_cast %parallel_loop3A_446 : vector<1x1x16xf32> to vector<16xf32>
      %parallel_loop3A_448 = arith.constant 8.000000e+00 : f32
      %parallel_loop3A_449 = vector.broadcast %parallel_loop3A_448 : f32 to vector<16xf32>
      %parallel_loop3A_450 = arith.mulf %parallel_loop3A_447, %parallel_loop3A_449 : vector<16xf32>
      %parallel_loop3A_451 = arith.constant 2 : i32
      %parallel_loop3A_452 = arith.index_cast %parallel_loop3A_451 : i32 to index
      %parallel_loop3A_453 = arith.index_cast %parallel_loop3A_337 : i32 to index
      %parallel_loop3A_454 = arith.constant 80 : index
      %parallel_loop3A_455 = tpu.vector_load %arg7[%parallel_loop3A_452, %parallel_loop3A_453, %parallel_loop3A_454] {strides = array<i32>} : memref<6x25x128xf32, #tpu.memory_space<vmem>>, vector<1x1x16xf32>,
      %parallel_loop3A_456 = vector.shape_cast %parallel_loop3A_455 : vector<1x1x16xf32> to vector<16xf32>
      %parallel_loop3A_457 = vector.shape_cast %parallel_loop3A_450 : vector<16xf32> to vector<1x1x16xf32>
      tpu.vector_store %arg7[%parallel_loop3A_452, %parallel_loop3A_453, %parallel_loop3A_454], %parallel_loop3A_457 {strides = array<i32>} : memref<6x25x128xf32, #tpu.memory_space<vmem>>, vector<1x1x16xf32>,
      %parallel_loop3A_458 = arith.constant 2 : i32
      %parallel_loop3A_459 = arith.muli %parallel_loop3A_458, %parallel_loop3A_337 : i32
      %parallel_loop3A_460 = arith.constant 1 : i32
      %parallel_loop3A_461 = arith.addi %parallel_loop3A_459, %parallel_loop3A_460 : i32
      %parallel_loop3A_462 = arith.constant 2 : i32
      %parallel_loop3A_463 = arith.index_cast %parallel_loop3A_462 : i32 to index
      %parallel_loop3A_464 = arith.index_cast %parallel_loop3A_461 : i32 to index
      %parallel_loop3A_465 = arith.constant 32 : index
      %parallel_loop3A_466 = tpu.vector_load %arg6[%parallel_loop3A_463, %parallel_loop3A_464, %parallel_loop3A_465] {strides = array<i32>} : memref<6x56x64xf32, #tpu.memory_space<vmem>>, vector<1x1x16xf32>,
      %parallel_loop3A_467 = vector.shape_cast %parallel_loop3A_466 : vector<1x1x16xf32> to vector<16xf32>
      %parallel_loop3A_468 = arith.constant 8.000000e+00 : f32
      %parallel_loop3A_469 = vector.broadcast %parallel_loop3A_468 : f32 to vector<16xf32>
      %parallel_loop3A_470 = arith.mulf %parallel_loop3A_467, %parallel_loop3A_469 : vector<16xf32>
      %parallel_loop3A_471 = arith.constant 2 : i32
      %parallel_loop3A_472 = arith.index_cast %parallel_loop3A_471 : i32 to index
      %parallel_loop3A_473 = arith.index_cast %parallel_loop3A_337 : i32 to index
      %parallel_loop3A_474 = arith.constant 96 : index
      %parallel_loop3A_475 = tpu.vector_load %arg7[%parallel_loop3A_472, %parallel_loop3A_473, %parallel_loop3A_474] {strides = array<i32>} : memref<6x25x128xf32, #tpu.memory_space<vmem>>, vector<1x1x16xf32>,
      %parallel_loop3A_476 = vector.shape_cast %parallel_loop3A_475 : vector<1x1x16xf32> to vector<16xf32>
      %parallel_loop3A_477 = vector.shape_cast %parallel_loop3A_470 : vector<16xf32> to vector<1x1x16xf32>
      tpu.vector_store %arg7[%parallel_loop3A_472, %parallel_loop3A_473, %parallel_loop3A_474], %parallel_loop3A_477 {strides = array<i32>} : memref<6x25x128xf32, #tpu.memory_space<vmem>>, vector<1x1x16xf32>,
      %parallel_loop3A_478 = arith.constant 2 : i32
      %parallel_loop3A_479 = arith.muli %parallel_loop3A_478, %parallel_loop3A_337 : i32
      %parallel_loop3A_480 = arith.constant 1 : i32
      %parallel_loop3A_481 = arith.addi %parallel_loop3A_479, %parallel_loop3A_480 : i32
      %parallel_loop3A_482 = arith.constant 2 : i32
      %parallel_loop3A_483 = arith.index_cast %parallel_loop3A_482 : i32 to index
      %parallel_loop3A_484 = arith.index_cast %parallel_loop3A_481 : i32 to index
      %parallel_loop3A_485 = arith.constant 48 : index
      %parallel_loop3A_486 = tpu.vector_load %arg6[%parallel_loop3A_483, %parallel_loop3A_484, %parallel_loop3A_485] {strides = array<i32>} : memref<6x56x64xf32, #tpu.memory_space<vmem>>, vector<1x1x16xf32>,
      %parallel_loop3A_487 = vector.shape_cast %parallel_loop3A_486 : vector<1x1x16xf32> to vector<16xf32>
      %parallel_loop3A_488 = arith.constant 8.000000e+00 : f32
      %parallel_loop3A_489 = vector.broadcast %parallel_loop3A_488 : f32 to vector<16xf32>
      %parallel_loop3A_490 = arith.mulf %parallel_loop3A_487, %parallel_loop3A_489 : vector<16xf32>
      %parallel_loop3A_491 = arith.constant 2 : i32
      %parallel_loop3A_492 = arith.index_cast %parallel_loop3A_491 : i32 to index
      %parallel_loop3A_493 = arith.index_cast %parallel_loop3A_337 : i32 to index
      %parallel_loop3A_494 = arith.constant 112 : index
      %parallel_loop3A_495 = tpu.vector_load %arg7[%parallel_loop3A_492, %parallel_loop3A_493, %parallel_loop3A_494] {strides = array<i32>} : memref<6x25x128xf32, #tpu.memory_space<vmem>>, vector<1x1x16xf32>,
      %parallel_loop3A_496 = vector.shape_cast %parallel_loop3A_495 : vector<1x1x16xf32> to vector<16xf32>
      %parallel_loop3A_497 = vector.shape_cast %parallel_loop3A_490 : vector<16xf32> to vector<1x1x16xf32>
      tpu.vector_store %arg7[%parallel_loop3A_492, %parallel_loop3A_493, %parallel_loop3A_494], %parallel_loop3A_497 {strides = array<i32>} : memref<6x25x128xf32, #tpu.memory_space<vmem>>, vector<1x1x16xf32>,
    } {sc.loop_unroll_factor = 5 : i64, sc.parallel_access}
    %dma_start3A_137 = arith.constant 5 : i32
    %dma_start3A_138 = arith.constant 5 : i32
    %dma_start3A_139 = arith.constant 0 : i32
    %dma_start3A_140 = arith.constant 0 : i32
    %dma_start3A_141 = tpu.memref_slice %arg6[%dma_start3A_138, %dma_start3A_139, %dma_start3A_140] : memref<6x56x64xf32, #tpu.memory_space<vmem>> -> memref<1x56x64xf32, #tpu.memory_space<vmem>>
    %dma_start3A_142 = tpu.memref_squeeze %dma_start3A_141 : memref<1x56x64xf32, #tpu.memory_space<vmem>> -> memref<56x64xf32, #tpu.memory_space<vmem>>
    %dma_start3A_143 = arith.constant 0 : i32
    %dma_start3A_144 = tpu.memref_slice %arg5[%dma_start3A_137, %dma_start3A_143] : memref<512x128xi32, #tpu.memory_space<vmem>> -> memref<1x56xi32, #tpu.memory_space<vmem>>
    %dma_start3A_145 = tpu.memref_squeeze %dma_start3A_144 : memref<1x56xi32, #tpu.memory_space<vmem>> -> memref<56xi32, #tpu.memory_space<vmem>>
    %dma_start3A_146 = arith.constant 0 : i32
    %dma_start3A_147 = arith.constant 0 : i32
    %dma_start3A_148 = tpu.memref_slice %arg3[%dma_start3A_146, %dma_start3A_147] : memref<1000000x64xf32, #tpu.memory_space<hbm>> -> memref<1000000x64xf32, #tpu.memory_space<hbm>>
    tpu.enqueue_indirect_dma source(%dma_start3A_148 : memref<1000000x64xf32, #tpu.memory_space<hbm>>) target(%dma_start3A_142 : memref<56x64xf32, #tpu.memory_space<vmem>>) offsets(%dma_start3A_145 : memref<56xi32, #tpu.memory_space<vmem>>) semaphore(%arg8 : memref<!tpu.dma_semaphore, #tpu.memory_space<semaphore_mem>>)
    %add3A_149 = arith.constant 50 : i32
    %add3A_150 = arith.addi %mul3A_4, %add3A_149 : i32
    %dma_start3A_151 = arith.constant 2 : i32
    %dma_start3A_152 = arith.constant 0 : i32
    %dma_start3A_153 = arith.constant 0 : i32
    %dma_start3A_154 = tpu.memref_slice %arg7[%dma_start3A_151, %dma_start3A_152, %dma_start3A_153] : memref<6x25x128xf32, #tpu.memory_space<vmem>> -> memref<1x25x128xf32, #tpu.memory_space<vmem>>
    %dma_start3A_155 = tpu.memref_squeeze %dma_start3A_154 : memref<1x25x128xf32, #tpu.memory_space<vmem>> -> memref<25x128xf32, #tpu.memory_space<vmem>>
    %dma_start3A_156 = arith.constant 0 : i32
    %dma_start3A_157 = tpu.memref_slice %arg4[%add3A_150, %dma_start3A_156] : memref<409600x128xf32, #tpu.memory_space<hbm>> -> memref<25x128xf32, #tpu.memory_space<hbm>>
    %dma_start3A_158 = arith.constant 0 : i32
    %dma_start3A_159 = tpu.memref_slice %arg4[%add3A_150, %dma_start3A_158] : memref<409600x128xf32, #tpu.memory_space<hbm>> -> memref<25x128xf32, #tpu.memory_space<hbm>>
    %dma_start3A_160 = arith.constant 0 : i32
    %dma_start3A_161 = arith.constant 0 : i32
    %dma_start3A_162 = tpu.memref_slice %arg7[%dma_start3A_151, %dma_start3A_160, %dma_start3A_161] : memref<6x25x128xf32, #tpu.memory_space<vmem>> -> memref<1x25x128xf32, #tpu.memory_space<vmem>>
    %dma_start3A_163 = tpu.memref_squeeze %dma_start3A_162 : memref<1x25x128xf32, #tpu.memory_space<vmem>> -> memref<25x128xf32, #tpu.memory_space<vmem>>
    tpu.enqueue_dma source(%dma_start3A_163 : memref<25x128xf32, #tpu.memory_space<vmem>>) target(%dma_start3A_159 : memref<25x128xf32, #tpu.memory_space<hbm>>) target_semaphore(%arg9 : memref<!tpu.dma_semaphore, #tpu.memory_space<semaphore_mem>>)
    %scan3A = arith.constant 0 : i32
    %scan3A_164 = arith.constant 3 : i32
    %scan3A_165 = arith.constant 506 : i32
    %scan3A_166 = arith.addi %scan3A_164, %scan3A_165 : i32
    %scan3A_167 = arith.constant 1 : i32
    scf.for %scan3A_337 = %scan3A_164 to %scan3A_166 step %scan3A_167  : i32 {
      %jit3A = arith.constant 6 : i32
      %eq3A = arith.constant 0 : i32
      %eq3A_338 = arith.cmpi eq, %jit3A, %eq3A : i32
      %jit3A_339 = arith.constant 1 : i32
      %select_n3A = arith.select %eq3A_338, %jit3A_339, %jit3A : i32
      %rem3A = arith.remsi %scan3A_337, %select_n3A : i32
      %ne3A = arith.constant 0 : i32
      %ne3A_340 = arith.cmpi ne, %rem3A, %ne3A : i32
      %lt3A = arith.constant 0 : i32
      %lt3A_341 = arith.cmpi slt, %rem3A, %lt3A : i32
      %lt3A_342 = arith.constant 0 : i32
      %lt3A_343 = arith.cmpi slt, %select_n3A, %lt3A_342 : i32
      %ne3A_344 = arith.xori %lt3A_341, %lt3A_343 : i1
      %and3A = arith.andi %ne3A_344, %ne3A_340 : i1
      %add3A_345 = arith.addi %rem3A, %select_n3A : i32
      %select_n3A_346 = arith.select %and3A, %add3A_345, %rem3A : i32
      %dma_wait3A_347 = arith.constant 0 : i32
      %dma_wait3A_348 = arith.constant 0 : i32
      %dma_wait3A_349 = arith.constant 0 : i32
      %dma_wait3A_350 = arith.constant 0 : i32
      %dma_wait3A_351 = tpu.memref_slice %arg6[%dma_wait3A_348, %dma_wait3A_349, %dma_wait3A_350] : memref<6x56x64xf32, #tpu.memory_space<vmem>> -> memref<1x56x64xf32, #tpu.memory_space<vmem>>
      %dma_wait3A_352 = tpu.memref_squeeze %dma_wait3A_351 : memref<1x56x64xf32, #tpu.memory_space<vmem>> -> memref<56x64xf32, #tpu.memory_space<vmem>>
      %dma_wait3A_353 = arith.constant 0 : i32
      %dma_wait3A_354 = tpu.memref_slice %arg5[%dma_wait3A_347, %dma_wait3A_353] : memref<512x128xi32, #tpu.memory_space<vmem>> -> memref<1x56xi32, #tpu.memory_space<vmem>>
      %dma_wait3A_355 = tpu.memref_squeeze %dma_wait3A_354 : memref<1x56xi32, #tpu.memory_space<vmem>> -> memref<56xi32, #tpu.memory_space<vmem>>
      %dma_wait3A_356 = arith.constant 0 : i32
      %dma_wait3A_357 = arith.constant 0 : i32
      %dma_wait3A_358 = tpu.memref_slice %arg3[%dma_wait3A_356, %dma_wait3A_357] : memref<1000000x64xf32, #tpu.memory_space<hbm>> -> memref<1000000x64xf32, #tpu.memory_space<hbm>>
      tpu.wait_indirect_dma semaphore(%arg8 : memref<!tpu.dma_semaphore, #tpu.memory_space<semaphore_mem>>) src(%dma_wait3A_358 : memref<1000000x64xf32, #tpu.memory_space<hbm>>) dst(%dma_wait3A_352 : memref<56x64xf32, #tpu.memory_space<vmem>>)
      %dma_wait3A_359 = arith.constant 0 : i32
      %dma_wait3A_360 = arith.constant 0 : i32
      %dma_wait3A_361 = arith.constant 0 : i32
      %dma_wait3A_362 = tpu.memref_slice %arg7[%dma_wait3A_359, %dma_wait3A_360, %dma_wait3A_361] : memref<6x25x128xf32, #tpu.memory_space<vmem>> -> memref<1x25x128xf32, #tpu.memory_space<vmem>>
      %dma_wait3A_363 = tpu.memref_squeeze %dma_wait3A_362 : memref<1x25x128xf32, #tpu.memory_space<vmem>> -> memref<25x128xf32, #tpu.memory_space<vmem>>
      %dma_wait3A_364 = arith.constant 0 : i32
      %dma_wait3A_365 = tpu.memref_slice %arg4[%mul3A_4, %dma_wait3A_364] : memref<409600x128xf32, #tpu.memory_space<hbm>> -> memref<25x128xf32, #tpu.memory_space<hbm>>
      %dma_wait3A_366 = arith.constant 0 : i32
      %dma_wait3A_367 = tpu.memref_slice %arg4[%mul3A_4, %dma_wait3A_366] : memref<409600x128xf32, #tpu.memory_space<hbm>> -> memref<25x128xf32, #tpu.memory_space<hbm>>
      %dma_wait3A_368 = arith.constant 0 : i32
      %dma_wait3A_369 = arith.constant 0 : i32
      %dma_wait3A_370 = tpu.memref_slice %arg7[%dma_wait3A_359, %dma_wait3A_368, %dma_wait3A_369] : memref<6x25x128xf32, #tpu.memory_space<vmem>> -> memref<1x25x128xf32, #tpu.memory_space<vmem>>
      %dma_wait3A_371 = tpu.memref_squeeze %dma_wait3A_370 : memref<1x25x128xf32, #tpu.memory_space<vmem>> -> memref<25x128xf32, #tpu.memory_space<vmem>>
      tpu.wait_dma2 semaphore(%arg9 : memref<!tpu.dma_semaphore, #tpu.memory_space<semaphore_mem>>) src(%dma_wait3A_371 : memref<25x128xf32, #tpu.memory_space<vmem>>) dst(%dma_wait3A_367 : memref<25x128xf32, #tpu.memory_space<hbm>>)
      %parallel_loop3A_372 = arith.constant 0 : i32
      %parallel_loop3A_373 = arith.constant 25 : i32
      %parallel_loop3A_374 = arith.constant 1 : i32
      scf.for %parallel_loop3A_420 = %parallel_loop3A_372 to %parallel_loop3A_373 step %parallel_loop3A_374  : i32 {
        %parallel_loop3A_421 = arith.constant 2 : i32
        %parallel_loop3A_422 = arith.muli %parallel_loop3A_421, %parallel_loop3A_420 : i32
        %parallel_loop3A_423 = arith.constant 0 : i32
        %parallel_loop3A_424 = arith.addi %parallel_loop3A_422, %parallel_loop3A_423 : i32
        %parallel_loop3A_425 = arith.index_cast %select_n3A_346 : i32 to index
        %parallel_loop3A_426 = arith.index_cast %parallel_loop3A_424 : i32 to index
        %parallel_loop3A_427 = arith.constant 0 : index
        %parallel_loop3A_428 = tpu.vector_load %arg6[%parallel_loop3A_425, %parallel_loop3A_426, %parallel_loop3A_427] {strides = array<i32>} : memref<6x56x64xf32, #tpu.memory_space<vmem>>, vector<1x1x16xf32>,
        %parallel_loop3A_429 = vector.shape_cast %parallel_loop3A_428 : vector<1x1x16xf32> to vector<16xf32>
        %parallel_loop3A_430 = arith.constant 8.000000e+00 : f32
        %parallel_loop3A_431 = vector.broadcast %parallel_loop3A_430 : f32 to vector<16xf32>
        %parallel_loop3A_432 = arith.mulf %parallel_loop3A_429, %parallel_loop3A_431 : vector<16xf32>
        %parallel_loop3A_433 = arith.index_cast %select_n3A_346 : i32 to index
        %parallel_loop3A_434 = arith.index_cast %parallel_loop3A_420 : i32 to index
        %parallel_loop3A_435 = arith.constant 0 : index
        %parallel_loop3A_436 = tpu.vector_load %arg7[%parallel_loop3A_433, %parallel_loop3A_434, %parallel_loop3A_435] {strides = array<i32>} : memref<6x25x128xf32, #tpu.memory_space<vmem>>, vector<1x1x16xf32>,
        %parallel_loop3A_437 = vector.shape_cast %parallel_loop3A_436 : vector<1x1x16xf32> to vector<16xf32>
        %parallel_loop3A_438 = vector.shape_cast %parallel_loop3A_432 : vector<16xf32> to vector<1x1x16xf32>
        tpu.vector_store %arg7[%parallel_loop3A_433, %parallel_loop3A_434, %parallel_loop3A_435], %parallel_loop3A_438 {strides = array<i32>} : memref<6x25x128xf32, #tpu.memory_space<vmem>>, vector<1x1x16xf32>,
        %parallel_loop3A_439 = arith.constant 2 : i32
        %parallel_loop3A_440 = arith.muli %parallel_loop3A_439, %parallel_loop3A_420 : i32
        %parallel_loop3A_441 = arith.constant 0 : i32
        %parallel_loop3A_442 = arith.addi %parallel_loop3A_440, %parallel_loop3A_441 : i32
        %parallel_loop3A_443 = arith.index_cast %select_n3A_346 : i32 to index
        %parallel_loop3A_444 = arith.index_cast %parallel_loop3A_442 : i32 to index
        %parallel_loop3A_445 = arith.constant 16 : index
        %parallel_loop3A_446 = tpu.vector_load %arg6[%parallel_loop3A_443, %parallel_loop3A_444, %parallel_loop3A_445] {strides = array<i32>} : memref<6x56x64xf32, #tpu.memory_space<vmem>>, vector<1x1x16xf32>,
        %parallel_loop3A_447 = vector.shape_cast %parallel_loop3A_446 : vector<1x1x16xf32> to vector<16xf32>
        %parallel_loop3A_448 = arith.constant 8.000000e+00 : f32
        %parallel_loop3A_449 = vector.broadcast %parallel_loop3A_448 : f32 to vector<16xf32>
        %parallel_loop3A_450 = arith.mulf %parallel_loop3A_447, %parallel_loop3A_449 : vector<16xf32>
        %parallel_loop3A_451 = arith.index_cast %select_n3A_346 : i32 to index
        %parallel_loop3A_452 = arith.index_cast %parallel_loop3A_420 : i32 to index
        %parallel_loop3A_453 = arith.constant 16 : index
        %parallel_loop3A_454 = tpu.vector_load %arg7[%parallel_loop3A_451, %parallel_loop3A_452, %parallel_loop3A_453] {strides = array<i32>} : memref<6x25x128xf32, #tpu.memory_space<vmem>>, vector<1x1x16xf32>,
        %parallel_loop3A_455 = vector.shape_cast %parallel_loop3A_454 : vector<1x1x16xf32> to vector<16xf32>
        %parallel_loop3A_456 = vector.shape_cast %parallel_loop3A_450 : vector<16xf32> to vector<1x1x16xf32>
        tpu.vector_store %arg7[%parallel_loop3A_451, %parallel_loop3A_452, %parallel_loop3A_453], %parallel_loop3A_456 {strides = array<i32>} : memref<6x25x128xf32, #tpu.memory_space<vmem>>, vector<1x1x16xf32>,
        %parallel_loop3A_457 = arith.constant 2 : i32
        %parallel_loop3A_458 = arith.muli %parallel_loop3A_457, %parallel_loop3A_420 : i32
        %parallel_loop3A_459 = arith.constant 0 : i32
        %parallel_loop3A_460 = arith.addi %parallel_loop3A_458, %parallel_loop3A_459 : i32
        %parallel_loop3A_461 = arith.index_cast %select_n3A_346 : i32 to index
        %parallel_loop3A_462 = arith.index_cast %parallel_loop3A_460 : i32 to index
        %parallel_loop3A_463 = arith.constant 32 : index
        %parallel_loop3A_464 = tpu.vector_load %arg6[%parallel_loop3A_461, %parallel_loop3A_462, %parallel_loop3A_463] {strides = array<i32>} : memref<6x56x64xf32, #tpu.memory_space<vmem>>, vector<1x1x16xf32>,
        %parallel_loop3A_465 = vector.shape_cast %parallel_loop3A_464 : vector<1x1x16xf32> to vector<16xf32>
        %parallel_loop3A_466 = arith.constant 8.000000e+00 : f32
        %parallel_loop3A_467 = vector.broadcast %parallel_loop3A_466 : f32 to vector<16xf32>
        %parallel_loop3A_468 = arith.mulf %parallel_loop3A_465, %parallel_loop3A_467 : vector<16xf32>
        %parallel_loop3A_469 = arith.index_cast %select_n3A_346 : i32 to index
        %parallel_loop3A_470 = arith.index_cast %parallel_loop3A_420 : i32 to index
        %parallel_loop3A_471 = arith.constant 32 : index
        %parallel_loop3A_472 = tpu.vector_load %arg7[%parallel_loop3A_469, %parallel_loop3A_470, %parallel_loop3A_471] {strides = array<i32>} : memref<6x25x128xf32, #tpu.memory_space<vmem>>, vector<1x1x16xf32>,
        %parallel_loop3A_473 = vector.shape_cast %parallel_loop3A_472 : vector<1x1x16xf32> to vector<16xf32>
        %parallel_loop3A_474 = vector.shape_cast %parallel_loop3A_468 : vector<16xf32> to vector<1x1x16xf32>
        tpu.vector_store %arg7[%parallel_loop3A_469, %parallel_loop3A_470, %parallel_loop3A_471], %parallel_loop3A_474 {strides = array<i32>} : memref<6x25x128xf32, #tpu.memory_space<vmem>>, vector<1x1x16xf32>,
        %parallel_loop3A_475 = arith.constant 2 : i32
        %parallel_loop3A_476 = arith.muli %parallel_loop3A_475, %parallel_loop3A_420 : i32
        %parallel_loop3A_477 = arith.constant 0 : i32
        %parallel_loop3A_478 = arith.addi %parallel_loop3A_476, %parallel_loop3A_477 : i32
        %parallel_loop3A_479 = arith.index_cast %select_n3A_346 : i32 to index
        %parallel_loop3A_480 = arith.index_cast %parallel_loop3A_478 : i32 to index
        %parallel_loop3A_481 = arith.constant 48 : index
        %parallel_loop3A_482 = tpu.vector_load %arg6[%parallel_loop3A_479, %parallel_loop3A_480, %parallel_loop3A_481] {strides = array<i32>} : memref<6x56x64xf32, #tpu.memory_space<vmem>>, vector<1x1x16xf32>,
        %parallel_loop3A_483 = vector.shape_cast %parallel_loop3A_482 : vector<1x1x16xf32> to vector<16xf32>
        %parallel_loop3A_484 = arith.constant 8.000000e+00 : f32
        %parallel_loop3A_485 = vector.broadcast %parallel_loop3A_484 : f32 to vector<16xf32>
        %parallel_loop3A_486 = arith.mulf %parallel_loop3A_483, %parallel_loop3A_485 : vector<16xf32>
        %parallel_loop3A_487 = arith.index_cast %select_n3A_346 : i32 to index
        %parallel_loop3A_488 = arith.index_cast %parallel_loop3A_420 : i32 to index
        %parallel_loop3A_489 = arith.constant 48 : index
        %parallel_loop3A_490 = tpu.vector_load %arg7[%parallel_loop3A_487, %parallel_loop3A_488, %parallel_loop3A_489] {strides = array<i32>} : memref<6x25x128xf32, #tpu.memory_space<vmem>>, vector<1x1x16xf32>,
        %parallel_loop3A_491 = vector.shape_cast %parallel_loop3A_490 : vector<1x1x16xf32> to vector<16xf32>
        %parallel_loop3A_492 = vector.shape_cast %parallel_loop3A_486 : vector<16xf32> to vector<1x1x16xf32>
        tpu.vector_store %arg7[%parallel_loop3A_487, %parallel_loop3A_488, %parallel_loop3A_489], %parallel_loop3A_492 {strides = array<i32>} : memref<6x25x128xf32, #tpu.memory_space<vmem>>, vector<1x1x16xf32>,
        %parallel_loop3A_493 = arith.constant 2 : i32
        %parallel_loop3A_494 = arith.muli %parallel_loop3A_493, %parallel_loop3A_420 : i32
        %parallel_loop3A_495 = arith.constant 1 : i32
        %parallel_loop3A_496 = arith.addi %parallel_loop3A_494, %parallel_loop3A_495 : i32
        %parallel_loop3A_497 = arith.index_cast %select_n3A_346 : i32 to index
        %parallel_loop3A_498 = arith.index_cast %parallel_loop3A_496 : i32 to index
        %parallel_loop3A_499 = arith.constant 0 : index
        %parallel_loop3A_500 = tpu.vector_load %arg6[%parallel_loop3A_497, %parallel_loop3A_498, %parallel_loop3A_499] {strides = array<i32>} : memref<6x56x64xf32, #tpu.memory_space<vmem>>, vector<1x1x16xf32>,
        %parallel_loop3A_501 = vector.shape_cast %parallel_loop3A_500 : vector<1x1x16xf32> to vector<16xf32>
        %parallel_loop3A_502 = arith.constant 8.000000e+00 : f32
        %parallel_loop3A_503 = vector.broadcast %parallel_loop3A_502 : f32 to vector<16xf32>
        %parallel_loop3A_504 = arith.mulf %parallel_loop3A_501, %parallel_loop3A_503 : vector<16xf32>
        %parallel_loop3A_505 = arith.index_cast %select_n3A_346 : i32 to index
        %parallel_loop3A_506 = arith.index_cast %parallel_loop3A_420 : i32 to index
        %parallel_loop3A_507 = arith.constant 64 : index
        %parallel_loop3A_508 = tpu.vector_load %arg7[%parallel_loop3A_505, %parallel_loop3A_506, %parallel_loop3A_507] {strides = array<i32>} : memref<6x25x128xf32, #tpu.memory_space<vmem>>, vector<1x1x16xf32>,
        %parallel_loop3A_509 = vector.shape_cast %parallel_loop3A_508 : vector<1x1x16xf32> to vector<16xf32>
        %parallel_loop3A_510 = vector.shape_cast %parallel_loop3A_504 : vector<16xf32> to vector<1x1x16xf32>
        tpu.vector_store %arg7[%parallel_loop3A_505, %parallel_loop3A_506, %parallel_loop3A_507], %parallel_loop3A_510 {strides = array<i32>} : memref<6x25x128xf32, #tpu.memory_space<vmem>>, vector<1x1x16xf32>,
        %parallel_loop3A_511 = arith.constant 2 : i32
        %parallel_loop3A_512 = arith.muli %parallel_loop3A_511, %parallel_loop3A_420 : i32
        %parallel_loop3A_513 = arith.constant 1 : i32
        %parallel_loop3A_514 = arith.addi %parallel_loop3A_512, %parallel_loop3A_513 : i32
        %parallel_loop3A_515 = arith.index_cast %select_n3A_346 : i32 to index
        %parallel_loop3A_516 = arith.index_cast %parallel_loop3A_514 : i32 to index
        %parallel_loop3A_517 = arith.constant 16 : index
        %parallel_loop3A_518 = tpu.vector_load %arg6[%parallel_loop3A_515, %parallel_loop3A_516, %parallel_loop3A_517] {strides = array<i32>} : memref<6x56x64xf32, #tpu.memory_space<vmem>>, vector<1x1x16xf32>,
        %parallel_loop3A_519 = vector.shape_cast %parallel_loop3A_518 : vector<1x1x16xf32> to vector<16xf32>
        %parallel_loop3A_520 = arith.constant 8.000000e+00 : f32
        %parallel_loop3A_521 = vector.broadcast %parallel_loop3A_520 : f32 to vector<16xf32>
        %parallel_loop3A_522 = arith.mulf %parallel_loop3A_519, %parallel_loop3A_521 : vector<16xf32>
        %parallel_loop3A_523 = arith.index_cast %select_n3A_346 : i32 to index
        %parallel_loop3A_524 = arith.index_cast %parallel_loop3A_420 : i32 to index
        %parallel_loop3A_525 = arith.constant 80 : index
        %parallel_loop3A_526 = tpu.vector_load %arg7[%parallel_loop3A_523, %parallel_loop3A_524, %parallel_loop3A_525] {strides = array<i32>} : memref<6x25x128xf32, #tpu.memory_space<vmem>>, vector<1x1x16xf32>,
        %parallel_loop3A_527 = vector.shape_cast %parallel_loop3A_526 : vector<1x1x16xf32> to vector<16xf32>
        %parallel_loop3A_528 = vector.shape_cast %parallel_loop3A_522 : vector<16xf32> to vector<1x1x16xf32>
        tpu.vector_store %arg7[%parallel_loop3A_523, %parallel_loop3A_524, %parallel_loop3A_525], %parallel_loop3A_528 {strides = array<i32>} : memref<6x25x128xf32, #tpu.memory_space<vmem>>, vector<1x1x16xf32>,
        %parallel_loop3A_529 = arith.constant 2 : i32
        %parallel_loop3A_530 = arith.muli %parallel_loop3A_529, %parallel_loop3A_420 : i32
        %parallel_loop3A_531 = arith.constant 1 : i32
        %parallel_loop3A_532 = arith.addi %parallel_loop3A_530, %parallel_loop3A_531 : i32
        %parallel_loop3A_533 = arith.index_cast %select_n3A_346 : i32 to index
        %parallel_loop3A_534 = arith.index_cast %parallel_loop3A_532 : i32 to index
        %parallel_loop3A_535 = arith.constant 32 : index
        %parallel_loop3A_536 = tpu.vector_load %arg6[%parallel_loop3A_533, %parallel_loop3A_534, %parallel_loop3A_535] {strides = array<i32>} : memref<6x56x64xf32, #tpu.memory_space<vmem>>, vector<1x1x16xf32>,
        %parallel_loop3A_537 = vector.shape_cast %parallel_loop3A_536 : vector<1x1x16xf32> to vector<16xf32>
        %parallel_loop3A_538 = arith.constant 8.000000e+00 : f32
        %parallel_loop3A_539 = vector.broadcast %parallel_loop3A_538 : f32 to vector<16xf32>
        %parallel_loop3A_540 = arith.mulf %parallel_loop3A_537, %parallel_loop3A_539 : vector<16xf32>
        %parallel_loop3A_541 = arith.index_cast %select_n3A_346 : i32 to index
        %parallel_loop3A_542 = arith.index_cast %parallel_loop3A_420 : i32 to index
        %parallel_loop3A_543 = arith.constant 96 : index
        %parallel_loop3A_544 = tpu.vector_load %arg7[%parallel_loop3A_541, %parallel_loop3A_542, %parallel_loop3A_543] {strides = array<i32>} : memref<6x25x128xf32, #tpu.memory_space<vmem>>, vector<1x1x16xf32>,
        %parallel_loop3A_545 = vector.shape_cast %parallel_loop3A_544 : vector<1x1x16xf32> to vector<16xf32>
        %parallel_loop3A_546 = vector.shape_cast %parallel_loop3A_540 : vector<16xf32> to vector<1x1x16xf32>
        tpu.vector_store %arg7[%parallel_loop3A_541, %parallel_loop3A_542, %parallel_loop3A_543], %parallel_loop3A_546 {strides = array<i32>} : memref<6x25x128xf32, #tpu.memory_space<vmem>>, vector<1x1x16xf32>,
        %parallel_loop3A_547 = arith.constant 2 : i32
        %parallel_loop3A_548 = arith.muli %parallel_loop3A_547, %parallel_loop3A_420 : i32
        %parallel_loop3A_549 = arith.constant 1 : i32
        %parallel_loop3A_550 = arith.addi %parallel_loop3A_548, %parallel_loop3A_549 : i32
        %parallel_loop3A_551 = arith.index_cast %select_n3A_346 : i32 to index
        %parallel_loop3A_552 = arith.index_cast %parallel_loop3A_550 : i32 to index
        %parallel_loop3A_553 = arith.constant 48 : index
        %parallel_loop3A_554 = tpu.vector_load %arg6[%parallel_loop3A_551, %parallel_loop3A_552, %parallel_loop3A_553] {strides = array<i32>} : memref<6x56x64xf32, #tpu.memory_space<vmem>>, vector<1x1x16xf32>,
        %parallel_loop3A_555 = vector.shape_cast %parallel_loop3A_554 : vector<1x1x16xf32> to vector<16xf32>
        %parallel_loop3A_556 = arith.constant 8.000000e+00 : f32
        %parallel_loop3A_557 = vector.broadcast %parallel_loop3A_556 : f32 to vector<16xf32>
        %parallel_loop3A_558 = arith.mulf %parallel_loop3A_555, %parallel_loop3A_557 : vector<16xf32>
        %parallel_loop3A_559 = arith.index_cast %select_n3A_346 : i32 to index
        %parallel_loop3A_560 = arith.index_cast %parallel_loop3A_420 : i32 to index
        %parallel_loop3A_561 = arith.constant 112 : index
        %parallel_loop3A_562 = tpu.vector_load %arg7[%parallel_loop3A_559, %parallel_loop3A_560, %parallel_loop3A_561] {strides = array<i32>} : memref<6x25x128xf32, #tpu.memory_space<vmem>>, vector<1x1x16xf32>,
        %parallel_loop3A_563 = vector.shape_cast %parallel_loop3A_562 : vector<1x1x16xf32> to vector<16xf32>
        %parallel_loop3A_564 = vector.shape_cast %parallel_loop3A_558 : vector<16xf32> to vector<1x1x16xf32>
        tpu.vector_store %arg7[%parallel_loop3A_559, %parallel_loop3A_560, %parallel_loop3A_561], %parallel_loop3A_564 {strides = array<i32>} : memref<6x25x128xf32, #tpu.memory_space<vmem>>, vector<1x1x16xf32>,
      } {sc.loop_unroll_factor = 5 : i64, sc.parallel_access}
      %add3A_375 = arith.constant 3 : i32
      %add3A_376 = arith.addi %scan3A_337, %add3A_375 : i32
      %add3A_377 = arith.constant 3 : i32
      %add3A_378 = arith.addi %scan3A_337, %add3A_377 : i32
      %jit3A_379 = arith.constant 6 : i32
      %eq3A_380 = arith.constant 0 : i32
      %eq3A_381 = arith.cmpi eq, %jit3A_379, %eq3A_380 : i32
      %jit3A_382 = arith.constant 1 : i32
      %select_n3A_383 = arith.select %eq3A_381, %jit3A_382, %jit3A_379 : i32
      %rem3A_384 = arith.remsi %add3A_378, %select_n3A_383 : i32
      %ne3A_385 = arith.constant 0 : i32
      %ne3A_386 = arith.cmpi ne, %rem3A_384, %ne3A_385 : i32
      %lt3A_387 = arith.constant 0 : i32
      %lt3A_388 = arith.cmpi slt, %rem3A_384, %lt3A_387 : i32
      %lt3A_389 = arith.constant 0 : i32
      %lt3A_390 = arith.cmpi slt, %select_n3A_383, %lt3A_389 : i32
      %ne3A_391 = arith.xori %lt3A_388, %lt3A_390 : i1
      %and3A_392 = arith.andi %ne3A_391, %ne3A_386 : i1
      %add3A_393 = arith.addi %rem3A_384, %select_n3A_383 : i32
      %select_n3A_394 = arith.select %and3A_392, %add3A_393, %rem3A_384 : i32
      %dma_start3A_395 = arith.constant 0 : i32
      %dma_start3A_396 = arith.constant 0 : i32
      %dma_start3A_397 = tpu.memref_slice %arg6[%select_n3A_394, %dma_start3A_395, %dma_start3A_396] : memref<6x56x64xf32, #tpu.memory_space<vmem>> -> memref<1x56x64xf32, #tpu.memory_space<vmem>>
      %dma_start3A_398 = tpu.memref_squeeze %dma_start3A_397 : memref<1x56x64xf32, #tpu.memory_space<vmem>> -> memref<56x64xf32, #tpu.memory_space<vmem>>
      %dma_start3A_399 = arith.constant 0 : i32
      %dma_start3A_400 = tpu.memref_slice %arg5[%add3A_376, %dma_start3A_399] : memref<512x128xi32, #tpu.memory_space<vmem>> -> memref<1x56xi32, #tpu.memory_space<vmem>>
      %dma_start3A_401 = tpu.memref_squeeze %dma_start3A_400 : memref<1x56xi32, #tpu.memory_space<vmem>> -> memref<56xi32, #tpu.memory_space<vmem>>
      %dma_start3A_402 = arith.constant 0 : i32
      %dma_start3A_403 = arith.constant 0 : i32
      %dma_start3A_404 = tpu.memref_slice %arg3[%dma_start3A_402, %dma_start3A_403] : memref<1000000x64xf32, #tpu.memory_space<hbm>> -> memref<1000000x64xf32, #tpu.memory_space<hbm>>
      tpu.enqueue_indirect_dma source(%dma_start3A_404 : memref<1000000x64xf32, #tpu.memory_space<hbm>>) target(%dma_start3A_398 : memref<56x64xf32, #tpu.memory_space<vmem>>) offsets(%dma_start3A_401 : memref<56xi32, #tpu.memory_space<vmem>>) semaphore(%arg8 : memref<!tpu.dma_semaphore, #tpu.memory_space<semaphore_mem>>)
      %mul3A_405 = arith.constant 25 : i32
      %mul3A_406 = arith.muli %scan3A_337, %mul3A_405 : i32
      %add3A_407 = arith.addi %mul3A_4, %mul3A_406 : i32
      %dma_start3A_408 = arith.constant 0 : i32
      %dma_start3A_409 = arith.constant 0 : i32
      %dma_start3A_410 = tpu.memref_slice %arg7[%select_n3A_346, %dma_start3A_408, %dma_start3A_409] : memref<6x25x128xf32, #tpu.memory_space<vmem>> -> memref<1x25x128xf32, #tpu.memory_space<vmem>>
      %dma_start3A_411 = tpu.memref_squeeze %dma_start3A_410 : memref<1x25x128xf32, #tpu.memory_space<vmem>> -> memref<25x128xf32, #tpu.memory_space<vmem>>
      %dma_start3A_412 = arith.constant 0 : i32
      %dma_start3A_413 = tpu.memref_slice %arg4[%add3A_407, %dma_start3A_412] : memref<409600x128xf32, #tpu.memory_space<hbm>> -> memref<25x128xf32, #tpu.memory_space<hbm>>
      %dma_start3A_414 = arith.constant 0 : i32
      %dma_start3A_415 = tpu.memref_slice %arg4[%add3A_407, %dma_start3A_414] : memref<409600x128xf32, #tpu.memory_space<hbm>> -> memref<25x128xf32, #tpu.memory_space<hbm>>
      %dma_start3A_416 = arith.constant 0 : i32
      %dma_start3A_417 = arith.constant 0 : i32
      %dma_start3A_418 = tpu.memref_slice %arg7[%select_n3A_346, %dma_start3A_416, %dma_start3A_417] : memref<6x25x128xf32, #tpu.memory_space<vmem>> -> memref<1x25x128xf32, #tpu.memory_space<vmem>>
      %dma_start3A_419 = tpu.memref_squeeze %dma_start3A_418 : memref<1x25x128xf32, #tpu.memory_space<vmem>> -> memref<25x128xf32, #tpu.memory_space<vmem>>
      tpu.enqueue_dma source(%dma_start3A_419 : memref<25x128xf32, #tpu.memory_space<vmem>>) target(%dma_start3A_415 : memref<25x128xf32, #tpu.memory_space<hbm>>) target_semaphore(%arg9 : memref<!tpu.dma_semaphore, #tpu.memory_space<semaphore_mem>>)
    }
    %scan3A_168 = arith.constant 506 : i32
    %dma_wait3A_169 = arith.constant 0 : i32
    %dma_wait3A_170 = arith.constant 0 : i32
    %dma_wait3A_171 = arith.constant 0 : i32
    %dma_wait3A_172 = arith.constant 0 : i32
    %dma_wait3A_173 = tpu.memref_slice %arg6[%dma_wait3A_170, %dma_wait3A_171, %dma_wait3A_172] : memref<6x56x64xf32, #tpu.memory_space<vmem>> -> memref<1x56x64xf32, #tpu.memory_space<vmem>>
    %dma_wait3A_174 = tpu.memref_squeeze %dma_wait3A_173 : memref<1x56x64xf32, #tpu.memory_space<vmem>> -> memref<56x64xf32, #tpu.memory_space<vmem>>
    %dma_wait3A_175 = arith.constant 0 : i32
    %dma_wait3A_176 = tpu.memref_slice %arg5[%dma_wait3A_169, %dma_wait3A_175] : memref<512x128xi32, #tpu.memory_space<vmem>> -> memref<1x56xi32, #tpu.memory_space<vmem>>
    %dma_wait3A_177 = tpu.memref_squeeze %dma_wait3A_176 : memref<1x56xi32, #tpu.memory_space<vmem>> -> memref<56xi32, #tpu.memory_space<vmem>>
    %dma_wait3A_178 = arith.constant 0 : i32
    %dma_wait3A_179 = arith.constant 0 : i32
    %dma_wait3A_180 = tpu.memref_slice %arg3[%dma_wait3A_178, %dma_wait3A_179] : memref<1000000x64xf32, #tpu.memory_space<hbm>> -> memref<1000000x64xf32, #tpu.memory_space<hbm>>
    tpu.wait_indirect_dma semaphore(%arg8 : memref<!tpu.dma_semaphore, #tpu.memory_space<semaphore_mem>>) src(%dma_wait3A_180 : memref<1000000x64xf32, #tpu.memory_space<hbm>>) dst(%dma_wait3A_174 : memref<56x64xf32, #tpu.memory_space<vmem>>)
    %parallel_loop3A_181 = arith.constant 0 : i32
    %parallel_loop3A_182 = arith.constant 25 : i32
    %parallel_loop3A_183 = arith.constant 1 : i32
    scf.for %parallel_loop3A_337 = %parallel_loop3A_181 to %parallel_loop3A_182 step %parallel_loop3A_183  : i32 {
      %parallel_loop3A_338 = arith.constant 2 : i32
      %parallel_loop3A_339 = arith.muli %parallel_loop3A_338, %parallel_loop3A_337 : i32
      %parallel_loop3A_340 = arith.constant 0 : i32
      %parallel_loop3A_341 = arith.addi %parallel_loop3A_339, %parallel_loop3A_340 : i32
      %parallel_loop3A_342 = arith.constant 5 : i32
      %parallel_loop3A_343 = arith.index_cast %parallel_loop3A_342 : i32 to index
      %parallel_loop3A_344 = arith.index_cast %parallel_loop3A_341 : i32 to index
      %parallel_loop3A_345 = arith.constant 0 : index
      %parallel_loop3A_346 = tpu.vector_load %arg6[%parallel_loop3A_343, %parallel_loop3A_344, %parallel_loop3A_345] {strides = array<i32>} : memref<6x56x64xf32, #tpu.memory_space<vmem>>, vector<1x1x16xf32>,
      %parallel_loop3A_347 = vector.shape_cast %parallel_loop3A_346 : vector<1x1x16xf32> to vector<16xf32>
      %parallel_loop3A_348 = arith.constant 8.000000e+00 : f32
      %parallel_loop3A_349 = vector.broadcast %parallel_loop3A_348 : f32 to vector<16xf32>
      %parallel_loop3A_350 = arith.mulf %parallel_loop3A_347, %parallel_loop3A_349 : vector<16xf32>
      %parallel_loop3A_351 = arith.constant 5 : i32
      %parallel_loop3A_352 = arith.index_cast %parallel_loop3A_351 : i32 to index
      %parallel_loop3A_353 = arith.index_cast %parallel_loop3A_337 : i32 to index
      %parallel_loop3A_354 = arith.constant 0 : index
      %parallel_loop3A_355 = tpu.vector_load %arg7[%parallel_loop3A_352, %parallel_loop3A_353, %parallel_loop3A_354] {strides = array<i32>} : memref<6x25x128xf32, #tpu.memory_space<vmem>>, vector<1x1x16xf32>,
      %parallel_loop3A_356 = vector.shape_cast %parallel_loop3A_355 : vector<1x1x16xf32> to vector<16xf32>
      %parallel_loop3A_357 = vector.shape_cast %parallel_loop3A_350 : vector<16xf32> to vector<1x1x16xf32>
      tpu.vector_store %arg7[%parallel_loop3A_352, %parallel_loop3A_353, %parallel_loop3A_354], %parallel_loop3A_357 {strides = array<i32>} : memref<6x25x128xf32, #tpu.memory_space<vmem>>, vector<1x1x16xf32>,
      %parallel_loop3A_358 = arith.constant 2 : i32
      %parallel_loop3A_359 = arith.muli %parallel_loop3A_358, %parallel_loop3A_337 : i32
      %parallel_loop3A_360 = arith.constant 0 : i32
      %parallel_loop3A_361 = arith.addi %parallel_loop3A_359, %parallel_loop3A_360 : i32
      %parallel_loop3A_362 = arith.constant 5 : i32
      %parallel_loop3A_363 = arith.index_cast %parallel_loop3A_362 : i32 to index
      %parallel_loop3A_364 = arith.index_cast %parallel_loop3A_361 : i32 to index
      %parallel_loop3A_365 = arith.constant 16 : index
      %parallel_loop3A_366 = tpu.vector_load %arg6[%parallel_loop3A_363, %parallel_loop3A_364, %parallel_loop3A_365] {strides = array<i32>} : memref<6x56x64xf32, #tpu.memory_space<vmem>>, vector<1x1x16xf32>,
      %parallel_loop3A_367 = vector.shape_cast %parallel_loop3A_366 : vector<1x1x16xf32> to vector<16xf32>
      %parallel_loop3A_368 = arith.constant 8.000000e+00 : f32
      %parallel_loop3A_369 = vector.broadcast %parallel_loop3A_368 : f32 to vector<16xf32>
      %parallel_loop3A_370 = arith.mulf %parallel_loop3A_367, %parallel_loop3A_369 : vector<16xf32>
      %parallel_loop3A_371 = arith.constant 5 : i32
      %parallel_loop3A_372 = arith.index_cast %parallel_loop3A_371 : i32 to index
      %parallel_loop3A_373 = arith.index_cast %parallel_loop3A_337 : i32 to index
      %parallel_loop3A_374 = arith.constant 16 : index
      %parallel_loop3A_375 = tpu.vector_load %arg7[%parallel_loop3A_372, %parallel_loop3A_373, %parallel_loop3A_374] {strides = array<i32>} : memref<6x25x128xf32, #tpu.memory_space<vmem>>, vector<1x1x16xf32>,
      %parallel_loop3A_376 = vector.shape_cast %parallel_loop3A_375 : vector<1x1x16xf32> to vector<16xf32>
      %parallel_loop3A_377 = vector.shape_cast %parallel_loop3A_370 : vector<16xf32> to vector<1x1x16xf32>
      tpu.vector_store %arg7[%parallel_loop3A_372, %parallel_loop3A_373, %parallel_loop3A_374], %parallel_loop3A_377 {strides = array<i32>} : memref<6x25x128xf32, #tpu.memory_space<vmem>>, vector<1x1x16xf32>,
      %parallel_loop3A_378 = arith.constant 2 : i32
      %parallel_loop3A_379 = arith.muli %parallel_loop3A_378, %parallel_loop3A_337 : i32
      %parallel_loop3A_380 = arith.constant 0 : i32
      %parallel_loop3A_381 = arith.addi %parallel_loop3A_379, %parallel_loop3A_380 : i32
      %parallel_loop3A_382 = arith.constant 5 : i32
      %parallel_loop3A_383 = arith.index_cast %parallel_loop3A_382 : i32 to index
      %parallel_loop3A_384 = arith.index_cast %parallel_loop3A_381 : i32 to index
      %parallel_loop3A_385 = arith.constant 32 : index
      %parallel_loop3A_386 = tpu.vector_load %arg6[%parallel_loop3A_383, %parallel_loop3A_384, %parallel_loop3A_385] {strides = array<i32>} : memref<6x56x64xf32, #tpu.memory_space<vmem>>, vector<1x1x16xf32>,
      %parallel_loop3A_387 = vector.shape_cast %parallel_loop3A_386 : vector<1x1x16xf32> to vector<16xf32>
      %parallel_loop3A_388 = arith.constant 8.000000e+00 : f32
      %parallel_loop3A_389 = vector.broadcast %parallel_loop3A_388 : f32 to vector<16xf32>
      %parallel_loop3A_390 = arith.mulf %parallel_loop3A_387, %parallel_loop3A_389 : vector<16xf32>
      %parallel_loop3A_391 = arith.constant 5 : i32
      %parallel_loop3A_392 = arith.index_cast %parallel_loop3A_391 : i32 to index
      %parallel_loop3A_393 = arith.index_cast %parallel_loop3A_337 : i32 to index
      %parallel_loop3A_394 = arith.constant 32 : index
      %parallel_loop3A_395 = tpu.vector_load %arg7[%parallel_loop3A_392, %parallel_loop3A_393, %parallel_loop3A_394] {strides = array<i32>} : memref<6x25x128xf32, #tpu.memory_space<vmem>>, vector<1x1x16xf32>,
      %parallel_loop3A_396 = vector.shape_cast %parallel_loop3A_395 : vector<1x1x16xf32> to vector<16xf32>
      %parallel_loop3A_397 = vector.shape_cast %parallel_loop3A_390 : vector<16xf32> to vector<1x1x16xf32>
      tpu.vector_store %arg7[%parallel_loop3A_392, %parallel_loop3A_393, %parallel_loop3A_394], %parallel_loop3A_397 {strides = array<i32>} : memref<6x25x128xf32, #tpu.memory_space<vmem>>, vector<1x1x16xf32>,
      %parallel_loop3A_398 = arith.constant 2 : i32
      %parallel_loop3A_399 = arith.muli %parallel_loop3A_398, %parallel_loop3A_337 : i32
      %parallel_loop3A_400 = arith.constant 0 : i32
      %parallel_loop3A_401 = arith.addi %parallel_loop3A_399, %parallel_loop3A_400 : i32
      %parallel_loop3A_402 = arith.constant 5 : i32
      %parallel_loop3A_403 = arith.index_cast %parallel_loop3A_402 : i32 to index
      %parallel_loop3A_404 = arith.index_cast %parallel_loop3A_401 : i32 to index
      %parallel_loop3A_405 = arith.constant 48 : index
      %parallel_loop3A_406 = tpu.vector_load %arg6[%parallel_loop3A_403, %parallel_loop3A_404, %parallel_loop3A_405] {strides = array<i32>} : memref<6x56x64xf32, #tpu.memory_space<vmem>>, vector<1x1x16xf32>,
      %parallel_loop3A_407 = vector.shape_cast %parallel_loop3A_406 : vector<1x1x16xf32> to vector<16xf32>
      %parallel_loop3A_408 = arith.constant 8.000000e+00 : f32
      %parallel_loop3A_409 = vector.broadcast %parallel_loop3A_408 : f32 to vector<16xf32>
      %parallel_loop3A_410 = arith.mulf %parallel_loop3A_407, %parallel_loop3A_409 : vector<16xf32>
      %parallel_loop3A_411 = arith.constant 5 : i32
      %parallel_loop3A_412 = arith.index_cast %parallel_loop3A_411 : i32 to index
      %parallel_loop3A_413 = arith.index_cast %parallel_loop3A_337 : i32 to index
      %parallel_loop3A_414 = arith.constant 48 : index
      %parallel_loop3A_415 = tpu.vector_load %arg7[%parallel_loop3A_412, %parallel_loop3A_413, %parallel_loop3A_414] {strides = array<i32>} : memref<6x25x128xf32, #tpu.memory_space<vmem>>, vector<1x1x16xf32>,
      %parallel_loop3A_416 = vector.shape_cast %parallel_loop3A_415 : vector<1x1x16xf32> to vector<16xf32>
      %parallel_loop3A_417 = vector.shape_cast %parallel_loop3A_410 : vector<16xf32> to vector<1x1x16xf32>
      tpu.vector_store %arg7[%parallel_loop3A_412, %parallel_loop3A_413, %parallel_loop3A_414], %parallel_loop3A_417 {strides = array<i32>} : memref<6x25x128xf32, #tpu.memory_space<vmem>>, vector<1x1x16xf32>,
      %parallel_loop3A_418 = arith.constant 2 : i32
      %parallel_loop3A_419 = arith.muli %parallel_loop3A_418, %parallel_loop3A_337 : i32
      %parallel_loop3A_420 = arith.constant 1 : i32
      %parallel_loop3A_421 = arith.addi %parallel_loop3A_419, %parallel_loop3A_420 : i32
      %parallel_loop3A_422 = arith.constant 5 : i32
      %parallel_loop3A_423 = arith.index_cast %parallel_loop3A_422 : i32 to index
      %parallel_loop3A_424 = arith.index_cast %parallel_loop3A_421 : i32 to index
      %parallel_loop3A_425 = arith.constant 0 : index
      %parallel_loop3A_426 = tpu.vector_load %arg6[%parallel_loop3A_423, %parallel_loop3A_424, %parallel_loop3A_425] {strides = array<i32>} : memref<6x56x64xf32, #tpu.memory_space<vmem>>, vector<1x1x16xf32>,
      %parallel_loop3A_427 = vector.shape_cast %parallel_loop3A_426 : vector<1x1x16xf32> to vector<16xf32>
      %parallel_loop3A_428 = arith.constant 8.000000e+00 : f32
      %parallel_loop3A_429 = vector.broadcast %parallel_loop3A_428 : f32 to vector<16xf32>
      %parallel_loop3A_430 = arith.mulf %parallel_loop3A_427, %parallel_loop3A_429 : vector<16xf32>
      %parallel_loop3A_431 = arith.constant 5 : i32
      %parallel_loop3A_432 = arith.index_cast %parallel_loop3A_431 : i32 to index
      %parallel_loop3A_433 = arith.index_cast %parallel_loop3A_337 : i32 to index
      %parallel_loop3A_434 = arith.constant 64 : index
      %parallel_loop3A_435 = tpu.vector_load %arg7[%parallel_loop3A_432, %parallel_loop3A_433, %parallel_loop3A_434] {strides = array<i32>} : memref<6x25x128xf32, #tpu.memory_space<vmem>>, vector<1x1x16xf32>,
      %parallel_loop3A_436 = vector.shape_cast %parallel_loop3A_435 : vector<1x1x16xf32> to vector<16xf32>
      %parallel_loop3A_437 = vector.shape_cast %parallel_loop3A_430 : vector<16xf32> to vector<1x1x16xf32>
      tpu.vector_store %arg7[%parallel_loop3A_432, %parallel_loop3A_433, %parallel_loop3A_434], %parallel_loop3A_437 {strides = array<i32>} : memref<6x25x128xf32, #tpu.memory_space<vmem>>, vector<1x1x16xf32>,
      %parallel_loop3A_438 = arith.constant 2 : i32
      %parallel_loop3A_439 = arith.muli %parallel_loop3A_438, %parallel_loop3A_337 : i32
      %parallel_loop3A_440 = arith.constant 1 : i32
      %parallel_loop3A_441 = arith.addi %parallel_loop3A_439, %parallel_loop3A_440 : i32
      %parallel_loop3A_442 = arith.constant 5 : i32
      %parallel_loop3A_443 = arith.index_cast %parallel_loop3A_442 : i32 to index
      %parallel_loop3A_444 = arith.index_cast %parallel_loop3A_441 : i32 to index
      %parallel_loop3A_445 = arith.constant 16 : index
      %parallel_loop3A_446 = tpu.vector_load %arg6[%parallel_loop3A_443, %parallel_loop3A_444, %parallel_loop3A_445] {strides = array<i32>} : memref<6x56x64xf32, #tpu.memory_space<vmem>>, vector<1x1x16xf32>,
      %parallel_loop3A_447 = vector.shape_cast %parallel_loop3A_446 : vector<1x1x16xf32> to vector<16xf32>
      %parallel_loop3A_448 = arith.constant 8.000000e+00 : f32
      %parallel_loop3A_449 = vector.broadcast %parallel_loop3A_448 : f32 to vector<16xf32>
      %parallel_loop3A_450 = arith.mulf %parallel_loop3A_447, %parallel_loop3A_449 : vector<16xf32>
      %parallel_loop3A_451 = arith.constant 5 : i32
      %parallel_loop3A_452 = arith.index_cast %parallel_loop3A_451 : i32 to index
      %parallel_loop3A_453 = arith.index_cast %parallel_loop3A_337 : i32 to index
      %parallel_loop3A_454 = arith.constant 80 : index
      %parallel_loop3A_455 = tpu.vector_load %arg7[%parallel_loop3A_452, %parallel_loop3A_453, %parallel_loop3A_454] {strides = array<i32>} : memref<6x25x128xf32, #tpu.memory_space<vmem>>, vector<1x1x16xf32>,
      %parallel_loop3A_456 = vector.shape_cast %parallel_loop3A_455 : vector<1x1x16xf32> to vector<16xf32>
      %parallel_loop3A_457 = vector.shape_cast %parallel_loop3A_450 : vector<16xf32> to vector<1x1x16xf32>
      tpu.vector_store %arg7[%parallel_loop3A_452, %parallel_loop3A_453, %parallel_loop3A_454], %parallel_loop3A_457 {strides = array<i32>} : memref<6x25x128xf32, #tpu.memory_space<vmem>>, vector<1x1x16xf32>,
      %parallel_loop3A_458 = arith.constant 2 : i32
      %parallel_loop3A_459 = arith.muli %parallel_loop3A_458, %parallel_loop3A_337 : i32
      %parallel_loop3A_460 = arith.constant 1 : i32
      %parallel_loop3A_461 = arith.addi %parallel_loop3A_459, %parallel_loop3A_460 : i32
      %parallel_loop3A_462 = arith.constant 5 : i32
      %parallel_loop3A_463 = arith.index_cast %parallel_loop3A_462 : i32 to index
      %parallel_loop3A_464 = arith.index_cast %parallel_loop3A_461 : i32 to index
      %parallel_loop3A_465 = arith.constant 32 : index
      %parallel_loop3A_466 = tpu.vector_load %arg6[%parallel_loop3A_463, %parallel_loop3A_464, %parallel_loop3A_465] {strides = array<i32>} : memref<6x56x64xf32, #tpu.memory_space<vmem>>, vector<1x1x16xf32>,
      %parallel_loop3A_467 = vector.shape_cast %parallel_loop3A_466 : vector<1x1x16xf32> to vector<16xf32>
      %parallel_loop3A_468 = arith.constant 8.000000e+00 : f32
      %parallel_loop3A_469 = vector.broadcast %parallel_loop3A_468 : f32 to vector<16xf32>
      %parallel_loop3A_470 = arith.mulf %parallel_loop3A_467, %parallel_loop3A_469 : vector<16xf32>
      %parallel_loop3A_471 = arith.constant 5 : i32
      %parallel_loop3A_472 = arith.index_cast %parallel_loop3A_471 : i32 to index
      %parallel_loop3A_473 = arith.index_cast %parallel_loop3A_337 : i32 to index
      %parallel_loop3A_474 = arith.constant 96 : index
      %parallel_loop3A_475 = tpu.vector_load %arg7[%parallel_loop3A_472, %parallel_loop3A_473, %parallel_loop3A_474] {strides = array<i32>} : memref<6x25x128xf32, #tpu.memory_space<vmem>>, vector<1x1x16xf32>,
      %parallel_loop3A_476 = vector.shape_cast %parallel_loop3A_475 : vector<1x1x16xf32> to vector<16xf32>
      %parallel_loop3A_477 = vector.shape_cast %parallel_loop3A_470 : vector<16xf32> to vector<1x1x16xf32>
      tpu.vector_store %arg7[%parallel_loop3A_472, %parallel_loop3A_473, %parallel_loop3A_474], %parallel_loop3A_477 {strides = array<i32>} : memref<6x25x128xf32, #tpu.memory_space<vmem>>, vector<1x1x16xf32>,
      %parallel_loop3A_478 = arith.constant 2 : i32
      %parallel_loop3A_479 = arith.muli %parallel_loop3A_478, %parallel_loop3A_337 : i32
      %parallel_loop3A_480 = arith.constant 1 : i32
      %parallel_loop3A_481 = arith.addi %parallel_loop3A_479, %parallel_loop3A_480 : i32
      %parallel_loop3A_482 = arith.constant 5 : i32
      %parallel_loop3A_483 = arith.index_cast %parallel_loop3A_482 : i32 to index
      %parallel_loop3A_484 = arith.index_cast %parallel_loop3A_481 : i32 to index
      %parallel_loop3A_485 = arith.constant 48 : index
      %parallel_loop3A_486 = tpu.vector_load %arg6[%parallel_loop3A_483, %parallel_loop3A_484, %parallel_loop3A_485] {strides = array<i32>} : memref<6x56x64xf32, #tpu.memory_space<vmem>>, vector<1x1x16xf32>,
      %parallel_loop3A_487 = vector.shape_cast %parallel_loop3A_486 : vector<1x1x16xf32> to vector<16xf32>
      %parallel_loop3A_488 = arith.constant 8.000000e+00 : f32
      %parallel_loop3A_489 = vector.broadcast %parallel_loop3A_488 : f32 to vector<16xf32>
      %parallel_loop3A_490 = arith.mulf %parallel_loop3A_487, %parallel_loop3A_489 : vector<16xf32>
      %parallel_loop3A_491 = arith.constant 5 : i32
      %parallel_loop3A_492 = arith.index_cast %parallel_loop3A_491 : i32 to index
      %parallel_loop3A_493 = arith.index_cast %parallel_loop3A_337 : i32 to index
      %parallel_loop3A_494 = arith.constant 112 : index
      %parallel_loop3A_495 = tpu.vector_load %arg7[%parallel_loop3A_492, %parallel_loop3A_493, %parallel_loop3A_494] {strides = array<i32>} : memref<6x25x128xf32, #tpu.memory_space<vmem>>, vector<1x1x16xf32>,
      %parallel_loop3A_496 = vector.shape_cast %parallel_loop3A_495 : vector<1x1x16xf32> to vector<16xf32>
      %parallel_loop3A_497 = vector.shape_cast %parallel_loop3A_490 : vector<16xf32> to vector<1x1x16xf32>
      tpu.vector_store %arg7[%parallel_loop3A_492, %parallel_loop3A_493, %parallel_loop3A_494], %parallel_loop3A_497 {strides = array<i32>} : memref<6x25x128xf32, #tpu.memory_space<vmem>>, vector<1x1x16xf32>,
    } {sc.loop_unroll_factor = 5 : i64, sc.parallel_access}
    %add3A_184 = arith.constant 12725 : i32
    %add3A_185 = arith.addi %mul3A_4, %add3A_184 : i32
    %dma_start3A_186 = arith.constant 5 : i32
    %dma_start3A_187 = arith.constant 0 : i32
    %dma_start3A_188 = arith.constant 0 : i32
    %dma_start3A_189 = tpu.memref_slice %arg7[%dma_start3A_186, %dma_start3A_187, %dma_start3A_188] : memref<6x25x128xf32, #tpu.memory_space<vmem>> -> memref<1x25x128xf32, #tpu.memory_space<vmem>>
    %dma_start3A_190 = tpu.memref_squeeze %dma_start3A_189 : memref<1x25x128xf32, #tpu.memory_space<vmem>> -> memref<25x128xf32, #tpu.memory_space<vmem>>
    %dma_start3A_191 = arith.constant 0 : i32
    %dma_start3A_192 = tpu.memref_slice %arg4[%add3A_185, %dma_start3A_191] : memref<409600x128xf32, #tpu.memory_space<hbm>> -> memref<25x128xf32, #tpu.memory_space<hbm>>
    %dma_start3A_193 = arith.constant 0 : i32
    %dma_start3A_194 = tpu.memref_slice %arg4[%add3A_185, %dma_start3A_193] : memref<409600x128xf32, #tpu.memory_space<hbm>> -> memref<25x128xf32, #tpu.memory_space<hbm>>
    %dma_start3A_195 = arith.constant 0 : i32
    %dma_start3A_196 = arith.constant 0 : i32
    %dma_start3A_197 = tpu.memref_slice %arg7[%dma_start3A_186, %dma_start3A_195, %dma_start3A_196] : memref<6x25x128xf32, #tpu.memory_space<vmem>> -> memref<1x25x128xf32, #tpu.memory_space<vmem>>
    %dma_start3A_198 = tpu.memref_squeeze %dma_start3A_197 : memref<1x25x128xf32, #tpu.memory_space<vmem>> -> memref<25x128xf32, #tpu.memory_space<vmem>>
    tpu.enqueue_dma source(%dma_start3A_198 : memref<25x128xf32, #tpu.memory_space<vmem>>) target(%dma_start3A_194 : memref<25x128xf32, #tpu.memory_space<hbm>>) target_semaphore(%arg9 : memref<!tpu.dma_semaphore, #tpu.memory_space<semaphore_mem>>)
    %dma_wait3A_199 = arith.constant 0 : i32
    %dma_wait3A_200 = arith.constant 0 : i32
    %dma_wait3A_201 = arith.constant 0 : i32
    %dma_wait3A_202 = arith.constant 0 : i32
    %dma_wait3A_203 = tpu.memref_slice %arg6[%dma_wait3A_200, %dma_wait3A_201, %dma_wait3A_202] : memref<6x56x64xf32, #tpu.memory_space<vmem>> -> memref<1x56x64xf32, #tpu.memory_space<vmem>>
    %dma_wait3A_204 = tpu.memref_squeeze %dma_wait3A_203 : memref<1x56x64xf32, #tpu.memory_space<vmem>> -> memref<56x64xf32, #tpu.memory_space<vmem>>
    %dma_wait3A_205 = arith.constant 0 : i32
    %dma_wait3A_206 = tpu.memref_slice %arg5[%dma_wait3A_199, %dma_wait3A_205] : memref<512x128xi32, #tpu.memory_space<vmem>> -> memref<1x56xi32, #tpu.memory_space<vmem>>
    %dma_wait3A_207 = tpu.memref_squeeze %dma_wait3A_206 : memref<1x56xi32, #tpu.memory_space<vmem>> -> memref<56xi32, #tpu.memory_space<vmem>>
    %dma_wait3A_208 = arith.constant 0 : i32
    %dma_wait3A_209 = arith.constant 0 : i32
    %dma_wait3A_210 = tpu.memref_slice %arg3[%dma_wait3A_208, %dma_wait3A_209] : memref<1000000x64xf32, #tpu.memory_space<hbm>> -> memref<1000000x64xf32, #tpu.memory_space<hbm>>
    tpu.wait_indirect_dma semaphore(%arg8 : memref<!tpu.dma_semaphore, #tpu.memory_space<semaphore_mem>>) src(%dma_wait3A_210 : memref<1000000x64xf32, #tpu.memory_space<hbm>>) dst(%dma_wait3A_204 : memref<56x64xf32, #tpu.memory_space<vmem>>)
    %parallel_loop3A_211 = arith.constant 0 : i32
    %parallel_loop3A_212 = arith.constant 25 : i32
    %parallel_loop3A_213 = arith.constant 1 : i32
    scf.for %parallel_loop3A_337 = %parallel_loop3A_211 to %parallel_loop3A_212 step %parallel_loop3A_213  : i32 {
      %parallel_loop3A_338 = arith.constant 2 : i32
      %parallel_loop3A_339 = arith.muli %parallel_loop3A_338, %parallel_loop3A_337 : i32
      %parallel_loop3A_340 = arith.constant 0 : i32
      %parallel_loop3A_341 = arith.addi %parallel_loop3A_339, %parallel_loop3A_340 : i32
      %parallel_loop3A_342 = arith.constant 0 : i32
      %parallel_loop3A_343 = arith.index_cast %parallel_loop3A_342 : i32 to index
      %parallel_loop3A_344 = arith.index_cast %parallel_loop3A_341 : i32 to index
      %parallel_loop3A_345 = arith.constant 0 : index
      %parallel_loop3A_346 = tpu.vector_load %arg6[%parallel_loop3A_343, %parallel_loop3A_344, %parallel_loop3A_345] {strides = array<i32>} : memref<6x56x64xf32, #tpu.memory_space<vmem>>, vector<1x1x16xf32>,
      %parallel_loop3A_347 = vector.shape_cast %parallel_loop3A_346 : vector<1x1x16xf32> to vector<16xf32>
      %parallel_loop3A_348 = arith.constant 8.000000e+00 : f32
      %parallel_loop3A_349 = vector.broadcast %parallel_loop3A_348 : f32 to vector<16xf32>
      %parallel_loop3A_350 = arith.mulf %parallel_loop3A_347, %parallel_loop3A_349 : vector<16xf32>
      %parallel_loop3A_351 = arith.constant 0 : i32
      %parallel_loop3A_352 = arith.index_cast %parallel_loop3A_351 : i32 to index
      %parallel_loop3A_353 = arith.index_cast %parallel_loop3A_337 : i32 to index
      %parallel_loop3A_354 = arith.constant 0 : index
      %parallel_loop3A_355 = tpu.vector_load %arg7[%parallel_loop3A_352, %parallel_loop3A_353, %parallel_loop3A_354] {strides = array<i32>} : memref<6x25x128xf32, #tpu.memory_space<vmem>>, vector<1x1x16xf32>,
      %parallel_loop3A_356 = vector.shape_cast %parallel_loop3A_355 : vector<1x1x16xf32> to vector<16xf32>
      %parallel_loop3A_357 = vector.shape_cast %parallel_loop3A_350 : vector<16xf32> to vector<1x1x16xf32>
      tpu.vector_store %arg7[%parallel_loop3A_352, %parallel_loop3A_353, %parallel_loop3A_354], %parallel_loop3A_357 {strides = array<i32>} : memref<6x25x128xf32, #tpu.memory_space<vmem>>, vector<1x1x16xf32>,
      %parallel_loop3A_358 = arith.constant 2 : i32
      %parallel_loop3A_359 = arith.muli %parallel_loop3A_358, %parallel_loop3A_337 : i32
      %parallel_loop3A_360 = arith.constant 0 : i32
      %parallel_loop3A_361 = arith.addi %parallel_loop3A_359, %parallel_loop3A_360 : i32
      %parallel_loop3A_362 = arith.constant 0 : i32
      %parallel_loop3A_363 = arith.index_cast %parallel_loop3A_362 : i32 to index
      %parallel_loop3A_364 = arith.index_cast %parallel_loop3A_361 : i32 to index
      %parallel_loop3A_365 = arith.constant 16 : index
      %parallel_loop3A_366 = tpu.vector_load %arg6[%parallel_loop3A_363, %parallel_loop3A_364, %parallel_loop3A_365] {strides = array<i32>} : memref<6x56x64xf32, #tpu.memory_space<vmem>>, vector<1x1x16xf32>,
      %parallel_loop3A_367 = vector.shape_cast %parallel_loop3A_366 : vector<1x1x16xf32> to vector<16xf32>
      %parallel_loop3A_368 = arith.constant 8.000000e+00 : f32
      %parallel_loop3A_369 = vector.broadcast %parallel_loop3A_368 : f32 to vector<16xf32>
      %parallel_loop3A_370 = arith.mulf %parallel_loop3A_367, %parallel_loop3A_369 : vector<16xf32>
      %parallel_loop3A_371 = arith.constant 0 : i32
      %parallel_loop3A_372 = arith.index_cast %parallel_loop3A_371 : i32 to index
      %parallel_loop3A_373 = arith.index_cast %parallel_loop3A_337 : i32 to index
      %parallel_loop3A_374 = arith.constant 16 : index
      %parallel_loop3A_375 = tpu.vector_load %arg7[%parallel_loop3A_372, %parallel_loop3A_373, %parallel_loop3A_374] {strides = array<i32>} : memref<6x25x128xf32, #tpu.memory_space<vmem>>, vector<1x1x16xf32>,
      %parallel_loop3A_376 = vector.shape_cast %parallel_loop3A_375 : vector<1x1x16xf32> to vector<16xf32>
      %parallel_loop3A_377 = vector.shape_cast %parallel_loop3A_370 : vector<16xf32> to vector<1x1x16xf32>
      tpu.vector_store %arg7[%parallel_loop3A_372, %parallel_loop3A_373, %parallel_loop3A_374], %parallel_loop3A_377 {strides = array<i32>} : memref<6x25x128xf32, #tpu.memory_space<vmem>>, vector<1x1x16xf32>,
      %parallel_loop3A_378 = arith.constant 2 : i32
      %parallel_loop3A_379 = arith.muli %parallel_loop3A_378, %parallel_loop3A_337 : i32
      %parallel_loop3A_380 = arith.constant 0 : i32
      %parallel_loop3A_381 = arith.addi %parallel_loop3A_379, %parallel_loop3A_380 : i32
      %parallel_loop3A_382 = arith.constant 0 : i32
      %parallel_loop3A_383 = arith.index_cast %parallel_loop3A_382 : i32 to index
      %parallel_loop3A_384 = arith.index_cast %parallel_loop3A_381 : i32 to index
      %parallel_loop3A_385 = arith.constant 32 : index
      %parallel_loop3A_386 = tpu.vector_load %arg6[%parallel_loop3A_383, %parallel_loop3A_384, %parallel_loop3A_385] {strides = array<i32>} : memref<6x56x64xf32, #tpu.memory_space<vmem>>, vector<1x1x16xf32>,
      %parallel_loop3A_387 = vector.shape_cast %parallel_loop3A_386 : vector<1x1x16xf32> to vector<16xf32>
      %parallel_loop3A_388 = arith.constant 8.000000e+00 : f32
      %parallel_loop3A_389 = vector.broadcast %parallel_loop3A_388 : f32 to vector<16xf32>
      %parallel_loop3A_390 = arith.mulf %parallel_loop3A_387, %parallel_loop3A_389 : vector<16xf32>
      %parallel_loop3A_391 = arith.constant 0 : i32
      %parallel_loop3A_392 = arith.index_cast %parallel_loop3A_391 : i32 to index
      %parallel_loop3A_393 = arith.index_cast %parallel_loop3A_337 : i32 to index
      %parallel_loop3A_394 = arith.constant 32 : index
      %parallel_loop3A_395 = tpu.vector_load %arg7[%parallel_loop3A_392, %parallel_loop3A_393, %parallel_loop3A_394] {strides = array<i32>} : memref<6x25x128xf32, #tpu.memory_space<vmem>>, vector<1x1x16xf32>,
      %parallel_loop3A_396 = vector.shape_cast %parallel_loop3A_395 : vector<1x1x16xf32> to vector<16xf32>
      %parallel_loop3A_397 = vector.shape_cast %parallel_loop3A_390 : vector<16xf32> to vector<1x1x16xf32>
      tpu.vector_store %arg7[%parallel_loop3A_392, %parallel_loop3A_393, %parallel_loop3A_394], %parallel_loop3A_397 {strides = array<i32>} : memref<6x25x128xf32, #tpu.memory_space<vmem>>, vector<1x1x16xf32>,
      %parallel_loop3A_398 = arith.constant 2 : i32
      %parallel_loop3A_399 = arith.muli %parallel_loop3A_398, %parallel_loop3A_337 : i32
      %parallel_loop3A_400 = arith.constant 0 : i32
      %parallel_loop3A_401 = arith.addi %parallel_loop3A_399, %parallel_loop3A_400 : i32
      %parallel_loop3A_402 = arith.constant 0 : i32
      %parallel_loop3A_403 = arith.index_cast %parallel_loop3A_402 : i32 to index
      %parallel_loop3A_404 = arith.index_cast %parallel_loop3A_401 : i32 to index
      %parallel_loop3A_405 = arith.constant 48 : index
      %parallel_loop3A_406 = tpu.vector_load %arg6[%parallel_loop3A_403, %parallel_loop3A_404, %parallel_loop3A_405] {strides = array<i32>} : memref<6x56x64xf32, #tpu.memory_space<vmem>>, vector<1x1x16xf32>,
      %parallel_loop3A_407 = vector.shape_cast %parallel_loop3A_406 : vector<1x1x16xf32> to vector<16xf32>
      %parallel_loop3A_408 = arith.constant 8.000000e+00 : f32
      %parallel_loop3A_409 = vector.broadcast %parallel_loop3A_408 : f32 to vector<16xf32>
      %parallel_loop3A_410 = arith.mulf %parallel_loop3A_407, %parallel_loop3A_409 : vector<16xf32>
      %parallel_loop3A_411 = arith.constant 0 : i32
      %parallel_loop3A_412 = arith.index_cast %parallel_loop3A_411 : i32 to index
      %parallel_loop3A_413 = arith.index_cast %parallel_loop3A_337 : i32 to index
      %parallel_loop3A_414 = arith.constant 48 : index
      %parallel_loop3A_415 = tpu.vector_load %arg7[%parallel_loop3A_412, %parallel_loop3A_413, %parallel_loop3A_414] {strides = array<i32>} : memref<6x25x128xf32, #tpu.memory_space<vmem>>, vector<1x1x16xf32>,
      %parallel_loop3A_416 = vector.shape_cast %parallel_loop3A_415 : vector<1x1x16xf32> to vector<16xf32>
      %parallel_loop3A_417 = vector.shape_cast %parallel_loop3A_410 : vector<16xf32> to vector<1x1x16xf32>
      tpu.vector_store %arg7[%parallel_loop3A_412, %parallel_loop3A_413, %parallel_loop3A_414], %parallel_loop3A_417 {strides = array<i32>} : memref<6x25x128xf32, #tpu.memory_space<vmem>>, vector<1x1x16xf32>,
      %parallel_loop3A_418 = arith.constant 2 : i32
      %parallel_loop3A_419 = arith.muli %parallel_loop3A_418, %parallel_loop3A_337 : i32
      %parallel_loop3A_420 = arith.constant 1 : i32
      %parallel_loop3A_421 = arith.addi %parallel_loop3A_419, %parallel_loop3A_420 : i32
      %parallel_loop3A_422 = arith.constant 0 : i32
      %parallel_loop3A_423 = arith.index_cast %parallel_loop3A_422 : i32 to index
      %parallel_loop3A_424 = arith.index_cast %parallel_loop3A_421 : i32 to index
      %parallel_loop3A_425 = arith.constant 0 : index
      %parallel_loop3A_426 = tpu.vector_load %arg6[%parallel_loop3A_423, %parallel_loop3A_424, %parallel_loop3A_425] {strides = array<i32>} : memref<6x56x64xf32, #tpu.memory_space<vmem>>, vector<1x1x16xf32>,
      %parallel_loop3A_427 = vector.shape_cast %parallel_loop3A_426 : vector<1x1x16xf32> to vector<16xf32>
      %parallel_loop3A_428 = arith.constant 8.000000e+00 : f32
      %parallel_loop3A_429 = vector.broadcast %parallel_loop3A_428 : f32 to vector<16xf32>
      %parallel_loop3A_430 = arith.mulf %parallel_loop3A_427, %parallel_loop3A_429 : vector<16xf32>
      %parallel_loop3A_431 = arith.constant 0 : i32
      %parallel_loop3A_432 = arith.index_cast %parallel_loop3A_431 : i32 to index
      %parallel_loop3A_433 = arith.index_cast %parallel_loop3A_337 : i32 to index
      %parallel_loop3A_434 = arith.constant 64 : index
      %parallel_loop3A_435 = tpu.vector_load %arg7[%parallel_loop3A_432, %parallel_loop3A_433, %parallel_loop3A_434] {strides = array<i32>} : memref<6x25x128xf32, #tpu.memory_space<vmem>>, vector<1x1x16xf32>,
      %parallel_loop3A_436 = vector.shape_cast %parallel_loop3A_435 : vector<1x1x16xf32> to vector<16xf32>
      %parallel_loop3A_437 = vector.shape_cast %parallel_loop3A_430 : vector<16xf32> to vector<1x1x16xf32>
      tpu.vector_store %arg7[%parallel_loop3A_432, %parallel_loop3A_433, %parallel_loop3A_434], %parallel_loop3A_437 {strides = array<i32>} : memref<6x25x128xf32, #tpu.memory_space<vmem>>, vector<1x1x16xf32>,
      %parallel_loop3A_438 = arith.constant 2 : i32
      %parallel_loop3A_439 = arith.muli %parallel_loop3A_438, %parallel_loop3A_337 : i32
      %parallel_loop3A_440 = arith.constant 1 : i32
      %parallel_loop3A_441 = arith.addi %parallel_loop3A_439, %parallel_loop3A_440 : i32
      %parallel_loop3A_442 = arith.constant 0 : i32
      %parallel_loop3A_443 = arith.index_cast %parallel_loop3A_442 : i32 to index
      %parallel_loop3A_444 = arith.index_cast %parallel_loop3A_441 : i32 to index
      %parallel_loop3A_445 = arith.constant 16 : index
      %parallel_loop3A_446 = tpu.vector_load %arg6[%parallel_loop3A_443, %parallel_loop3A_444, %parallel_loop3A_445] {strides = array<i32>} : memref<6x56x64xf32, #tpu.memory_space<vmem>>, vector<1x1x16xf32>,
      %parallel_loop3A_447 = vector.shape_cast %parallel_loop3A_446 : vector<1x1x16xf32> to vector<16xf32>
      %parallel_loop3A_448 = arith.constant 8.000000e+00 : f32
      %parallel_loop3A_449 = vector.broadcast %parallel_loop3A_448 : f32 to vector<16xf32>
      %parallel_loop3A_450 = arith.mulf %parallel_loop3A_447, %parallel_loop3A_449 : vector<16xf32>
      %parallel_loop3A_451 = arith.constant 0 : i32
      %parallel_loop3A_452 = arith.index_cast %parallel_loop3A_451 : i32 to index
      %parallel_loop3A_453 = arith.index_cast %parallel_loop3A_337 : i32 to index
      %parallel_loop3A_454 = arith.constant 80 : index
      %parallel_loop3A_455 = tpu.vector_load %arg7[%parallel_loop3A_452, %parallel_loop3A_453, %parallel_loop3A_454] {strides = array<i32>} : memref<6x25x128xf32, #tpu.memory_space<vmem>>, vector<1x1x16xf32>,
      %parallel_loop3A_456 = vector.shape_cast %parallel_loop3A_455 : vector<1x1x16xf32> to vector<16xf32>
      %parallel_loop3A_457 = vector.shape_cast %parallel_loop3A_450 : vector<16xf32> to vector<1x1x16xf32>
      tpu.vector_store %arg7[%parallel_loop3A_452, %parallel_loop3A_453, %parallel_loop3A_454], %parallel_loop3A_457 {strides = array<i32>} : memref<6x25x128xf32, #tpu.memory_space<vmem>>, vector<1x1x16xf32>,
      %parallel_loop3A_458 = arith.constant 2 : i32
      %parallel_loop3A_459 = arith.muli %parallel_loop3A_458, %parallel_loop3A_337 : i32
      %parallel_loop3A_460 = arith.constant 1 : i32
      %parallel_loop3A_461 = arith.addi %parallel_loop3A_459, %parallel_loop3A_460 : i32
      %parallel_loop3A_462 = arith.constant 0 : i32
      %parallel_loop3A_463 = arith.index_cast %parallel_loop3A_462 : i32 to index
      %parallel_loop3A_464 = arith.index_cast %parallel_loop3A_461 : i32 to index
      %parallel_loop3A_465 = arith.constant 32 : index
      %parallel_loop3A_466 = tpu.vector_load %arg6[%parallel_loop3A_463, %parallel_loop3A_464, %parallel_loop3A_465] {strides = array<i32>} : memref<6x56x64xf32, #tpu.memory_space<vmem>>, vector<1x1x16xf32>,
      %parallel_loop3A_467 = vector.shape_cast %parallel_loop3A_466 : vector<1x1x16xf32> to vector<16xf32>
      %parallel_loop3A_468 = arith.constant 8.000000e+00 : f32
      %parallel_loop3A_469 = vector.broadcast %parallel_loop3A_468 : f32 to vector<16xf32>
      %parallel_loop3A_470 = arith.mulf %parallel_loop3A_467, %parallel_loop3A_469 : vector<16xf32>
      %parallel_loop3A_471 = arith.constant 0 : i32
      %parallel_loop3A_472 = arith.index_cast %parallel_loop3A_471 : i32 to index
      %parallel_loop3A_473 = arith.index_cast %parallel_loop3A_337 : i32 to index
      %parallel_loop3A_474 = arith.constant 96 : index
      %parallel_loop3A_475 = tpu.vector_load %arg7[%parallel_loop3A_472, %parallel_loop3A_473, %parallel_loop3A_474] {strides = array<i32>} : memref<6x25x128xf32, #tpu.memory_space<vmem>>, vector<1x1x16xf32>,
      %parallel_loop3A_476 = vector.shape_cast %parallel_loop3A_475 : vector<1x1x16xf32> to vector<16xf32>
      %parallel_loop3A_477 = vector.shape_cast %parallel_loop3A_470 : vector<16xf32> to vector<1x1x16xf32>
      tpu.vector_store %arg7[%parallel_loop3A_472, %parallel_loop3A_473, %parallel_loop3A_474], %parallel_loop3A_477 {strides = array<i32>} : memref<6x25x128xf32, #tpu.memory_space<vmem>>, vector<1x1x16xf32>,
      %parallel_loop3A_478 = arith.constant 2 : i32
      %parallel_loop3A_479 = arith.muli %parallel_loop3A_478, %parallel_loop3A_337 : i32
      %parallel_loop3A_480 = arith.constant 1 : i32
      %parallel_loop3A_481 = arith.addi %parallel_loop3A_479, %parallel_loop3A_480 : i32
      %parallel_loop3A_482 = arith.constant 0 : i32
      %parallel_loop3A_483 = arith.index_cast %parallel_loop3A_482 : i32 to index
      %parallel_loop3A_484 = arith.index_cast %parallel_loop3A_481 : i32 to index
      %parallel_loop3A_485 = arith.constant 48 : index
      %parallel_loop3A_486 = tpu.vector_load %arg6[%parallel_loop3A_483, %parallel_loop3A_484, %parallel_loop3A_485] {strides = array<i32>} : memref<6x56x64xf32, #tpu.memory_space<vmem>>, vector<1x1x16xf32>,
      %parallel_loop3A_487 = vector.shape_cast %parallel_loop3A_486 : vector<1x1x16xf32> to vector<16xf32>
      %parallel_loop3A_488 = arith.constant 8.000000e+00 : f32
      %parallel_loop3A_489 = vector.broadcast %parallel_loop3A_488 : f32 to vector<16xf32>
      %parallel_loop3A_490 = arith.mulf %parallel_loop3A_487, %parallel_loop3A_489 : vector<16xf32>
      %parallel_loop3A_491 = arith.constant 0 : i32
      %parallel_loop3A_492 = arith.index_cast %parallel_loop3A_491 : i32 to index
      %parallel_loop3A_493 = arith.index_cast %parallel_loop3A_337 : i32 to index
      %parallel_loop3A_494 = arith.constant 112 : index
      %parallel_loop3A_495 = tpu.vector_load %arg7[%parallel_loop3A_492, %parallel_loop3A_493, %parallel_loop3A_494] {strides = array<i32>} : memref<6x25x128xf32, #tpu.memory_space<vmem>>, vector<1x1x16xf32>,
      %parallel_loop3A_496 = vector.shape_cast %parallel_loop3A_495 : vector<1x1x16xf32> to vector<16xf32>
      %parallel_loop3A_497 = vector.shape_cast %parallel_loop3A_490 : vector<16xf32> to vector<1x1x16xf32>
      tpu.vector_store %arg7[%parallel_loop3A_492, %parallel_loop3A_493, %parallel_loop3A_494], %parallel_loop3A_497 {strides = array<i32>} : memref<6x25x128xf32, #tpu.memory_space<vmem>>, vector<1x1x16xf32>,
    } {sc.loop_unroll_factor = 5 : i64, sc.parallel_access}
    %add3A_214 = arith.constant 12750 : i32
    %add3A_215 = arith.addi %mul3A_4, %add3A_214 : i32
    %dma_start3A_216 = arith.constant 0 : i32
    %dma_start3A_217 = arith.constant 0 : i32
    %dma_start3A_218 = arith.constant 0 : i32
    %dma_start3A_219 = tpu.memref_slice %arg7[%dma_start3A_216, %dma_start3A_217, %dma_start3A_218] : memref<6x25x128xf32, #tpu.memory_space<vmem>> -> memref<1x25x128xf32, #tpu.memory_space<vmem>>
    %dma_start3A_220 = tpu.memref_squeeze %dma_start3A_219 : memref<1x25x128xf32, #tpu.memory_space<vmem>> -> memref<25x128xf32, #tpu.memory_space<vmem>>
    %dma_start3A_221 = arith.constant 0 : i32
    %dma_start3A_222 = tpu.memref_slice %arg4[%add3A_215, %dma_start3A_221] : memref<409600x128xf32, #tpu.memory_space<hbm>> -> memref<25x128xf32, #tpu.memory_space<hbm>>
    %dma_start3A_223 = arith.constant 0 : i32
    %dma_start3A_224 = tpu.memref_slice %arg4[%add3A_215, %dma_start3A_223] : memref<409600x128xf32, #tpu.memory_space<hbm>> -> memref<25x128xf32, #tpu.memory_space<hbm>>
    %dma_start3A_225 = arith.constant 0 : i32
    %dma_start3A_226 = arith.constant 0 : i32
    %dma_start3A_227 = tpu.memref_slice %arg7[%dma_start3A_216, %dma_start3A_225, %dma_start3A_226] : memref<6x25x128xf32, #tpu.memory_space<vmem>> -> memref<1x25x128xf32, #tpu.memory_space<vmem>>
    %dma_start3A_228 = tpu.memref_squeeze %dma_start3A_227 : memref<1x25x128xf32, #tpu.memory_space<vmem>> -> memref<25x128xf32, #tpu.memory_space<vmem>>
    tpu.enqueue_dma source(%dma_start3A_228 : memref<25x128xf32, #tpu.memory_space<vmem>>) target(%dma_start3A_224 : memref<25x128xf32, #tpu.memory_space<hbm>>) target_semaphore(%arg9 : memref<!tpu.dma_semaphore, #tpu.memory_space<semaphore_mem>>)
    %dma_wait3A_229 = arith.constant 0 : i32
    %dma_wait3A_230 = arith.constant 0 : i32
    %dma_wait3A_231 = arith.constant 0 : i32
    %dma_wait3A_232 = arith.constant 0 : i32
    %dma_wait3A_233 = tpu.memref_slice %arg6[%dma_wait3A_230, %dma_wait3A_231, %dma_wait3A_232] : memref<6x56x64xf32, #tpu.memory_space<vmem>> -> memref<1x56x64xf32, #tpu.memory_space<vmem>>
    %dma_wait3A_234 = tpu.memref_squeeze %dma_wait3A_233 : memref<1x56x64xf32, #tpu.memory_space<vmem>> -> memref<56x64xf32, #tpu.memory_space<vmem>>
    %dma_wait3A_235 = arith.constant 0 : i32
    %dma_wait3A_236 = tpu.memref_slice %arg5[%dma_wait3A_229, %dma_wait3A_235] : memref<512x128xi32, #tpu.memory_space<vmem>> -> memref<1x56xi32, #tpu.memory_space<vmem>>
    %dma_wait3A_237 = tpu.memref_squeeze %dma_wait3A_236 : memref<1x56xi32, #tpu.memory_space<vmem>> -> memref<56xi32, #tpu.memory_space<vmem>>
    %dma_wait3A_238 = arith.constant 0 : i32
    %dma_wait3A_239 = arith.constant 0 : i32
    %dma_wait3A_240 = tpu.memref_slice %arg3[%dma_wait3A_238, %dma_wait3A_239] : memref<1000000x64xf32, #tpu.memory_space<hbm>> -> memref<1000000x64xf32, #tpu.memory_space<hbm>>
    tpu.wait_indirect_dma semaphore(%arg8 : memref<!tpu.dma_semaphore, #tpu.memory_space<semaphore_mem>>) src(%dma_wait3A_240 : memref<1000000x64xf32, #tpu.memory_space<hbm>>) dst(%dma_wait3A_234 : memref<56x64xf32, #tpu.memory_space<vmem>>)
    %parallel_loop3A_241 = arith.constant 0 : i32
    %parallel_loop3A_242 = arith.constant 25 : i32
    %parallel_loop3A_243 = arith.constant 1 : i32
    scf.for %parallel_loop3A_337 = %parallel_loop3A_241 to %parallel_loop3A_242 step %parallel_loop3A_243  : i32 {
      %parallel_loop3A_338 = arith.constant 2 : i32
      %parallel_loop3A_339 = arith.muli %parallel_loop3A_338, %parallel_loop3A_337 : i32
      %parallel_loop3A_340 = arith.constant 0 : i32
      %parallel_loop3A_341 = arith.addi %parallel_loop3A_339, %parallel_loop3A_340 : i32
      %parallel_loop3A_342 = arith.constant 1 : i32
      %parallel_loop3A_343 = arith.index_cast %parallel_loop3A_342 : i32 to index
      %parallel_loop3A_344 = arith.index_cast %parallel_loop3A_341 : i32 to index
      %parallel_loop3A_345 = arith.constant 0 : index
      %parallel_loop3A_346 = tpu.vector_load %arg6[%parallel_loop3A_343, %parallel_loop3A_344, %parallel_loop3A_345] {strides = array<i32>} : memref<6x56x64xf32, #tpu.memory_space<vmem>>, vector<1x1x16xf32>,
      %parallel_loop3A_347 = vector.shape_cast %parallel_loop3A_346 : vector<1x1x16xf32> to vector<16xf32>
      %parallel_loop3A_348 = arith.constant 8.000000e+00 : f32
      %parallel_loop3A_349 = vector.broadcast %parallel_loop3A_348 : f32 to vector<16xf32>
      %parallel_loop3A_350 = arith.mulf %parallel_loop3A_347, %parallel_loop3A_349 : vector<16xf32>
      %parallel_loop3A_351 = arith.constant 1 : i32
      %parallel_loop3A_352 = arith.index_cast %parallel_loop3A_351 : i32 to index
      %parallel_loop3A_353 = arith.index_cast %parallel_loop3A_337 : i32 to index
      %parallel_loop3A_354 = arith.constant 0 : index
      %parallel_loop3A_355 = tpu.vector_load %arg7[%parallel_loop3A_352, %parallel_loop3A_353, %parallel_loop3A_354] {strides = array<i32>} : memref<6x25x128xf32, #tpu.memory_space<vmem>>, vector<1x1x16xf32>,
      %parallel_loop3A_356 = vector.shape_cast %parallel_loop3A_355 : vector<1x1x16xf32> to vector<16xf32>
      %parallel_loop3A_357 = vector.shape_cast %parallel_loop3A_350 : vector<16xf32> to vector<1x1x16xf32>
      tpu.vector_store %arg7[%parallel_loop3A_352, %parallel_loop3A_353, %parallel_loop3A_354], %parallel_loop3A_357 {strides = array<i32>} : memref<6x25x128xf32, #tpu.memory_space<vmem>>, vector<1x1x16xf32>,
      %parallel_loop3A_358 = arith.constant 2 : i32
      %parallel_loop3A_359 = arith.muli %parallel_loop3A_358, %parallel_loop3A_337 : i32
      %parallel_loop3A_360 = arith.constant 0 : i32
      %parallel_loop3A_361 = arith.addi %parallel_loop3A_359, %parallel_loop3A_360 : i32
      %parallel_loop3A_362 = arith.constant 1 : i32
      %parallel_loop3A_363 = arith.index_cast %parallel_loop3A_362 : i32 to index
      %parallel_loop3A_364 = arith.index_cast %parallel_loop3A_361 : i32 to index
      %parallel_loop3A_365 = arith.constant 16 : index
      %parallel_loop3A_366 = tpu.vector_load %arg6[%parallel_loop3A_363, %parallel_loop3A_364, %parallel_loop3A_365] {strides = array<i32>} : memref<6x56x64xf32, #tpu.memory_space<vmem>>, vector<1x1x16xf32>,
      %parallel_loop3A_367 = vector.shape_cast %parallel_loop3A_366 : vector<1x1x16xf32> to vector<16xf32>
      %parallel_loop3A_368 = arith.constant 8.000000e+00 : f32
      %parallel_loop3A_369 = vector.broadcast %parallel_loop3A_368 : f32 to vector<16xf32>
      %parallel_loop3A_370 = arith.mulf %parallel_loop3A_367, %parallel_loop3A_369 : vector<16xf32>
      %parallel_loop3A_371 = arith.constant 1 : i32
      %parallel_loop3A_372 = arith.index_cast %parallel_loop3A_371 : i32 to index
      %parallel_loop3A_373 = arith.index_cast %parallel_loop3A_337 : i32 to index
      %parallel_loop3A_374 = arith.constant 16 : index
      %parallel_loop3A_375 = tpu.vector_load %arg7[%parallel_loop3A_372, %parallel_loop3A_373, %parallel_loop3A_374] {strides = array<i32>} : memref<6x25x128xf32, #tpu.memory_space<vmem>>, vector<1x1x16xf32>,
      %parallel_loop3A_376 = vector.shape_cast %parallel_loop3A_375 : vector<1x1x16xf32> to vector<16xf32>
      %parallel_loop3A_377 = vector.shape_cast %parallel_loop3A_370 : vector<16xf32> to vector<1x1x16xf32>
      tpu.vector_store %arg7[%parallel_loop3A_372, %parallel_loop3A_373, %parallel_loop3A_374], %parallel_loop3A_377 {strides = array<i32>} : memref<6x25x128xf32, #tpu.memory_space<vmem>>, vector<1x1x16xf32>,
      %parallel_loop3A_378 = arith.constant 2 : i32
      %parallel_loop3A_379 = arith.muli %parallel_loop3A_378, %parallel_loop3A_337 : i32
      %parallel_loop3A_380 = arith.constant 0 : i32
      %parallel_loop3A_381 = arith.addi %parallel_loop3A_379, %parallel_loop3A_380 : i32
      %parallel_loop3A_382 = arith.constant 1 : i32
      %parallel_loop3A_383 = arith.index_cast %parallel_loop3A_382 : i32 to index
      %parallel_loop3A_384 = arith.index_cast %parallel_loop3A_381 : i32 to index
      %parallel_loop3A_385 = arith.constant 32 : index
      %parallel_loop3A_386 = tpu.vector_load %arg6[%parallel_loop3A_383, %parallel_loop3A_384, %parallel_loop3A_385] {strides = array<i32>} : memref<6x56x64xf32, #tpu.memory_space<vmem>>, vector<1x1x16xf32>,
      %parallel_loop3A_387 = vector.shape_cast %parallel_loop3A_386 : vector<1x1x16xf32> to vector<16xf32>
      %parallel_loop3A_388 = arith.constant 8.000000e+00 : f32
      %parallel_loop3A_389 = vector.broadcast %parallel_loop3A_388 : f32 to vector<16xf32>
      %parallel_loop3A_390 = arith.mulf %parallel_loop3A_387, %parallel_loop3A_389 : vector<16xf32>
      %parallel_loop3A_391 = arith.constant 1 : i32
      %parallel_loop3A_392 = arith.index_cast %parallel_loop3A_391 : i32 to index
      %parallel_loop3A_393 = arith.index_cast %parallel_loop3A_337 : i32 to index
      %parallel_loop3A_394 = arith.constant 32 : index
      %parallel_loop3A_395 = tpu.vector_load %arg7[%parallel_loop3A_392, %parallel_loop3A_393, %parallel_loop3A_394] {strides = array<i32>} : memref<6x25x128xf32, #tpu.memory_space<vmem>>, vector<1x1x16xf32>,
      %parallel_loop3A_396 = vector.shape_cast %parallel_loop3A_395 : vector<1x1x16xf32> to vector<16xf32>
      %parallel_loop3A_397 = vector.shape_cast %parallel_loop3A_390 : vector<16xf32> to vector<1x1x16xf32>
      tpu.vector_store %arg7[%parallel_loop3A_392, %parallel_loop3A_393, %parallel_loop3A_394], %parallel_loop3A_397 {strides = array<i32>} : memref<6x25x128xf32, #tpu.memory_space<vmem>>, vector<1x1x16xf32>,
      %parallel_loop3A_398 = arith.constant 2 : i32
      %parallel_loop3A_399 = arith.muli %parallel_loop3A_398, %parallel_loop3A_337 : i32
      %parallel_loop3A_400 = arith.constant 0 : i32
      %parallel_loop3A_401 = arith.addi %parallel_loop3A_399, %parallel_loop3A_400 : i32
      %parallel_loop3A_402 = arith.constant 1 : i32
      %parallel_loop3A_403 = arith.index_cast %parallel_loop3A_402 : i32 to index
      %parallel_loop3A_404 = arith.index_cast %parallel_loop3A_401 : i32 to index
      %parallel_loop3A_405 = arith.constant 48 : index
      %parallel_loop3A_406 = tpu.vector_load %arg6[%parallel_loop3A_403, %parallel_loop3A_404, %parallel_loop3A_405] {strides = array<i32>} : memref<6x56x64xf32, #tpu.memory_space<vmem>>, vector<1x1x16xf32>,
      %parallel_loop3A_407 = vector.shape_cast %parallel_loop3A_406 : vector<1x1x16xf32> to vector<16xf32>
      %parallel_loop3A_408 = arith.constant 8.000000e+00 : f32
      %parallel_loop3A_409 = vector.broadcast %parallel_loop3A_408 : f32 to vector<16xf32>
      %parallel_loop3A_410 = arith.mulf %parallel_loop3A_407, %parallel_loop3A_409 : vector<16xf32>
      %parallel_loop3A_411 = arith.constant 1 : i32
      %parallel_loop3A_412 = arith.index_cast %parallel_loop3A_411 : i32 to index
      %parallel_loop3A_413 = arith.index_cast %parallel_loop3A_337 : i32 to index
      %parallel_loop3A_414 = arith.constant 48 : index
      %parallel_loop3A_415 = tpu.vector_load %arg7[%parallel_loop3A_412, %parallel_loop3A_413, %parallel_loop3A_414] {strides = array<i32>} : memref<6x25x128xf32, #tpu.memory_space<vmem>>, vector<1x1x16xf32>,
      %parallel_loop3A_416 = vector.shape_cast %parallel_loop3A_415 : vector<1x1x16xf32> to vector<16xf32>
      %parallel_loop3A_417 = vector.shape_cast %parallel_loop3A_410 : vector<16xf32> to vector<1x1x16xf32>
      tpu.vector_store %arg7[%parallel_loop3A_412, %parallel_loop3A_413, %parallel_loop3A_414], %parallel_loop3A_417 {strides = array<i32>} : memref<6x25x128xf32, #tpu.memory_space<vmem>>, vector<1x1x16xf32>,
      %parallel_loop3A_418 = arith.constant 2 : i32
      %parallel_loop3A_419 = arith.muli %parallel_loop3A_418, %parallel_loop3A_337 : i32
      %parallel_loop3A_420 = arith.constant 1 : i32
      %parallel_loop3A_421 = arith.addi %parallel_loop3A_419, %parallel_loop3A_420 : i32
      %parallel_loop3A_422 = arith.constant 1 : i32
      %parallel_loop3A_423 = arith.index_cast %parallel_loop3A_422 : i32 to index
      %parallel_loop3A_424 = arith.index_cast %parallel_loop3A_421 : i32 to index
      %parallel_loop3A_425 = arith.constant 0 : index
      %parallel_loop3A_426 = tpu.vector_load %arg6[%parallel_loop3A_423, %parallel_loop3A_424, %parallel_loop3A_425] {strides = array<i32>} : memref<6x56x64xf32, #tpu.memory_space<vmem>>, vector<1x1x16xf32>,
      %parallel_loop3A_427 = vector.shape_cast %parallel_loop3A_426 : vector<1x1x16xf32> to vector<16xf32>
      %parallel_loop3A_428 = arith.constant 8.000000e+00 : f32
      %parallel_loop3A_429 = vector.broadcast %parallel_loop3A_428 : f32 to vector<16xf32>
      %parallel_loop3A_430 = arith.mulf %parallel_loop3A_427, %parallel_loop3A_429 : vector<16xf32>
      %parallel_loop3A_431 = arith.constant 1 : i32
      %parallel_loop3A_432 = arith.index_cast %parallel_loop3A_431 : i32 to index
      %parallel_loop3A_433 = arith.index_cast %parallel_loop3A_337 : i32 to index
      %parallel_loop3A_434 = arith.constant 64 : index
      %parallel_loop3A_435 = tpu.vector_load %arg7[%parallel_loop3A_432, %parallel_loop3A_433, %parallel_loop3A_434] {strides = array<i32>} : memref<6x25x128xf32, #tpu.memory_space<vmem>>, vector<1x1x16xf32>,
      %parallel_loop3A_436 = vector.shape_cast %parallel_loop3A_435 : vector<1x1x16xf32> to vector<16xf32>
      %parallel_loop3A_437 = vector.shape_cast %parallel_loop3A_430 : vector<16xf32> to vector<1x1x16xf32>
      tpu.vector_store %arg7[%parallel_loop3A_432, %parallel_loop3A_433, %parallel_loop3A_434], %parallel_loop3A_437 {strides = array<i32>} : memref<6x25x128xf32, #tpu.memory_space<vmem>>, vector<1x1x16xf32>,
      %parallel_loop3A_438 = arith.constant 2 : i32
      %parallel_loop3A_439 = arith.muli %parallel_loop3A_438, %parallel_loop3A_337 : i32
      %parallel_loop3A_440 = arith.constant 1 : i32
      %parallel_loop3A_441 = arith.addi %parallel_loop3A_439, %parallel_loop3A_440 : i32
      %parallel_loop3A_442 = arith.constant 1 : i32
      %parallel_loop3A_443 = arith.index_cast %parallel_loop3A_442 : i32 to index
      %parallel_loop3A_444 = arith.index_cast %parallel_loop3A_441 : i32 to index
      %parallel_loop3A_445 = arith.constant 16 : index
      %parallel_loop3A_446 = tpu.vector_load %arg6[%parallel_loop3A_443, %parallel_loop3A_444, %parallel_loop3A_445] {strides = array<i32>} : memref<6x56x64xf32, #tpu.memory_space<vmem>>, vector<1x1x16xf32>,
      %parallel_loop3A_447 = vector.shape_cast %parallel_loop3A_446 : vector<1x1x16xf32> to vector<16xf32>
      %parallel_loop3A_448 = arith.constant 8.000000e+00 : f32
      %parallel_loop3A_449 = vector.broadcast %parallel_loop3A_448 : f32 to vector<16xf32>
      %parallel_loop3A_450 = arith.mulf %parallel_loop3A_447, %parallel_loop3A_449 : vector<16xf32>
      %parallel_loop3A_451 = arith.constant 1 : i32
      %parallel_loop3A_452 = arith.index_cast %parallel_loop3A_451 : i32 to index
      %parallel_loop3A_453 = arith.index_cast %parallel_loop3A_337 : i32 to index
      %parallel_loop3A_454 = arith.constant 80 : index
      %parallel_loop3A_455 = tpu.vector_load %arg7[%parallel_loop3A_452, %parallel_loop3A_453, %parallel_loop3A_454] {strides = array<i32>} : memref<6x25x128xf32, #tpu.memory_space<vmem>>, vector<1x1x16xf32>,
      %parallel_loop3A_456 = vector.shape_cast %parallel_loop3A_455 : vector<1x1x16xf32> to vector<16xf32>
      %parallel_loop3A_457 = vector.shape_cast %parallel_loop3A_450 : vector<16xf32> to vector<1x1x16xf32>
      tpu.vector_store %arg7[%parallel_loop3A_452, %parallel_loop3A_453, %parallel_loop3A_454], %parallel_loop3A_457 {strides = array<i32>} : memref<6x25x128xf32, #tpu.memory_space<vmem>>, vector<1x1x16xf32>,
      %parallel_loop3A_458 = arith.constant 2 : i32
      %parallel_loop3A_459 = arith.muli %parallel_loop3A_458, %parallel_loop3A_337 : i32
      %parallel_loop3A_460 = arith.constant 1 : i32
      %parallel_loop3A_461 = arith.addi %parallel_loop3A_459, %parallel_loop3A_460 : i32
      %parallel_loop3A_462 = arith.constant 1 : i32
      %parallel_loop3A_463 = arith.index_cast %parallel_loop3A_462 : i32 to index
      %parallel_loop3A_464 = arith.index_cast %parallel_loop3A_461 : i32 to index
      %parallel_loop3A_465 = arith.constant 32 : index
      %parallel_loop3A_466 = tpu.vector_load %arg6[%parallel_loop3A_463, %parallel_loop3A_464, %parallel_loop3A_465] {strides = array<i32>} : memref<6x56x64xf32, #tpu.memory_space<vmem>>, vector<1x1x16xf32>,
      %parallel_loop3A_467 = vector.shape_cast %parallel_loop3A_466 : vector<1x1x16xf32> to vector<16xf32>
      %parallel_loop3A_468 = arith.constant 8.000000e+00 : f32
      %parallel_loop3A_469 = vector.broadcast %parallel_loop3A_468 : f32 to vector<16xf32>
      %parallel_loop3A_470 = arith.mulf %parallel_loop3A_467, %parallel_loop3A_469 : vector<16xf32>
      %parallel_loop3A_471 = arith.constant 1 : i32
      %parallel_loop3A_472 = arith.index_cast %parallel_loop3A_471 : i32 to index
      %parallel_loop3A_473 = arith.index_cast %parallel_loop3A_337 : i32 to index
      %parallel_loop3A_474 = arith.constant 96 : index
      %parallel_loop3A_475 = tpu.vector_load %arg7[%parallel_loop3A_472, %parallel_loop3A_473, %parallel_loop3A_474] {strides = array<i32>} : memref<6x25x128xf32, #tpu.memory_space<vmem>>, vector<1x1x16xf32>,
      %parallel_loop3A_476 = vector.shape_cast %parallel_loop3A_475 : vector<1x1x16xf32> to vector<16xf32>
      %parallel_loop3A_477 = vector.shape_cast %parallel_loop3A_470 : vector<16xf32> to vector<1x1x16xf32>
      tpu.vector_store %arg7[%parallel_loop3A_472, %parallel_loop3A_473, %parallel_loop3A_474], %parallel_loop3A_477 {strides = array<i32>} : memref<6x25x128xf32, #tpu.memory_space<vmem>>, vector<1x1x16xf32>,
      %parallel_loop3A_478 = arith.constant 2 : i32
      %parallel_loop3A_479 = arith.muli %parallel_loop3A_478, %parallel_loop3A_337 : i32
      %parallel_loop3A_480 = arith.constant 1 : i32
      %parallel_loop3A_481 = arith.addi %parallel_loop3A_479, %parallel_loop3A_480 : i32
      %parallel_loop3A_482 = arith.constant 1 : i32
      %parallel_loop3A_483 = arith.index_cast %parallel_loop3A_482 : i32 to index
      %parallel_loop3A_484 = arith.index_cast %parallel_loop3A_481 : i32 to index
      %parallel_loop3A_485 = arith.constant 48 : index
      %parallel_loop3A_486 = tpu.vector_load %arg6[%parallel_loop3A_483, %parallel_loop3A_484, %parallel_loop3A_485] {strides = array<i32>} : memref<6x56x64xf32, #tpu.memory_space<vmem>>, vector<1x1x16xf32>,
      %parallel_loop3A_487 = vector.shape_cast %parallel_loop3A_486 : vector<1x1x16xf32> to vector<16xf32>
      %parallel_loop3A_488 = arith.constant 8.000000e+00 : f32
      %parallel_loop3A_489 = vector.broadcast %parallel_loop3A_488 : f32 to vector<16xf32>
      %parallel_loop3A_490 = arith.mulf %parallel_loop3A_487, %parallel_loop3A_489 : vector<16xf32>
      %parallel_loop3A_491 = arith.constant 1 : i32
      %parallel_loop3A_492 = arith.index_cast %parallel_loop3A_491 : i32 to index
      %parallel_loop3A_493 = arith.index_cast %parallel_loop3A_337 : i32 to index
      %parallel_loop3A_494 = arith.constant 112 : index
      %parallel_loop3A_495 = tpu.vector_load %arg7[%parallel_loop3A_492, %parallel_loop3A_493, %parallel_loop3A_494] {strides = array<i32>} : memref<6x25x128xf32, #tpu.memory_space<vmem>>, vector<1x1x16xf32>,
      %parallel_loop3A_496 = vector.shape_cast %parallel_loop3A_495 : vector<1x1x16xf32> to vector<16xf32>
      %parallel_loop3A_497 = vector.shape_cast %parallel_loop3A_490 : vector<16xf32> to vector<1x1x16xf32>
      tpu.vector_store %arg7[%parallel_loop3A_492, %parallel_loop3A_493, %parallel_loop3A_494], %parallel_loop3A_497 {strides = array<i32>} : memref<6x25x128xf32, #tpu.memory_space<vmem>>, vector<1x1x16xf32>,
    } {sc.loop_unroll_factor = 5 : i64, sc.parallel_access}
    %add3A_244 = arith.constant 12775 : i32
    %add3A_245 = arith.addi %mul3A_4, %add3A_244 : i32
    %dma_start3A_246 = arith.constant 1 : i32
    %dma_start3A_247 = arith.constant 0 : i32
    %dma_start3A_248 = arith.constant 0 : i32
    %dma_start3A_249 = tpu.memref_slice %arg7[%dma_start3A_246, %dma_start3A_247, %dma_start3A_248] : memref<6x25x128xf32, #tpu.memory_space<vmem>> -> memref<1x25x128xf32, #tpu.memory_space<vmem>>
    %dma_start3A_250 = tpu.memref_squeeze %dma_start3A_249 : memref<1x25x128xf32, #tpu.memory_space<vmem>> -> memref<25x128xf32, #tpu.memory_space<vmem>>
    %dma_start3A_251 = arith.constant 0 : i32
    %dma_start3A_252 = tpu.memref_slice %arg4[%add3A_245, %dma_start3A_251] : memref<409600x128xf32, #tpu.memory_space<hbm>> -> memref<25x128xf32, #tpu.memory_space<hbm>>
    %dma_start3A_253 = arith.constant 0 : i32
    %dma_start3A_254 = tpu.memref_slice %arg4[%add3A_245, %dma_start3A_253] : memref<409600x128xf32, #tpu.memory_space<hbm>> -> memref<25x128xf32, #tpu.memory_space<hbm>>
    %dma_start3A_255 = arith.constant 0 : i32
    %dma_start3A_256 = arith.constant 0 : i32
    %dma_start3A_257 = tpu.memref_slice %arg7[%dma_start3A_246, %dma_start3A_255, %dma_start3A_256] : memref<6x25x128xf32, #tpu.memory_space<vmem>> -> memref<1x25x128xf32, #tpu.memory_space<vmem>>
    %dma_start3A_258 = tpu.memref_squeeze %dma_start3A_257 : memref<1x25x128xf32, #tpu.memory_space<vmem>> -> memref<25x128xf32, #tpu.memory_space<vmem>>
    tpu.enqueue_dma source(%dma_start3A_258 : memref<25x128xf32, #tpu.memory_space<vmem>>) target(%dma_start3A_254 : memref<25x128xf32, #tpu.memory_space<hbm>>) target_semaphore(%arg9 : memref<!tpu.dma_semaphore, #tpu.memory_space<semaphore_mem>>)
    %dma_wait3A_259 = arith.constant 0 : i32
    %dma_wait3A_260 = arith.constant 0 : i32
    %dma_wait3A_261 = arith.constant 0 : i32
    %dma_wait3A_262 = tpu.memref_slice %arg7[%dma_wait3A_259, %dma_wait3A_260, %dma_wait3A_261] : memref<6x25x128xf32, #tpu.memory_space<vmem>> -> memref<1x25x128xf32, #tpu.memory_space<vmem>>
    %dma_wait3A_263 = tpu.memref_squeeze %dma_wait3A_262 : memref<1x25x128xf32, #tpu.memory_space<vmem>> -> memref<25x128xf32, #tpu.memory_space<vmem>>
    %dma_wait3A_264 = arith.constant 0 : i32
    %dma_wait3A_265 = tpu.memref_slice %arg4[%mul3A_4, %dma_wait3A_264] : memref<409600x128xf32, #tpu.memory_space<hbm>> -> memref<25x128xf32, #tpu.memory_space<hbm>>
    %dma_wait3A_266 = arith.constant 0 : i32
    %dma_wait3A_267 = tpu.memref_slice %arg4[%mul3A_4, %dma_wait3A_266] : memref<409600x128xf32, #tpu.memory_space<hbm>> -> memref<25x128xf32, #tpu.memory_space<hbm>>
    %dma_wait3A_268 = arith.constant 0 : i32
    %dma_wait3A_269 = arith.constant 0 : i32
    %dma_wait3A_270 = tpu.memref_slice %arg7[%dma_wait3A_259, %dma_wait3A_268, %dma_wait3A_269] : memref<6x25x128xf32, #tpu.memory_space<vmem>> -> memref<1x25x128xf32, #tpu.memory_space<vmem>>
    %dma_wait3A_271 = tpu.memref_squeeze %dma_wait3A_270 : memref<1x25x128xf32, #tpu.memory_space<vmem>> -> memref<25x128xf32, #tpu.memory_space<vmem>>
    tpu.wait_dma2 semaphore(%arg9 : memref<!tpu.dma_semaphore, #tpu.memory_space<semaphore_mem>>) src(%dma_wait3A_271 : memref<25x128xf32, #tpu.memory_space<vmem>>) dst(%dma_wait3A_267 : memref<25x128xf32, #tpu.memory_space<hbm>>)
    %dma_wait3A_272 = arith.constant 0 : i32
    %dma_wait3A_273 = arith.constant 0 : i32
    %dma_wait3A_274 = arith.constant 0 : i32
    %dma_wait3A_275 = tpu.memref_slice %arg7[%dma_wait3A_272, %dma_wait3A_273, %dma_wait3A_274] : memref<6x25x128xf32, #tpu.memory_space<vmem>> -> memref<1x25x128xf32, #tpu.memory_space<vmem>>
    %dma_wait3A_276 = tpu.memref_squeeze %dma_wait3A_275 : memref<1x25x128xf32, #tpu.memory_space<vmem>> -> memref<25x128xf32, #tpu.memory_space<vmem>>
    %dma_wait3A_277 = arith.constant 0 : i32
    %dma_wait3A_278 = tpu.memref_slice %arg4[%mul3A_4, %dma_wait3A_277] : memref<409600x128xf32, #tpu.memory_space<hbm>> -> memref<25x128xf32, #tpu.memory_space<hbm>>
    %dma_wait3A_279 = arith.constant 0 : i32
    %dma_wait3A_280 = tpu.memref_slice %arg4[%mul3A_4, %dma_wait3A_279] : memref<409600x128xf32, #tpu.memory_space<hbm>> -> memref<25x128xf32, #tpu.memory_space<hbm>>
    %dma_wait3A_281 = arith.constant 0 : i32
    %dma_wait3A_282 = arith.constant 0 : i32
    %dma_wait3A_283 = tpu.memref_slice %arg7[%dma_wait3A_272, %dma_wait3A_281, %dma_wait3A_282] : memref<6x25x128xf32, #tpu.memory_space<vmem>> -> memref<1x25x128xf32, #tpu.memory_space<vmem>>
    %dma_wait3A_284 = tpu.memref_squeeze %dma_wait3A_283 : memref<1x25x128xf32, #tpu.memory_space<vmem>> -> memref<25x128xf32, #tpu.memory_space<vmem>>
    tpu.wait_dma2 semaphore(%arg9 : memref<!tpu.dma_semaphore, #tpu.memory_space<semaphore_mem>>) src(%dma_wait3A_284 : memref<25x128xf32, #tpu.memory_space<vmem>>) dst(%dma_wait3A_280 : memref<25x128xf32, #tpu.memory_space<hbm>>)
    %dma_wait3A_285 = arith.constant 0 : i32
    %dma_wait3A_286 = arith.constant 0 : i32
    %dma_wait3A_287 = arith.constant 0 : i32
    %dma_wait3A_288 = tpu.memref_slice %arg7[%dma_wait3A_285, %dma_wait3A_286, %dma_wait3A_287] : memref<6x25x128xf32, #tpu.memory_space<vmem>> -> memref<1x25x128xf32, #tpu.memory_space<vmem>>
    %dma_wait3A_289 = tpu.memref_squeeze %dma_wait3A_288 : memref<1x25x128xf32, #tpu.memory_space<vmem>> -> memref<25x128xf32, #tpu.memory_space<vmem>>
    %dma_wait3A_290 = arith.constant 0 : i32
    %dma_wait3A_291 = tpu.memref_slice %arg4[%mul3A_4, %dma_wait3A_290] : memref<409600x128xf32, #tpu.memory_space<hbm>> -> memref<25x128xf32, #tpu.memory_space<hbm>>
    %dma_wait3A_292 = arith.constant 0 : i32
    %dma_wait3A_293 = tpu.memref_slice %arg4[%mul3A_4, %dma_wait3A_292] : memref<409600x128xf32, #tpu.memory_space<hbm>> -> memref<25x128xf32, #tpu.memory_space<hbm>>
    %dma_wait3A_294 = arith.constant 0 : i32
    %dma_wait3A_295 = arith.constant 0 : i32
    %dma_wait3A_296 = tpu.memref_slice %arg7[%dma_wait3A_285, %dma_wait3A_294, %dma_wait3A_295] : memref<6x25x128xf32, #tpu.memory_space<vmem>> -> memref<1x25x128xf32, #tpu.memory_space<vmem>>
    %dma_wait3A_297 = tpu.memref_squeeze %dma_wait3A_296 : memref<1x25x128xf32, #tpu.memory_space<vmem>> -> memref<25x128xf32, #tpu.memory_space<vmem>>
    tpu.wait_dma2 semaphore(%arg9 : memref<!tpu.dma_semaphore, #tpu.memory_space<semaphore_mem>>) src(%dma_wait3A_297 : memref<25x128xf32, #tpu.memory_space<vmem>>) dst(%dma_wait3A_293 : memref<25x128xf32, #tpu.memory_space<hbm>>)
    %dma_wait3A_298 = arith.constant 0 : i32
    %dma_wait3A_299 = arith.constant 0 : i32
    %dma_wait3A_300 = arith.constant 0 : i32
    %dma_wait3A_301 = tpu.memref_slice %arg7[%dma_wait3A_298, %dma_wait3A_299, %dma_wait3A_300] : memref<6x25x128xf32, #tpu.memory_space<vmem>> -> memref<1x25x128xf32, #tpu.memory_space<vmem>>
    %dma_wait3A_302 = tpu.memref_squeeze %dma_wait3A_301 : memref<1x25x128xf32, #tpu.memory_space<vmem>> -> memref<25x128xf32, #tpu.memory_space<vmem>>
    %dma_wait3A_303 = arith.constant 0 : i32
    %dma_wait3A_304 = tpu.memref_slice %arg4[%mul3A_4, %dma_wait3A_303] : memref<409600x128xf32, #tpu.memory_space<hbm>> -> memref<25x128xf32, #tpu.memory_space<hbm>>
    %dma_wait3A_305 = arith.constant 0 : i32
    %dma_wait3A_306 = tpu.memref_slice %arg4[%mul3A_4, %dma_wait3A_305] : memref<409600x128xf32, #tpu.memory_space<hbm>> -> memref<25x128xf32, #tpu.memory_space<hbm>>
    %dma_wait3A_307 = arith.constant 0 : i32
    %dma_wait3A_308 = arith.constant 0 : i32
    %dma_wait3A_309 = tpu.memref_slice %arg7[%dma_wait3A_298, %dma_wait3A_307, %dma_wait3A_308] : memref<6x25x128xf32, #tpu.memory_space<vmem>> -> memref<1x25x128xf32, #tpu.memory_space<vmem>>
    %dma_wait3A_310 = tpu.memref_squeeze %dma_wait3A_309 : memref<1x25x128xf32, #tpu.memory_space<vmem>> -> memref<25x128xf32, #tpu.memory_space<vmem>>
    tpu.wait_dma2 semaphore(%arg9 : memref<!tpu.dma_semaphore, #tpu.memory_space<semaphore_mem>>) src(%dma_wait3A_310 : memref<25x128xf32, #tpu.memory_space<vmem>>) dst(%dma_wait3A_306 : memref<25x128xf32, #tpu.memory_space<hbm>>)
    %dma_wait3A_311 = arith.constant 0 : i32
    %dma_wait3A_312 = arith.constant 0 : i32
    %dma_wait3A_313 = arith.constant 0 : i32
    %dma_wait3A_314 = tpu.memref_slice %arg7[%dma_wait3A_311, %dma_wait3A_312, %dma_wait3A_313] : memref<6x25x128xf32, #tpu.memory_space<vmem>> -> memref<1x25x128xf32, #tpu.memory_space<vmem>>
    %dma_wait3A_315 = tpu.memref_squeeze %dma_wait3A_314 : memref<1x25x128xf32, #tpu.memory_space<vmem>> -> memref<25x128xf32, #tpu.memory_space<vmem>>
    %dma_wait3A_316 = arith.constant 0 : i32
    %dma_wait3A_317 = tpu.memref_slice %arg4[%mul3A_4, %dma_wait3A_316] : memref<409600x128xf32, #tpu.memory_space<hbm>> -> memref<25x128xf32, #tpu.memory_space<hbm>>
    %dma_wait3A_318 = arith.constant 0 : i32
    %dma_wait3A_319 = tpu.memref_slice %arg4[%mul3A_4, %dma_wait3A_318] : memref<409600x128xf32, #tpu.memory_space<hbm>> -> memref<25x128xf32, #tpu.memory_space<hbm>>
    %dma_wait3A_320 = arith.constant 0 : i32
    %dma_wait3A_321 = arith.constant 0 : i32
    %dma_wait3A_322 = tpu.memref_slice %arg7[%dma_wait3A_311, %dma_wait3A_320, %dma_wait3A_321] : memref<6x25x128xf32, #tpu.memory_space<vmem>> -> memref<1x25x128xf32, #tpu.memory_space<vmem>>
    %dma_wait3A_323 = tpu.memref_squeeze %dma_wait3A_322 : memref<1x25x128xf32, #tpu.memory_space<vmem>> -> memref<25x128xf32, #tpu.memory_space<vmem>>
    tpu.wait_dma2 semaphore(%arg9 : memref<!tpu.dma_semaphore, #tpu.memory_space<semaphore_mem>>) src(%dma_wait3A_323 : memref<25x128xf32, #tpu.memory_space<vmem>>) dst(%dma_wait3A_319 : memref<25x128xf32, #tpu.memory_space<hbm>>)
    %dma_wait3A_324 = arith.constant 0 : i32
    %dma_wait3A_325 = arith.constant 0 : i32
    %dma_wait3A_326 = arith.constant 0 : i32
    %dma_wait3A_327 = tpu.memref_slice %arg7[%dma_wait3A_324, %dma_wait3A_325, %dma_wait3A_326] : memref<6x25x128xf32, #tpu.memory_space<vmem>> -> memref<1x25x128xf32, #tpu.memory_space<vmem>>
    %dma_wait3A_328 = tpu.memref_squeeze %dma_wait3A_327 : memref<1x25x128xf32, #tpu.memory_space<vmem>> -> memref<25x128xf32, #tpu.memory_space<vmem>>
    %dma_wait3A_329 = arith.constant 0 : i32
    %dma_wait3A_330 = tpu.memref_slice %arg4[%mul3A_4, %dma_wait3A_329] : memref<409600x128xf32, #tpu.memory_space<hbm>> -> memref<25x128xf32, #tpu.memory_space<hbm>>
    %dma_wait3A_331 = arith.constant 0 : i32
    %dma_wait3A_332 = tpu.memref_slice %arg4[%mul3A_4, %dma_wait3A_331] : memref<409600x128xf32, #tpu.memory_space<hbm>> -> memref<25x128xf32, #tpu.memory_space<hbm>>
    %dma_wait3A_333 = arith.constant 0 : i32
    %dma_wait3A_334 = arith.constant 0 : i32
    %dma_wait3A_335 = tpu.memref_slice %arg7[%dma_wait3A_324, %dma_wait3A_333, %dma_wait3A_334] : memref<6x25x128xf32, #tpu.memory_space<vmem>> -> memref<1x25x128xf32, #tpu.memory_space<vmem>>
    %dma_wait3A_336 = tpu.memref_squeeze %dma_wait3A_335 : memref<1x25x128xf32, #tpu.memory_space<vmem>> -> memref<25x128xf32, #tpu.memory_space<vmem>>
    tpu.wait_dma2 semaphore(%arg9 : memref<!tpu.dma_semaphore, #tpu.memory_space<semaphore_mem>>) src(%dma_wait3A_336 : memref<25x128xf32, #tpu.memory_space<vmem>>) dst(%dma_wait3A_332 : memref<25x128xf32, #tpu.memory_space<hbm>>)
    return
  }
}

</mosaic_0001>

<sc_bundles>
// kernel: kernel.3.cloned.1.call-start
scs
__scs_entry_jumppad:
0x0: {  	(pc) =	sbr.rel $0x88, $3  }
0x1: {  	(tag) =	ssettag $0x0;
	lr =	simm.s32 $0x1  }
0x2: {  	[smem:$0x3F9F] =	sst lr;
	_ =	strace $0xD0000000  }
0x3: {  	_ = 	snop  }
0x4: {  	_ = 	snop  }
0x5: {  	_ = 	snop  }
0x6: {  	_ = 	snop  }
0x7: {  	_ = 	snop  }
__scs_overlays_trampoline_lowered:
0x8: {  	[smem:$0x3FAE] =	sst s0  }
0x9: {  	[smem:$0x3FAF] =	sst s1  }
0xa: {  	[smem:$0x3FB0] =	sst s2  }
0xb: {  	[smem:$0x3FB1] =	sst s3  }
0xc: {  	[smem:$0x3FB2] =	sst s4  }
0xd: {  	[smem:$0x3FB3] =	sst s5  }
0xe: {  	[smem:$0x3FB4] =	sst s6  }
0xf: {  	[smem:$0x3FB5] =	sst s7  }
0x10: {  	[smem:$0x3FB6] =	sst s8  }
0x11: {  	[smem:$0x3FB7] =	sst s9;
	s0 =	simm.s32 @!p0 $0x0  }
0x12: {  	s1 =	sld [smem:$0x3F9D];
	s0 =	simm.s32 @p0 $0x1  }
0x13: {  	[smem:$0x3FB8] =	sst s0;
	s0 =	simm.s32 @!p1 $0x0  }
0x14: {  	s2 =	sld [smem:$0x3F9C];
	s0 =	simm.s32 @p1 $0x1  }
0x15: {  	[smem:$0x3FB9] =	sst s0;
	s0 =	simm.s32 @!p2 $0x0  }
0x16: {  	s3 =	sld [smem:$0x3FDB];
	s0 =	simm.s32 @p2 $0x1  }
0x17: {  	s4 =	simm.s32 $0x1BF5;
	[smem:$0x3FBB] =	sst s0  }
0x18: {  	s0 =	sld [smem:$0x3F9E];
	_ =	swait.ge [sflag:s4], $0x0  }
0x19: {  	s7 =	sld [smem:$0x3F9F]  }
0x1a: {  	s8 =	sadd.s32 $0xFFFFE003, lr  }
0x1b: {  	s9 =	sadd.s32 $0xFFFFFEF7, lr;
	s5 =	simm.s32 $0xFFFFFFFF;
	p2 =	slt.u32 s8, $0xFFFFF086  }
0x1c: {  	p1 =	slt.u32 s9, $0xF7A;
	s5 =	simm.s32 @!p2 $0x0  }
0x1d: {  	s5 =	simm.s32 @p1 $0x1;
	p0 =	seq.s32 s7, s2  }
0x1e: {  	s7 =	smul.u32 @!p0 $0xF7A, s2;
	p2 =	seq.s32 @!p0 s5, $0x0  }
0x1f: {  	s9 =	smul.u32 $0xF7A, s1;
	s8 =	simm.s32 @!p0 $0x1BF5;
	p2 =	por !p2, p0  }
0x20: {  	[sflag:s8] =	ssyncset.s32 @!p0 $0xFFFFF086;
	s6 =	sadd.s32 @!p0 s3, s7;
	s7 =	simm.s32 @!p0 $0x108  }
0x21: {  	s3 =	sadd.s32 s3, s9;
	s6 =	sadd.s32 @!p0 $0x88, s6;
	s7 =	simm.s32 @p2 $0x1082  }
0x22: {  	[simem:s7], [sflag:s8] =	dma.local @!p0 [hbm:s6], $0xF7A  }
0x23: {  	s9 =	sor.u32 $0xD0000000, s2;
	s6 =	simm.s32 $0x108;
	_ =	swait.ge @!p0 [sflag:s8], $0x0  }
0x24: {  	s3 =	sadd.s32 $0x88, s3;
	s6 =	simm.s32 @!p1 $0x1082;
	[sflag:s4] =	ssyncset.s32 $0xFFFFF086  }
0x25: {  	[simem:s6], [sflag:s4] =	dma.local [hbm:s3], $0xF7A  }
0x26: {  	[smem:$0x3F9F] =	sst s1;
	(tag) =	ssettag s2;
	_ =	strace s9  }
0x27: {  	s1 =	sld [smem:$0x3FAF]  }
0x28: {  	s2 =	sld [smem:$0x3FB0]  }
0x29: {  	s4 =	sld [smem:$0x3FB2]  }
0x2a: {  	p0 =	seq.s32 s5, $0x0;
	s5 =	sld [smem:$0x3FB3]  }
0x2b: {  	s6 =	sld [smem:$0x3FB4]  }
0x2c: {  	s7 =	sld [smem:$0x3FB5]  }
0x2d: {  	s3 =	simm.s32 $0x108;
	s8 =	sld [smem:$0x3FB6]  }
0x2e: {  	s3 =	simm.s32 @!p0 $0x1082;
	s9 =	sld [smem:$0x3FB7]  }
0x2f: {  	lr =	sadd.s32 s0, s3;
	s0 =	sld [smem:$0x3FAE]  }
0x30: {  	s3 =	sld [smem:$0x3FB1]  }
0x31: {  	[smem:$0x3FBA] =	sst s10  }
0x32: {  	s10 =	sld [smem:$0x3FB8];
	_ =	sdelay $0x3  }
0x33: {  	p0 =	seq.s32 s10, $0x1;
	s10 =	sld [smem:$0x3FBA];
	_ =	sdelay $0x3  }
0x34: {  	[smem:$0x3FBA] =	sst s10  }
0x35: {  	s10 =	sld [smem:$0x3FB9];
	_ =	sdelay $0x3  }
0x36: {  	p1 =	seq.s32 s10, $0x1;
	s10 =	sld [smem:$0x3FBA];
	_ =	sdelay $0x3  }
0x37: {  	[smem:$0x3FBA] =	sst s10  }
0x38: {  	s10 =	sld [smem:$0x3FBB]  }
0x39: {  	_ = 	snop;
	(pc) =	sbr.ind lr, $3  }
0x3a: {  	_ = 	snop  }
0x3b: {  	_ = 	snop  }
0x3c: {  	p2 =	seq.s32 s10, $0x1;
	s10 =	sld [smem:$0x3FBA]  }
0x3d: {  	_ =	shalt  }
0x3e: {  	_ =	shalt  }
0x3f: {  	_ =	shalt  }
0x40: {  	_ =	shalt  }
0x41: {  	_ =	shalt  }
0x42: {  	_ =	shalt  }
0x43: {  	_ =	shalt  }
0x44: {  	_ =	shalt  }
0x45: {  	_ =	shalt  }
0x46: {  	_ =	shalt  }
0x47: {  	_ =	shalt  }
0x48: {  	_ =	shalt  }
0x49: {  	_ =	shalt  }
0x4a: {  	_ =	shalt  }
0x4b: {  	_ =	shalt  }
0x4c: {  	_ =	shalt  }
0x4d: {  	_ =	shalt  }
0x4e: {  	_ =	shalt  }
0x4f: {  	_ =	shalt  }
0x50: {  	_ =	shalt  }
0x51: {  	_ =	shalt  }
0x52: {  	_ =	shalt  }
0x53: {  	_ =	shalt  }
0x54: {  	_ =	shalt  }
0x55: {  	_ =	shalt  }
0x56: {  	_ =	shalt  }
0x57: {  	_ =	shalt  }
0x58: {  	_ =	shalt  }
0x59: {  	_ =	shalt  }
0x5a: {  	_ =	shalt  }
0x5b: {  	_ =	shalt  }
0x5c: {  	_ =	shalt  }
0x5d: {  	_ =	shalt  }
0x5e: {  	_ =	shalt  }
0x5f: {  	_ =	shalt  }
0x60: {  	_ =	shalt  }
0x61: {  	_ =	shalt  }
0x62: {  	_ =	shalt  }
0x63: {  	_ =	shalt  }
0x64: {  	_ =	shalt  }
0x65: {  	_ =	shalt  }
0x66: {  	_ =	shalt  }
0x67: {  	_ =	shalt  }
0x68: {  	_ =	shalt  }
0x69: {  	_ =	shalt  }
0x6a: {  	_ =	shalt  }
0x6b: {  	_ =	shalt  }
0x6c: {  	_ =	shalt  }
0x6d: {  	_ =	shalt  }
0x6e: {  	_ =	shalt  }
0x6f: {  	_ =	shalt  }
0x70: {  	_ =	shalt  }
0x71: {  	_ =	shalt  }
0x72: {  	_ =	shalt  }
0x73: {  	_ =	shalt  }
0x74: {  	_ =	shalt  }
0x75: {  	_ =	shalt  }
0x76: {  	_ =	shalt  }
0x77: {  	_ =	shalt  }
0x78: {  	_ =	shalt  }
0x79: {  	_ =	shalt  }
0x7a: {  	_ =	shalt  }
0x7b: {  	_ =	shalt  }
0x7c: {  	_ =	shalt  }
0x7d: {  	_ =	shalt  }
0x7e: {  	_ =	shalt  }
0x7f: {  	_ =	shalt  }
0x80: {  	_ =	shalt  }
0x81: {  	_ =	shalt  }
0x82: {  	_ =	shalt  }
0x83: {  	_ =	shalt  }
0x84: {  	_ =	shalt  }
0x85: {  	_ =	shalt  }
0x86: {  	_ =	shalt  }
0x87: {  	_ =	shalt  }
.Lfunc_end0:
.L_simem_size_0:
called_computation.1_lowered:
.L_overlay_start_0:
0x88: {  	s2 =	sld [smem:$0x3FD9]  }
0x89: {  	s3 =	sld [smem:$0x3FFE];
	_ =	sdelay $0x1  }
0x8a: {  	s1 =	srdreg.scid  }
0x8b: {  	s0 =	sand.u32 $0x1, s1  }
0x8c: {  	s17 =	sshll.u32 s0, $0xA;
	s2 =	sadd.s32 s3, s2  }
0x8d: {  	s2 =	sadd.s32 s2, s17  }
0x8e: {  	[smem:$0x3FC6] =	sst s2  }
0x8f: {  	_ = 	snop  }
0x90: {  	s2 =	sld [smem:$0x3FD0];
	(tm) =	ssettm $0x1  }
0x91: {  	s18 =	sld [smem:$0x3FFB];
	_ =	sdelay $0x3  }
0x92: {  	_ =	strace s18  }
0x93: {  	s3 =	sld [smem:$0x3FFC];
	_ =	sdelay $0x3  }
0x94: {  	_ =	strace s3  }
0x95: {  	s3 =	sld [smem:$0x3FFD];
	_ =	sdelay $0x3  }
0x96: {  	_ =	strace s3  }
0x97: {  	_ =	strace $0x8FFFFFFF  }
0x98: {  	s19 =	sld [smem:$0x3FDB];
	_ =	sdelay $0x1  }
0x99: {  	s4 =	simm.s32 $_scs_section_size  }
0x9a: {  	s5 =	simm.s32 $_size__tile_overlayer_lowered;
	s6 =	simm.s32 $_tile_overlayer_lowered  }
0x9b: {  	s22 =	simm.s32 $0x1BFF;
	s21 =	sshll.u32 s6, $0x1;
	s3 =	sadd.s32 s4, s19  }
0x9c: {  	s7 =	simm.s32 $0x0;
	s20 =	sshll.u32 s5, $0x1;
	s5 =	sadd.s32 s21, s3  }
0x9d: {  	[timem:s7], [sflag:s22] =	dma.local [hbm:s5], s20  }
0x9e: {  	_ =	swait.ge [sflag:s22], s20  }
0x9f: {  	s4 =	ssub.s32 $0x0, s20;
	[sflag:s22] =	ssyncset.done $0x0  }
0xa0: {  	[sflag:s22] =	ssyncadd.s32 s4;
	_ =	sdelay $0x1  }
0xa1: {  	s23 =	simm.s32 $0x1B8B  }
0xa2: {  	_ =	swait.ge [sflag:s23], $0x1  }
0xa3: {  	[sflag:s23] =	ssyncset.done $0x0  }
0xa4: {  	s25 =	simm.s32 $0x1B8E;
	s24 =	sld [smem:$0x3FFE];
	[sflag:s23] =	ssyncadd.s32 $0xFFFFFFFF  }
0xa5: {  	s26 =	simm.s32 $execute0_lowered;
	[smem:$0x3FD2] =	sst s25  }
0xa6: {  	s5 =	sshll.u32 s26, $0x1;
	_ =	strace $0x80000046;
	[dreg:$0x1] =	wrdreg $0xFFFFFFFF  }
0xa7: {  	s28 =	simm.s32 $_size_execute0_lowered;
	s3 =	sadd.s32 s3, s5;
	[dreg:$0x0] =	wrdreg $0x0  }
0xa8: {  	s5 =	sshll.u32 s28, $0x1;
	[dreg:$0x2] =	wrdreg s3  }
0xa9: {  	[dreg:$0x3] =	wrdreg s5  }
0xaa: {  	[dreg:$0x4] =	wrdreg $0xC0  }
0xab: {  	_ =	task [dreg:s7], $0x5FFFF  }
0xac: {  	[dreg:$0x1] =	wrdreg $0xFFFFFFFF  }
0xad: {  	[dreg:$0x0] =	wrdreg $0x60  }
0xae: {  	[dreg:$0x2] =	wrdreg s24  }
0xaf: {  	[dreg:$0x3] =	wrdreg s2  }
0xb0: {  	[dreg:$0x4] =	wrdreg $0x9  }
0xb1: {  	_ =	task.clear_ibuf [dreg:s7], $0x5FFFF;
	_ =	strace $0x90000046  }
0xb2: {  	s29 =	simm.s32 $0x9;
	_ =	strace $0x80000048  }
0xb3: {  	_ =	swait.ge [sflag:s29], $0x1  }
0xb4: {  	[sflag:s29] =	ssyncadd.s32 $0xFFFFFFFF  }
0xb5: {  	_ =	strace $0x90000048  }
0xb6: {  	_ =	sfence  }
0xb7: {  	s30 =	sld [smem:$0x0];
	_ =	sdelay $0x2  }
0xb8: {  	s31 =	sshll.u32 s1, $0xD;
	s1 =	sshrl.u32 s1, $0x2  }
0xb9: {  	s3 =	sand.u32 $0x4000, s31;
	s1 =	sadd.s32 s1, s30  }
0xba: {  	s0 =	sor.u32 s3, s0;
	s1 =	sshll.u32 s1, $0x11  }
0xbb: {  	s0 =	sor.u32 s1, s0  }
0xbc: {  	s0 =	sadd.s32 $0x8F2B, s0  }
0xbd: {  	[sflag:s0] =	ssyncadd.remote.s32 $0x1  }
0xbe: {  	_ =	sfence.sel $0xFFFF  }
0xbf: {  	[dreg:$0x0] =	wrdreg $0xFFFFFFFF;
	(pc) =	sbr.abs _section_cstart, $3  }
0xc0: {  	[dreg:$0x1] =	wrdreg $0xFFFFFFFF  }
0xc1: {  	_ =	task.clear_ibuf [dreg:s7], $0x2FFFF;
	_ =	strace $0x9FFFFFFF  }
0xc2: {  	(tm) =	ssettm $0x7FFFFFFF  }
0xc3: {  	_ =	shalt  }
tec
execute0_lowered:
.L_overlay_start_1:
0x0: {  	(tag) =	ssettag $0x1  }
0x1: {  	s0 =	rddreg [dreg:$0x0]  }
0x2: {  	s2 =	rddreg [dreg:$0x1];
	s3 =	simm.s32 $0x0  }
0x3: {  	s1 =	srdreg.scid;
	s4 =	stileid.u32;
	s14 =	simm.s32 $0x3  }
0x4: {  	s15 =	simm.s32 $0x38;
	s21 =	simm.s32 $0x1;
	s24 =	simm.s32 $0x15400  }
0x5: {  	s28 =	simm.s32 $0x16080;
	s1 =	sand.u32 $0x1, s1;
	s4 =	sshll.u32 s4, $0x1  }
0x6: {  	s30 =	simm.s32 $0x14600;
	s31 =	simm.s32 $0x16D00;
	s5 =	sor.u32 s1, s4  }
0x7: {  	s16 =	simm.s32 $0x0;
	[smem:$0x7FF] =	sst s3;
	s7 =	smul.u32 $0x32000, s5  }
0x8: {  	_ =	strace $0x80000047;
	s1 =	ssub.s32 $0x2, s1;
	s9 =	smul.u32 $0x190000, s5  }
0x9: {  	s4 =	sshll.u32 s5, $0xD;
	s8 =	sshrl.u32 s1, $0x1;
	s5 =	smul.u32 $0x3200, s5  }
0xa: {  	s6 =	sadd.s32 s4, s0;
	s4 =	sadd.s32 $0xF42E00, s0;
	s26 =	ssub.s32 s1, s8  }
0xb: {  	s0 =	simm.s32 $0x2;
	s6 =	sadd.s32 $0xA00, s6;
	s29 =	sshrl.u32 s9, $0x3  }
0xc: {  	s7 =	sadd.s32 s2, s7;
	s13 =	smax.u32 s26, $0x1;
	s1 =	sadd.s32 s2, s29  }
0xd: {  	s8 =	sadd.s32 $0x190, s7;
	s9 =	sadd.s32 $0x320, s7;
	s10 =	sadd.s32 $0x31B50, s1  }
0xe: {  	s11 =	sadd.s32 $0x31CE0, s1;
	s12 =	sadd.s32 $0x31E70, s1;
	s1 =	simm.s32 $0x19280  }
.LBB2_1:
0xf: {  	[tilespmem:s3], [sflag:$0x3] =	stream.linear.gather [hbm4b:s6+s3], $0x10000, $0x38;
	[tilespmem:$0x19F00] =	vst v63  }
0x10: {  	_ =	swait.ge [sflag:s14], $0x10000  }
0x11: {  	[sflag:s14] =	ssyncset.done $0x0  }
0x12: {  	s17 =	simm.s32 $0x10000;
	[sflag:s14] =	ssyncadd.s32 $0xFFFF0000  }
0x13: {  	[tilespmem:s17], [sflag:$0x1] =	stream.indirect.gather [hbm4b:s4+s15], $0x40, s3, s15, $0xb8;
	[tilespmem:$0x19F00] =	vst v63  }
0x14: {  	s25 =	simm.s32 $0x80;
	s18 =	simm.s32 $0x10E00  }
0x15: {  	[tilespmem:s18], [sflag:$0x1] =	stream.indirect.gather [hbm4b:s4+s15], $0x40, s25, s15, $0xb8;
	[tilespmem:$0x19F00] =	vst v63  }
0x16: {  	s26 =	simm.s32 $0x100;
	s29 =	simm.s32 $0x11C00  }
0x17: {  	[tilespmem:s29], [sflag:$0x1] =	stream.indirect.gather [hbm4b:s4+s15], $0x40, s26, s15, $0xb8;
	[tilespmem:$0x19F00] =	vst v63  }
0x18: {  	_ =	swait.ge [sflag:s21], $0xE00  }
0x19: {  	[sflag:s21] =	ssyncset.done $0x0  }
0x1a: {  	s20 =	simm.s32 $0x10140;
	[sflag:s21] =	ssyncadd.s32 $0xFFFFF200  }
0x1b: {  	v0 =	vld [tilespmem:s20+$0xC0];
	_ =	sdelay $0x2  }
0x1c: {  	v1 =	vld [tilespmem:s20+$0xFFFFFF40]  }
0x1d: {  	v2 =	vld [tilespmem:s20+$0xFFFFFFC0]  }
0x1e: {  	v3 =	vld [tilespmem:s20+$0xFFFFFEC0];
	v0 =	vmul.f32 $8.000000000e+00, v0  }
0x1f: {  	s17 =	simm.s32 $0x15540;
	v4 =	vld [tilespmem:s20+$0x40]  }
0x20: {  	[tilespmem:s17+$0xC0] =	vst v0  }
0x21: {  	v0 =	vmul.f32 $8.000000000e+00, v1;
	v1 =	vld [tilespmem:s20+$0xD0]  }
0x22: {  	v2 =	vmul.f32 $8.000000000e+00, v2  }
0x23: {  	[tilespmem:s17+$0xFFFFFF40] =	vst v0;
	v0 =	vmul.f32 $8.000000000e+00, v3  }
0x24: {  	[tilespmem:s17+$0xFFFFFFC0] =	vst v2;
	v3 =	vmul.f32 $8.000000000e+00, v4;
	v4 =	vld [tilespmem:s20+$0xFFFFFF50]  }
0x25: {  	v2 =	vld [tilespmem:s20+$0xFFFFFFD0];
	[tilespmem:s17+$0xFFFFFEC0] =	vst v0  }
0x26: {  	[tilespmem:s17+$0x40] =	vst v3;
	v0 =	vld [tilespmem:s20+$0xFFFFFED0];
	v1 =	vmul.f32 $8.000000000e+00, v1  }
0x27: {  	v3 =	vld [tilespmem:s20+$0x50]  }
0x28: {  	[tilespmem:s17+$0xD0] =	vst v1  }
0x29: {  	v1 =	vmul.f32 $8.000000000e+00, v4;
	v4 =	vld [tilespmem:s20+$0xE0]  }
0x2a: {  	v2 =	vmul.f32 $8.000000000e+00, v2  }
0x2b: {  	[tilespmem:s17+$0xFFFFFF50] =	vst v1;
	v0 =	vmul.f32 $8.000000000e+00, v0  }
0x2c: {  	[tilespmem:s17+$0xFFFFFFD0] =	vst v2;
	v1 =	vmul.f32 $8.000000000e+00, v3;
	v3 =	vld [tilespmem:s20+$0xFFFFFF60]  }
0x2d: {  	v2 =	vld [tilespmem:s20+$0xFFFFFFE0];
	[tilespmem:s17+$0xFFFFFED0] =	vst v0  }
0x2e: {  	[tilespmem:s17+$0x50] =	vst v1;
	v0 =	vld [tilespmem:s20+$0xFFFFFEE0];
	v1 =	vmul.f32 $8.000000000e+00, v4  }
0x2f: {  	v4 =	vld [tilespmem:s20+$0x60]  }
0x30: {  	[tilespmem:s17+$0xE0] =	vst v1  }
0x31: {  	v1 =	vmul.f32 $8.000000000e+00, v3;
	v3 =	vld [tilespmem:s20+$0xF0]  }
0x32: {  	v2 =	vmul.f32 $8.000000000e+00, v2  }
0x33: {  	[tilespmem:s17+$0xFFFFFF60] =	vst v1;
	v0 =	vmul.f32 $8.000000000e+00, v0  }
0x34: {  	[tilespmem:s17+$0xFFFFFFE0] =	vst v2;
	v1 =	vmul.f32 $8.000000000e+00, v4;
	v4 =	vld [tilespmem:s20+$0xFFFFFF70]  }
0x35: {  	v2 =	vld [tilespmem:s20+$0xFFFFFFF0];
	[tilespmem:s17+$0xFFFFFEE0] =	vst v0  }
0x36: {  	[tilespmem:s17+$0x60] =	vst v1;
	v0 =	vld [tilespmem:s20+$0xFFFFFEF0];
	v1 =	vmul.f32 $8.000000000e+00, v3  }
0x37: {  	v3 =	vld [tilespmem:s20+$0x70]  }
0x38: {  	[tilespmem:s17+$0xF0] =	vst v1  }
0x39: {  	v1 =	vmul.f32 $8.000000000e+00, v4;
	v4 =	vld [tilespmem:s20+$0x100]  }
0x3a: {  	s18 =	simm.s32 $0x103C0;
	v2 =	vmul.f32 $8.000000000e+00, v2  }
0x3b: {  	v5 =	vld [tilespmem:s18+$0xC0];
	[tilespmem:s17+$0xFFFFFF70] =	vst v1;
	v0 =	vmul.f32 $8.000000000e+00, v0  }
0x3c: {  	[tilespmem:s17+$0xFFFFFFF0] =	vst v2;
	v1 =	vmul.f32 $8.000000000e+00, v3;
	v3 =	vld [tilespmem:s20+$0xFFFFFF80]  }
0x3d: {  	v2 =	vld [tilespmem:s20+$0x0];
	[tilespmem:s17+$0xFFFFFEF0] =	vst v0  }
0x3e: {  	[tilespmem:s17+$0x70] =	vst v1;
	v0 =	vld [tilespmem:s20+$0xFFFFFF00];
	v1 =	vmul.f32 $8.000000000e+00, v4;
	_ =	sdelay $0x1  }
0x3f: {  	v5 =	vmul.f32 $8.000000000e+00, v5;
	v4 =	vld [tilespmem:s20+$0x80];
	[tilespmem:s17+$0x100] =	vst v1  }
0x40: {  	s19 =	simm.s32 $0x157C0;
	v1 =	vmul.f32 $8.000000000e+00, v3;
	v3 =	vld [tilespmem:s20+$0x110]  }
0x41: {  	v6 =	vld [tilespmem:s18+$0xFFFFFF40];
	[tilespmem:s19+$0xC0] =	vst v5;
	v2 =	vmul.f32 $8.000000000e+00, v2  }
0x42: {  	[tilespmem:s17+$0xFFFFFF80] =	vst v1;
	v0 =	vmul.f32 $8.000000000e+00, v0;
	v1 =	vld [tilespmem:s18+$0xFFFFFFC0]  }
0x43: {  	[tilespmem:s17+$0x0] =	vst v2;
	v2 =	vld [tilespmem:s18+$0x40]  }
0x44: {  	v4 =	vmul.f32 $8.000000000e+00, v4;
	[tilespmem:s17+$0xFFFFFF00] =	vst v0;
	v0 =	vld [tilespmem:s18+$0xFFFFFEC0]  }
0x45: {  	v7 =	vld [tilespmem:s18+$0xD0];
	v3 =	vmul.f32 $8.000000000e+00, v3  }
0x46: {  	v6 =	vmul.f32 $8.000000000e+00, v6;
	[tilespmem:s17+$0x80] =	vst v4;
	v4 =	vld [tilespmem:s20+$0xFFFFFF10]  }
0x47: {  	v5 =	vld [tilespmem:s20+$0xFFFFFF90];
	v1 =	vmul.f32 $8.000000000e+00, v1;
	[tilespmem:s17+$0x110] =	vst v3  }
0x48: {  	[tilespmem:s19+$0xFFFFFF40] =	vst v6;
	v2 =	vmul.f32 $8.000000000e+00, v2;
	v3 =	vld [tilespmem:s20+$0x120]  }
0x49: {  	v6 =	vld [tilespmem:s18+$0xFFFFFF50];
	v0 =	vmul.f32 $8.000000000e+00, v0;
	[tilespmem:s19+$0xFFFFFFC0] =	vst v1  }
0x4a: {  	v7 =	vmul.f32 $8.000000000e+00, v7;
	[tilespmem:s19+$0x40] =	vst v2;
	v1 =	vld [tilespmem:s18+$0xFFFFFFD0]  }
0x4b: {  	v2 =	vmul.f32 $8.000000000e+00, v4;
	[tilespmem:s19+$0xFFFFFEC0] =	vst v0;
	v0 =	vld [tilespmem:s18+$0x50]  }
0x4c: {  	[tilespmem:s19+$0xD0] =	vst v7;
	v4 =	vmul.f32 $8.000000000e+00, v5;
	v5 =	vld [tilespmem:s18+$0xFFFFFED0]  }
0x4d: {  	v7 =	vld [tilespmem:s18+$0xE0];
	[tilespmem:s17+$0xFFFFFF10] =	vst v2;
	v3 =	vmul.f32 $8.000000000e+00, v3  }
0x4e: {  	[tilespmem:s17+$0xFFFFFF90] =	vst v4;
	v2 =	vld [tilespmem:s20+$0x10];
	v4 =	vmul.f32 $8.000000000e+00, v6  }
0x4f: {  	v6 =	vld [tilespmem:s20+$0x90];
	v1 =	vmul.f32 $8.000000000e+00, v1;
	[tilespmem:s17+$0x120] =	vst v3  }
0x50: {  	[tilespmem:s19+$0xFFFFFF50] =	vst v4;
	v0 =	vmul.f32 $8.000000000e+00, v0;
	v3 =	vld [tilespmem:s20+$0x130]  }
0x51: {  	v4 =	vmul.f32 $8.000000000e+00, v5;
	v5 =	vld [tilespmem:s18+$0xFFFFFF60];
	[tilespmem:s19+$0xFFFFFFD0] =	vst v1  }
0x52: {  	v7 =	vmul.f32 $8.000000000e+00, v7;
	v1 =	vld [tilespmem:s18+$0xFFFFFFE0];
	[tilespmem:s19+$0x50] =	vst v0  }
0x53: {  	v0 =	vmul.f32 $8.000000000e+00, v2;
	[tilespmem:s19+$0xFFFFFED0] =	vst v4;
	v2 =	vld [tilespmem:s18+$0x60]  }
0x54: {  	[tilespmem:s19+$0xE0] =	vst v7;
	v4 =	vmul.f32 $8.000000000e+00, v6;
	v6 =	vld [tilespmem:s18+$0xFFFFFEE0]  }
0x55: {  	[tilespmem:s17+$0x10] =	vst v0;
	v0 =	vld [tilespmem:s20+$0xFFFFFF20];
	v3 =	vmul.f32 $8.000000000e+00, v3  }
0x56: {  	[tilespmem:s17+$0x90] =	vst v4;
	v4 =	vmul.f32 $8.000000000e+00, v5;
	v5 =	vld [tilespmem:s20+$0xFFFFFFA0]  }
0x57: {  	v7 =	vld [tilespmem:s20+$0x20];
	v1 =	vmul.f32 $8.000000000e+00, v1;
	[tilespmem:s17+$0x130] =	vst v3  }
0x58: {  	[tilespmem:s19+$0xFFFFFF60] =	vst v4;
	v2 =	vmul.f32 $8.000000000e+00, v2;
	v3 =	vld [tilespmem:s18+$0xF0]  }
0x59: {  	v4 =	vmul.f32 $8.000000000e+00, v6;
	v6 =	vld [tilespmem:s18+$0xFFFFFF70];
	[tilespmem:s19+$0xFFFFFFE0] =	vst v1  }
0x5a: {  	v0 =	vmul.f32 $8.000000000e+00, v0;
	v1 =	vld [tilespmem:s18+$0xFFFFFFF0];
	[tilespmem:s19+$0x60] =	vst v2  }
0x5b: {  	[tilespmem:s19+$0xFFFFFEE0] =	vst v4;
	v2 =	vld [tilespmem:s18+$0x70];
	v4 =	vmul.f32 $8.000000000e+00, v5  }
0x5c: {  	[tilespmem:s17+$0xFFFFFF20] =	vst v0;
	v0 =	vmul.f32 $8.000000000e+00, v7;
	v5 =	vld [tilespmem:s18+$0xFFFFFEF0]  }
0x5d: {  	v3 =	vmul.f32 $8.000000000e+00, v3;
	[tilespmem:s17+$0xFFFFFFA0] =	vst v4;
	v4 =	vld [tilespmem:s20+$0xA0]  }
0x5e: {  	v7 =	vld [tilespmem:s20+$0xFFFFFF30];
	[tilespmem:s17+$0x20] =	vst v0;
	v6 =	vmul.f32 $8.000000000e+00, v6  }
0x5f: {  	v0 =	vmul.f32 $8.000000000e+00, v1;
	[tilespmem:s19+$0xF0] =	vst v3;
	v1 =	vld [tilespmem:s20+$0xFFFFFFB0]  }
0x60: {  	[tilespmem:s19+$0xFFFFFF70] =	vst v6;
	v3 =	vmul.f32 $8.000000000e+00, v2;
	v6 =	vld [tilespmem:s18+$0x100]  }
0x61: {  	v5 =	vmul.f32 $8.000000000e+00, v5;
	v8 =	vld [tilespmem:s18+$0xFFFFFF80];
	[tilespmem:s19+$0xFFFFFFF0] =	vst v0  }
0x62: {  	v2 =	vld [tilespmem:s18+$0x0];
	[tilespmem:s19+$0x70] =	vst v3;
	v0 =	vmul.f32 $8.000000000e+00, v4  }
0x63: {  	[tilespmem:s19+$0xFFFFFEF0] =	vst v5;
	v3 =	vld [tilespmem:s18+$0x80];
	v5 =	vmul.f32 $8.000000000e+00, v7  }
0x64: {  	v4 =	vld [tilespmem:s18+$0xFFFFFF00];
	v1 =	vmul.f32 $8.000000000e+00, v1;
	[tilespmem:s17+$0xA0] =	vst v0  }
0x65: {  	v0 =	vld [tilespmem:s20+$0x30];
	[tilespmem:s17+$0xFFFFFF30] =	vst v5;
	v6 =	vmul.f32 $8.000000000e+00, v6  }
0x66: {  	s22 =	simm.s32 $0x5;
	s23 =	simm.s32 $0x10640;
	v5 =	vmul.f32 $8.000000000e+00, v8;
	[tilespmem:s17+$0xFFFFFFB0] =	vst v1;
	v1 =	vld [tilespmem:s20+$0xB0]  }
.LBB2_2:
0x67: {  	v7 =	vld [tilespmem:s23+$0xC0];
	v2 =	vmul.f32 $8.000000000e+00, v2;
	[tilespmem:s19+$0x100] =	vst v6  }
0x68: {  	s22 =	sadd.s32 $0x5, s22;
	[tilespmem:s19+$0xFFFFFF80] =	vst v5;
	v3 =	vmul.f32 $8.000000000e+00, v3;
	v5 =	vld [tilespmem:s18+$0x110]  }
0x69: {  	p0 =	slt.u32 s22, $0x14;
	v6 =	vld [tilespmem:s23+$0xFFFFFF40];
	v4 =	vmul.f32 $8.000000000e+00, v4;
	[tilespmem:s19+$0x0] =	vst v2  }
0x6a: {  	v2 =	vld [tilespmem:s23+$0xFFFFFFC0];
	[tilespmem:s19+$0x80] =	vst v3;
	v0 =	vmul.f32 $8.000000000e+00, v0  }
0x6b: {  	v3 =	vld [tilespmem:s23+$0x40];
	[tilespmem:s19+$0xFFFFFF00] =	vst v4;
	v1 =	vmul.f32 $8.000000000e+00, v1  }
0x6c: {  	v4 =	vld [tilespmem:s23+$0xFFFFFEC0];
	v7 =	vmul.f32 $8.000000000e+00, v7;
	[tilespmem:s17+$0x30] =	vst v0  }
0x6d: {  	v0 =	vld [tilespmem:s18+$0xFFFFFF10];
	v5 =	vmul.f32 $8.000000000e+00, v5;
	[tilespmem:s17+$0xB0] =	vst v1;
	s17 =	smov.u32 s19;
	s19 =	sadd.s32 $0x280, s19  }
0x6e: {  	v1 =	vmul.f32 $8.000000000e+00, v6;
	[tilespmem:s19+$0xC0] =	vst v7;
	v6 =	vld [tilespmem:s18+$0xFFFFFF90]  }
0x6f: {  	v2 =	vmul.f32 $8.000000000e+00, v2;
	v7 =	vld [tilespmem:s23+$0xD0];
	[tilespmem:s17+$0x110] =	vst v5  }
0x70: {  	[tilespmem:s19+$0xFFFFFF40] =	vst v1;
	v1 =	vmul.f32 $8.000000000e+00, v3;
	v3 =	vld [tilespmem:s18+$0x120]  }
0x71: {  	v4 =	vmul.f32 $8.000000000e+00, v4;
	v5 =	vld [tilespmem:s23+$0xFFFFFF50];
	[tilespmem:s19+$0xFFFFFFC0] =	vst v2  }
0x72: {  	v2 =	vld [tilespmem:s23+$0xFFFFFFD0];
	[tilespmem:s19+$0x40] =	vst v1;
	v0 =	vmul.f32 $8.000000000e+00, v0  }
0x73: {  	[tilespmem:s19+$0xFFFFFEC0] =	vst v4;
	v1 =	vld [tilespmem:s23+$0x50];
	v4 =	vmul.f32 $8.000000000e+00, v6  }
0x74: {  	v6 =	vld [tilespmem:s23+$0xFFFFFED0];
	v7 =	vmul.f32 $8.000000000e+00, v7;
	[tilespmem:s17+$0xFFFFFF10] =	vst v0  }
0x75: {  	[tilespmem:s17+$0xFFFFFF90] =	vst v4;
	v0 =	vld [tilespmem:s18+$0x10];
	v3 =	vmul.f32 $8.000000000e+00, v3  }
0x76: {  	v4 =	vmul.f32 $8.000000000e+00, v5;
	[tilespmem:s19+$0xD0] =	vst v7;
	v5 =	vld [tilespmem:s18+$0x90]  }
0x77: {  	v2 =	vmul.f32 $8.000000000e+00, v2;
	v7 =	vld [tilespmem:s23+$0xE0];
	[tilespmem:s17+$0x120] =	vst v3  }
0x78: {  	[tilespmem:s19+$0xFFFFFF50] =	vst v4;
	v1 =	vmul.f32 $8.000000000e+00, v1;
	v3 =	vld [tilespmem:s18+$0x130]  }
0x79: {  	v4 =	vmul.f32 $8.000000000e+00, v6;
	v6 =	vld [tilespmem:s23+$0xFFFFFF60];
	[tilespmem:s19+$0xFFFFFFD0] =	vst v2  }
0x7a: {  	v2 =	vld [tilespmem:s23+$0xFFFFFFE0];
	[tilespmem:s19+$0x50] =	vst v1;
	v0 =	vmul.f32 $8.000000000e+00, v0  }
0x7b: {  	[tilespmem:s19+$0xFFFFFED0] =	vst v4;
	v1 =	vld [tilespmem:s23+$0x60];
	v4 =	vmul.f32 $8.000000000e+00, v5  }
0x7c: {  	v5 =	vld [tilespmem:s23+$0xFFFFFEE0];
	v7 =	vmul.f32 $8.000000000e+00, v7;
	[tilespmem:s17+$0x10] =	vst v0  }
0x7d: {  	v0 =	vld [tilespmem:s18+$0xFFFFFF20];
	[tilespmem:s17+$0x90] =	vst v4;
	v3 =	vmul.f32 $8.000000000e+00, v3  }
0x7e: {  	v4 =	vmul.f32 $8.000000000e+00, v6;
	[tilespmem:s19+$0xE0] =	vst v7;
	v6 =	vld [tilespmem:s18+$0xFFFFFFA0]  }
0x7f: {  	v2 =	vmul.f32 $8.000000000e+00, v2;
	v7 =	vld [tilespmem:s18+$0x20];
	[tilespmem:s17+$0x130] =	vst v3  }
0x80: {  	[tilespmem:s19+$0xFFFFFF60] =	vst v4;
	v1 =	vmul.f32 $8.000000000e+00, v1;
	v3 =	vld [tilespmem:s23+$0xF0]  }
0x81: {  	v4 =	vmul.f32 $8.000000000e+00, v5;
	v5 =	vld [tilespmem:s23+$0xFFFFFF70];
	[tilespmem:s19+$0xFFFFFFE0] =	vst v2  }
0x82: {  	v2 =	vld [tilespmem:s23+$0xFFFFFFF0];
	[tilespmem:s19+$0x60] =	vst v1;
	v0 =	vmul.f32 $8.000000000e+00, v0  }
0x83: {  	[tilespmem:s19+$0xFFFFFEE0] =	vst v4;
	v1 =	vld [tilespmem:s23+$0x70];
	v4 =	vmul.f32 $8.000000000e+00, v6  }
0x84: {  	v6 =	vld [tilespmem:s23+$0xFFFFFEF0];
	[tilespmem:s17+$0xFFFFFF20] =	vst v0;
	v0 =	vmul.f32 $8.000000000e+00, v7  }
0x85: {  	v3 =	vmul.f32 $8.000000000e+00, v3;
	[tilespmem:s17+$0xFFFFFFA0] =	vst v4;
	v4 =	vld [tilespmem:s18+$0xA0]  }
0x86: {  	v5 =	vmul.f32 $8.000000000e+00, v5;
	v7 =	vld [tilespmem:s18+$0xFFFFFF30];
	[tilespmem:s17+$0x20] =	vst v0  }
0x87: {  	v0 =	vmul.f32 $8.000000000e+00, v2;
	[tilespmem:s19+$0xF0] =	vst v3;
	v8 =	vld [tilespmem:s18+$0xFFFFFFB0]  }
0x88: {  	[tilespmem:s19+$0xFFFFFF70] =	vst v5;
	v1 =	vmul.f32 $8.000000000e+00, v1;
	v5 =	vld [tilespmem:s23+$0x100]  }
0x89: {  	v3 =	vmul.f32 $8.000000000e+00, v6;
	v9 =	vld [tilespmem:s23+$0xFFFFFF80];
	[tilespmem:s19+$0xFFFFFFF0] =	vst v0  }
.Ltmp0:
0x8a: {  	v2 =	vld [tilespmem:s23+$0x0];
	[tilespmem:s19+$0x70] =	vst v1;
	v0 =	vmul.f32 $8.000000000e+00, v4;
	(pc) =	sbr.rel @p0 .LBB2_2-.Ltmp0, $4  }
0x8b: {  	[tilespmem:s19+$0xFFFFFEF0] =	vst v3;
	v3 =	vld [tilespmem:s23+$0x80];
	v1 =	vmul.f32 $8.000000000e+00, v7  }
0x8c: {  	v4 =	vld [tilespmem:s23+$0xFFFFFF00];
	v7 =	vmul.f32 $8.000000000e+00, v8;
	[tilespmem:s17+$0xA0] =	vst v0  }
0x8d: {  	v6 =	vmul.f32 $8.000000000e+00, v5;
	[tilespmem:s17+$0xFFFFFF30] =	vst v1;
	v0 =	vld [tilespmem:s18+$0x30]  }
0x8e: {  	v5 =	vmul.f32 $8.000000000e+00, v9;
	[tilespmem:s17+$0xFFFFFFB0] =	vst v7;
	v1 =	vld [tilespmem:s18+$0xB0];
	s18 =	smov.u32 s23;
	s23 =	sadd.s32 $0x280, s23  }
0x8f: {  	_ =	sdelay $0x1  }
0x90: {  	v4 =	vmul.f32 $8.000000000e+00, v4  }
0x91: {  	[tilespmem:s19+$0x100] =	vst v6  }
0x92: {  	v2 =	vmul.f32 $8.000000000e+00, v2;
	v6 =	vld [tilespmem:s18+$0x110];
	[tilespmem:s19+$0xFFFFFF00] =	vst v4  }
0x93: {  	[tilespmem:s19+$0xFFFFFF80] =	vst v5;
	v3 =	vmul.f32 $8.000000000e+00, v3;
	v4 =	vld [tilespmem:s18+$0xFFFFFF10]  }
0x94: {  	[tilespmem:s19+$0x0] =	vst v2;
	v2 =	vld [tilespmem:s18+$0xFFFFFF90]  }
0x95: {  	[tilespmem:s19+$0x80] =	vst v3;
	v3 =	vld [tilespmem:s18+$0x10]  }
0x96: {  	v5 =	vld [tilespmem:s18+$0x90]  }
0x97: {  	v6 =	vmul.f32 $8.000000000e+00, v6  }
0x98: {  	v4 =	vmul.f32 $8.000000000e+00, v4  }
0x99: {  	v2 =	vmul.f32 $8.000000000e+00, v2;
	[tilespmem:s19+$0x110] =	vst v6  }
0x9a: {  	v3 =	vmul.f32 $8.000000000e+00, v3;
	v6 =	vld [tilespmem:s18+$0x120];
	[tilespmem:s19+$0xFFFFFF10] =	vst v4  }
0x9b: {  	[tilespmem:s19+$0xFFFFFF90] =	vst v2;
	v2 =	vmul.f32 $8.000000000e+00, v5;
	v4 =	vld [tilespmem:s18+$0xFFFFFF20]  }
0x9c: {  	[tilespmem:s19+$0x10] =	vst v3;
	v3 =	vld [tilespmem:s18+$0xFFFFFFA0]  }
0x9d: {  	[tilespmem:s19+$0x90] =	vst v2;
	v2 =	vld [tilespmem:s18+$0x20]  }
0x9e: {  	v5 =	vld [tilespmem:s18+$0xA0]  }
0x9f: {  	v6 =	vmul.f32 $8.000000000e+00, v6  }
0xa0: {  	v4 =	vmul.f32 $8.000000000e+00, v4  }
0xa1: {  	v3 =	vmul.f32 $8.000000000e+00, v3;
	[tilespmem:s19+$0x120] =	vst v6  }
0xa2: {  	v2 =	vmul.f32 $8.000000000e+00, v2;
	v6 =	vld [tilespmem:s18+$0x130];
	[tilespmem:s19+$0xFFFFFF20] =	vst v4  }
0xa3: {  	[tilespmem:s19+$0xFFFFFFA0] =	vst v3;
	v4 =	vmul.f32 $8.000000000e+00, v5;
	v3 =	vld [tilespmem:s18+$0xFFFFFF30]  }
0xa4: {  	[tilespmem:s19+$0x20] =	vst v2;
	v2 =	vld [tilespmem:s18+$0xFFFFFFB0]  }
0xa5: {  	v0 =	vmul.f32 $8.000000000e+00, v0;
	[tilespmem:s19+$0xA0] =	vst v4;
	v4 =	vld [tilespmem:s18+$0x30]  }
0xa6: {  	v1 =	vmul.f32 $8.000000000e+00, v1;
	v5 =	vld [tilespmem:s18+$0xB0]  }
0xa7: {  	[tilespmem:s17+$0x30] =	vst v0;
	v0 =	vmul.f32 $8.000000000e+00, v6  }
0xa8: {  	[tilespmem:s17+$0xB0] =	vst v1;
	v1 =	vmul.f32 $8.000000000e+00, v3  }
0xa9: {  	[tilespmem:s19+$0x130] =	vst v0;
	v0 =	vmul.f32 $8.000000000e+00, v2  }
0xaa: {  	[tilespmem:s19+$0xFFFFFF30] =	vst v1;
	v1 =	vmul.f32 $8.000000000e+00, v4  }
0xab: {  	[tilespmem:s19+$0xFFFFFFB0] =	vst v0;
	v0 =	vmul.f32 $8.000000000e+00, v5  }
0xac: {  	[tilespmem:s19+$0x30] =	vst v1  }
0xad: {  	s26 =	simm.s32 $0x180;
	s29 =	simm.s32 $0x12A00;
	[tilespmem:s19+$0xB0] =	vst v0  }
0xae: {  	[tilespmem:s29], [sflag:$0x1] =	stream.indirect.gather [hbm4b:s4+s15], $0x40, s26, s15, $0xb8;
	[tilespmem:$0x19F00] =	vst v63  }
0xaf: {  	_ = 	snop  }
0xb0: {  	[hbm4b:s7+s3] =	stream.linear.scatter [tilespmem:s24], [sflag:$0x2], $0xC80, $0x38;
	[tilespmem:$0x19F00] =	vst v63  }
0xb1: {  	_ =	swait.ge [sflag:s21], $0xE00  }
0xb2: {  	[sflag:s21] =	ssyncset.done $0x0  }
0xb3: {  	s20 =	simm.s32 $0x11070;
	[sflag:s21] =	ssyncadd.s32 $0xFFFFF200  }
0xb4: {  	v0 =	vld [tilespmem:s20+$0xFFFFFF90];
	_ =	sdelay $0x2  }
0xb5: {  	v1 =	vld [tilespmem:s20+$0xFFFFFE10]  }
0xb6: {  	v2 =	vld [tilespmem:s20+$0xFFFFFE90]  }
0xb7: {  	v3 =	vld [tilespmem:s20+$0xFFFFFD90];
	v0 =	vmul.f32 $8.000000000e+00, v0  }
0xb8: {  	s17 =	simm.s32 $0x162F0;
	v4 =	vld [tilespmem:s20+$0xFFFFFF10]  }
0xb9: {  	[tilespmem:s17+$0xFFFFFF90] =	vst v0  }
0xba: {  	v0 =	vmul.f32 $8.000000000e+00, v1;
	v1 =	vld [tilespmem:s20+$0xFFFFFFA0]  }
0xbb: {  	v2 =	vmul.f32 $8.000000000e+00, v2  }
0xbc: {  	[tilespmem:s17+$0xFFFFFE10] =	vst v0;
	v0 =	vmul.f32 $8.000000000e+00, v3  }
0xbd: {  	[tilespmem:s17+$0xFFFFFE90] =	vst v2;
	v3 =	vmul.f32 $8.000000000e+00, v4;
	v4 =	vld [tilespmem:s20+$0xFFFFFE20]  }
0xbe: {  	v2 =	vld [tilespmem:s20+$0xFFFFFEA0];
	[tilespmem:s17+$0xFFFFFD90] =	vst v0  }
0xbf: {  	[tilespmem:s17+$0xFFFFFF10] =	vst v3;
	v0 =	vld [tilespmem:s20+$0xFFFFFDA0];
	v1 =	vmul.f32 $8.000000000e+00, v1  }
0xc0: {  	v3 =	vld [tilespmem:s20+$0xFFFFFF20]  }
0xc1: {  	[tilespmem:s17+$0xFFFFFFA0] =	vst v1  }
0xc2: {  	v1 =	vmul.f32 $8.000000000e+00, v4;
	v4 =	vld [tilespmem:s20+$0xFFFFFFB0]  }
0xc3: {  	v2 =	vmul.f32 $8.000000000e+00, v2  }
0xc4: {  	[tilespmem:s17+$0xFFFFFE20] =	vst v1;
	v0 =	vmul.f32 $8.000000000e+00, v0  }
0xc5: {  	[tilespmem:s17+$0xFFFFFEA0] =	vst v2;
	v1 =	vmul.f32 $8.000000000e+00, v3;
	v3 =	vld [tilespmem:s20+$0xFFFFFE30]  }
0xc6: {  	v2 =	vld [tilespmem:s20+$0xFFFFFEB0];
	[tilespmem:s17+$0xFFFFFDA0] =	vst v0  }
0xc7: {  	[tilespmem:s17+$0xFFFFFF20] =	vst v1;
	v0 =	vld [tilespmem:s20+$0xFFFFFDB0];
	v1 =	vmul.f32 $8.000000000e+00, v4  }
0xc8: {  	v4 =	vld [tilespmem:s20+$0xFFFFFF30]  }
0xc9: {  	[tilespmem:s17+$0xFFFFFFB0] =	vst v1  }
0xca: {  	v1 =	vmul.f32 $8.000000000e+00, v3;
	v3 =	vld [tilespmem:s20+$0xFFFFFFC0]  }
0xcb: {  	v2 =	vmul.f32 $8.000000000e+00, v2  }
0xcc: {  	[tilespmem:s17+$0xFFFFFE30] =	vst v1;
	v0 =	vmul.f32 $8.000000000e+00, v0  }
0xcd: {  	[tilespmem:s17+$0xFFFFFEB0] =	vst v2;
	v1 =	vmul.f32 $8.000000000e+00, v4;
	v4 =	vld [tilespmem:s20+$0xFFFFFE40]  }
0xce: {  	v2 =	vld [tilespmem:s20+$0xFFFFFEC0];
	[tilespmem:s17+$0xFFFFFDB0] =	vst v0  }
0xcf: {  	[tilespmem:s17+$0xFFFFFF30] =	vst v1;
	v0 =	vld [tilespmem:s20+$0xFFFFFDC0];
	v1 =	vmul.f32 $8.000000000e+00, v3  }
0xd0: {  	v3 =	vld [tilespmem:s20+$0xFFFFFF40]  }
0xd1: {  	[tilespmem:s17+$0xFFFFFFC0] =	vst v1  }
0xd2: {  	v1 =	vmul.f32 $8.000000000e+00, v4;
	v4 =	vld [tilespmem:s20+$0xFFFFFFD0]  }
0xd3: {  	s18 =	simm.s32 $0x112F0;
	v2 =	vmul.f32 $8.000000000e+00, v2  }
0xd4: {  	v5 =	vld [tilespmem:s18+$0xFFFFFF90];
	[tilespmem:s17+$0xFFFFFE40] =	vst v1;
	v0 =	vmul.f32 $8.000000000e+00, v0  }
0xd5: {  	[tilespmem:s17+$0xFFFFFEC0] =	vst v2;
	v1 =	vmul.f32 $8.000000000e+00, v3;
	v3 =	vld [tilespmem:s20+$0xFFFFFE50]  }
0xd6: {  	v2 =	vld [tilespmem:s20+$0xFFFFFED0];
	[tilespmem:s17+$0xFFFFFDC0] =	vst v0  }
0xd7: {  	[tilespmem:s17+$0xFFFFFF40] =	vst v1;
	v0 =	vld [tilespmem:s20+$0xFFFFFDD0];
	v1 =	vmul.f32 $8.000000000e+00, v4;
	_ =	sdelay $0x1  }
0xd8: {  	v5 =	vmul.f32 $8.000000000e+00, v5;
	v4 =	vld [tilespmem:s20+$0xFFFFFF50];
	[tilespmem:s17+$0xFFFFFFD0] =	vst v1  }
0xd9: {  	s19 =	simm.s32 $0x16570;
	v1 =	vmul.f32 $8.000000000e+00, v3;
	v3 =	vld [tilespmem:s20+$0xFFFFFFE0]  }
0xda: {  	v6 =	vld [tilespmem:s18+$0xFFFFFE10];
	[tilespmem:s19+$0xFFFFFF90] =	vst v5;
	v2 =	vmul.f32 $8.000000000e+00, v2  }
0xdb: {  	[tilespmem:s17+$0xFFFFFE50] =	vst v1;
	v0 =	vmul.f32 $8.000000000e+00, v0;
	v1 =	vld [tilespmem:s18+$0xFFFFFE90]  }
0xdc: {  	[tilespmem:s17+$0xFFFFFED0] =	vst v2;
	v2 =	vld [tilespmem:s18+$0xFFFFFF10]  }
0xdd: {  	v4 =	vmul.f32 $8.000000000e+00, v4;
	[tilespmem:s17+$0xFFFFFDD0] =	vst v0;
	v0 =	vld [tilespmem:s18+$0xFFFFFD90]  }
0xde: {  	v7 =	vld [tilespmem:s18+$0xFFFFFFA0];
	v3 =	vmul.f32 $8.000000000e+00, v3  }
0xdf: {  	v6 =	vmul.f32 $8.000000000e+00, v6;
	[tilespmem:s17+$0xFFFFFF50] =	vst v4;
	v4 =	vld [tilespmem:s20+$0xFFFFFDE0]  }
0xe0: {  	v5 =	vld [tilespmem:s20+$0xFFFFFE60];
	v1 =	vmul.f32 $8.000000000e+00, v1;
	[tilespmem:s17+$0xFFFFFFE0] =	vst v3  }
0xe1: {  	[tilespmem:s19+$0xFFFFFE10] =	vst v6;
	v2 =	vmul.f32 $8.000000000e+00, v2;
	v3 =	vld [tilespmem:s20+$0xFFFFFFF0]  }
0xe2: {  	v6 =	vld [tilespmem:s18+$0xFFFFFE20];
	v0 =	vmul.f32 $8.000000000e+00, v0;
	[tilespmem:s19+$0xFFFFFE90] =	vst v1  }
0xe3: {  	v7 =	vmul.f32 $8.000000000e+00, v7;
	[tilespmem:s19+$0xFFFFFF10] =	vst v2;
	v1 =	vld [tilespmem:s18+$0xFFFFFEA0]  }
0xe4: {  	v2 =	vmul.f32 $8.000000000e+00, v4;
	[tilespmem:s19+$0xFFFFFD90] =	vst v0;
	v0 =	vld [tilespmem:s18+$0xFFFFFF20]  }
0xe5: {  	[tilespmem:s19+$0xFFFFFFA0] =	vst v7;
	v4 =	vmul.f32 $8.000000000e+00, v5;
	v5 =	vld [tilespmem:s18+$0xFFFFFDA0]  }
0xe6: {  	v7 =	vld [tilespmem:s18+$0xFFFFFFB0];
	[tilespmem:s17+$0xFFFFFDE0] =	vst v2;
	v3 =	vmul.f32 $8.000000000e+00, v3  }
0xe7: {  	[tilespmem:s17+$0xFFFFFE60] =	vst v4;
	v2 =	vld [tilespmem:s20+$0xFFFFFEE0];
	v4 =	vmul.f32 $8.000000000e+00, v6  }
0xe8: {  	v6 =	vld [tilespmem:s20+$0xFFFFFF60];
	v1 =	vmul.f32 $8.000000000e+00, v1;
	[tilespmem:s17+$0xFFFFFFF0] =	vst v3  }
0xe9: {  	[tilespmem:s19+$0xFFFFFE20] =	vst v4;
	v0 =	vmul.f32 $8.000000000e+00, v0;
	v3 =	vld [tilespmem:s20+$0x0]  }
0xea: {  	v4 =	vmul.f32 $8.000000000e+00, v5;
	v5 =	vld [tilespmem:s18+$0xFFFFFE30];
	[tilespmem:s19+$0xFFFFFEA0] =	vst v1  }
0xeb: {  	v7 =	vmul.f32 $8.000000000e+00, v7;
	v1 =	vld [tilespmem:s18+$0xFFFFFEB0];
	[tilespmem:s19+$0xFFFFFF20] =	vst v0  }
0xec: {  	v0 =	vmul.f32 $8.000000000e+00, v2;
	[tilespmem:s19+$0xFFFFFDA0] =	vst v4;
	v2 =	vld [tilespmem:s18+$0xFFFFFF30]  }
0xed: {  	[tilespmem:s19+$0xFFFFFFB0] =	vst v7;
	v4 =	vmul.f32 $8.000000000e+00, v6;
	v6 =	vld [tilespmem:s18+$0xFFFFFDB0]  }
0xee: {  	[tilespmem:s17+$0xFFFFFEE0] =	vst v0;
	v0 =	vld [tilespmem:s20+$0xFFFFFDF0];
	v3 =	vmul.f32 $8.000000000e+00, v3  }
0xef: {  	[tilespmem:s17+$0xFFFFFF60] =	vst v4;
	v4 =	vmul.f32 $8.000000000e+00, v5;
	v5 =	vld [tilespmem:s20+$0xFFFFFE70]  }
0xf0: {  	v7 =	vld [tilespmem:s20+$0xFFFFFEF0];
	v1 =	vmul.f32 $8.000000000e+00, v1;
	[tilespmem:s17+$0x0] =	vst v3  }
0xf1: {  	[tilespmem:s19+$0xFFFFFE30] =	vst v4;
	v2 =	vmul.f32 $8.000000000e+00, v2;
	v3 =	vld [tilespmem:s18+$0xFFFFFFC0]  }
0xf2: {  	v4 =	vmul.f32 $8.000000000e+00, v6;
	v6 =	vld [tilespmem:s18+$0xFFFFFE40];
	[tilespmem:s19+$0xFFFFFEB0] =	vst v1  }
0xf3: {  	v0 =	vmul.f32 $8.000000000e+00, v0;
	v1 =	vld [tilespmem:s18+$0xFFFFFEC0];
	[tilespmem:s19+$0xFFFFFF30] =	vst v2  }
0xf4: {  	[tilespmem:s19+$0xFFFFFDB0] =	vst v4;
	v2 =	vld [tilespmem:s18+$0xFFFFFF40];
	v4 =	vmul.f32 $8.000000000e+00, v5  }
0xf5: {  	[tilespmem:s17+$0xFFFFFDF0] =	vst v0;
	v0 =	vmul.f32 $8.000000000e+00, v7;
	v5 =	vld [tilespmem:s18+$0xFFFFFDC0]  }
0xf6: {  	v3 =	vmul.f32 $8.000000000e+00, v3;
	[tilespmem:s17+$0xFFFFFE70] =	vst v4;
	v4 =	vld [tilespmem:s20+$0xFFFFFF70]  }
0xf7: {  	v7 =	vld [tilespmem:s20+$0xFFFFFE00];
	[tilespmem:s17+$0xFFFFFEF0] =	vst v0;
	v6 =	vmul.f32 $8.000000000e+00, v6  }
0xf8: {  	v0 =	vmul.f32 $8.000000000e+00, v1;
	[tilespmem:s19+$0xFFFFFFC0] =	vst v3;
	v1 =	vld [tilespmem:s20+$0xFFFFFE80]  }
0xf9: {  	[tilespmem:s19+$0xFFFFFE40] =	vst v6;
	v3 =	vmul.f32 $8.000000000e+00, v2;
	v6 =	vld [tilespmem:s18+$0xFFFFFFD0]  }
0xfa: {  	v5 =	vmul.f32 $8.000000000e+00, v5;
	v8 =	vld [tilespmem:s18+$0xFFFFFE50];
	[tilespmem:s19+$0xFFFFFEC0] =	vst v0  }
0xfb: {  	v2 =	vld [tilespmem:s18+$0xFFFFFED0];
	[tilespmem:s19+$0xFFFFFF40] =	vst v3;
	v0 =	vmul.f32 $8.000000000e+00, v4  }
0xfc: {  	[tilespmem:s19+$0xFFFFFDC0] =	vst v5;
	v3 =	vld [tilespmem:s18+$0xFFFFFF50];
	v5 =	vmul.f32 $8.000000000e+00, v7  }
0xfd: {  	v4 =	vld [tilespmem:s18+$0xFFFFFDD0];
	v1 =	vmul.f32 $8.000000000e+00, v1;
	[tilespmem:s17+$0xFFFFFF70] =	vst v0  }
0xfe: {  	v0 =	vld [tilespmem:s20+$0xFFFFFF00];
	[tilespmem:s17+$0xFFFFFE00] =	vst v5;
	v6 =	vmul.f32 $8.000000000e+00, v6  }
0xff: {  	s22 =	simm.s32 $0x5;
	s23 =	simm.s32 $0x11570;
	v5 =	vmul.f32 $8.000000000e+00, v8;
	[tilespmem:s17+$0xFFFFFE80] =	vst v1;
	v1 =	vld [tilespmem:s20+$0xFFFFFF80]  }
.LBB2_4:
0x100: {  	v7 =	vld [tilespmem:s23+$0xFFFFFF90];
	v2 =	vmul.f32 $8.000000000e+00, v2;
	[tilespmem:s19+$0xFFFFFFD0] =	vst v6  }
0x101: {  	s22 =	sadd.s32 $0x5, s22;
	[tilespmem:s19+$0xFFFFFE50] =	vst v5;
	v3 =	vmul.f32 $8.000000000e+00, v3;
	v5 =	vld [tilespmem:s18+$0xFFFFFFE0]  }
0x102: {  	p0 =	slt.u32 s22, $0x14;
	v6 =	vld [tilespmem:s23+$0xFFFFFE10];
	v4 =	vmul.f32 $8.000000000e+00, v4;
	[tilespmem:s19+$0xFFFFFED0] =	vst v2  }
0x103: {  	v2 =	vld [tilespmem:s23+$0xFFFFFE90];
	[tilespmem:s19+$0xFFFFFF50] =	vst v3;
	v0 =	vmul.f32 $8.000000000e+00, v0  }
0x104: {  	v3 =	vld [tilespmem:s23+$0xFFFFFF10];
	[tilespmem:s19+$0xFFFFFDD0] =	vst v4;
	v1 =	vmul.f32 $8.000000000e+00, v1  }
0x105: {  	v4 =	vld [tilespmem:s23+$0xFFFFFD90];
	v7 =	vmul.f32 $8.000000000e+00, v7;
	[tilespmem:s17+$0xFFFFFF00] =	vst v0  }
0x106: {  	v0 =	vld [tilespmem:s18+$0xFFFFFDE0];
	v5 =	vmul.f32 $8.000000000e+00, v5;
	[tilespmem:s17+$0xFFFFFF80] =	vst v1;
	s17 =	smov.u32 s19;
	s19 =	sadd.s32 $0x280, s19  }
0x107: {  	v1 =	vmul.f32 $8.000000000e+00, v6;
	[tilespmem:s19+$0xFFFFFF90] =	vst v7;
	v6 =	vld [tilespmem:s18+$0xFFFFFE60]  }
0x108: {  	v2 =	vmul.f32 $8.000000000e+00, v2;
	v7 =	vld [tilespmem:s23+$0xFFFFFFA0];
	[tilespmem:s17+$0xFFFFFFE0] =	vst v5  }
0x109: {  	[tilespmem:s19+$0xFFFFFE10] =	vst v1;
	v1 =	vmul.f32 $8.000000000e+00, v3;
	v3 =	vld [tilespmem:s18+$0xFFFFFFF0]  }
0x10a: {  	v4 =	vmul.f32 $8.000000000e+00, v4;
	v5 =	vld [tilespmem:s23+$0xFFFFFE20];
	[tilespmem:s19+$0xFFFFFE90] =	vst v2  }
0x10b: {  	v2 =	vld [tilespmem:s23+$0xFFFFFEA0];
	[tilespmem:s19+$0xFFFFFF10] =	vst v1;
	v0 =	vmul.f32 $8.000000000e+00, v0  }
0x10c: {  	[tilespmem:s19+$0xFFFFFD90] =	vst v4;
	v1 =	vld [tilespmem:s23+$0xFFFFFF20];
	v4 =	vmul.f32 $8.000000000e+00, v6  }
0x10d: {  	v6 =	vld [tilespmem:s23+$0xFFFFFDA0];
	v7 =	vmul.f32 $8.000000000e+00, v7;
	[tilespmem:s17+$0xFFFFFDE0] =	vst v0  }
0x10e: {  	[tilespmem:s17+$0xFFFFFE60] =	vst v4;
	v0 =	vld [tilespmem:s18+$0xFFFFFEE0];
	v3 =	vmul.f32 $8.000000000e+00, v3  }
0x10f: {  	v4 =	vmul.f32 $8.000000000e+00, v5;
	[tilespmem:s19+$0xFFFFFFA0] =	vst v7;
	v5 =	vld [tilespmem:s18+$0xFFFFFF60]  }
0x110: {  	v2 =	vmul.f32 $8.000000000e+00, v2;
	v7 =	vld [tilespmem:s23+$0xFFFFFFB0];
	[tilespmem:s17+$0xFFFFFFF0] =	vst v3  }
0x111: {  	[tilespmem:s19+$0xFFFFFE20] =	vst v4;
	v1 =	vmul.f32 $8.000000000e+00, v1;
	v3 =	vld [tilespmem:s18+$0x0]  }
0x112: {  	v4 =	vmul.f32 $8.000000000e+00, v6;
	v6 =	vld [tilespmem:s23+$0xFFFFFE30];
	[tilespmem:s19+$0xFFFFFEA0] =	vst v2  }
0x113: {  	v2 =	vld [tilespmem:s23+$0xFFFFFEB0];
	[tilespmem:s19+$0xFFFFFF20] =	vst v1;
	v0 =	vmul.f32 $8.000000000e+00, v0  }
0x114: {  	[tilespmem:s19+$0xFFFFFDA0] =	vst v4;
	v1 =	vld [tilespmem:s23+$0xFFFFFF30];
	v4 =	vmul.f32 $8.000000000e+00, v5  }
0x115: {  	v5 =	vld [tilespmem:s23+$0xFFFFFDB0];
	v7 =	vmul.f32 $8.000000000e+00, v7;
	[tilespmem:s17+$0xFFFFFEE0] =	vst v0  }
0x116: {  	v0 =	vld [tilespmem:s18+$0xFFFFFDF0];
	[tilespmem:s17+$0xFFFFFF60] =	vst v4;
	v3 =	vmul.f32 $8.000000000e+00, v3  }
0x117: {  	v4 =	vmul.f32 $8.000000000e+00, v6;
	[tilespmem:s19+$0xFFFFFFB0] =	vst v7;
	v6 =	vld [tilespmem:s18+$0xFFFFFE70]  }
0x118: {  	v2 =	vmul.f32 $8.000000000e+00, v2;
	v7 =	vld [tilespmem:s18+$0xFFFFFEF0];
	[tilespmem:s17+$0x0] =	vst v3  }
0x119: {  	[tilespmem:s19+$0xFFFFFE30] =	vst v4;
	v1 =	vmul.f32 $8.000000000e+00, v1;
	v3 =	vld [tilespmem:s23+$0xFFFFFFC0]  }
0x11a: {  	v4 =	vmul.f32 $8.000000000e+00, v5;
	v5 =	vld [tilespmem:s23+$0xFFFFFE40];
	[tilespmem:s19+$0xFFFFFEB0] =	vst v2  }
0x11b: {  	v2 =	vld [tilespmem:s23+$0xFFFFFEC0];
	[tilespmem:s19+$0xFFFFFF30] =	vst v1;
	v0 =	vmul.f32 $8.000000000e+00, v0  }
0x11c: {  	[tilespmem:s19+$0xFFFFFDB0] =	vst v4;
	v1 =	vld [tilespmem:s23+$0xFFFFFF40];
	v4 =	vmul.f32 $8.000000000e+00, v6  }
0x11d: {  	v6 =	vld [tilespmem:s23+$0xFFFFFDC0];
	[tilespmem:s17+$0xFFFFFDF0] =	vst v0;
	v0 =	vmul.f32 $8.000000000e+00, v7  }
0x11e: {  	v3 =	vmul.f32 $8.000000000e+00, v3;
	[tilespmem:s17+$0xFFFFFE70] =	vst v4;
	v4 =	vld [tilespmem:s18+$0xFFFFFF70]  }
0x11f: {  	v5 =	vmul.f32 $8.000000000e+00, v5;
	v7 =	vld [tilespmem:s18+$0xFFFFFE00];
	[tilespmem:s17+$0xFFFFFEF0] =	vst v0  }
0x120: {  	v0 =	vmul.f32 $8.000000000e+00, v2;
	[tilespmem:s19+$0xFFFFFFC0] =	vst v3;
	v8 =	vld [tilespmem:s18+$0xFFFFFE80]  }
0x121: {  	[tilespmem:s19+$0xFFFFFE40] =	vst v5;
	v1 =	vmul.f32 $8.000000000e+00, v1;
	v5 =	vld [tilespmem:s23+$0xFFFFFFD0]  }
0x122: {  	v3 =	vmul.f32 $8.000000000e+00, v6;
	v9 =	vld [tilespmem:s23+$0xFFFFFE50];
	[tilespmem:s19+$0xFFFFFEC0] =	vst v0  }
.Ltmp1:
0x123: {  	v2 =	vld [tilespmem:s23+$0xFFFFFED0];
	[tilespmem:s19+$0xFFFFFF40] =	vst v1;
	v0 =	vmul.f32 $8.000000000e+00, v4;
	(pc) =	sbr.rel @p0 .LBB2_4-.Ltmp1, $4  }
0x124: {  	[tilespmem:s19+$0xFFFFFDC0] =	vst v3;
	v3 =	vld [tilespmem:s23+$0xFFFFFF50];
	v1 =	vmul.f32 $8.000000000e+00, v7  }
0x125: {  	v4 =	vld [tilespmem:s23+$0xFFFFFDD0];
	v7 =	vmul.f32 $8.000000000e+00, v8;
	[tilespmem:s17+$0xFFFFFF70] =	vst v0  }
0x126: {  	v6 =	vmul.f32 $8.000000000e+00, v5;
	[tilespmem:s17+$0xFFFFFE00] =	vst v1;
	v0 =	vld [tilespmem:s18+$0xFFFFFF00]  }
0x127: {  	v5 =	vmul.f32 $8.000000000e+00, v9;
	[tilespmem:s17+$0xFFFFFE80] =	vst v7;
	v1 =	vld [tilespmem:s18+$0xFFFFFF80];
	s18 =	smov.u32 s23;
	s23 =	sadd.s32 $0x280, s23  }
0x128: {  	_ =	sdelay $0x1  }
0x129: {  	v4 =	vmul.f32 $8.000000000e+00, v4  }
0x12a: {  	[tilespmem:s19+$0xFFFFFFD0] =	vst v6  }
0x12b: {  	v2 =	vmul.f32 $8.000000000e+00, v2;
	v6 =	vld [tilespmem:s18+$0xFFFFFFE0];
	[tilespmem:s19+$0xFFFFFDD0] =	vst v4  }
0x12c: {  	[tilespmem:s19+$0xFFFFFE50] =	vst v5;
	v3 =	vmul.f32 $8.000000000e+00, v3;
	v4 =	vld [tilespmem:s18+$0xFFFFFDE0]  }
0x12d: {  	[tilespmem:s19+$0xFFFFFED0] =	vst v2;
	v2 =	vld [tilespmem:s18+$0xFFFFFE60]  }
0x12e: {  	[tilespmem:s19+$0xFFFFFF50] =	vst v3;
	v3 =	vld [tilespmem:s18+$0xFFFFFEE0]  }
0x12f: {  	v5 =	vld [tilespmem:s18+$0xFFFFFF60]  }
0x130: {  	v6 =	vmul.f32 $8.000000000e+00, v6  }
0x131: {  	v4 =	vmul.f32 $8.000000000e+00, v4  }
0x132: {  	v2 =	vmul.f32 $8.000000000e+00, v2;
	[tilespmem:s19+$0xFFFFFFE0] =	vst v6  }
0x133: {  	v3 =	vmul.f32 $8.000000000e+00, v3;
	v6 =	vld [tilespmem:s18+$0xFFFFFFF0];
	[tilespmem:s19+$0xFFFFFDE0] =	vst v4  }
0x134: {  	[tilespmem:s19+$0xFFFFFE60] =	vst v2;
	v2 =	vmul.f32 $8.000000000e+00, v5;
	v4 =	vld [tilespmem:s18+$0xFFFFFDF0]  }
0x135: {  	[tilespmem:s19+$0xFFFFFEE0] =	vst v3;
	v3 =	vld [tilespmem:s18+$0xFFFFFE70]  }
0x136: {  	[tilespmem:s19+$0xFFFFFF60] =	vst v2;
	v2 =	vld [tilespmem:s18+$0xFFFFFEF0]  }
0x137: {  	v5 =	vld [tilespmem:s18+$0xFFFFFF70]  }
0x138: {  	v6 =	vmul.f32 $8.000000000e+00, v6  }
0x139: {  	v4 =	vmul.f32 $8.000000000e+00, v4  }
0x13a: {  	v3 =	vmul.f32 $8.000000000e+00, v3;
	[tilespmem:s19+$0xFFFFFFF0] =	vst v6  }
0x13b: {  	v2 =	vmul.f32 $8.000000000e+00, v2;
	v6 =	vld [tilespmem:s18+$0x0];
	[tilespmem:s19+$0xFFFFFDF0] =	vst v4  }
0x13c: {  	[tilespmem:s19+$0xFFFFFE70] =	vst v3;
	v4 =	vmul.f32 $8.000000000e+00, v5;
	v3 =	vld [tilespmem:s18+$0xFFFFFE00]  }
0x13d: {  	[tilespmem:s19+$0xFFFFFEF0] =	vst v2;
	v2 =	vld [tilespmem:s18+$0xFFFFFE80]  }
0x13e: {  	v0 =	vmul.f32 $8.000000000e+00, v0;
	[tilespmem:s19+$0xFFFFFF70] =	vst v4;
	v4 =	vld [tilespmem:s18+$0xFFFFFF00]  }
0x13f: {  	v1 =	vmul.f32 $8.000000000e+00, v1;
	v5 =	vld [tilespmem:s18+$0xFFFFFF80]  }
0x140: {  	[tilespmem:s17+$0xFFFFFF00] =	vst v0;
	v0 =	vmul.f32 $8.000000000e+00, v6  }
0x141: {  	[tilespmem:s17+$0xFFFFFF80] =	vst v1;
	v1 =	vmul.f32 $8.000000000e+00, v3  }
0x142: {  	[tilespmem:s19+$0x0] =	vst v0;
	v0 =	vmul.f32 $8.000000000e+00, v2  }
0x143: {  	[tilespmem:s19+$0xFFFFFE00] =	vst v1;
	v1 =	vmul.f32 $8.000000000e+00, v4  }
0x144: {  	[tilespmem:s19+$0xFFFFFE80] =	vst v0;
	v0 =	vmul.f32 $8.000000000e+00, v5  }
0x145: {  	[tilespmem:s19+$0xFFFFFF00] =	vst v1  }
0x146: {  	s26 =	simm.s32 $0x200;
	s29 =	simm.s32 $0x13800;
	[tilespmem:s19+$0xFFFFFF80] =	vst v0  }
0x147: {  	[tilespmem:s29], [sflag:$0x1] =	stream.indirect.gather [hbm4b:s4+s15], $0x40, s26, s15, $0xb8;
	[tilespmem:$0x19F00] =	vst v63  }
0x148: {  	_ = 	snop  }
0x149: {  	[hbm4b:s8+s3] =	stream.linear.scatter [tilespmem:s28], [sflag:$0x2], $0xC80, $0x38;
	[tilespmem:$0x19F00] =	vst v63  }
0x14a: {  	_ =	swait.ge [sflag:s21], $0xE00  }
0x14b: {  	[sflag:s21] =	ssyncset.done $0x0  }
0x14c: {  	s20 =	simm.s32 $0x11E70;
	[sflag:s21] =	ssyncadd.s32 $0xFFFFF200  }
0x14d: {  	v0 =	vld [tilespmem:s20+$0xFFFFFF90];
	_ =	sdelay $0x2  }
0x14e: {  	v1 =	vld [tilespmem:s20+$0xFFFFFE10]  }
0x14f: {  	v2 =	vld [tilespmem:s20+$0xFFFFFE90]  }
0x150: {  	v3 =	vld [tilespmem:s20+$0xFFFFFD90];
	v0 =	vmul.f32 $8.000000000e+00, v0  }
0x151: {  	s17 =	simm.s32 $0x16F70;
	v4 =	vld [tilespmem:s20+$0xFFFFFF10]  }
0x152: {  	[tilespmem:s17+$0xFFFFFF90] =	vst v0  }
0x153: {  	v0 =	vmul.f32 $8.000000000e+00, v1;
	v1 =	vld [tilespmem:s20+$0xFFFFFFA0]  }
0x154: {  	v2 =	vmul.f32 $8.000000000e+00, v2  }
0x155: {  	[tilespmem:s17+$0xFFFFFE10] =	vst v0;
	v0 =	vmul.f32 $8.000000000e+00, v3  }
0x156: {  	[tilespmem:s17+$0xFFFFFE90] =	vst v2;
	v3 =	vmul.f32 $8.000000000e+00, v4;
	v4 =	vld [tilespmem:s20+$0xFFFFFE20]  }
0x157: {  	v2 =	vld [tilespmem:s20+$0xFFFFFEA0];
	[tilespmem:s17+$0xFFFFFD90] =	vst v0  }
0x158: {  	[tilespmem:s17+$0xFFFFFF10] =	vst v3;
	v0 =	vld [tilespmem:s20+$0xFFFFFDA0];
	v1 =	vmul.f32 $8.000000000e+00, v1  }
0x159: {  	v3 =	vld [tilespmem:s20+$0xFFFFFF20]  }
0x15a: {  	[tilespmem:s17+$0xFFFFFFA0] =	vst v1  }
0x15b: {  	v1 =	vmul.f32 $8.000000000e+00, v4;
	v4 =	vld [tilespmem:s20+$0xFFFFFFB0]  }
0x15c: {  	v2 =	vmul.f32 $8.000000000e+00, v2  }
0x15d: {  	[tilespmem:s17+$0xFFFFFE20] =	vst v1;
	v0 =	vmul.f32 $8.000000000e+00, v0  }
0x15e: {  	[tilespmem:s17+$0xFFFFFEA0] =	vst v2;
	v1 =	vmul.f32 $8.000000000e+00, v3;
	v3 =	vld [tilespmem:s20+$0xFFFFFE30]  }
0x15f: {  	v2 =	vld [tilespmem:s20+$0xFFFFFEB0];
	[tilespmem:s17+$0xFFFFFDA0] =	vst v0  }
0x160: {  	[tilespmem:s17+$0xFFFFFF20] =	vst v1;
	v0 =	vld [tilespmem:s20+$0xFFFFFDB0];
	v1 =	vmul.f32 $8.000000000e+00, v4  }
0x161: {  	v4 =	vld [tilespmem:s20+$0xFFFFFF30]  }
0x162: {  	[tilespmem:s17+$0xFFFFFFB0] =	vst v1  }
0x163: {  	v1 =	vmul.f32 $8.000000000e+00, v3;
	v3 =	vld [tilespmem:s20+$0xFFFFFFC0]  }
0x164: {  	v2 =	vmul.f32 $8.000000000e+00, v2  }
0x165: {  	[tilespmem:s17+$0xFFFFFE30] =	vst v1;
	v0 =	vmul.f32 $8.000000000e+00, v0  }
0x166: {  	[tilespmem:s17+$0xFFFFFEB0] =	vst v2;
	v1 =	vmul.f32 $8.000000000e+00, v4;
	v4 =	vld [tilespmem:s20+$0xFFFFFE40]  }
0x167: {  	v2 =	vld [tilespmem:s20+$0xFFFFFEC0];
	[tilespmem:s17+$0xFFFFFDB0] =	vst v0  }
0x168: {  	[tilespmem:s17+$0xFFFFFF30] =	vst v1;
	v0 =	vld [tilespmem:s20+$0xFFFFFDC0];
	v1 =	vmul.f32 $8.000000000e+00, v3  }
0x169: {  	v3 =	vld [tilespmem:s20+$0xFFFFFF40]  }
0x16a: {  	[tilespmem:s17+$0xFFFFFFC0] =	vst v1  }
0x16b: {  	v1 =	vmul.f32 $8.000000000e+00, v4;
	v4 =	vld [tilespmem:s20+$0xFFFFFFD0]  }
0x16c: {  	s18 =	simm.s32 $0x120F0;
	v2 =	vmul.f32 $8.000000000e+00, v2  }
0x16d: {  	v5 =	vld [tilespmem:s18+$0xFFFFFF90];
	[tilespmem:s17+$0xFFFFFE40] =	vst v1;
	v0 =	vmul.f32 $8.000000000e+00, v0  }
0x16e: {  	[tilespmem:s17+$0xFFFFFEC0] =	vst v2;
	v1 =	vmul.f32 $8.000000000e+00, v3;
	v3 =	vld [tilespmem:s20+$0xFFFFFE50]  }
0x16f: {  	v2 =	vld [tilespmem:s20+$0xFFFFFED0];
	[tilespmem:s17+$0xFFFFFDC0] =	vst v0  }
0x170: {  	[tilespmem:s17+$0xFFFFFF40] =	vst v1;
	v0 =	vld [tilespmem:s20+$0xFFFFFDD0];
	v1 =	vmul.f32 $8.000000000e+00, v4;
	_ =	sdelay $0x1  }
0x171: {  	v5 =	vmul.f32 $8.000000000e+00, v5;
	v4 =	vld [tilespmem:s20+$0xFFFFFF50];
	[tilespmem:s17+$0xFFFFFFD0] =	vst v1  }
0x172: {  	s19 =	simm.s32 $0x171F0;
	v1 =	vmul.f32 $8.000000000e+00, v3;
	v3 =	vld [tilespmem:s20+$0xFFFFFFE0]  }
0x173: {  	v6 =	vld [tilespmem:s18+$0xFFFFFE10];
	[tilespmem:s19+$0xFFFFFF90] =	vst v5;
	v2 =	vmul.f32 $8.000000000e+00, v2  }
0x174: {  	[tilespmem:s17+$0xFFFFFE50] =	vst v1;
	v0 =	vmul.f32 $8.000000000e+00, v0;
	v1 =	vld [tilespmem:s18+$0xFFFFFE90]  }
0x175: {  	[tilespmem:s17+$0xFFFFFED0] =	vst v2;
	v2 =	vld [tilespmem:s18+$0xFFFFFF10]  }
0x176: {  	v4 =	vmul.f32 $8.000000000e+00, v4;
	[tilespmem:s17+$0xFFFFFDD0] =	vst v0;
	v0 =	vld [tilespmem:s18+$0xFFFFFD90]  }
0x177: {  	v7 =	vld [tilespmem:s18+$0xFFFFFFA0];
	v3 =	vmul.f32 $8.000000000e+00, v3  }
0x178: {  	v6 =	vmul.f32 $8.000000000e+00, v6;
	[tilespmem:s17+$0xFFFFFF50] =	vst v4;
	v4 =	vld [tilespmem:s20+$0xFFFFFDE0]  }
0x179: {  	v5 =	vld [tilespmem:s20+$0xFFFFFE60];
	v1 =	vmul.f32 $8.000000000e+00, v1;
	[tilespmem:s17+$0xFFFFFFE0] =	vst v3  }
0x17a: {  	[tilespmem:s19+$0xFFFFFE10] =	vst v6;
	v2 =	vmul.f32 $8.000000000e+00, v2;
	v3 =	vld [tilespmem:s20+$0xFFFFFFF0]  }
0x17b: {  	v6 =	vld [tilespmem:s18+$0xFFFFFE20];
	v0 =	vmul.f32 $8.000000000e+00, v0;
	[tilespmem:s19+$0xFFFFFE90] =	vst v1  }
0x17c: {  	v7 =	vmul.f32 $8.000000000e+00, v7;
	[tilespmem:s19+$0xFFFFFF10] =	vst v2;
	v1 =	vld [tilespmem:s18+$0xFFFFFEA0]  }
0x17d: {  	v2 =	vmul.f32 $8.000000000e+00, v4;
	[tilespmem:s19+$0xFFFFFD90] =	vst v0;
	v0 =	vld [tilespmem:s18+$0xFFFFFF20]  }
0x17e: {  	[tilespmem:s19+$0xFFFFFFA0] =	vst v7;
	v4 =	vmul.f32 $8.000000000e+00, v5;
	v5 =	vld [tilespmem:s18+$0xFFFFFDA0]  }
0x17f: {  	v7 =	vld [tilespmem:s18+$0xFFFFFFB0];
	[tilespmem:s17+$0xFFFFFDE0] =	vst v2;
	v3 =	vmul.f32 $8.000000000e+00, v3  }
0x180: {  	[tilespmem:s17+$0xFFFFFE60] =	vst v4;
	v2 =	vld [tilespmem:s20+$0xFFFFFEE0];
	v4 =	vmul.f32 $8.000000000e+00, v6  }
0x181: {  	v6 =	vld [tilespmem:s20+$0xFFFFFF60];
	v1 =	vmul.f32 $8.000000000e+00, v1;
	[tilespmem:s17+$0xFFFFFFF0] =	vst v3  }
0x182: {  	[tilespmem:s19+$0xFFFFFE20] =	vst v4;
	v0 =	vmul.f32 $8.000000000e+00, v0;
	v3 =	vld [tilespmem:s20+$0x0]  }
0x183: {  	v4 =	vmul.f32 $8.000000000e+00, v5;
	v5 =	vld [tilespmem:s18+$0xFFFFFE30];
	[tilespmem:s19+$0xFFFFFEA0] =	vst v1  }
0x184: {  	v7 =	vmul.f32 $8.000000000e+00, v7;
	v1 =	vld [tilespmem:s18+$0xFFFFFEB0];
	[tilespmem:s19+$0xFFFFFF20] =	vst v0  }
0x185: {  	v0 =	vmul.f32 $8.000000000e+00, v2;
	[tilespmem:s19+$0xFFFFFDA0] =	vst v4;
	v2 =	vld [tilespmem:s18+$0xFFFFFF30]  }
0x186: {  	[tilespmem:s19+$0xFFFFFFB0] =	vst v7;
	v4 =	vmul.f32 $8.000000000e+00, v6;
	v6 =	vld [tilespmem:s18+$0xFFFFFDB0]  }
0x187: {  	[tilespmem:s17+$0xFFFFFEE0] =	vst v0;
	v0 =	vld [tilespmem:s20+$0xFFFFFDF0];
	v3 =	vmul.f32 $8.000000000e+00, v3  }
0x188: {  	[tilespmem:s17+$0xFFFFFF60] =	vst v4;
	v4 =	vmul.f32 $8.000000000e+00, v5;
	v5 =	vld [tilespmem:s20+$0xFFFFFE70]  }
0x189: {  	v7 =	vld [tilespmem:s20+$0xFFFFFEF0];
	v1 =	vmul.f32 $8.000000000e+00, v1;
	[tilespmem:s17+$0x0] =	vst v3  }
0x18a: {  	[tilespmem:s19+$0xFFFFFE30] =	vst v4;
	v2 =	vmul.f32 $8.000000000e+00, v2;
	v3 =	vld [tilespmem:s18+$0xFFFFFFC0]  }
0x18b: {  	v4 =	vmul.f32 $8.000000000e+00, v6;
	v6 =	vld [tilespmem:s18+$0xFFFFFE40];
	[tilespmem:s19+$0xFFFFFEB0] =	vst v1  }
0x18c: {  	v0 =	vmul.f32 $8.000000000e+00, v0;
	v1 =	vld [tilespmem:s18+$0xFFFFFEC0];
	[tilespmem:s19+$0xFFFFFF30] =	vst v2  }
0x18d: {  	[tilespmem:s19+$0xFFFFFDB0] =	vst v4;
	v2 =	vld [tilespmem:s18+$0xFFFFFF40];
	v4 =	vmul.f32 $8.000000000e+00, v5  }
0x18e: {  	[tilespmem:s17+$0xFFFFFDF0] =	vst v0;
	v0 =	vmul.f32 $8.000000000e+00, v7;
	v5 =	vld [tilespmem:s18+$0xFFFFFDC0]  }
0x18f: {  	v3 =	vmul.f32 $8.000000000e+00, v3;
	[tilespmem:s17+$0xFFFFFE70] =	vst v4;
	v4 =	vld [tilespmem:s20+$0xFFFFFF70]  }
0x190: {  	v7 =	vld [tilespmem:s20+$0xFFFFFE00];
	[tilespmem:s17+$0xFFFFFEF0] =	vst v0;
	v6 =	vmul.f32 $8.000000000e+00, v6  }
0x191: {  	v0 =	vmul.f32 $8.000000000e+00, v1;
	[tilespmem:s19+$0xFFFFFFC0] =	vst v3;
	v1 =	vld [tilespmem:s20+$0xFFFFFE80]  }
0x192: {  	[tilespmem:s19+$0xFFFFFE40] =	vst v6;
	v3 =	vmul.f32 $8.000000000e+00, v2;
	v6 =	vld [tilespmem:s18+$0xFFFFFFD0]  }
0x193: {  	v5 =	vmul.f32 $8.000000000e+00, v5;
	v8 =	vld [tilespmem:s18+$0xFFFFFE50];
	[tilespmem:s19+$0xFFFFFEC0] =	vst v0  }
0x194: {  	v2 =	vld [tilespmem:s18+$0xFFFFFED0];
	[tilespmem:s19+$0xFFFFFF40] =	vst v3;
	v0 =	vmul.f32 $8.000000000e+00, v4  }
0x195: {  	[tilespmem:s19+$0xFFFFFDC0] =	vst v5;
	v3 =	vld [tilespmem:s18+$0xFFFFFF50];
	v5 =	vmul.f32 $8.000000000e+00, v7  }
0x196: {  	v4 =	vld [tilespmem:s18+$0xFFFFFDD0];
	v1 =	vmul.f32 $8.000000000e+00, v1;
	[tilespmem:s17+$0xFFFFFF70] =	vst v0  }
0x197: {  	v0 =	vld [tilespmem:s20+$0xFFFFFF00];
	[tilespmem:s17+$0xFFFFFE00] =	vst v5;
	v6 =	vmul.f32 $8.000000000e+00, v6  }
0x198: {  	s22 =	simm.s32 $0x5;
	s23 =	simm.s32 $0x12370;
	v5 =	vmul.f32 $8.000000000e+00, v8;
	[tilespmem:s17+$0xFFFFFE80] =	vst v1;
	v1 =	vld [tilespmem:s20+$0xFFFFFF80]  }
.LBB2_6:
0x199: {  	v7 =	vld [tilespmem:s23+$0xFFFFFF90];
	v2 =	vmul.f32 $8.000000000e+00, v2;
	[tilespmem:s19+$0xFFFFFFD0] =	vst v6  }
0x19a: {  	s22 =	sadd.s32 $0x5, s22;
	[tilespmem:s19+$0xFFFFFE50] =	vst v5;
	v3 =	vmul.f32 $8.000000000e+00, v3;
	v5 =	vld [tilespmem:s18+$0xFFFFFFE0]  }
0x19b: {  	p0 =	slt.u32 s22, $0x14;
	v6 =	vld [tilespmem:s23+$0xFFFFFE10];
	v4 =	vmul.f32 $8.000000000e+00, v4;
	[tilespmem:s19+$0xFFFFFED0] =	vst v2  }
0x19c: {  	v2 =	vld [tilespmem:s23+$0xFFFFFE90];
	[tilespmem:s19+$0xFFFFFF50] =	vst v3;
	v0 =	vmul.f32 $8.000000000e+00, v0  }
0x19d: {  	v3 =	vld [tilespmem:s23+$0xFFFFFF10];
	[tilespmem:s19+$0xFFFFFDD0] =	vst v4;
	v1 =	vmul.f32 $8.000000000e+00, v1  }
0x19e: {  	v4 =	vld [tilespmem:s23+$0xFFFFFD90];
	v7 =	vmul.f32 $8.000000000e+00, v7;
	[tilespmem:s17+$0xFFFFFF00] =	vst v0  }
0x19f: {  	v0 =	vld [tilespmem:s18+$0xFFFFFDE0];
	v5 =	vmul.f32 $8.000000000e+00, v5;
	[tilespmem:s17+$0xFFFFFF80] =	vst v1;
	s17 =	smov.u32 s19;
	s19 =	sadd.s32 $0x280, s19  }
0x1a0: {  	v1 =	vmul.f32 $8.000000000e+00, v6;
	[tilespmem:s19+$0xFFFFFF90] =	vst v7;
	v6 =	vld [tilespmem:s18+$0xFFFFFE60]  }
0x1a1: {  	v2 =	vmul.f32 $8.000000000e+00, v2;
	v7 =	vld [tilespmem:s23+$0xFFFFFFA0];
	[tilespmem:s17+$0xFFFFFFE0] =	vst v5  }
0x1a2: {  	[tilespmem:s19+$0xFFFFFE10] =	vst v1;
	v1 =	vmul.f32 $8.000000000e+00, v3;
	v3 =	vld [tilespmem:s18+$0xFFFFFFF0]  }
0x1a3: {  	v4 =	vmul.f32 $8.000000000e+00, v4;
	v5 =	vld [tilespmem:s23+$0xFFFFFE20];
	[tilespmem:s19+$0xFFFFFE90] =	vst v2  }
0x1a4: {  	v2 =	vld [tilespmem:s23+$0xFFFFFEA0];
	[tilespmem:s19+$0xFFFFFF10] =	vst v1;
	v0 =	vmul.f32 $8.000000000e+00, v0  }
0x1a5: {  	[tilespmem:s19+$0xFFFFFD90] =	vst v4;
	v1 =	vld [tilespmem:s23+$0xFFFFFF20];
	v4 =	vmul.f32 $8.000000000e+00, v6  }
0x1a6: {  	v6 =	vld [tilespmem:s23+$0xFFFFFDA0];
	v7 =	vmul.f32 $8.000000000e+00, v7;
	[tilespmem:s17+$0xFFFFFDE0] =	vst v0  }
0x1a7: {  	[tilespmem:s17+$0xFFFFFE60] =	vst v4;
	v0 =	vld [tilespmem:s18+$0xFFFFFEE0];
	v3 =	vmul.f32 $8.000000000e+00, v3  }
0x1a8: {  	v4 =	vmul.f32 $8.000000000e+00, v5;
	[tilespmem:s19+$0xFFFFFFA0] =	vst v7;
	v5 =	vld [tilespmem:s18+$0xFFFFFF60]  }
0x1a9: {  	v2 =	vmul.f32 $8.000000000e+00, v2;
	v7 =	vld [tilespmem:s23+$0xFFFFFFB0];
	[tilespmem:s17+$0xFFFFFFF0] =	vst v3  }
0x1aa: {  	[tilespmem:s19+$0xFFFFFE20] =	vst v4;
	v1 =	vmul.f32 $8.000000000e+00, v1;
	v3 =	vld [tilespmem:s18+$0x0]  }
0x1ab: {  	v4 =	vmul.f32 $8.000000000e+00, v6;
	v6 =	vld [tilespmem:s23+$0xFFFFFE30];
	[tilespmem:s19+$0xFFFFFEA0] =	vst v2  }
0x1ac: {  	v2 =	vld [tilespmem:s23+$0xFFFFFEB0];
	[tilespmem:s19+$0xFFFFFF20] =	vst v1;
	v0 =	vmul.f32 $8.000000000e+00, v0  }
0x1ad: {  	[tilespmem:s19+$0xFFFFFDA0] =	vst v4;
	v1 =	vld [tilespmem:s23+$0xFFFFFF30];
	v4 =	vmul.f32 $8.000000000e+00, v5  }
0x1ae: {  	v5 =	vld [tilespmem:s23+$0xFFFFFDB0];
	v7 =	vmul.f32 $8.000000000e+00, v7;
	[tilespmem:s17+$0xFFFFFEE0] =	vst v0  }
0x1af: {  	v0 =	vld [tilespmem:s18+$0xFFFFFDF0];
	[tilespmem:s17+$0xFFFFFF60] =	vst v4;
	v3 =	vmul.f32 $8.000000000e+00, v3  }
0x1b0: {  	v4 =	vmul.f32 $8.000000000e+00, v6;
	[tilespmem:s19+$0xFFFFFFB0] =	vst v7;
	v6 =	vld [tilespmem:s18+$0xFFFFFE70]  }
0x1b1: {  	v2 =	vmul.f32 $8.000000000e+00, v2;
	v7 =	vld [tilespmem:s18+$0xFFFFFEF0];
	[tilespmem:s17+$0x0] =	vst v3  }
0x1b2: {  	[tilespmem:s19+$0xFFFFFE30] =	vst v4;
	v1 =	vmul.f32 $8.000000000e+00, v1;
	v3 =	vld [tilespmem:s23+$0xFFFFFFC0]  }
0x1b3: {  	v4 =	vmul.f32 $8.000000000e+00, v5;
	v5 =	vld [tilespmem:s23+$0xFFFFFE40];
	[tilespmem:s19+$0xFFFFFEB0] =	vst v2  }
0x1b4: {  	v2 =	vld [tilespmem:s23+$0xFFFFFEC0];
	[tilespmem:s19+$0xFFFFFF30] =	vst v1;
	v0 =	vmul.f32 $8.000000000e+00, v0  }
0x1b5: {  	[tilespmem:s19+$0xFFFFFDB0] =	vst v4;
	v1 =	vld [tilespmem:s23+$0xFFFFFF40];
	v4 =	vmul.f32 $8.000000000e+00, v6  }
0x1b6: {  	v6 =	vld [tilespmem:s23+$0xFFFFFDC0];
	[tilespmem:s17+$0xFFFFFDF0] =	vst v0;
	v0 =	vmul.f32 $8.000000000e+00, v7  }
0x1b7: {  	v3 =	vmul.f32 $8.000000000e+00, v3;
	[tilespmem:s17+$0xFFFFFE70] =	vst v4;
	v4 =	vld [tilespmem:s18+$0xFFFFFF70]  }
0x1b8: {  	v5 =	vmul.f32 $8.000000000e+00, v5;
	v7 =	vld [tilespmem:s18+$0xFFFFFE00];
	[tilespmem:s17+$0xFFFFFEF0] =	vst v0  }
0x1b9: {  	v0 =	vmul.f32 $8.000000000e+00, v2;
	[tilespmem:s19+$0xFFFFFFC0] =	vst v3;
	v8 =	vld [tilespmem:s18+$0xFFFFFE80]  }
0x1ba: {  	[tilespmem:s19+$0xFFFFFE40] =	vst v5;
	v1 =	vmul.f32 $8.000000000e+00, v1;
	v5 =	vld [tilespmem:s23+$0xFFFFFFD0]  }
0x1bb: {  	v3 =	vmul.f32 $8.000000000e+00, v6;
	v9 =	vld [tilespmem:s23+$0xFFFFFE50];
	[tilespmem:s19+$0xFFFFFEC0] =	vst v0  }
.Ltmp2:
0x1bc: {  	v2 =	vld [tilespmem:s23+$0xFFFFFED0];
	[tilespmem:s19+$0xFFFFFF40] =	vst v1;
	v0 =	vmul.f32 $8.000000000e+00, v4;
	(pc) =	sbr.rel @p0 .LBB2_6-.Ltmp2, $4  }
0x1bd: {  	[tilespmem:s19+$0xFFFFFDC0] =	vst v3;
	v3 =	vld [tilespmem:s23+$0xFFFFFF50];
	v1 =	vmul.f32 $8.000000000e+00, v7  }
0x1be: {  	v4 =	vld [tilespmem:s23+$0xFFFFFDD0];
	v7 =	vmul.f32 $8.000000000e+00, v8;
	[tilespmem:s17+$0xFFFFFF70] =	vst v0  }
0x1bf: {  	v6 =	vmul.f32 $8.000000000e+00, v5;
	[tilespmem:s17+$0xFFFFFE00] =	vst v1;
	v0 =	vld [tilespmem:s18+$0xFFFFFF00]  }
0x1c0: {  	v5 =	vmul.f32 $8.000000000e+00, v9;
	[tilespmem:s17+$0xFFFFFE80] =	vst v7;
	v1 =	vld [tilespmem:s18+$0xFFFFFF80];
	s18 =	smov.u32 s23;
	s23 =	sadd.s32 $0x280, s23  }
0x1c1: {  	[tilespmem:s19+$0xFFFFFFD0] =	vst v6;
	v2 =	vmul.f32 $8.000000000e+00, v2  }
0x1c2: {  	v6 =	vld [tilespmem:s18+$0xFFFFFFE0];
	[tilespmem:s19+$0xFFFFFE50] =	vst v5;
	v3 =	vmul.f32 $8.000000000e+00, v3  }
0x1c3: {  	v4 =	vmul.f32 $8.000000000e+00, v4;
	[tilespmem:s19+$0xFFFFFED0] =	vst v2;
	v47 =	vld [tilespmem:s18+$0xFFFFFE60]  }
0x1c4: {  	[tilespmem:s19+$0xFFFFFF50] =	vst v3;
	v48 =	vld [tilespmem:s18+$0xFFFFFEE0]  }
0x1c5: {  	[tilespmem:s19+$0xFFFFFDD0] =	vst v4;
	v49 =	vld [tilespmem:s18+$0xFFFFFF60]  }
0x1c6: {  	v4 =	vld [tilespmem:s18+$0xFFFFFDE0]  }
0x1c7: {  	v6 =	vmul.f32 $8.000000000e+00, v6  }
0x1c8: {  	v2 =	vmul.f32 $8.000000000e+00, v47  }
0x1c9: {  	[tilespmem:s19+$0xFFFFFFE0] =	vst v6;
	v3 =	vmul.f32 $8.000000000e+00, v48  }
0x1ca: {  	v6 =	vld [tilespmem:s18+$0xFFFFFFF0];
	[tilespmem:s19+$0xFFFFFE60] =	vst v2;
	v50 =	vmul.f32 $8.000000000e+00, v49  }
0x1cb: {  	v4 =	vmul.f32 $8.000000000e+00, v4;
	[tilespmem:s19+$0xFFFFFEE0] =	vst v3;
	v51 =	vld [tilespmem:s18+$0xFFFFFE70]  }
0x1cc: {  	[tilespmem:s19+$0xFFFFFF60] =	vst v50;
	v52 =	vld [tilespmem:s18+$0xFFFFFEF0]  }
0x1cd: {  	[tilespmem:s19+$0xFFFFFDE0] =	vst v4;
	v53 =	vld [tilespmem:s18+$0xFFFFFF70]  }
0x1ce: {  	v4 =	vld [tilespmem:s18+$0xFFFFFDF0]  }
0x1cf: {  	v6 =	vmul.f32 $8.000000000e+00, v6  }
0x1d0: {  	v3 =	vmul.f32 $8.000000000e+00, v51  }
0x1d1: {  	[tilespmem:s19+$0xFFFFFFF0] =	vst v6;
	v2 =	vmul.f32 $8.000000000e+00, v52  }
0x1d2: {  	v6 =	vld [tilespmem:s18+$0x0];
	[tilespmem:s19+$0xFFFFFE70] =	vst v3;
	v55 =	vmul.f32 $8.000000000e+00, v53  }
0x1d3: {  	v4 =	vmul.f32 $8.000000000e+00, v4;
	[tilespmem:s19+$0xFFFFFEF0] =	vst v2;
	v56 =	vld [tilespmem:s18+$0xFFFFFE80]  }
0x1d4: {  	[tilespmem:s19+$0xFFFFFF70] =	vst v55;
	v57 =	vld [tilespmem:s18+$0xFFFFFF00]  }
0x1d5: {  	v0 =	vmul.f32 $8.000000000e+00, v0;
	[tilespmem:s19+$0xFFFFFDF0] =	vst v4;
	v58 =	vld [tilespmem:s18+$0xFFFFFF80]  }
0x1d6: {  	v1 =	vmul.f32 $8.000000000e+00, v1;
	v54 =	vld [tilespmem:s18+$0xFFFFFE00]  }
0x1d7: {  	[tilespmem:s17+$0xFFFFFF00] =	vst v0;
	v59 =	vmul.f32 $8.000000000e+00, v6  }
0x1d8: {  	[tilespmem:s17+$0xFFFFFF80] =	vst v1;
	v61 =	vmul.f32 $8.000000000e+00, v56  }
0x1d9: {  	[tilespmem:s19+$0x0] =	vst v59;
	v62 =	vmul.f32 $8.000000000e+00, v57  }
0x1da: {  	[tilespmem:s19+$0xFFFFFE80] =	vst v61;
	v63 =	vmul.f32 $8.000000000e+00, v58  }
0x1db: {  	v60 =	vmul.f32 $8.000000000e+00, v54;
	[tilespmem:s19+$0xFFFFFF00] =	vst v62  }
0x1dc: {  	[tilespmem:s19+$0xFFFFFF80] =	vst v63  }
0x1dd: {  	s29 =	simm.s32 $0x280;
	[tilespmem:s19+$0xFFFFFE00] =	vst v60  }
0x1de: {  	[tilespmem:s30], [sflag:$0x1] =	stream.indirect.gather [hbm4b:s4+s15], $0x40, s29, s15, $0xb8;
	[tilespmem:$0x19F00] =	vst v63  }
0x1df: {  	s17 =	simm.s32 $0x3;
	s18 =	simm.s32 $0x15400;
	s19 =	simm.s32 $0x12C70  }
0x1e0: {  	[hbm4b:s9+s3] =	stream.linear.scatter [tilespmem:s31], [sflag:$0x2], $0xC80, $0x38;
	[tilespmem:$0x19F00] =	vst v63  }
.LBB2_8:
0x1e1: {  	s20 =	smulhi.u32 $0xAAAAAAAB, s17;
	_ =	sdelay $0x1  }
0x1e2: {  	s20 =	sshrl.u32 s20, $0x2  }
0x1e3: {  	s22 =	smul.u32 $0xFFFEB000, s20;
	_ =	sdelay $0x1  }
0x1e4: {  	s22 =	sshra.s32 s22, $0x2  }
0x1e5: {  	_ =	swait.ge [sflag:s21], $0xE00;
	s22 =	sadd.s32 s22, s19  }
0x1e6: {  	[sflag:s21] =	ssyncset.done $0x0;
	v1 =	vmov s22  }
0x1e7: {  	[sflag:s21] =	ssyncadd.s32 $0xFFFFF200  }
0x1e8: {  	_ =	swait.ge [sflag:s0], $0xC80  }
0x1e9: {  	s29 =	smul.u32 $0xFFFED400, s20;
	[sflag:s0] =	ssyncset.done $0x0  }
0x1ea: {  	s20 =	simm.s32 $0x0;
	[sflag:s0] =	ssyncadd.s32 $0xFFFFF380  }
0x1eb: {  	s22 =	sshra.s32 s29, $0x2;
	v2 =	vld.idx.msk [tilespmem:v1+s20+$0xFFFFFF90 ss:$0x1], $0xffff  }
0x1ec: {  	s22 =	sadd.s32 s22, s18;
	v3 =	vld.idx.msk [tilespmem:v1+s20+$0xFFFFFD90 ss:$0x1], $0xffff  }
0x1ed: {  	v0 =	vmov s22;
	v6 =	vld.idx.msk [tilespmem:v1+s20+$0xFFFFFF10 ss:$0x1], $0xffff  }
0x1ee: {  	v4 =	vld.idx.msk [tilespmem:v1+s20+$0xFFFFFE10 ss:$0x1], $0xffff;
	_ =	sdelay $0x1  }
0x1ef: {  	v5 =	vld.idx.msk [tilespmem:v1+s20+$0xFFFFFE90 ss:$0x1], $0xffff;
	v2 =	vmul.f32 $8.000000000e+00, v2  }
0x1f0: {  	v3 =	vmul.f32 $8.000000000e+00, v3  }
0x1f1: {  	v6 =	vmul.f32 $8.000000000e+00, v6;
	[tilespmem:v0+s20+$0x2780 ss:$0x1] =	vst.idx.msk $0xffff, v2  }
0x1f2: {  	v4 =	vmul.f32 $8.000000000e+00, v4;
	[tilespmem:v0+s20+$0x2580 ss:$0x1] =	vst.idx.msk $0xffff, v3  }
0x1f3: {  	[tilespmem:v0+s20+$0x2700 ss:$0x1] =	vst.idx.msk $0xffff, v6;
	v3 =	vld.idx.msk [tilespmem:v1+s20+$0xFFFFFFA0 ss:$0x1], $0xffff  }
0x1f4: {  	v2 =	vmul.f32 $8.000000000e+00, v5;
	[tilespmem:v0+s20+$0x2600 ss:$0x1] =	vst.idx.msk $0xffff, v4;
	v6 =	vld.idx.msk [tilespmem:v1+s20+$0xFFFFFF20 ss:$0x1], $0xffff  }
0x1f5: {  	v4 =	vld.idx.msk [tilespmem:v1+s20+$0xFFFFFE20 ss:$0x1], $0xffff  }
0x1f6: {  	v5 =	vld.idx.msk [tilespmem:v1+s20+$0xFFFFFDA0 ss:$0x1], $0xffff;
	[tilespmem:v0+s20+$0x2680 ss:$0x1] =	vst.idx.msk $0xffff, v2  }
0x1f7: {  	v2 =	vld.idx.msk [tilespmem:v1+s20+$0xFFFFFEA0 ss:$0x1], $0xffff  }
0x1f8: {  	v3 =	vmul.f32 $8.000000000e+00, v3  }
0x1f9: {  	v6 =	vmul.f32 $8.000000000e+00, v6  }
0x1fa: {  	v4 =	vmul.f32 $8.000000000e+00, v4;
	[tilespmem:v0+s20+$0x2790 ss:$0x1] =	vst.idx.msk $0xffff, v3  }
0x1fb: {  	v5 =	vmul.f32 $8.000000000e+00, v5;
	[tilespmem:v0+s20+$0x2710 ss:$0x1] =	vst.idx.msk $0xffff, v6;
	v3 =	vld.idx.msk [tilespmem:v1+s20+$0xFFFFFFB0 ss:$0x1], $0xffff  }
0x1fc: {  	v2 =	vmul.f32 $8.000000000e+00, v2;
	[tilespmem:v0+s20+$0x2610 ss:$0x1] =	vst.idx.msk $0xffff, v4;
	v6 =	vld.idx.msk [tilespmem:v1+s20+$0xFFFFFF30 ss:$0x1], $0xffff  }
0x1fd: {  	[tilespmem:v0+s20+$0x2590 ss:$0x1] =	vst.idx.msk $0xffff, v5;
	v4 =	vld.idx.msk [tilespmem:v1+s20+$0xFFFFFE30 ss:$0x1], $0xffff  }
0x1fe: {  	v5 =	vld.idx.msk [tilespmem:v1+s20+$0xFFFFFDB0 ss:$0x1], $0xffff;
	[tilespmem:v0+s20+$0x2690 ss:$0x1] =	vst.idx.msk $0xffff, v2  }
0x1ff: {  	v2 =	vld.idx.msk [tilespmem:v1+s20+$0xFFFFFEB0 ss:$0x1], $0xffff  }
0x200: {  	v3 =	vmul.f32 $8.000000000e+00, v3  }
0x201: {  	v6 =	vmul.f32 $8.000000000e+00, v6  }
0x202: {  	v4 =	vmul.f32 $8.000000000e+00, v4;
	[tilespmem:v0+s20+$0x27A0 ss:$0x1] =	vst.idx.msk $0xffff, v3  }
0x203: {  	v5 =	vmul.f32 $8.000000000e+00, v5;
	[tilespmem:v0+s20+$0x2720 ss:$0x1] =	vst.idx.msk $0xffff, v6;
	v3 =	vld.idx.msk [tilespmem:v1+s20+$0xFFFFFFC0 ss:$0x1], $0xffff  }
0x204: {  	v2 =	vmul.f32 $8.000000000e+00, v2;
	[tilespmem:v0+s20+$0x2620 ss:$0x1] =	vst.idx.msk $0xffff, v4;
	v6 =	vld.idx.msk [tilespmem:v1+s20+$0xFFFFFF40 ss:$0x1], $0xffff  }
0x205: {  	[tilespmem:v0+s20+$0x25A0 ss:$0x1] =	vst.idx.msk $0xffff, v5;
	v4 =	vld.idx.msk [tilespmem:v1+s20+$0xFFFFFE40 ss:$0x1], $0xffff  }
0x206: {  	v5 =	vld.idx.msk [tilespmem:v1+s20+$0xFFFFFDC0 ss:$0x1], $0xffff;
	[tilespmem:v0+s20+$0x26A0 ss:$0x1] =	vst.idx.msk $0xffff, v2  }
0x207: {  	v2 =	vld.idx.msk [tilespmem:v1+s20+$0xFFFFFEC0 ss:$0x1], $0xffff  }
0x208: {  	v3 =	vmul.f32 $8.000000000e+00, v3  }
0x209: {  	v6 =	vmul.f32 $8.000000000e+00, v6  }
0x20a: {  	s22 =	simm.s32 $0x280;
	v4 =	vmul.f32 $8.000000000e+00, v4;
	[tilespmem:v0+s20+$0x27B0 ss:$0x1] =	vst.idx.msk $0xffff, v3  }
0x20b: {  	v5 =	vmul.f32 $8.000000000e+00, v5;
	[tilespmem:v0+s20+$0x2730 ss:$0x1] =	vst.idx.msk $0xffff, v6;
	v6 =	vld.idx.msk [tilespmem:v1+s22+$0xFFFFFE90 ss:$0x1], $0xffff  }
0x20c: {  	v2 =	vmul.f32 $8.000000000e+00, v2;
	[tilespmem:v0+s20+$0x2630 ss:$0x1] =	vst.idx.msk $0xffff, v4;
	v3 =	vld.idx.msk [tilespmem:v1+s20+$0xFFFFFFD0 ss:$0x1], $0xffff  }
0x20d: {  	[tilespmem:v0+s20+$0x25B0 ss:$0x1] =	vst.idx.msk $0xffff, v5;
	v4 =	vld.idx.msk [tilespmem:v1+s20+$0xFFFFFE50 ss:$0x1], $0xffff  }
0x20e: {  	v5 =	vld.idx.msk [tilespmem:v1+s20+$0xFFFFFDD0 ss:$0x1], $0xffff;
	[tilespmem:v0+s20+$0x26B0 ss:$0x1] =	vst.idx.msk $0xffff, v2  }
0x20f: {  	v2 =	vld.idx.msk [tilespmem:v1+s20+$0xFFFFFED0 ss:$0x1], $0xffff  }
0x210: {  	v7 =	vld.idx.msk [tilespmem:v1+s22+$0xFFFFFF90 ss:$0x1], $0xffff;
	v6 =	vmul.f32 $8.000000000e+00, v6  }
0x211: {  	v8 =	vld.idx.msk [tilespmem:v1+s22+$0xFFFFFD90 ss:$0x1], $0xffff;
	v3 =	vmul.f32 $8.000000000e+00, v3  }
0x212: {  	v9 =	vld.idx.msk [tilespmem:v1+s22+$0xFFFFFE10 ss:$0x1], $0xffff;
	v4 =	vmul.f32 $8.000000000e+00, v4;
	[tilespmem:v0+s22+$0x2680 ss:$0x1] =	vst.idx.msk $0xffff, v6  }
0x213: {  	v10 =	vld.idx.msk [tilespmem:v1+s22+$0xFFFFFF10 ss:$0x1], $0xffff;
	v5 =	vmul.f32 $8.000000000e+00, v5;
	[tilespmem:v0+s20+$0x27C0 ss:$0x1] =	vst.idx.msk $0xffff, v3  }
0x214: {  	v2 =	vmul.f32 $8.000000000e+00, v2;
	[tilespmem:v0+s20+$0x2640 ss:$0x1] =	vst.idx.msk $0xffff, v4;
	v4 =	vld.idx.msk [tilespmem:v1+s20+$0xFFFFFF50 ss:$0x1], $0xffff  }
0x215: {  	[tilespmem:v0+s20+$0x25C0 ss:$0x1] =	vst.idx.msk $0xffff, v5;
	v5 =	vmul.f32 $8.000000000e+00, v7;
	v6 =	vld.idx.msk [tilespmem:v1+s22+$0xFFFFFEA0 ss:$0x1], $0xffff  }
0x216: {  	v7 =	vmul.f32 $8.000000000e+00, v8;
	v3 =	vld.idx.msk [tilespmem:v1+s20+$0xFFFFFFE0 ss:$0x1], $0xffff;
	[tilespmem:v0+s20+$0x26C0 ss:$0x1] =	vst.idx.msk $0xffff, v2  }
0x217: {  	v8 =	vld.idx.msk [tilespmem:v1+s20+$0xFFFFFDE0 ss:$0x1], $0xffff;
	v2 =	vmul.f32 $8.000000000e+00, v9;
	[tilespmem:v0+s22+$0x2780 ss:$0x1] =	vst.idx.msk $0xffff, v5  }
0x218: {  	v5 =	vld.idx.msk [tilespmem:v1+s20+$0xFFFFFE60 ss:$0x1], $0xffff;
	[tilespmem:v0+s22+$0x2580 ss:$0x1] =	vst.idx.msk $0xffff, v7  }
0x219: {  	v7 =	vld.idx.msk [tilespmem:v1+s22+$0xFFFFFFA0 ss:$0x1], $0xffff;
	[tilespmem:v0+s22+$0x2600 ss:$0x1] =	vst.idx.msk $0xffff, v2;
	v2 =	vmul.f32 $8.000000000e+00, v10  }
0x21a: {  	v6 =	vmul.f32 $8.000000000e+00, v6  }
0x21b: {  	v9 =	vld.idx.msk [tilespmem:v1+s22+$0xFFFFFDA0 ss:$0x1], $0xffff;
	v3 =	vmul.f32 $8.000000000e+00, v3;
	[tilespmem:v0+s22+$0x2700 ss:$0x1] =	vst.idx.msk $0xffff, v2  }
0x21c: {  	v10 =	vld.idx.msk [tilespmem:v1+s22+$0xFFFFFE20 ss:$0x1], $0xffff;
	v2 =	vmul.f32 $8.000000000e+00, v4;
	[tilespmem:v0+s22+$0x2690 ss:$0x1] =	vst.idx.msk $0xffff, v6  }
0x21d: {  	v8 =	vmul.f32 $8.000000000e+00, v8;
	v4 =	vld.idx.msk [tilespmem:v1+s22+$0xFFFFFF20 ss:$0x1], $0xffff;
	[tilespmem:v0+s20+$0x27D0 ss:$0x1] =	vst.idx.msk $0xffff, v3  }
0x21e: {  	v3 =	vmul.f32 $8.000000000e+00, v5;
	[tilespmem:v0+s20+$0x2740 ss:$0x1] =	vst.idx.msk $0xffff, v2;
	v5 =	vmul.f32 $8.000000000e+00, v7;
	v7 =	vld.idx.msk [tilespmem:v1+s20+$0xFFFFFEE0 ss:$0x1], $0xffff  }
0x21f: {  	[tilespmem:v0+s20+$0x25D0 ss:$0x1] =	vst.idx.msk $0xffff, v8;
	v2 =	vld.idx.msk [tilespmem:v1+s20+$0xFFFFFFF0 ss:$0x1], $0xffff  }
0x220: {  	v8 =	vmul.f32 $8.000000000e+00, v9;
	[tilespmem:v0+s20+$0x2650 ss:$0x1] =	vst.idx.msk $0xffff, v3;
	v3 =	vld.idx.msk [tilespmem:v1+s20+$0xFFFFFF60 ss:$0x1], $0xffff  }
0x221: {  	[tilespmem:v0+s22+$0x2790 ss:$0x1] =	vst.idx.msk $0xffff, v5;
	v5 =	vld.idx.msk [tilespmem:v1+s20+$0xFFFFFDF0 ss:$0x1], $0xffff  }
0x222: {  	v9 =	vmul.f32 $8.000000000e+00, v10;
	[tilespmem:v0+s22+$0x2590 ss:$0x1] =	vst.idx.msk $0xffff, v8;
	v8 =	vld.idx.msk [tilespmem:v1+s22+$0xFFFFFFB0 ss:$0x1], $0xffff  }
0x223: {  	v6 =	vld.idx.msk [tilespmem:v1+s22+$0xFFFFFEB0 ss:$0x1], $0xffff;
	v4 =	vmul.f32 $8.000000000e+00, v4  }
0x224: {  	v10 =	vld.idx.msk [tilespmem:v1+s22+$0xFFFFFDB0 ss:$0x1], $0xffff;
	[tilespmem:v0+s22+$0x2610 ss:$0x1] =	vst.idx.msk $0xffff, v9;
	v2 =	vmul.f32 $8.000000000e+00, v2  }
0x225: {  	v9 =	vld.idx.msk [tilespmem:v1+s22+$0xFFFFFE30 ss:$0x1], $0xffff;
	[tilespmem:v0+s22+$0x2710 ss:$0x1] =	vst.idx.msk $0xffff, v4;
	v4 =	vmul.f32 $8.000000000e+00, v7  }
0x226: {  	v7 =	vld.idx.msk [tilespmem:v1+s22+$0xFFFFFF30 ss:$0x1], $0xffff;
	v3 =	vmul.f32 $8.000000000e+00, v3;
	[tilespmem:v0+s20+$0x27E0 ss:$0x1] =	vst.idx.msk $0xffff, v2  }
0x227: {  	v2 =	vmul.f32 $8.000000000e+00, v5;
	[tilespmem:v0+s20+$0x26D0 ss:$0x1] =	vst.idx.msk $0xffff, v4;
	v5 =	vmul.f32 $8.000000000e+00, v8;
	v8 =	vld.idx.msk [tilespmem:v1+s20+$0xFFFFFE70 ss:$0x1], $0xffff  }
0x228: {  	v4 =	vld.idx.msk [tilespmem:v1+s20+$0x0 ss:$0x1], $0xffff;
	[tilespmem:v0+s20+$0x2750 ss:$0x1] =	vst.idx.msk $0xffff, v3  }
0x229: {  	v3 =	vmul.f32 $8.000000000e+00, v10;
	[tilespmem:v0+s20+$0x25E0 ss:$0x1] =	vst.idx.msk $0xffff, v2;
	v2 =	vld.idx.msk [tilespmem:v1+s20+$0xFFFFFEF0 ss:$0x1], $0xffff  }
0x22a: {  	v9 =	vmul.f32 $8.000000000e+00, v9;
	[tilespmem:v0+s22+$0x27A0 ss:$0x1] =	vst.idx.msk $0xffff, v5;
	v5 =	vld.idx.msk [tilespmem:v1+s20+$0xFFFFFF70 ss:$0x1], $0xffff  }
0x22b: {  	[tilespmem:v0+s22+$0x25A0 ss:$0x1] =	vst.idx.msk $0xffff, v3;
	v3 =	vmul.f32 $8.000000000e+00, v6;
	v6 =	vld.idx.msk [tilespmem:v1+s22+$0xFFFFFFC0 ss:$0x1], $0xffff  }
0x22c: {  	s23 =	smul.u32 $0xAAAB, s17;
	v12 =	vld.idx.msk [tilespmem:v1+s20+$0xFFFFFE00 ss:$0x1], $0xffff;
	[tilespmem:v0+s22+$0x2620 ss:$0x1] =	vst.idx.msk $0xffff, v9;
	v7 =	vmul.f32 $8.000000000e+00, v7  }
0x22d: {  	v10 =	vld.idx.msk [tilespmem:v1+s22+$0xFFFFFDC0 ss:$0x1], $0xffff;
	[tilespmem:v0+s22+$0x26A0 ss:$0x1] =	vst.idx.msk $0xffff, v3;
	v3 =	vmul.f32 $8.000000000e+00, v4  }
0x22e: {  	s23 =	sshrl.u32 s23, $0x12;
	v9 =	vld.idx.msk [tilespmem:v1+s22+$0xFFFFFE40 ss:$0x1], $0xffff;
	[tilespmem:v0+s22+$0x2720 ss:$0x1] =	vst.idx.msk $0xffff, v7;
	v4 =	vmul.f32 $8.000000000e+00, v8  }
0x22f: {  	s23 =	smul.u32 $0x6, s23;
	v11 =	vld.idx.msk [tilespmem:v1+s22+$0xFFFFFEC0 ss:$0x1], $0xffff;
	v2 =	vmul.f32 $8.000000000e+00, v2;
	[tilespmem:v0+s20+$0x27F0 ss:$0x1] =	vst.idx.msk $0xffff, v3  }
0x230: {  	v8 =	vld.idx.msk [tilespmem:v1+s22+$0xFFFFFF40 ss:$0x1], $0xffff;
	[tilespmem:v0+s20+$0x2660 ss:$0x1] =	vst.idx.msk $0xffff, v4;
	v4 =	vmul.f32 $8.000000000e+00, v5  }
0x231: {  	s23 =	ssub.s32 s17, s23;
	v5 =	vmul.f32 $8.000000000e+00, v6;
	v3 =	vld.idx.msk [tilespmem:v1+s20+$0xFFFFFE80 ss:$0x1], $0xffff;
	[tilespmem:v0+s20+$0x26E0 ss:$0x1] =	vst.idx.msk $0xffff, v2  }
0x232: {  	s23 =	sand.u32 $0xFFFF, s23;
	v6 =	vmul.f32 $8.000000000e+00, v10;
	v2 =	vld.idx.msk [tilespmem:v1+s20+$0xFFFFFF00 ss:$0x1], $0xffff;
	[tilespmem:v0+s20+$0x2760 ss:$0x1] =	vst.idx.msk $0xffff, v4  }
0x233: {  	s23 =	smul.u32 $0x3200, s23;
	v9 =	vmul.f32 $8.000000000e+00, v9;
	[tilespmem:v0+s22+$0x27B0 ss:$0x1] =	vst.idx.msk $0xffff, v5;
	v4 =	vld.idx.msk [tilespmem:v1+s20+$0xFFFFFF80 ss:$0x1], $0xffff  }
0x234: {  	[tilespmem:v0+s22+$0x25B0 ss:$0x1] =	vst.idx.msk $0xffff, v6;
	v5 =	vmul.f32 $8.000000000e+00, v11;
	v7 =	vld.idx.msk [tilespmem:v1+s22+$0xFFFFFFD0 ss:$0x1], $0xffff  }
0x235: {  	s23 =	sshrl.u32 s23, $0x2;
	v6 =	vld.idx.msk [tilespmem:v1+s22+$0xFFFFFDD0 ss:$0x1], $0xffff;
	[tilespmem:v0+s22+$0x2630 ss:$0x1] =	vst.idx.msk $0xffff, v9;
	v9 =	vmul.f32 $8.000000000e+00, v8  }
0x236: {  	s25 =	simm.s32 $0x5;
	s26 =	simm.s32 $0x1400;
	s23 =	sadd.s32 $0x15400, s23;
	v8 =	vld.idx.msk [tilespmem:v1+s22+$0xFFFFFE50 ss:$0x1], $0xffff;
	[tilespmem:v0+s22+$0x26B0 ss:$0x1] =	vst.idx.msk $0xffff, v5;
	v5 =	vmul.f32 $8.000000000e+00, v12  }
.LBB2_9:
0x237: {  	s29 =	sshra.s32 s26, $0x2;
	s25 =	sadd.s32 $0x5, s25;
	v10 =	vld.idx.msk [tilespmem:v1+s22+$0xFFFFFED0 ss:$0x1], $0xffff;
	[tilespmem:v0+s22+$0x2730 ss:$0x1] =	vst.idx.msk $0xffff, v9;
	v3 =	vmul.f32 $8.000000000e+00, v3  }
0x238: {  	v2 =	vmul.f32 $8.000000000e+00, v2;
	v9 =	vld.idx.msk [tilespmem:v1+s29+$0xFFFFFF90 ss:$0x1], $0xffff;
	p0 =	slt.u32 s25, $0x14;
	[tilespmem:v0+s20+$0x25F0 ss:$0x1] =	vst.idx.msk $0xffff, v5  }
0x239: {  	v5 =	vld.idx.msk [tilespmem:v1+s29+$0xFFFFFD90 ss:$0x1], $0xffff;
	[tilespmem:v0+s20+$0x2670 ss:$0x1] =	vst.idx.msk $0xffff, v3;
	v3 =	vmul.f32 $8.000000000e+00, v4  }
0x23a: {  	v7 =	vmul.f32 $8.000000000e+00, v7;
	v4 =	vld.idx.msk [tilespmem:v1+s29+$0xFFFFFE10 ss:$0x1], $0xffff;
	[tilespmem:v0+s20+$0x26F0 ss:$0x1] =	vst.idx.msk $0xffff, v2  }
0x23b: {  	v6 =	vmul.f32 $8.000000000e+00, v6;
	v2 =	vld.idx.msk [tilespmem:v1+s29+$0xFFFFFE90 ss:$0x1], $0xffff;
	[tilespmem:v0+s20+$0x2770 ss:$0x1] =	vst.idx.msk $0xffff, v3;
	s20 =	smov.u32 s22;
	s22 =	smov.u32 s29  }
0x23c: {  	v8 =	vmul.f32 $8.000000000e+00, v8;
	v3 =	vld.idx.msk [tilespmem:v1+s22+$0xFFFFFF10 ss:$0x1], $0xffff;
	[tilespmem:v0+s20+$0x27C0 ss:$0x1] =	vst.idx.msk $0xffff, v7  }
0x23d: {  	[tilespmem:v0+s20+$0x25C0 ss:$0x1] =	vst.idx.msk $0xffff, v6;
	v6 =	vmul.f32 $8.000000000e+00, v10;
	v7 =	vld.idx.msk [tilespmem:v1+s20+$0xFFFFFFE0 ss:$0x1], $0xffff  }
0x23e: {  	v9 =	vmul.f32 $8.000000000e+00, v9;
	[tilespmem:v0+s20+$0x2640 ss:$0x1] =	vst.idx.msk $0xffff, v8;
	v8 =	vld.idx.msk [tilespmem:v1+s20+$0xFFFFFF50 ss:$0x1], $0xffff  }
0x23f: {  	v5 =	vmul.f32 $8.000000000e+00, v5;
	v10 =	vld.idx.msk [tilespmem:v1+s20+$0xFFFFFDE0 ss:$0x1], $0xffff;
	[tilespmem:v0+s20+$0x26C0 ss:$0x1] =	vst.idx.msk $0xffff, v6  }
0x240: {  	v4 =	vmul.f32 $8.000000000e+00, v4;
	[tilespmem:v0+s22+$0x2780 ss:$0x1] =	vst.idx.msk $0xffff, v9;
	v6 =	vld.idx.msk [tilespmem:v1+s20+$0xFFFFFE60 ss:$0x1], $0xffff  }
0x241: {  	v2 =	vmul.f32 $8.000000000e+00, v2;
	[tilespmem:v0+s22+$0x2580 ss:$0x1] =	vst.idx.msk $0xffff, v5;
	v5 =	vld.idx.msk [tilespmem:v1+s22+$0xFFFFFFA0 ss:$0x1], $0xffff  }
0x242: {  	v3 =	vmul.f32 $8.000000000e+00, v3;
	v9 =	vld.idx.msk [tilespmem:v1+s22+$0xFFFFFDA0 ss:$0x1], $0xffff;
	[tilespmem:v0+s22+$0x2600 ss:$0x1] =	vst.idx.msk $0xffff, v4  }
0x243: {  	v4 =	vld.idx.msk [tilespmem:v1+s22+$0xFFFFFE20 ss:$0x1], $0xffff;
	[tilespmem:v0+s22+$0x2680 ss:$0x1] =	vst.idx.msk $0xffff, v2;
	v2 =	vmul.f32 $8.000000000e+00, v7  }
0x244: {  	v7 =	vld.idx.msk [tilespmem:v1+s22+$0xFFFFFEA0 ss:$0x1], $0xffff;
	[tilespmem:v0+s22+$0x2700 ss:$0x1] =	vst.idx.msk $0xffff, v3;
	v3 =	vmul.f32 $8.000000000e+00, v8  }
0x245: {  	v10 =	vmul.f32 $8.000000000e+00, v10;
	v8 =	vld.idx.msk [tilespmem:v1+s22+$0xFFFFFF20 ss:$0x1], $0xffff;
	[tilespmem:v0+s20+$0x27D0 ss:$0x1] =	vst.idx.msk $0xffff, v2  }
0x246: {  	v2 =	vmul.f32 $8.000000000e+00, v6;
	[tilespmem:v0+s20+$0x2740 ss:$0x1] =	vst.idx.msk $0xffff, v3;
	v3 =	vld.idx.msk [tilespmem:v1+s20+$0xFFFFFFF0 ss:$0x1], $0xffff  }
0x247: {  	v5 =	vmul.f32 $8.000000000e+00, v5;
	[tilespmem:v0+s20+$0x25D0 ss:$0x1] =	vst.idx.msk $0xffff, v10;
	v6 =	vld.idx.msk [tilespmem:v1+s20+$0xFFFFFEE0 ss:$0x1], $0xffff  }
0x248: {  	v9 =	vmul.f32 $8.000000000e+00, v9;
	[tilespmem:v0+s20+$0x2650 ss:$0x1] =	vst.idx.msk $0xffff, v2;
	v2 =	vld.idx.msk [tilespmem:v1+s20+$0xFFFFFF60 ss:$0x1], $0xffff  }
0x249: {  	v4 =	vmul.f32 $8.000000000e+00, v4;
	[tilespmem:v0+s22+$0x2790 ss:$0x1] =	vst.idx.msk $0xffff, v5;
	v5 =	vld.idx.msk [tilespmem:v1+s20+$0xFFFFFDF0 ss:$0x1], $0xffff  }
0x24a: {  	v7 =	vmul.f32 $8.000000000e+00, v7;
	[tilespmem:v0+s22+$0x2590 ss:$0x1] =	vst.idx.msk $0xffff, v9;
	v9 =	vld.idx.msk [tilespmem:v1+s22+$0xFFFFFFB0 ss:$0x1], $0xffff  }
0x24b: {  	v10 =	vld.idx.msk [tilespmem:v1+s22+$0xFFFFFDB0 ss:$0x1], $0xffff;
	[tilespmem:v0+s22+$0x2610 ss:$0x1] =	vst.idx.msk $0xffff, v4;
	v4 =	vmul.f32 $8.000000000e+00, v8  }
0x24c: {  	v3 =	vmul.f32 $8.000000000e+00, v3;
	v8 =	vld.idx.msk [tilespmem:v1+s22+$0xFFFFFE30 ss:$0x1], $0xffff;
	[tilespmem:v0+s22+$0x2690 ss:$0x1] =	vst.idx.msk $0xffff, v7  }
0x24d: {  	v7 =	vld.idx.msk [tilespmem:v1+s22+$0xFFFFFEB0 ss:$0x1], $0xffff;
	[tilespmem:v0+s22+$0x2710 ss:$0x1] =	vst.idx.msk $0xffff, v4;
	v4 =	vmul.f32 $8.000000000e+00, v6  }
0x24e: {  	v2 =	vmul.f32 $8.000000000e+00, v2;
	v6 =	vld.idx.msk [tilespmem:v1+s22+$0xFFFFFF30 ss:$0x1], $0xffff;
	[tilespmem:v0+s20+$0x27E0 ss:$0x1] =	vst.idx.msk $0xffff, v3  }
0x24f: {  	v3 =	vmul.f32 $8.000000000e+00, v5;
	[tilespmem:v0+s20+$0x26D0 ss:$0x1] =	vst.idx.msk $0xffff, v4;
	v4 =	vld.idx.msk [tilespmem:v1+s20+$0x0 ss:$0x1], $0xffff  }
0x250: {  	v5 =	vmul.f32 $8.000000000e+00, v9;
	v9 =	vld.idx.msk [tilespmem:v1+s20+$0xFFFFFE70 ss:$0x1], $0xffff;
	[tilespmem:v0+s20+$0x2750 ss:$0x1] =	vst.idx.msk $0xffff, v2  }
0x251: {  	v2 =	vmul.f32 $8.000000000e+00, v10;
	[tilespmem:v0+s20+$0x25E0 ss:$0x1] =	vst.idx.msk $0xffff, v3;
	v3 =	vld.idx.msk [tilespmem:v1+s20+$0xFFFFFEF0 ss:$0x1], $0xffff  }
0x252: {  	v8 =	vmul.f32 $8.000000000e+00, v8;
	[tilespmem:v0+s22+$0x27A0 ss:$0x1] =	vst.idx.msk $0xffff, v5;
	v5 =	vld.idx.msk [tilespmem:v1+s20+$0xFFFFFF70 ss:$0x1], $0xffff  }
0x253: {  	[tilespmem:v0+s22+$0x25A0 ss:$0x1] =	vst.idx.msk $0xffff, v2;
	v2 =	vmul.f32 $8.000000000e+00, v7;
	v7 =	vld.idx.msk [tilespmem:v1+s22+$0xFFFFFFC0 ss:$0x1], $0xffff  }
0x254: {  	v6 =	vmul.f32 $8.000000000e+00, v6;
	v10 =	vld.idx.msk [tilespmem:v1+s22+$0xFFFFFDC0 ss:$0x1], $0xffff;
	[tilespmem:v0+s22+$0x2620 ss:$0x1] =	vst.idx.msk $0xffff, v8  }
0x255: {  	v8 =	vld.idx.msk [tilespmem:v1+s22+$0xFFFFFE40 ss:$0x1], $0xffff;
	[tilespmem:v0+s22+$0x26A0 ss:$0x1] =	vst.idx.msk $0xffff, v2;
	v2 =	vmul.f32 $8.000000000e+00, v4  }
0x256: {  	v4 =	vmul.f32 $8.000000000e+00, v9;
	v11 =	vld.idx.msk [tilespmem:v1+s22+$0xFFFFFEC0 ss:$0x1], $0xffff;
	[tilespmem:v0+s22+$0x2720 ss:$0x1] =	vst.idx.msk $0xffff, v6  }
0x257: {  	v6 =	vmul.f32 $8.000000000e+00, v3;
	v9 =	vld.idx.msk [tilespmem:v1+s22+$0xFFFFFF40 ss:$0x1], $0xffff;
	[tilespmem:v0+s20+$0x27F0 ss:$0x1] =	vst.idx.msk $0xffff, v2  }
0x258: {  	v12 =	vld.idx.msk [tilespmem:v1+s20+$0xFFFFFE00 ss:$0x1], $0xffff;
	[tilespmem:v0+s20+$0x2660 ss:$0x1] =	vst.idx.msk $0xffff, v4;
	v4 =	vmul.f32 $8.000000000e+00, v5  }
0x259: {  	v5 =	vmul.f32 $8.000000000e+00, v7;
	v3 =	vld.idx.msk [tilespmem:v1+s20+$0xFFFFFE80 ss:$0x1], $0xffff;
	[tilespmem:v0+s20+$0x26E0 ss:$0x1] =	vst.idx.msk $0xffff, v6  }
.Ltmp3:
0x25a: {  	v6 =	vmul.f32 $8.000000000e+00, v10;
	v2 =	vld.idx.msk [tilespmem:v1+s20+$0xFFFFFF00 ss:$0x1], $0xffff;
	[tilespmem:v0+s20+$0x2760 ss:$0x1] =	vst.idx.msk $0xffff, v4;
	(pc) =	sbr.rel @p0 .LBB2_9-.Ltmp3, $4  }
0x25b: {  	v8 =	vmul.f32 $8.000000000e+00, v8;
	[tilespmem:v0+s22+$0x27B0 ss:$0x1] =	vst.idx.msk $0xffff, v5;
	v4 =	vld.idx.msk [tilespmem:v1+s20+$0xFFFFFF80 ss:$0x1], $0xffff  }
0x25c: {  	v5 =	vmul.f32 $8.000000000e+00, v11;
	[tilespmem:v0+s22+$0x25B0 ss:$0x1] =	vst.idx.msk $0xffff, v6;
	v7 =	vld.idx.msk [tilespmem:v1+s22+$0xFFFFFFD0 ss:$0x1], $0xffff  }
0x25d: {  	v9 =	vmul.f32 $8.000000000e+00, v9;
	v6 =	vld.idx.msk [tilespmem:v1+s22+$0xFFFFFDD0 ss:$0x1], $0xffff;
	[tilespmem:v0+s22+$0x2630 ss:$0x1] =	vst.idx.msk $0xffff, v8  }
0x25e: {  	s26 =	sadd.s32 $0xA00, s26;
	v8 =	vld.idx.msk [tilespmem:v1+s22+$0xFFFFFE50 ss:$0x1], $0xffff;
	[tilespmem:v0+s22+$0x26B0 ss:$0x1] =	vst.idx.msk $0xffff, v5;
	v5 =	vmul.f32 $8.000000000e+00, v12  }
0x25f: {  	_ =	sdelay $0x3  }
0x260: {  	v10 =	vld.idx.msk [tilespmem:v1+s22+$0xFFFFFED0 ss:$0x1], $0xffff;
	[tilespmem:v0+s22+$0x2730 ss:$0x1] =	vst.idx.msk $0xffff, v9  }
0x261: {  	v9 =	vld.idx.msk [tilespmem:v1+s22+$0xFFFFFF50 ss:$0x1], $0xffff  }
0x262: {  	v7 =	vmul.f32 $8.000000000e+00, v7  }
0x263: {  	v6 =	vmul.f32 $8.000000000e+00, v6  }
0x264: {  	v8 =	vmul.f32 $8.000000000e+00, v8;
	[tilespmem:v0+s22+$0x27C0 ss:$0x1] =	vst.idx.msk $0xffff, v7  }
0x265: {  	[tilespmem:v0+s22+$0x25C0 ss:$0x1] =	vst.idx.msk $0xffff, v6;
	v41 =	vmul.f32 $8.000000000e+00, v10;
	v7 =	vld.idx.msk [tilespmem:v1+s22+$0xFFFFFFE0 ss:$0x1], $0xffff  }
0x266: {  	[tilespmem:v0+s22+$0x2640 ss:$0x1] =	vst.idx.msk $0xffff, v8;
	v42 =	vld.idx.msk [tilespmem:v1+s22+$0xFFFFFDE0 ss:$0x1], $0xffff;
	v9 =	vmul.f32 $8.000000000e+00, v9  }
0x267: {  	[tilespmem:v0+s22+$0x26C0 ss:$0x1] =	vst.idx.msk $0xffff, v41;
	v43 =	vld.idx.msk [tilespmem:v1+s22+$0xFFFFFE60 ss:$0x1], $0xffff  }
0x268: {  	[tilespmem:v0+s22+$0x2740 ss:$0x1] =	vst.idx.msk $0xffff, v9;
	v44 =	vld.idx.msk [tilespmem:v1+s22+$0xFFFFFEE0 ss:$0x1], $0xffff  }
0x269: {  	v45 =	vld.idx.msk [tilespmem:v1+s22+$0xFFFFFF60 ss:$0x1], $0xffff  }
0x26a: {  	v7 =	vmul.f32 $8.000000000e+00, v7  }
0x26b: {  	v8 =	vmul.f32 $8.000000000e+00, v42  }
0x26c: {  	[tilespmem:v0+s22+$0x27D0 ss:$0x1] =	vst.idx.msk $0xffff, v7;
	v6 =	vmul.f32 $8.000000000e+00, v43  }
0x26d: {  	v7 =	vld.idx.msk [tilespmem:v1+s22+$0xFFFFFFF0 ss:$0x1], $0xffff;
	[tilespmem:v0+s22+$0x25D0 ss:$0x1] =	vst.idx.msk $0xffff, v8;
	v46 =	vmul.f32 $8.000000000e+00, v44  }
0x26e: {  	[tilespmem:v0+s22+$0x2650 ss:$0x1] =	vst.idx.msk $0xffff, v6;
	v47 =	vld.idx.msk [tilespmem:v1+s22+$0xFFFFFDF0 ss:$0x1], $0xffff;
	v48 =	vmul.f32 $8.000000000e+00, v45  }
0x26f: {  	[tilespmem:v0+s22+$0x26D0 ss:$0x1] =	vst.idx.msk $0xffff, v46;
	v49 =	vld.idx.msk [tilespmem:v1+s22+$0xFFFFFE70 ss:$0x1], $0xffff  }
0x270: {  	[tilespmem:v0+s22+$0x2750 ss:$0x1] =	vst.idx.msk $0xffff, v48;
	v50 =	vld.idx.msk [tilespmem:v1+s22+$0xFFFFFEF0 ss:$0x1], $0xffff  }
0x271: {  	v51 =	vld.idx.msk [tilespmem:v1+s22+$0xFFFFFF70 ss:$0x1], $0xffff  }
0x272: {  	v7 =	vmul.f32 $8.000000000e+00, v7  }
0x273: {  	[tilespmem:v0+s20+$0x25F0 ss:$0x1] =	vst.idx.msk $0xffff, v5;
	v52 =	vmul.f32 $8.000000000e+00, v47  }
0x274: {  	[tilespmem:v0+s22+$0x27E0 ss:$0x1] =	vst.idx.msk $0xffff, v7;
	v53 =	vmul.f32 $8.000000000e+00, v49  }
0x275: {  	v7 =	vld.idx.msk [tilespmem:v1+s22+$0x0 ss:$0x1], $0xffff;
	[tilespmem:v0+s22+$0x25E0 ss:$0x1] =	vst.idx.msk $0xffff, v52;
	v54 =	vmul.f32 $8.000000000e+00, v50  }
0x276: {  	s25 =	sadd.s32 $0x3, s17;
	v55 =	vld.idx.msk [tilespmem:v1+s22+$0xFFFFFE00 ss:$0x1], $0xffff;
	[tilespmem:v0+s22+$0x2660 ss:$0x1] =	vst.idx.msk $0xffff, v53;
	v56 =	vmul.f32 $8.000000000e+00, v51  }
0x277: {  	v3 =	vmul.f32 $8.000000000e+00, v3;
	s26 =	smulhi.u32 $0xAAAAAAAB, s25;
	v57 =	vld.idx.msk [tilespmem:v1+s22+$0xFFFFFE80 ss:$0x1], $0xffff;
	[tilespmem:v0+s22+$0x26E0 ss:$0x1] =	vst.idx.msk $0xffff, v54  }
0x278: {  	v2 =	vmul.f32 $8.000000000e+00, v2;
	v5 =	vld.idx.msk [tilespmem:v1+s22+$0xFFFFFF00 ss:$0x1], $0xffff;
	[tilespmem:v0+s22+$0x2760 ss:$0x1] =	vst.idx.msk $0xffff, v56  }
0x279: {  	v58 =	vmul.f32 $8.000000000e+00, v4;
	[tilespmem:v0+s20+$0x2670 ss:$0x1] =	vst.idx.msk $0xffff, v3;
	s26 =	sshrl.u32 s26, $0x2;
	v59 =	vld.idx.msk [tilespmem:v1+s22+$0xFFFFFF80 ss:$0x1], $0xffff  }
0x27a: {  	[tilespmem:v0+s20+$0x26F0 ss:$0x1] =	vst.idx.msk $0xffff, v2;
	s26 =	smul.u32 $0x6, s26;
	v60 =	vmul.f32 $8.000000000e+00, v7  }
0x27b: {  	[tilespmem:v0+s20+$0x2770 ss:$0x1] =	vst.idx.msk $0xffff, v58;
	v61 =	vmul.f32 $8.000000000e+00, v55  }
0x27c: {  	s29 =	ssub.s32 s25, s26;
	[tilespmem:v0+s22+$0x27F0 ss:$0x1] =	vst.idx.msk $0xffff, v60;
	v62 =	vmul.f32 $8.000000000e+00, v57  }
0x27d: {  	s20 =	smul.u32 $0x3800, s29;
	[tilespmem:v0+s22+$0x25F0 ss:$0x1] =	vst.idx.msk $0xffff, v61;
	v63 =	vmul.f32 $8.000000000e+00, v5  }
0x27e: {  	s25 =	sshll.u32 s25, $0x7;
	[tilespmem:v0+s22+$0x2670 ss:$0x1] =	vst.idx.msk $0xffff, v62;
	v1 =	vmul.f32 $8.000000000e+00, v59  }
0x27f: {  	s26 =	smul.u32 $0x19, s17;
	s17 =	sadd.s32 $0x1, s17;
	s20 =	sshrl.u32 s20, $0x2;
	[tilespmem:v0+s22+$0x26F0 ss:$0x1] =	vst.idx.msk $0xffff, v63  }
0x280: {  	s25 =	sand.u32 $0x3FFFFF80, s25;
	p0 =	sne.s32 s17, $0x1FD;
	s20 =	sor.u32 $0x10000, s20;
	[tilespmem:v0+s22+$0x2770 ss:$0x1] =	vst.idx.msk $0xffff, v1  }
0x281: {  	[tilespmem:s20], [sflag:$0x1] =	stream.indirect.gather [hbm4b:s4+s15], $0x40, s25, s15, $0xb8;
	[tilespmem:$0x19F00] =	vst v63  }
.Ltmp4:
0x282: {  	s29 =	sadd.s32 s5, s26;
	(pc) =	sbr.rel @p0 .LBB2_8-.Ltmp4, $4  }
0x283: {  	s20 =	sshll.u32 s29, $0x4  }
0x284: {  	s20 =	sand.u32 $0x1FFFFFF0, s20  }
0x285: {  	s18 =	sadd.s32 $0xC80, s18;
	s19 =	sadd.s32 $0xE00, s19;
	s20 =	sadd.s32 s2, s20  }
0x286: {  	[hbm4b:s20+s3] =	stream.linear.scatter [tilespmem:s23], [sflag:$0x2], $0xC80, $0x38;
	[tilespmem:$0x19F00] =	vst v63  }
0x287: {  	_ =	swait.ge [sflag:s21], $0xE00  }
0x288: {  	[sflag:s21] =	ssyncset.done $0x0  }
0x289: {  	s17 =	simm.s32 $0x0;
	[sflag:s21] =	ssyncadd.s32 $0xFFFFF200  }
0x28a: {  	v1 =	vld [tilespmem:s17+$0x14600]  }
0x28b: {  	v0 =	vld [tilespmem:s17+$0x14870]  }
0x28c: {  	v2 =	vld [tilespmem:s17+$0x14610]  }
0x28d: {  	v6 =	vld [tilespmem:s17+$0x14650]  }
0x28e: {  	v4 =	vld [tilespmem:s17+$0x14630]  }
0x28f: {  	v3 =	vld [tilespmem:s17+$0x14620];
	v1 =	vmul.f32 $8.000000000e+00, v1  }
0x290: {  	v8 =	vld [tilespmem:s17+$0x14680];
	v0 =	vmul.f32 $8.000000000e+00, v0  }
0x291: {  	v5 =	vld [tilespmem:s17+$0x14640];
	v2 =	vmul.f32 $8.000000000e+00, v2;
	[tilespmem:s17+$0x19280] =	vst v1  }
0x292: {  	v7 =	vld [tilespmem:s17+$0x14660];
	v6 =	vmul.f32 $8.000000000e+00, v6;
	[tilespmem:s17+$0x194F0] =	vst v0  }
0x293: {  	v1 =	vld [tilespmem:s17+$0x14670];
	[tilespmem:s17+$0x19290] =	vst v2;
	v2 =	vmul.f32 $8.000000000e+00, v4  }
0x294: {  	v9 =	vld [tilespmem:s17+$0x14690];
	v0 =	vmul.f32 $8.000000000e+00, v3;
	[tilespmem:s17+$0x192D0] =	vst v6  }
0x295: {  	v3 =	vld [tilespmem:s17+$0x146A0];
	[tilespmem:s17+$0x192B0] =	vst v2;
	v2 =	vmul.f32 $8.000000000e+00, v8  }
0x296: {  	v4 =	vld [tilespmem:s17+$0x146B0];
	[tilespmem:s17+$0x192A0] =	vst v0;
	v0 =	vmul.f32 $8.000000000e+00, v5  }
0x297: {  	v5 =	vld [tilespmem:s17+$0x146C0];
	[tilespmem:s17+$0x19300] =	vst v2;
	v2 =	vmul.f32 $8.000000000e+00, v7  }
0x298: {  	[tilespmem:s17+$0x192C0] =	vst v0;
	v0 =	vld [tilespmem:s17+$0x146E0];
	v1 =	vmul.f32 $8.000000000e+00, v1  }
0x299: {  	v8 =	vld [tilespmem:s17+$0x146D0];
	[tilespmem:s17+$0x192E0] =	vst v2;
	v2 =	vmul.f32 $8.000000000e+00, v9  }
0x29a: {  	v7 =	vld [tilespmem:s17+$0x14700];
	[tilespmem:s17+$0x192F0] =	vst v1;
	v1 =	vmul.f32 $8.000000000e+00, v3  }
0x29b: {  	v3 =	vld [tilespmem:s17+$0x14710];
	[tilespmem:s17+$0x19310] =	vst v2;
	v2 =	vmul.f32 $8.000000000e+00, v4  }
0x29c: {  	v6 =	vld [tilespmem:s17+$0x146F0];
	[tilespmem:s17+$0x19320] =	vst v1;
	v1 =	vmul.f32 $8.000000000e+00, v5  }
0x29d: {  	v4 =	vld [tilespmem:s17+$0x14720];
	v0 =	vmul.f32 $8.000000000e+00, v0;
	[tilespmem:s17+$0x19330] =	vst v2  }
0x29e: {  	v5 =	vld [tilespmem:s17+$0x14730];
	v2 =	vmul.f32 $8.000000000e+00, v8;
	[tilespmem:s17+$0x19340] =	vst v1  }
0x29f: {  	v8 =	vld [tilespmem:s17+$0x14740];
	v1 =	vmul.f32 $8.000000000e+00, v7;
	[tilespmem:s17+$0x19360] =	vst v0  }
0x2a0: {  	v7 =	vld [tilespmem:s17+$0x14750];
	[tilespmem:s17+$0x19350] =	vst v2;
	v0 =	vmul.f32 $8.000000000e+00, v3  }
0x2a1: {  	v2 =	vld [tilespmem:s17+$0x14760];
	[tilespmem:s17+$0x19380] =	vst v1;
	v1 =	vmul.f32 $8.000000000e+00, v6  }
0x2a2: {  	v3 =	vld [tilespmem:s17+$0x14770];
	[tilespmem:s17+$0x19390] =	vst v0  }
0x2a3: {  	v0 =	vmul.f32 $8.000000000e+00, v5;
	v5 =	vld [tilespmem:s17+$0x14790];
	[tilespmem:s17+$0x19370] =	vst v1;
	v1 =	vmul.f32 $8.000000000e+00, v4  }
0x2a4: {  	v4 =	vld [tilespmem:s17+$0x14780]  }
0x2a5: {  	v6 =	vld [tilespmem:s17+$0x147A0];
	[tilespmem:s17+$0x193A0] =	vst v1;
	v1 =	vmul.f32 $8.000000000e+00, v8  }
0x2a6: {  	[tilespmem:s17+$0x193B0] =	vst v0;
	v0 =	vmul.f32 $8.000000000e+00, v7;
	v7 =	vld [tilespmem:s17+$0x147B0]  }
0x2a7: {  	[tilespmem:s17+$0x193C0] =	vst v1;
	v1 =	vmul.f32 $8.000000000e+00, v2  }
0x2a8: {  	[tilespmem:s17+$0x193D0] =	vst v0;
	v2 =	vld [tilespmem:s17+$0x147C0];
	v5 =	vmul.f32 $8.000000000e+00, v5  }
0x2a9: {  	v0 =	vmul.f32 $8.000000000e+00, v4;
	v4 =	vld [tilespmem:s17+$0x147D0];
	[tilespmem:s17+$0x193E0] =	vst v1  }
0x2aa: {  	v3 =	vmul.f32 $8.000000000e+00, v3;
	v1 =	vld [tilespmem:s17+$0x147E0];
	[tilespmem:s17+$0x19410] =	vst v5  }
0x2ab: {  	v5 =	vmul.f32 $8.000000000e+00, v7;
	[tilespmem:s17+$0x19400] =	vst v0;
	v0 =	vmul.f32 $8.000000000e+00, v6;
	v6 =	vld [tilespmem:s17+$0x147F0]  }
0x2ac: {  	[tilespmem:s17+$0x193F0] =	vst v3;
	v7 =	vld [tilespmem:s17+$0x14800]  }
0x2ad: {  	v3 =	vld [tilespmem:s17+$0x14810];
	[tilespmem:s17+$0x19430] =	vst v5;
	v2 =	vmul.f32 $8.000000000e+00, v2  }
0x2ae: {  	[tilespmem:s17+$0x19420] =	vst v0;
	v0 =	vld [tilespmem:s17+$0x14820];
	v4 =	vmul.f32 $8.000000000e+00, v4  }
0x2af: {  	[tilespmem:s17+$0x19440] =	vst v2;
	v5 =	vmul.f32 $8.000000000e+00, v1;
	v1 =	vld [tilespmem:s17+$0x14830]  }
0x2b0: {  	v2 =	vld [tilespmem:s17+$0x14840];
	[tilespmem:s17+$0x19450] =	vst v4;
	v6 =	vmul.f32 $8.000000000e+00, v6  }
0x2b1: {  	s18 =	simm.s32 $0x0;
	s19 =	simm.s32 $0xA00;
	v4 =	vld [tilespmem:s17+$0x14850];
	[tilespmem:s17+$0x19460] =	vst v5;
	v5 =	vmul.f32 $8.000000000e+00, v7  }
.LBB2_12:
0x2b2: {  	s20 =	sshra.s32 s19, $0x2;
	s18 =	sadd.s32 $0x5, s18;
	[tilespmem:s17+$0x19470] =	vst v6;
	v3 =	vmul.f32 $8.000000000e+00, v3;
	v6 =	vld [tilespmem:s17+$0x14860]  }
0x2b3: {  	v7 =	vld [tilespmem:s20+$0x14870];
	p0 =	slt.u32 s18, $0x14;
	[tilespmem:s17+$0x19480] =	vst v5;
	v0 =	vmul.f32 $8.000000000e+00, v0  }
0x2b4: {  	v5 =	vld [tilespmem:s20+$0x14600];
	[tilespmem:s17+$0x19490] =	vst v3;
	v1 =	vmul.f32 $8.000000000e+00, v1  }
0x2b5: {  	v3 =	vld [tilespmem:s20+$0x14610];
	[tilespmem:s17+$0x194A0] =	vst v0;
	v0 =	vmul.f32 $8.000000000e+00, v2  }
0x2b6: {  	v2 =	vld [tilespmem:s20+$0x14620];
	[tilespmem:s17+$0x194B0] =	vst v1;
	v1 =	vmul.f32 $8.000000000e+00, v4  }
0x2b7: {  	v4 =	vld [tilespmem:s20+$0x14630];
	[tilespmem:s17+$0x194C0] =	vst v0;
	v0 =	vmul.f32 $8.000000000e+00, v6  }
0x2b8: {  	v6 =	vld [tilespmem:s20+$0x14640];
	v7 =	vmul.f32 $8.000000000e+00, v7;
	[tilespmem:s17+$0x194D0] =	vst v1  }
0x2b9: {  	v1 =	vmul.f32 $8.000000000e+00, v5;
	v5 =	vld [tilespmem:s20+$0x14650];
	[tilespmem:s17+$0x194E0] =	vst v0;
	s17 =	smov.u32 s20  }
0x2ba: {  	v0 =	vmul.f32 $8.000000000e+00, v3;
	v3 =	vld [tilespmem:s17+$0x14660];
	[tilespmem:s17+$0x194F0] =	vst v7  }
0x2bb: {  	[tilespmem:s17+$0x19280] =	vst v1;
	v1 =	vmul.f32 $8.000000000e+00, v2;
	v2 =	vld [tilespmem:s17+$0x14670]  }
0x2bc: {  	[tilespmem:s17+$0x19290] =	vst v0;
	v0 =	vmul.f32 $8.000000000e+00, v4;
	v4 =	vld [tilespmem:s17+$0x14680]  }
0x2bd: {  	[tilespmem:s17+$0x192A0] =	vst v1;
	v1 =	vmul.f32 $8.000000000e+00, v6;
	v6 =	vld [tilespmem:s17+$0x14690]  }
0x2be: {  	[tilespmem:s17+$0x192B0] =	vst v0;
	v0 =	vmul.f32 $8.000000000e+00, v5;
	v5 =	vld [tilespmem:s17+$0x146A0]  }
0x2bf: {  	[tilespmem:s17+$0x192C0] =	vst v1;
	v1 =	vmul.f32 $8.000000000e+00, v3;
	v3 =	vld [tilespmem:s17+$0x146B0]  }
0x2c0: {  	[tilespmem:s17+$0x192D0] =	vst v0;
	v0 =	vmul.f32 $8.000000000e+00, v2;
	v2 =	vld [tilespmem:s17+$0x146C0]  }
0x2c1: {  	[tilespmem:s17+$0x192E0] =	vst v1;
	v1 =	vmul.f32 $8.000000000e+00, v4;
	v4 =	vld [tilespmem:s17+$0x146D0]  }
0x2c2: {  	[tilespmem:s17+$0x192F0] =	vst v0;
	v0 =	vmul.f32 $8.000000000e+00, v6;
	v6 =	vld [tilespmem:s17+$0x146E0]  }
0x2c3: {  	[tilespmem:s17+$0x19300] =	vst v1;
	v1 =	vmul.f32 $8.000000000e+00, v5;
	v5 =	vld [tilespmem:s17+$0x146F0]  }
0x2c4: {  	[tilespmem:s17+$0x19310] =	vst v0;
	v0 =	vmul.f32 $8.000000000e+00, v3;
	v3 =	vld [tilespmem:s17+$0x14700]  }
0x2c5: {  	[tilespmem:s17+$0x19320] =	vst v1;
	v1 =	vmul.f32 $8.000000000e+00, v2;
	v2 =	vld [tilespmem:s17+$0x14710]  }
0x2c6: {  	[tilespmem:s17+$0x19330] =	vst v0;
	v0 =	vmul.f32 $8.000000000e+00, v4;
	v4 =	vld [tilespmem:s17+$0x14720]  }
0x2c7: {  	[tilespmem:s17+$0x19340] =	vst v1;
	v1 =	vmul.f32 $8.000000000e+00, v6;
	v6 =	vld [tilespmem:s17+$0x14730]  }
0x2c8: {  	[tilespmem:s17+$0x19350] =	vst v0;
	v0 =	vmul.f32 $8.000000000e+00, v5;
	v5 =	vld [tilespmem:s17+$0x14740]  }
0x2c9: {  	[tilespmem:s17+$0x19360] =	vst v1;
	v1 =	vmul.f32 $8.000000000e+00, v3;
	v3 =	vld [tilespmem:s17+$0x14750]  }
0x2ca: {  	[tilespmem:s17+$0x19370] =	vst v0;
	v0 =	vmul.f32 $8.000000000e+00, v2;
	v2 =	vld [tilespmem:s17+$0x14760]  }
0x2cb: {  	[tilespmem:s17+$0x19380] =	vst v1;
	v1 =	vmul.f32 $8.000000000e+00, v4;
	v4 =	vld [tilespmem:s17+$0x14770]  }
0x2cc: {  	[tilespmem:s17+$0x19390] =	vst v0;
	v0 =	vmul.f32 $8.000000000e+00, v6;
	v6 =	vld [tilespmem:s17+$0x14780]  }
0x2cd: {  	[tilespmem:s17+$0x193A0] =	vst v1;
	v1 =	vmul.f32 $8.000000000e+00, v5;
	v5 =	vld [tilespmem:s17+$0x14790]  }
0x2ce: {  	[tilespmem:s17+$0x193B0] =	vst v0;
	v0 =	vmul.f32 $8.000000000e+00, v3;
	v3 =	vld [tilespmem:s17+$0x147A0]  }
0x2cf: {  	[tilespmem:s17+$0x193C0] =	vst v1;
	v1 =	vmul.f32 $8.000000000e+00, v2;
	v2 =	vld [tilespmem:s17+$0x147B0]  }
0x2d0: {  	[tilespmem:s17+$0x193D0] =	vst v0;
	v0 =	vmul.f32 $8.000000000e+00, v4;
	v4 =	vld [tilespmem:s17+$0x147C0]  }
0x2d1: {  	[tilespmem:s17+$0x193E0] =	vst v1;
	v1 =	vmul.f32 $8.000000000e+00, v6;
	v6 =	vld [tilespmem:s17+$0x147D0]  }
0x2d2: {  	[tilespmem:s17+$0x193F0] =	vst v0;
	v0 =	vmul.f32 $8.000000000e+00, v5;
	v5 =	vld [tilespmem:s17+$0x147E0]  }
0x2d3: {  	[tilespmem:s17+$0x19400] =	vst v1;
	v1 =	vmul.f32 $8.000000000e+00, v3;
	v7 =	vld [tilespmem:s17+$0x147F0]  }
0x2d4: {  	[tilespmem:s17+$0x19410] =	vst v0;
	v0 =	vmul.f32 $8.000000000e+00, v2;
	v8 =	vld [tilespmem:s17+$0x14800]  }
.Ltmp5:
0x2d5: {  	[tilespmem:s17+$0x19420] =	vst v1;
	v1 =	vmul.f32 $8.000000000e+00, v4;
	v3 =	vld [tilespmem:s17+$0x14810];
	(pc) =	sbr.rel @p0 .LBB2_12-.Ltmp5, $4  }
0x2d6: {  	[tilespmem:s17+$0x19430] =	vst v0;
	v2 =	vmul.f32 $8.000000000e+00, v6;
	v0 =	vld [tilespmem:s17+$0x14820]  }
0x2d7: {  	[tilespmem:s17+$0x19440] =	vst v1;
	v4 =	vmul.f32 $8.000000000e+00, v5;
	v1 =	vld [tilespmem:s17+$0x14830]  }
0x2d8: {  	[tilespmem:s17+$0x19450] =	vst v2;
	v6 =	vmul.f32 $8.000000000e+00, v7;
	v2 =	vld [tilespmem:s17+$0x14840]  }
0x2d9: {  	s19 =	sadd.s32 $0xA00, s19;
	[tilespmem:s17+$0x19460] =	vst v4;
	v5 =	vmul.f32 $8.000000000e+00, v8;
	v4 =	vld [tilespmem:s17+$0x14850]  }
0x2da: {  	[tilespmem:s17+$0x19470] =	vst v6;
	v3 =	vmul.f32 $8.000000000e+00, v3;
	v6 =	vld [tilespmem:s17+$0x14860]  }
0x2db: {  	[tilespmem:s17+$0x19480] =	vst v5;
	v0 =	vmul.f32 $8.000000000e+00, v0  }
0x2dc: {  	[tilespmem:s17+$0x19490] =	vst v3;
	v1 =	vmul.f32 $8.000000000e+00, v1  }
0x2dd: {  	[tilespmem:s17+$0x194A0] =	vst v0;
	v0 =	vmul.f32 $8.000000000e+00, v2  }
0x2de: {  	[tilespmem:s17+$0x194B0] =	vst v1;
	v1 =	vmul.f32 $8.000000000e+00, v4  }
0x2df: {  	[tilespmem:s17+$0x194C0] =	vst v0;
	v0 =	vmul.f32 $8.000000000e+00, v6  }
0x2e0: {  	[tilespmem:s17+$0x194D0] =	vst v1  }
0x2e1: {  	[tilespmem:s17+$0x194E0] =	vst v0  }
0x2e2: {  	[hbm4b:s10+s3] =	stream.linear.scatter [tilespmem:s1], [sflag:$0x2], $0xC80, $0x38;
	[tilespmem:$0x19F00] =	vst v63  }
0x2e3: {  	_ =	swait.ge [sflag:s21], $0xE00  }
0x2e4: {  	[sflag:s21] =	ssyncset.done $0x0  }
0x2e5: {  	s20 =	simm.s32 $0x10140;
	[sflag:s21] =	ssyncadd.s32 $0xFFFFF200  }
0x2e6: {  	v0 =	vld [tilespmem:s20+$0xC0];
	_ =	sdelay $0x2  }
0x2e7: {  	v1 =	vld [tilespmem:s20+$0xFFFFFF40]  }
0x2e8: {  	v2 =	vld [tilespmem:s20+$0xFFFFFFC0]  }
0x2e9: {  	v3 =	vld [tilespmem:s20+$0xFFFFFEC0];
	v0 =	vmul.f32 $8.000000000e+00, v0  }
0x2ea: {  	s17 =	simm.s32 $0x15540;
	v4 =	vld [tilespmem:s20+$0x40]  }
0x2eb: {  	[tilespmem:s17+$0xC0] =	vst v0  }
0x2ec: {  	v0 =	vmul.f32 $8.000000000e+00, v1;
	v1 =	vld [tilespmem:s20+$0xD0]  }
0x2ed: {  	v2 =	vmul.f32 $8.000000000e+00, v2  }
0x2ee: {  	[tilespmem:s17+$0xFFFFFF40] =	vst v0;
	v0 =	vmul.f32 $8.000000000e+00, v3  }
0x2ef: {  	[tilespmem:s17+$0xFFFFFFC0] =	vst v2;
	v3 =	vmul.f32 $8.000000000e+00, v4;
	v4 =	vld [tilespmem:s20+$0xFFFFFF50]  }
0x2f0: {  	v2 =	vld [tilespmem:s20+$0xFFFFFFD0];
	[tilespmem:s17+$0xFFFFFEC0] =	vst v0  }
0x2f1: {  	[tilespmem:s17+$0x40] =	vst v3;
	v0 =	vld [tilespmem:s20+$0xFFFFFED0];
	v1 =	vmul.f32 $8.000000000e+00, v1  }
0x2f2: {  	v3 =	vld [tilespmem:s20+$0x50]  }
0x2f3: {  	[tilespmem:s17+$0xD0] =	vst v1  }
0x2f4: {  	v1 =	vmul.f32 $8.000000000e+00, v4;
	v4 =	vld [tilespmem:s20+$0xE0]  }
0x2f5: {  	v2 =	vmul.f32 $8.000000000e+00, v2  }
0x2f6: {  	[tilespmem:s17+$0xFFFFFF50] =	vst v1;
	v0 =	vmul.f32 $8.000000000e+00, v0  }
0x2f7: {  	[tilespmem:s17+$0xFFFFFFD0] =	vst v2;
	v1 =	vmul.f32 $8.000000000e+00, v3;
	v3 =	vld [tilespmem:s20+$0xFFFFFF60]  }
0x2f8: {  	v2 =	vld [tilespmem:s20+$0xFFFFFFE0];
	[tilespmem:s17+$0xFFFFFED0] =	vst v0  }
0x2f9: {  	[tilespmem:s17+$0x50] =	vst v1;
	v0 =	vld [tilespmem:s20+$0xFFFFFEE0];
	v1 =	vmul.f32 $8.000000000e+00, v4  }
0x2fa: {  	v4 =	vld [tilespmem:s20+$0x60]  }
0x2fb: {  	[tilespmem:s17+$0xE0] =	vst v1  }
0x2fc: {  	v1 =	vmul.f32 $8.000000000e+00, v3;
	v3 =	vld [tilespmem:s20+$0xF0]  }
0x2fd: {  	v2 =	vmul.f32 $8.000000000e+00, v2  }
0x2fe: {  	[tilespmem:s17+$0xFFFFFF60] =	vst v1;
	v0 =	vmul.f32 $8.000000000e+00, v0  }
0x2ff: {  	[tilespmem:s17+$0xFFFFFFE0] =	vst v2;
	v1 =	vmul.f32 $8.000000000e+00, v4;
	v4 =	vld [tilespmem:s20+$0xFFFFFF70]  }
0x300: {  	v2 =	vld [tilespmem:s20+$0xFFFFFFF0];
	[tilespmem:s17+$0xFFFFFEE0] =	vst v0  }
0x301: {  	[tilespmem:s17+$0x60] =	vst v1;
	v0 =	vld [tilespmem:s20+$0xFFFFFEF0];
	v1 =	vmul.f32 $8.000000000e+00, v3  }
0x302: {  	v3 =	vld [tilespmem:s20+$0x70]  }
0x303: {  	[tilespmem:s17+$0xF0] =	vst v1  }
0x304: {  	v1 =	vmul.f32 $8.000000000e+00, v4;
	v4 =	vld [tilespmem:s20+$0x100]  }
0x305: {  	s18 =	simm.s32 $0x103C0;
	v2 =	vmul.f32 $8.000000000e+00, v2  }
0x306: {  	v5 =	vld [tilespmem:s18+$0xC0];
	[tilespmem:s17+$0xFFFFFF70] =	vst v1;
	v0 =	vmul.f32 $8.000000000e+00, v0  }
0x307: {  	[tilespmem:s17+$0xFFFFFFF0] =	vst v2;
	v1 =	vmul.f32 $8.000000000e+00, v3;
	v3 =	vld [tilespmem:s20+$0xFFFFFF80]  }
0x308: {  	v2 =	vld [tilespmem:s20+$0x0];
	[tilespmem:s17+$0xFFFFFEF0] =	vst v0  }
0x309: {  	[tilespmem:s17+$0x70] =	vst v1;
	v0 =	vld [tilespmem:s20+$0xFFFFFF00];
	v1 =	vmul.f32 $8.000000000e+00, v4;
	_ =	sdelay $0x1  }
0x30a: {  	v5 =	vmul.f32 $8.000000000e+00, v5;
	v4 =	vld [tilespmem:s20+$0x80];
	[tilespmem:s17+$0x100] =	vst v1  }
0x30b: {  	s19 =	simm.s32 $0x157C0;
	v1 =	vmul.f32 $8.000000000e+00, v3;
	v3 =	vld [tilespmem:s20+$0x110]  }
0x30c: {  	v6 =	vld [tilespmem:s18+$0xFFFFFF40];
	[tilespmem:s19+$0xC0] =	vst v5;
	v2 =	vmul.f32 $8.000000000e+00, v2  }
0x30d: {  	[tilespmem:s17+$0xFFFFFF80] =	vst v1;
	v0 =	vmul.f32 $8.000000000e+00, v0;
	v1 =	vld [tilespmem:s18+$0xFFFFFFC0]  }
0x30e: {  	[tilespmem:s17+$0x0] =	vst v2;
	v2 =	vld [tilespmem:s18+$0x40]  }
0x30f: {  	v4 =	vmul.f32 $8.000000000e+00, v4;
	[tilespmem:s17+$0xFFFFFF00] =	vst v0;
	v0 =	vld [tilespmem:s18+$0xFFFFFEC0]  }
0x310: {  	v7 =	vld [tilespmem:s18+$0xD0];
	v3 =	vmul.f32 $8.000000000e+00, v3  }
0x311: {  	v6 =	vmul.f32 $8.000000000e+00, v6;
	[tilespmem:s17+$0x80] =	vst v4;
	v4 =	vld [tilespmem:s20+$0xFFFFFF10]  }
0x312: {  	v5 =	vld [tilespmem:s20+$0xFFFFFF90];
	v1 =	vmul.f32 $8.000000000e+00, v1;
	[tilespmem:s17+$0x110] =	vst v3  }
0x313: {  	[tilespmem:s19+$0xFFFFFF40] =	vst v6;
	v2 =	vmul.f32 $8.000000000e+00, v2;
	v3 =	vld [tilespmem:s20+$0x120]  }
0x314: {  	v6 =	vld [tilespmem:s18+$0xFFFFFF50];
	v0 =	vmul.f32 $8.000000000e+00, v0;
	[tilespmem:s19+$0xFFFFFFC0] =	vst v1  }
0x315: {  	v7 =	vmul.f32 $8.000000000e+00, v7;
	[tilespmem:s19+$0x40] =	vst v2;
	v1 =	vld [tilespmem:s18+$0xFFFFFFD0]  }
0x316: {  	v2 =	vmul.f32 $8.000000000e+00, v4;
	[tilespmem:s19+$0xFFFFFEC0] =	vst v0;
	v0 =	vld [tilespmem:s18+$0x50]  }
0x317: {  	[tilespmem:s19+$0xD0] =	vst v7;
	v4 =	vmul.f32 $8.000000000e+00, v5;
	v5 =	vld [tilespmem:s18+$0xFFFFFED0]  }
0x318: {  	v7 =	vld [tilespmem:s18+$0xE0];
	[tilespmem:s17+$0xFFFFFF10] =	vst v2;
	v3 =	vmul.f32 $8.000000000e+00, v3  }
0x319: {  	[tilespmem:s17+$0xFFFFFF90] =	vst v4;
	v2 =	vld [tilespmem:s20+$0x10];
	v4 =	vmul.f32 $8.000000000e+00, v6  }
0x31a: {  	v6 =	vld [tilespmem:s20+$0x90];
	v1 =	vmul.f32 $8.000000000e+00, v1;
	[tilespmem:s17+$0x120] =	vst v3  }
0x31b: {  	[tilespmem:s19+$0xFFFFFF50] =	vst v4;
	v0 =	vmul.f32 $8.000000000e+00, v0;
	v3 =	vld [tilespmem:s20+$0x130]  }
0x31c: {  	v4 =	vmul.f32 $8.000000000e+00, v5;
	v5 =	vld [tilespmem:s18+$0xFFFFFF60];
	[tilespmem:s19+$0xFFFFFFD0] =	vst v1  }
0x31d: {  	v7 =	vmul.f32 $8.000000000e+00, v7;
	v1 =	vld [tilespmem:s18+$0xFFFFFFE0];
	[tilespmem:s19+$0x50] =	vst v0  }
0x31e: {  	v0 =	vmul.f32 $8.000000000e+00, v2;
	[tilespmem:s19+$0xFFFFFED0] =	vst v4;
	v2 =	vld [tilespmem:s18+$0x60]  }
0x31f: {  	[tilespmem:s19+$0xE0] =	vst v7;
	v4 =	vmul.f32 $8.000000000e+00, v6;
	v6 =	vld [tilespmem:s18+$0xFFFFFEE0]  }
0x320: {  	[tilespmem:s17+$0x10] =	vst v0;
	v0 =	vld [tilespmem:s20+$0xFFFFFF20];
	v3 =	vmul.f32 $8.000000000e+00, v3  }
0x321: {  	[tilespmem:s17+$0x90] =	vst v4;
	v4 =	vmul.f32 $8.000000000e+00, v5;
	v5 =	vld [tilespmem:s20+$0xFFFFFFA0]  }
0x322: {  	v7 =	vld [tilespmem:s20+$0x20];
	v1 =	vmul.f32 $8.000000000e+00, v1;
	[tilespmem:s17+$0x130] =	vst v3  }
0x323: {  	[tilespmem:s19+$0xFFFFFF60] =	vst v4;
	v2 =	vmul.f32 $8.000000000e+00, v2;
	v3 =	vld [tilespmem:s18+$0xF0]  }
0x324: {  	v4 =	vmul.f32 $8.000000000e+00, v6;
	v6 =	vld [tilespmem:s18+$0xFFFFFF70];
	[tilespmem:s19+$0xFFFFFFE0] =	vst v1  }
0x325: {  	v0 =	vmul.f32 $8.000000000e+00, v0;
	v1 =	vld [tilespmem:s18+$0xFFFFFFF0];
	[tilespmem:s19+$0x60] =	vst v2  }
0x326: {  	[tilespmem:s19+$0xFFFFFEE0] =	vst v4;
	v2 =	vld [tilespmem:s18+$0x70];
	v4 =	vmul.f32 $8.000000000e+00, v5  }
0x327: {  	[tilespmem:s17+$0xFFFFFF20] =	vst v0;
	v0 =	vmul.f32 $8.000000000e+00, v7;
	v5 =	vld [tilespmem:s18+$0xFFFFFEF0]  }
0x328: {  	v3 =	vmul.f32 $8.000000000e+00, v3;
	[tilespmem:s17+$0xFFFFFFA0] =	vst v4;
	v4 =	vld [tilespmem:s20+$0xA0]  }
0x329: {  	v7 =	vld [tilespmem:s20+$0xFFFFFF30];
	[tilespmem:s17+$0x20] =	vst v0;
	v6 =	vmul.f32 $8.000000000e+00, v6  }
0x32a: {  	v0 =	vmul.f32 $8.000000000e+00, v1;
	[tilespmem:s19+$0xF0] =	vst v3;
	v1 =	vld [tilespmem:s20+$0xFFFFFFB0]  }
0x32b: {  	[tilespmem:s19+$0xFFFFFF70] =	vst v6;
	v3 =	vmul.f32 $8.000000000e+00, v2;
	v6 =	vld [tilespmem:s18+$0x100]  }
0x32c: {  	v5 =	vmul.f32 $8.000000000e+00, v5;
	v8 =	vld [tilespmem:s18+$0xFFFFFF80];
	[tilespmem:s19+$0xFFFFFFF0] =	vst v0  }
0x32d: {  	v2 =	vld [tilespmem:s18+$0x0];
	[tilespmem:s19+$0x70] =	vst v3;
	v0 =	vmul.f32 $8.000000000e+00, v4  }
0x32e: {  	[tilespmem:s19+$0xFFFFFEF0] =	vst v5;
	v3 =	vld [tilespmem:s18+$0x80];
	v5 =	vmul.f32 $8.000000000e+00, v7  }
0x32f: {  	v4 =	vld [tilespmem:s18+$0xFFFFFF00];
	v1 =	vmul.f32 $8.000000000e+00, v1;
	[tilespmem:s17+$0xA0] =	vst v0  }
0x330: {  	v0 =	vld [tilespmem:s20+$0x30];
	[tilespmem:s17+$0xFFFFFF30] =	vst v5;
	v6 =	vmul.f32 $8.000000000e+00, v6  }
0x331: {  	s22 =	simm.s32 $0x5;
	s23 =	simm.s32 $0x10640;
	v5 =	vmul.f32 $8.000000000e+00, v8;
	[tilespmem:s17+$0xFFFFFFB0] =	vst v1;
	v1 =	vld [tilespmem:s20+$0xB0]  }
.LBB2_14:
0x332: {  	v7 =	vld [tilespmem:s23+$0xC0];
	v2 =	vmul.f32 $8.000000000e+00, v2;
	[tilespmem:s19+$0x100] =	vst v6  }
0x333: {  	s22 =	sadd.s32 $0x5, s22;
	[tilespmem:s19+$0xFFFFFF80] =	vst v5;
	v3 =	vmul.f32 $8.000000000e+00, v3;
	v5 =	vld [tilespmem:s18+$0x110]  }
0x334: {  	p0 =	slt.u32 s22, $0x14;
	v6 =	vld [tilespmem:s23+$0xFFFFFF40];
	v4 =	vmul.f32 $8.000000000e+00, v4;
	[tilespmem:s19+$0x0] =	vst v2  }
0x335: {  	v2 =	vld [tilespmem:s23+$0xFFFFFFC0];
	[tilespmem:s19+$0x80] =	vst v3;
	v0 =	vmul.f32 $8.000000000e+00, v0  }
0x336: {  	v3 =	vld [tilespmem:s23+$0x40];
	[tilespmem:s19+$0xFFFFFF00] =	vst v4;
	v1 =	vmul.f32 $8.000000000e+00, v1  }
0x337: {  	v4 =	vld [tilespmem:s23+$0xFFFFFEC0];
	v7 =	vmul.f32 $8.000000000e+00, v7;
	[tilespmem:s17+$0x30] =	vst v0  }
0x338: {  	v0 =	vld [tilespmem:s18+$0xFFFFFF10];
	v5 =	vmul.f32 $8.000000000e+00, v5;
	[tilespmem:s17+$0xB0] =	vst v1;
	s17 =	smov.u32 s19;
	s19 =	sadd.s32 $0x280, s19  }
0x339: {  	v1 =	vmul.f32 $8.000000000e+00, v6;
	[tilespmem:s19+$0xC0] =	vst v7;
	v6 =	vld [tilespmem:s18+$0xFFFFFF90]  }
0x33a: {  	v2 =	vmul.f32 $8.000000000e+00, v2;
	v7 =	vld [tilespmem:s23+$0xD0];
	[tilespmem:s17+$0x110] =	vst v5  }
0x33b: {  	[tilespmem:s19+$0xFFFFFF40] =	vst v1;
	v1 =	vmul.f32 $8.000000000e+00, v3;
	v3 =	vld [tilespmem:s18+$0x120]  }
0x33c: {  	v4 =	vmul.f32 $8.000000000e+00, v4;
	v5 =	vld [tilespmem:s23+$0xFFFFFF50];
	[tilespmem:s19+$0xFFFFFFC0] =	vst v2  }
0x33d: {  	v2 =	vld [tilespmem:s23+$0xFFFFFFD0];
	[tilespmem:s19+$0x40] =	vst v1;
	v0 =	vmul.f32 $8.000000000e+00, v0  }
0x33e: {  	[tilespmem:s19+$0xFFFFFEC0] =	vst v4;
	v1 =	vld [tilespmem:s23+$0x50];
	v4 =	vmul.f32 $8.000000000e+00, v6  }
0x33f: {  	v6 =	vld [tilespmem:s23+$0xFFFFFED0];
	v7 =	vmul.f32 $8.000000000e+00, v7;
	[tilespmem:s17+$0xFFFFFF10] =	vst v0  }
0x340: {  	[tilespmem:s17+$0xFFFFFF90] =	vst v4;
	v0 =	vld [tilespmem:s18+$0x10];
	v3 =	vmul.f32 $8.000000000e+00, v3  }
0x341: {  	v4 =	vmul.f32 $8.000000000e+00, v5;
	[tilespmem:s19+$0xD0] =	vst v7;
	v5 =	vld [tilespmem:s18+$0x90]  }
0x342: {  	v2 =	vmul.f32 $8.000000000e+00, v2;
	v7 =	vld [tilespmem:s23+$0xE0];
	[tilespmem:s17+$0x120] =	vst v3  }
0x343: {  	[tilespmem:s19+$0xFFFFFF50] =	vst v4;
	v1 =	vmul.f32 $8.000000000e+00, v1;
	v3 =	vld [tilespmem:s18+$0x130]  }
0x344: {  	v4 =	vmul.f32 $8.000000000e+00, v6;
	v6 =	vld [tilespmem:s23+$0xFFFFFF60];
	[tilespmem:s19+$0xFFFFFFD0] =	vst v2  }
0x345: {  	v2 =	vld [tilespmem:s23+$0xFFFFFFE0];
	[tilespmem:s19+$0x50] =	vst v1;
	v0 =	vmul.f32 $8.000000000e+00, v0  }
0x346: {  	[tilespmem:s19+$0xFFFFFED0] =	vst v4;
	v1 =	vld [tilespmem:s23+$0x60];
	v4 =	vmul.f32 $8.000000000e+00, v5  }
0x347: {  	v5 =	vld [tilespmem:s23+$0xFFFFFEE0];
	v7 =	vmul.f32 $8.000000000e+00, v7;
	[tilespmem:s17+$0x10] =	vst v0  }
0x348: {  	v0 =	vld [tilespmem:s18+$0xFFFFFF20];
	[tilespmem:s17+$0x90] =	vst v4;
	v3 =	vmul.f32 $8.000000000e+00, v3  }
0x349: {  	v4 =	vmul.f32 $8.000000000e+00, v6;
	[tilespmem:s19+$0xE0] =	vst v7;
	v6 =	vld [tilespmem:s18+$0xFFFFFFA0]  }
0x34a: {  	v2 =	vmul.f32 $8.000000000e+00, v2;
	v7 =	vld [tilespmem:s18+$0x20];
	[tilespmem:s17+$0x130] =	vst v3  }
0x34b: {  	[tilespmem:s19+$0xFFFFFF60] =	vst v4;
	v1 =	vmul.f32 $8.000000000e+00, v1;
	v3 =	vld [tilespmem:s23+$0xF0]  }
0x34c: {  	v4 =	vmul.f32 $8.000000000e+00, v5;
	v5 =	vld [tilespmem:s23+$0xFFFFFF70];
	[tilespmem:s19+$0xFFFFFFE0] =	vst v2  }
0x34d: {  	v2 =	vld [tilespmem:s23+$0xFFFFFFF0];
	[tilespmem:s19+$0x60] =	vst v1;
	v0 =	vmul.f32 $8.000000000e+00, v0  }
0x34e: {  	[tilespmem:s19+$0xFFFFFEE0] =	vst v4;
	v1 =	vld [tilespmem:s23+$0x70];
	v4 =	vmul.f32 $8.000000000e+00, v6  }
0x34f: {  	v6 =	vld [tilespmem:s23+$0xFFFFFEF0];
	[tilespmem:s17+$0xFFFFFF20] =	vst v0;
	v0 =	vmul.f32 $8.000000000e+00, v7  }
0x350: {  	v3 =	vmul.f32 $8.000000000e+00, v3;
	[tilespmem:s17+$0xFFFFFFA0] =	vst v4;
	v4 =	vld [tilespmem:s18+$0xA0]  }
0x351: {  	v5 =	vmul.f32 $8.000000000e+00, v5;
	v7 =	vld [tilespmem:s18+$0xFFFFFF30];
	[tilespmem:s17+$0x20] =	vst v0  }
0x352: {  	v0 =	vmul.f32 $8.000000000e+00, v2;
	[tilespmem:s19+$0xF0] =	vst v3;
	v8 =	vld [tilespmem:s18+$0xFFFFFFB0]  }
0x353: {  	[tilespmem:s19+$0xFFFFFF70] =	vst v5;
	v1 =	vmul.f32 $8.000000000e+00, v1;
	v5 =	vld [tilespmem:s23+$0x100]  }
0x354: {  	v3 =	vmul.f32 $8.000000000e+00, v6;
	v9 =	vld [tilespmem:s23+$0xFFFFFF80];
	[tilespmem:s19+$0xFFFFFFF0] =	vst v0  }
.Ltmp6:
0x355: {  	v2 =	vld [tilespmem:s23+$0x0];
	[tilespmem:s19+$0x70] =	vst v1;
	v0 =	vmul.f32 $8.000000000e+00, v4;
	(pc) =	sbr.rel @p0 .LBB2_14-.Ltmp6, $4  }
0x356: {  	[tilespmem:s19+$0xFFFFFEF0] =	vst v3;
	v3 =	vld [tilespmem:s23+$0x80];
	v1 =	vmul.f32 $8.000000000e+00, v7  }
0x357: {  	v4 =	vld [tilespmem:s23+$0xFFFFFF00];
	v7 =	vmul.f32 $8.000000000e+00, v8;
	[tilespmem:s17+$0xA0] =	vst v0  }
0x358: {  	v6 =	vmul.f32 $8.000000000e+00, v5;
	[tilespmem:s17+$0xFFFFFF30] =	vst v1;
	v0 =	vld [tilespmem:s18+$0x30]  }
0x359: {  	v5 =	vmul.f32 $8.000000000e+00, v9;
	[tilespmem:s17+$0xFFFFFFB0] =	vst v7;
	v1 =	vld [tilespmem:s18+$0xB0];
	s18 =	smov.u32 s23;
	s23 =	sadd.s32 $0x280, s23  }
0x35a: {  	_ =	sdelay $0x1  }
0x35b: {  	v4 =	vmul.f32 $8.000000000e+00, v4  }
0x35c: {  	[tilespmem:s19+$0x100] =	vst v6  }
0x35d: {  	v2 =	vmul.f32 $8.000000000e+00, v2;
	v6 =	vld [tilespmem:s18+$0x110];
	[tilespmem:s19+$0xFFFFFF00] =	vst v4  }
0x35e: {  	[tilespmem:s19+$0xFFFFFF80] =	vst v5;
	v3 =	vmul.f32 $8.000000000e+00, v3;
	v4 =	vld [tilespmem:s18+$0xFFFFFF10]  }
0x35f: {  	[tilespmem:s19+$0x0] =	vst v2;
	v2 =	vld [tilespmem:s18+$0xFFFFFF90]  }
0x360: {  	[tilespmem:s19+$0x80] =	vst v3;
	v3 =	vld [tilespmem:s18+$0x10]  }
0x361: {  	v5 =	vld [tilespmem:s18+$0x90]  }
0x362: {  	v6 =	vmul.f32 $8.000000000e+00, v6  }
0x363: {  	v4 =	vmul.f32 $8.000000000e+00, v4  }
0x364: {  	v2 =	vmul.f32 $8.000000000e+00, v2;
	[tilespmem:s19+$0x110] =	vst v6  }
0x365: {  	v3 =	vmul.f32 $8.000000000e+00, v3;
	v6 =	vld [tilespmem:s18+$0x120];
	[tilespmem:s19+$0xFFFFFF10] =	vst v4  }
0x366: {  	[tilespmem:s19+$0xFFFFFF90] =	vst v2;
	v2 =	vmul.f32 $8.000000000e+00, v5;
	v4 =	vld [tilespmem:s18+$0xFFFFFF20]  }
0x367: {  	[tilespmem:s19+$0x10] =	vst v3;
	v3 =	vld [tilespmem:s18+$0xFFFFFFA0]  }
0x368: {  	[tilespmem:s19+$0x90] =	vst v2;
	v2 =	vld [tilespmem:s18+$0x20]  }
0x369: {  	v5 =	vld [tilespmem:s18+$0xA0]  }
0x36a: {  	v6 =	vmul.f32 $8.000000000e+00, v6  }
0x36b: {  	v4 =	vmul.f32 $8.000000000e+00, v4  }
0x36c: {  	v3 =	vmul.f32 $8.000000000e+00, v3;
	[tilespmem:s19+$0x120] =	vst v6  }
0x36d: {  	v2 =	vmul.f32 $8.000000000e+00, v2;
	v6 =	vld [tilespmem:s18+$0x130];
	[tilespmem:s19+$0xFFFFFF20] =	vst v4  }
0x36e: {  	[tilespmem:s19+$0xFFFFFFA0] =	vst v3;
	v4 =	vmul.f32 $8.000000000e+00, v5;
	v3 =	vld [tilespmem:s18+$0xFFFFFF30]  }
0x36f: {  	[tilespmem:s19+$0x20] =	vst v2;
	v2 =	vld [tilespmem:s18+$0xFFFFFFB0]  }
0x370: {  	v0 =	vmul.f32 $8.000000000e+00, v0;
	[tilespmem:s19+$0xA0] =	vst v4;
	v4 =	vld [tilespmem:s18+$0x30]  }
0x371: {  	v1 =	vmul.f32 $8.000000000e+00, v1;
	v5 =	vld [tilespmem:s18+$0xB0]  }
0x372: {  	[tilespmem:s17+$0x30] =	vst v0;
	v0 =	vmul.f32 $8.000000000e+00, v6  }
0x373: {  	[tilespmem:s17+$0xB0] =	vst v1;
	v1 =	vmul.f32 $8.000000000e+00, v3  }
0x374: {  	[tilespmem:s19+$0x130] =	vst v0;
	v0 =	vmul.f32 $8.000000000e+00, v2  }
0x375: {  	[tilespmem:s19+$0xFFFFFF30] =	vst v1;
	v1 =	vmul.f32 $8.000000000e+00, v4  }
0x376: {  	[tilespmem:s19+$0xFFFFFFB0] =	vst v0;
	v0 =	vmul.f32 $8.000000000e+00, v5  }
0x377: {  	[tilespmem:s19+$0x30] =	vst v1  }
0x378: {  	[tilespmem:s19+$0xB0] =	vst v0  }
0x379: {  	[hbm4b:s11+s3] =	stream.linear.scatter [tilespmem:s24], [sflag:$0x2], $0xC80, $0x38;
	[tilespmem:$0x19F00] =	vst v63  }
0x37a: {  	_ =	swait.ge [sflag:s21], $0xE00  }
0x37b: {  	[sflag:s21] =	ssyncset.done $0x0  }
0x37c: {  	s20 =	simm.s32 $0x11070;
	[sflag:s21] =	ssyncadd.s32 $0xFFFFF200  }
0x37d: {  	v0 =	vld [tilespmem:s20+$0xFFFFFF90];
	_ =	sdelay $0x2  }
0x37e: {  	v1 =	vld [tilespmem:s20+$0xFFFFFE10]  }
0x37f: {  	v2 =	vld [tilespmem:s20+$0xFFFFFE90]  }
0x380: {  	v3 =	vld [tilespmem:s20+$0xFFFFFD90];
	v0 =	vmul.f32 $8.000000000e+00, v0  }
0x381: {  	s17 =	simm.s32 $0x162F0;
	v4 =	vld [tilespmem:s20+$0xFFFFFF10]  }
0x382: {  	[tilespmem:s17+$0xFFFFFF90] =	vst v0  }
0x383: {  	v0 =	vmul.f32 $8.000000000e+00, v1;
	v1 =	vld [tilespmem:s20+$0xFFFFFFA0]  }
0x384: {  	v2 =	vmul.f32 $8.000000000e+00, v2  }
0x385: {  	[tilespmem:s17+$0xFFFFFE10] =	vst v0;
	v0 =	vmul.f32 $8.000000000e+00, v3  }
0x386: {  	[tilespmem:s17+$0xFFFFFE90] =	vst v2;
	v3 =	vmul.f32 $8.000000000e+00, v4;
	v4 =	vld [tilespmem:s20+$0xFFFFFE20]  }
0x387: {  	v2 =	vld [tilespmem:s20+$0xFFFFFEA0];
	[tilespmem:s17+$0xFFFFFD90] =	vst v0  }
0x388: {  	[tilespmem:s17+$0xFFFFFF10] =	vst v3;
	v0 =	vld [tilespmem:s20+$0xFFFFFDA0];
	v1 =	vmul.f32 $8.000000000e+00, v1  }
0x389: {  	v3 =	vld [tilespmem:s20+$0xFFFFFF20]  }
0x38a: {  	[tilespmem:s17+$0xFFFFFFA0] =	vst v1  }
0x38b: {  	v1 =	vmul.f32 $8.000000000e+00, v4;
	v4 =	vld [tilespmem:s20+$0xFFFFFFB0]  }
0x38c: {  	v2 =	vmul.f32 $8.000000000e+00, v2  }
0x38d: {  	[tilespmem:s17+$0xFFFFFE20] =	vst v1;
	v0 =	vmul.f32 $8.000000000e+00, v0  }
0x38e: {  	[tilespmem:s17+$0xFFFFFEA0] =	vst v2;
	v1 =	vmul.f32 $8.000000000e+00, v3;
	v3 =	vld [tilespmem:s20+$0xFFFFFE30]  }
0x38f: {  	v2 =	vld [tilespmem:s20+$0xFFFFFEB0];
	[tilespmem:s17+$0xFFFFFDA0] =	vst v0  }
0x390: {  	[tilespmem:s17+$0xFFFFFF20] =	vst v1;
	v0 =	vld [tilespmem:s20+$0xFFFFFDB0];
	v1 =	vmul.f32 $8.000000000e+00, v4  }
0x391: {  	v4 =	vld [tilespmem:s20+$0xFFFFFF30]  }
0x392: {  	[tilespmem:s17+$0xFFFFFFB0] =	vst v1  }
0x393: {  	v1 =	vmul.f32 $8.000000000e+00, v3;
	v3 =	vld [tilespmem:s20+$0xFFFFFFC0]  }
0x394: {  	v2 =	vmul.f32 $8.000000000e+00, v2  }
0x395: {  	[tilespmem:s17+$0xFFFFFE30] =	vst v1;
	v0 =	vmul.f32 $8.000000000e+00, v0  }
0x396: {  	[tilespmem:s17+$0xFFFFFEB0] =	vst v2;
	v1 =	vmul.f32 $8.000000000e+00, v4;
	v4 =	vld [tilespmem:s20+$0xFFFFFE40]  }
0x397: {  	v2 =	vld [tilespmem:s20+$0xFFFFFEC0];
	[tilespmem:s17+$0xFFFFFDB0] =	vst v0  }
0x398: {  	[tilespmem:s17+$0xFFFFFF30] =	vst v1;
	v0 =	vld [tilespmem:s20+$0xFFFFFDC0];
	v1 =	vmul.f32 $8.000000000e+00, v3  }
0x399: {  	v3 =	vld [tilespmem:s20+$0xFFFFFF40]  }
0x39a: {  	[tilespmem:s17+$0xFFFFFFC0] =	vst v1  }
0x39b: {  	v1 =	vmul.f32 $8.000000000e+00, v4;
	v4 =	vld [tilespmem:s20+$0xFFFFFFD0]  }
0x39c: {  	s18 =	simm.s32 $0x112F0;
	v2 =	vmul.f32 $8.000000000e+00, v2  }
0x39d: {  	v5 =	vld [tilespmem:s18+$0xFFFFFF90];
	[tilespmem:s17+$0xFFFFFE40] =	vst v1;
	v0 =	vmul.f32 $8.000000000e+00, v0  }
0x39e: {  	[tilespmem:s17+$0xFFFFFEC0] =	vst v2;
	v1 =	vmul.f32 $8.000000000e+00, v3;
	v3 =	vld [tilespmem:s20+$0xFFFFFE50]  }
0x39f: {  	v2 =	vld [tilespmem:s20+$0xFFFFFED0];
	[tilespmem:s17+$0xFFFFFDC0] =	vst v0  }
0x3a0: {  	[tilespmem:s17+$0xFFFFFF40] =	vst v1;
	v0 =	vld [tilespmem:s20+$0xFFFFFDD0];
	v1 =	vmul.f32 $8.000000000e+00, v4;
	_ =	sdelay $0x1  }
0x3a1: {  	v5 =	vmul.f32 $8.000000000e+00, v5;
	v4 =	vld [tilespmem:s20+$0xFFFFFF50];
	[tilespmem:s17+$0xFFFFFFD0] =	vst v1  }
0x3a2: {  	s19 =	simm.s32 $0x16570;
	v1 =	vmul.f32 $8.000000000e+00, v3;
	v3 =	vld [tilespmem:s20+$0xFFFFFFE0]  }
0x3a3: {  	v6 =	vld [tilespmem:s18+$0xFFFFFE10];
	[tilespmem:s19+$0xFFFFFF90] =	vst v5;
	v2 =	vmul.f32 $8.000000000e+00, v2  }
0x3a4: {  	[tilespmem:s17+$0xFFFFFE50] =	vst v1;
	v0 =	vmul.f32 $8.000000000e+00, v0;
	v1 =	vld [tilespmem:s18+$0xFFFFFE90]  }
0x3a5: {  	[tilespmem:s17+$0xFFFFFED0] =	vst v2;
	v2 =	vld [tilespmem:s18+$0xFFFFFF10]  }
0x3a6: {  	v4 =	vmul.f32 $8.000000000e+00, v4;
	[tilespmem:s17+$0xFFFFFDD0] =	vst v0;
	v0 =	vld [tilespmem:s18+$0xFFFFFD90]  }
0x3a7: {  	v7 =	vld [tilespmem:s18+$0xFFFFFFA0];
	v3 =	vmul.f32 $8.000000000e+00, v3  }
0x3a8: {  	v6 =	vmul.f32 $8.000000000e+00, v6;
	[tilespmem:s17+$0xFFFFFF50] =	vst v4;
	v4 =	vld [tilespmem:s20+$0xFFFFFDE0]  }
0x3a9: {  	v5 =	vld [tilespmem:s20+$0xFFFFFE60];
	v1 =	vmul.f32 $8.000000000e+00, v1;
	[tilespmem:s17+$0xFFFFFFE0] =	vst v3  }
0x3aa: {  	[tilespmem:s19+$0xFFFFFE10] =	vst v6;
	v2 =	vmul.f32 $8.000000000e+00, v2;
	v3 =	vld [tilespmem:s20+$0xFFFFFFF0]  }
0x3ab: {  	v6 =	vld [tilespmem:s18+$0xFFFFFE20];
	v0 =	vmul.f32 $8.000000000e+00, v0;
	[tilespmem:s19+$0xFFFFFE90] =	vst v1  }
0x3ac: {  	v7 =	vmul.f32 $8.000000000e+00, v7;
	[tilespmem:s19+$0xFFFFFF10] =	vst v2;
	v1 =	vld [tilespmem:s18+$0xFFFFFEA0]  }
0x3ad: {  	v2 =	vmul.f32 $8.000000000e+00, v4;
	[tilespmem:s19+$0xFFFFFD90] =	vst v0;
	v0 =	vld [tilespmem:s18+$0xFFFFFF20]  }
0x3ae: {  	[tilespmem:s19+$0xFFFFFFA0] =	vst v7;
	v4 =	vmul.f32 $8.000000000e+00, v5;
	v5 =	vld [tilespmem:s18+$0xFFFFFDA0]  }
0x3af: {  	v7 =	vld [tilespmem:s18+$0xFFFFFFB0];
	[tilespmem:s17+$0xFFFFFDE0] =	vst v2;
	v3 =	vmul.f32 $8.000000000e+00, v3  }
0x3b0: {  	[tilespmem:s17+$0xFFFFFE60] =	vst v4;
	v2 =	vld [tilespmem:s20+$0xFFFFFEE0];
	v4 =	vmul.f32 $8.000000000e+00, v6  }
0x3b1: {  	v6 =	vld [tilespmem:s20+$0xFFFFFF60];
	v1 =	vmul.f32 $8.000000000e+00, v1;
	[tilespmem:s17+$0xFFFFFFF0] =	vst v3  }
0x3b2: {  	[tilespmem:s19+$0xFFFFFE20] =	vst v4;
	v0 =	vmul.f32 $8.000000000e+00, v0;
	v3 =	vld [tilespmem:s20+$0x0]  }
0x3b3: {  	v4 =	vmul.f32 $8.000000000e+00, v5;
	v5 =	vld [tilespmem:s18+$0xFFFFFE30];
	[tilespmem:s19+$0xFFFFFEA0] =	vst v1  }
0x3b4: {  	v7 =	vmul.f32 $8.000000000e+00, v7;
	v1 =	vld [tilespmem:s18+$0xFFFFFEB0];
	[tilespmem:s19+$0xFFFFFF20] =	vst v0  }
0x3b5: {  	v0 =	vmul.f32 $8.000000000e+00, v2;
	[tilespmem:s19+$0xFFFFFDA0] =	vst v4;
	v2 =	vld [tilespmem:s18+$0xFFFFFF30]  }
0x3b6: {  	[tilespmem:s19+$0xFFFFFFB0] =	vst v7;
	v4 =	vmul.f32 $8.000000000e+00, v6;
	v6 =	vld [tilespmem:s18+$0xFFFFFDB0]  }
0x3b7: {  	[tilespmem:s17+$0xFFFFFEE0] =	vst v0;
	v0 =	vld [tilespmem:s20+$0xFFFFFDF0];
	v3 =	vmul.f32 $8.000000000e+00, v3  }
0x3b8: {  	[tilespmem:s17+$0xFFFFFF60] =	vst v4;
	v4 =	vmul.f32 $8.000000000e+00, v5;
	v5 =	vld [tilespmem:s20+$0xFFFFFE70]  }
0x3b9: {  	v7 =	vld [tilespmem:s20+$0xFFFFFEF0];
	v1 =	vmul.f32 $8.000000000e+00, v1;
	[tilespmem:s17+$0x0] =	vst v3  }
0x3ba: {  	[tilespmem:s19+$0xFFFFFE30] =	vst v4;
	v2 =	vmul.f32 $8.000000000e+00, v2;
	v3 =	vld [tilespmem:s18+$0xFFFFFFC0]  }
0x3bb: {  	v4 =	vmul.f32 $8.000000000e+00, v6;
	v6 =	vld [tilespmem:s18+$0xFFFFFE40];
	[tilespmem:s19+$0xFFFFFEB0] =	vst v1  }
0x3bc: {  	v0 =	vmul.f32 $8.000000000e+00, v0;
	v1 =	vld [tilespmem:s18+$0xFFFFFEC0];
	[tilespmem:s19+$0xFFFFFF30] =	vst v2  }
0x3bd: {  	[tilespmem:s19+$0xFFFFFDB0] =	vst v4;
	v2 =	vld [tilespmem:s18+$0xFFFFFF40];
	v4 =	vmul.f32 $8.000000000e+00, v5  }
0x3be: {  	[tilespmem:s17+$0xFFFFFDF0] =	vst v0;
	v0 =	vmul.f32 $8.000000000e+00, v7;
	v5 =	vld [tilespmem:s18+$0xFFFFFDC0]  }
0x3bf: {  	v3 =	vmul.f32 $8.000000000e+00, v3;
	[tilespmem:s17+$0xFFFFFE70] =	vst v4;
	v4 =	vld [tilespmem:s20+$0xFFFFFF70]  }
0x3c0: {  	v7 =	vld [tilespmem:s20+$0xFFFFFE00];
	[tilespmem:s17+$0xFFFFFEF0] =	vst v0;
	v6 =	vmul.f32 $8.000000000e+00, v6  }
0x3c1: {  	v0 =	vmul.f32 $8.000000000e+00, v1;
	[tilespmem:s19+$0xFFFFFFC0] =	vst v3;
	v1 =	vld [tilespmem:s20+$0xFFFFFE80]  }
0x3c2: {  	[tilespmem:s19+$0xFFFFFE40] =	vst v6;
	v3 =	vmul.f32 $8.000000000e+00, v2;
	v6 =	vld [tilespmem:s18+$0xFFFFFFD0]  }
0x3c3: {  	v5 =	vmul.f32 $8.000000000e+00, v5;
	v8 =	vld [tilespmem:s18+$0xFFFFFE50];
	[tilespmem:s19+$0xFFFFFEC0] =	vst v0  }
0x3c4: {  	v2 =	vld [tilespmem:s18+$0xFFFFFED0];
	[tilespmem:s19+$0xFFFFFF40] =	vst v3;
	v0 =	vmul.f32 $8.000000000e+00, v4  }
0x3c5: {  	[tilespmem:s19+$0xFFFFFDC0] =	vst v5;
	v3 =	vld [tilespmem:s18+$0xFFFFFF50];
	v5 =	vmul.f32 $8.000000000e+00, v7  }
0x3c6: {  	v4 =	vld [tilespmem:s18+$0xFFFFFDD0];
	v1 =	vmul.f32 $8.000000000e+00, v1;
	[tilespmem:s17+$0xFFFFFF70] =	vst v0  }
0x3c7: {  	v0 =	vld [tilespmem:s20+$0xFFFFFF00];
	[tilespmem:s17+$0xFFFFFE00] =	vst v5;
	v6 =	vmul.f32 $8.000000000e+00, v6  }
0x3c8: {  	s22 =	simm.s32 $0x5;
	s23 =	simm.s32 $0x11570;
	v5 =	vmul.f32 $8.000000000e+00, v8;
	[tilespmem:s17+$0xFFFFFE80] =	vst v1;
	v1 =	vld [tilespmem:s20+$0xFFFFFF80]  }
.LBB2_16:
0x3c9: {  	v7 =	vld [tilespmem:s23+$0xFFFFFF90];
	v2 =	vmul.f32 $8.000000000e+00, v2;
	[tilespmem:s19+$0xFFFFFFD0] =	vst v6  }
0x3ca: {  	s22 =	sadd.s32 $0x5, s22;
	[tilespmem:s19+$0xFFFFFE50] =	vst v5;
	v3 =	vmul.f32 $8.000000000e+00, v3;
	v5 =	vld [tilespmem:s18+$0xFFFFFFE0]  }
0x3cb: {  	p0 =	slt.u32 s22, $0x14;
	v6 =	vld [tilespmem:s23+$0xFFFFFE10];
	v4 =	vmul.f32 $8.000000000e+00, v4;
	[tilespmem:s19+$0xFFFFFED0] =	vst v2  }
0x3cc: {  	v2 =	vld [tilespmem:s23+$0xFFFFFE90];
	[tilespmem:s19+$0xFFFFFF50] =	vst v3;
	v0 =	vmul.f32 $8.000000000e+00, v0  }
0x3cd: {  	v3 =	vld [tilespmem:s23+$0xFFFFFF10];
	[tilespmem:s19+$0xFFFFFDD0] =	vst v4;
	v1 =	vmul.f32 $8.000000000e+00, v1  }
0x3ce: {  	v4 =	vld [tilespmem:s23+$0xFFFFFD90];
	v7 =	vmul.f32 $8.000000000e+00, v7;
	[tilespmem:s17+$0xFFFFFF00] =	vst v0  }
0x3cf: {  	v0 =	vld [tilespmem:s18+$0xFFFFFDE0];
	v5 =	vmul.f32 $8.000000000e+00, v5;
	[tilespmem:s17+$0xFFFFFF80] =	vst v1;
	s17 =	smov.u32 s19;
	s19 =	sadd.s32 $0x280, s19  }
0x3d0: {  	v1 =	vmul.f32 $8.000000000e+00, v6;
	[tilespmem:s19+$0xFFFFFF90] =	vst v7;
	v6 =	vld [tilespmem:s18+$0xFFFFFE60]  }
0x3d1: {  	v2 =	vmul.f32 $8.000000000e+00, v2;
	v7 =	vld [tilespmem:s23+$0xFFFFFFA0];
	[tilespmem:s17+$0xFFFFFFE0] =	vst v5  }
0x3d2: {  	[tilespmem:s19+$0xFFFFFE10] =	vst v1;
	v1 =	vmul.f32 $8.000000000e+00, v3;
	v3 =	vld [tilespmem:s18+$0xFFFFFFF0]  }
0x3d3: {  	v4 =	vmul.f32 $8.000000000e+00, v4;
	v5 =	vld [tilespmem:s23+$0xFFFFFE20];
	[tilespmem:s19+$0xFFFFFE90] =	vst v2  }
0x3d4: {  	v2 =	vld [tilespmem:s23+$0xFFFFFEA0];
	[tilespmem:s19+$0xFFFFFF10] =	vst v1;
	v0 =	vmul.f32 $8.000000000e+00, v0  }
0x3d5: {  	[tilespmem:s19+$0xFFFFFD90] =	vst v4;
	v1 =	vld [tilespmem:s23+$0xFFFFFF20];
	v4 =	vmul.f32 $8.000000000e+00, v6  }
0x3d6: {  	v6 =	vld [tilespmem:s23+$0xFFFFFDA0];
	v7 =	vmul.f32 $8.000000000e+00, v7;
	[tilespmem:s17+$0xFFFFFDE0] =	vst v0  }
0x3d7: {  	[tilespmem:s17+$0xFFFFFE60] =	vst v4;
	v0 =	vld [tilespmem:s18+$0xFFFFFEE0];
	v3 =	vmul.f32 $8.000000000e+00, v3  }
0x3d8: {  	v4 =	vmul.f32 $8.000000000e+00, v5;
	[tilespmem:s19+$0xFFFFFFA0] =	vst v7;
	v5 =	vld [tilespmem:s18+$0xFFFFFF60]  }
0x3d9: {  	v2 =	vmul.f32 $8.000000000e+00, v2;
	v7 =	vld [tilespmem:s23+$0xFFFFFFB0];
	[tilespmem:s17+$0xFFFFFFF0] =	vst v3  }
0x3da: {  	[tilespmem:s19+$0xFFFFFE20] =	vst v4;
	v1 =	vmul.f32 $8.000000000e+00, v1;
	v3 =	vld [tilespmem:s18+$0x0]  }
0x3db: {  	v4 =	vmul.f32 $8.000000000e+00, v6;
	v6 =	vld [tilespmem:s23+$0xFFFFFE30];
	[tilespmem:s19+$0xFFFFFEA0] =	vst v2  }
0x3dc: {  	v2 =	vld [tilespmem:s23+$0xFFFFFEB0];
	[tilespmem:s19+$0xFFFFFF20] =	vst v1;
	v0 =	vmul.f32 $8.000000000e+00, v0  }
0x3dd: {  	[tilespmem:s19+$0xFFFFFDA0] =	vst v4;
	v1 =	vld [tilespmem:s23+$0xFFFFFF30];
	v4 =	vmul.f32 $8.000000000e+00, v5  }
0x3de: {  	v5 =	vld [tilespmem:s23+$0xFFFFFDB0];
	v7 =	vmul.f32 $8.000000000e+00, v7;
	[tilespmem:s17+$0xFFFFFEE0] =	vst v0  }
0x3df: {  	v0 =	vld [tilespmem:s18+$0xFFFFFDF0];
	[tilespmem:s17+$0xFFFFFF60] =	vst v4;
	v3 =	vmul.f32 $8.000000000e+00, v3  }
0x3e0: {  	v4 =	vmul.f32 $8.000000000e+00, v6;
	[tilespmem:s19+$0xFFFFFFB0] =	vst v7;
	v6 =	vld [tilespmem:s18+$0xFFFFFE70]  }
0x3e1: {  	v2 =	vmul.f32 $8.000000000e+00, v2;
	v7 =	vld [tilespmem:s18+$0xFFFFFEF0];
	[tilespmem:s17+$0x0] =	vst v3  }
0x3e2: {  	[tilespmem:s19+$0xFFFFFE30] =	vst v4;
	v1 =	vmul.f32 $8.000000000e+00, v1;
	v3 =	vld [tilespmem:s23+$0xFFFFFFC0]  }
0x3e3: {  	v4 =	vmul.f32 $8.000000000e+00, v5;
	v5 =	vld [tilespmem:s23+$0xFFFFFE40];
	[tilespmem:s19+$0xFFFFFEB0] =	vst v2  }
0x3e4: {  	v2 =	vld [tilespmem:s23+$0xFFFFFEC0];
	[tilespmem:s19+$0xFFFFFF30] =	vst v1;
	v0 =	vmul.f32 $8.000000000e+00, v0  }
0x3e5: {  	[tilespmem:s19+$0xFFFFFDB0] =	vst v4;
	v1 =	vld [tilespmem:s23+$0xFFFFFF40];
	v4 =	vmul.f32 $8.000000000e+00, v6  }
0x3e6: {  	v6 =	vld [tilespmem:s23+$0xFFFFFDC0];
	[tilespmem:s17+$0xFFFFFDF0] =	vst v0;
	v0 =	vmul.f32 $8.000000000e+00, v7  }
0x3e7: {  	v3 =	vmul.f32 $8.000000000e+00, v3;
	[tilespmem:s17+$0xFFFFFE70] =	vst v4;
	v4 =	vld [tilespmem:s18+$0xFFFFFF70]  }
0x3e8: {  	v5 =	vmul.f32 $8.000000000e+00, v5;
	v7 =	vld [tilespmem:s18+$0xFFFFFE00];
	[tilespmem:s17+$0xFFFFFEF0] =	vst v0  }
0x3e9: {  	v0 =	vmul.f32 $8.000000000e+00, v2;
	[tilespmem:s19+$0xFFFFFFC0] =	vst v3;
	v8 =	vld [tilespmem:s18+$0xFFFFFE80]  }
0x3ea: {  	[tilespmem:s19+$0xFFFFFE40] =	vst v5;
	v1 =	vmul.f32 $8.000000000e+00, v1;
	v5 =	vld [tilespmem:s23+$0xFFFFFFD0]  }
0x3eb: {  	v3 =	vmul.f32 $8.000000000e+00, v6;
	v9 =	vld [tilespmem:s23+$0xFFFFFE50];
	[tilespmem:s19+$0xFFFFFEC0] =	vst v0  }
.Ltmp7:
0x3ec: {  	v2 =	vld [tilespmem:s23+$0xFFFFFED0];
	[tilespmem:s19+$0xFFFFFF40] =	vst v1;
	v0 =	vmul.f32 $8.000000000e+00, v4;
	(pc) =	sbr.rel @p0 .LBB2_16-.Ltmp7, $4  }
0x3ed: {  	[tilespmem:s19+$0xFFFFFDC0] =	vst v3;
	v3 =	vld [tilespmem:s23+$0xFFFFFF50];
	v1 =	vmul.f32 $8.000000000e+00, v7  }
0x3ee: {  	v4 =	vld [tilespmem:s23+$0xFFFFFDD0];
	v7 =	vmul.f32 $8.000000000e+00, v8;
	[tilespmem:s17+$0xFFFFFF70] =	vst v0  }
0x3ef: {  	v6 =	vmul.f32 $8.000000000e+00, v5;
	[tilespmem:s17+$0xFFFFFE00] =	vst v1;
	v0 =	vld [tilespmem:s18+$0xFFFFFF00]  }
0x3f0: {  	v5 =	vmul.f32 $8.000000000e+00, v9;
	[tilespmem:s17+$0xFFFFFE80] =	vst v7;
	v1 =	vld [tilespmem:s18+$0xFFFFFF80];
	s18 =	smov.u32 s23;
	s23 =	sadd.s32 $0x280, s23  }
0x3f1: {  	[tilespmem:s19+$0xFFFFFFD0] =	vst v6;
	v2 =	vmul.f32 $8.000000000e+00, v2  }
0x3f2: {  	v6 =	vld [tilespmem:s18+$0xFFFFFFE0];
	[tilespmem:s19+$0xFFFFFE50] =	vst v5;
	v3 =	vmul.f32 $8.000000000e+00, v3  }
0x3f3: {  	v4 =	vmul.f32 $8.000000000e+00, v4;
	[tilespmem:s19+$0xFFFFFED0] =	vst v2;
	v47 =	vld [tilespmem:s18+$0xFFFFFE60]  }
0x3f4: {  	[tilespmem:s19+$0xFFFFFF50] =	vst v3;
	v48 =	vld [tilespmem:s18+$0xFFFFFEE0]  }
0x3f5: {  	[tilespmem:s19+$0xFFFFFDD0] =	vst v4;
	v49 =	vld [tilespmem:s18+$0xFFFFFF60]  }
0x3f6: {  	v4 =	vld [tilespmem:s18+$0xFFFFFDE0]  }
0x3f7: {  	v6 =	vmul.f32 $8.000000000e+00, v6  }
0x3f8: {  	v2 =	vmul.f32 $8.000000000e+00, v47  }
0x3f9: {  	[tilespmem:s19+$0xFFFFFFE0] =	vst v6;
	v3 =	vmul.f32 $8.000000000e+00, v48  }
0x3fa: {  	v6 =	vld [tilespmem:s18+$0xFFFFFFF0];
	[tilespmem:s19+$0xFFFFFE60] =	vst v2;
	v50 =	vmul.f32 $8.000000000e+00, v49  }
0x3fb: {  	v4 =	vmul.f32 $8.000000000e+00, v4;
	[tilespmem:s19+$0xFFFFFEE0] =	vst v3;
	v51 =	vld [tilespmem:s18+$0xFFFFFE70]  }
0x3fc: {  	[tilespmem:s19+$0xFFFFFF60] =	vst v50;
	v52 =	vld [tilespmem:s18+$0xFFFFFEF0]  }
0x3fd: {  	[tilespmem:s19+$0xFFFFFDE0] =	vst v4;
	v53 =	vld [tilespmem:s18+$0xFFFFFF70]  }
0x3fe: {  	v4 =	vld [tilespmem:s18+$0xFFFFFDF0]  }
0x3ff: {  	v6 =	vmul.f32 $8.000000000e+00, v6  }
0x400: {  	v3 =	vmul.f32 $8.000000000e+00, v51  }
0x401: {  	[tilespmem:s19+$0xFFFFFFF0] =	vst v6;
	v2 =	vmul.f32 $8.000000000e+00, v52  }
0x402: {  	v6 =	vld [tilespmem:s18+$0x0];
	[tilespmem:s19+$0xFFFFFE70] =	vst v3;
	v55 =	vmul.f32 $8.000000000e+00, v53  }
0x403: {  	v4 =	vmul.f32 $8.000000000e+00, v4;
	[tilespmem:s19+$0xFFFFFEF0] =	vst v2;
	v56 =	vld [tilespmem:s18+$0xFFFFFE80]  }
0x404: {  	[tilespmem:s19+$0xFFFFFF70] =	vst v55;
	v57 =	vld [tilespmem:s18+$0xFFFFFF00]  }
0x405: {  	v0 =	vmul.f32 $8.000000000e+00, v0;
	[tilespmem:s19+$0xFFFFFDF0] =	vst v4;
	v58 =	vld [tilespmem:s18+$0xFFFFFF80]  }
0x406: {  	v1 =	vmul.f32 $8.000000000e+00, v1;
	v54 =	vld [tilespmem:s18+$0xFFFFFE00]  }
0x407: {  	[tilespmem:s17+$0xFFFFFF00] =	vst v0;
	v59 =	vmul.f32 $8.000000000e+00, v6  }
0x408: {  	[tilespmem:s17+$0xFFFFFF80] =	vst v1;
	v61 =	vmul.f32 $8.000000000e+00, v56  }
0x409: {  	[tilespmem:s19+$0x0] =	vst v59;
	v62 =	vmul.f32 $8.000000000e+00, v57  }
0x40a: {  	[tilespmem:s19+$0xFFFFFE80] =	vst v61;
	v63 =	vmul.f32 $8.000000000e+00, v58  }
0x40b: {  	v60 =	vmul.f32 $8.000000000e+00, v54;
	[tilespmem:s19+$0xFFFFFF00] =	vst v62  }
0x40c: {  	[tilespmem:s19+$0xFFFFFF80] =	vst v63  }
0x40d: {  	[tilespmem:s19+$0xFFFFFE00] =	vst v60  }
0x40e: {  	[hbm4b:s12+s3] =	stream.linear.scatter [tilespmem:s28], [sflag:$0x2], $0xC80, $0x38;
	[tilespmem:$0x19F00] =	vst v63  }
0x40f: {  	_ =	swait.ge [sflag:s0], $0xC80  }
0x410: {  	[sflag:s0] =	ssyncset.done $0x0  }
0x411: {  	[sflag:s0] =	ssyncadd.s32 $0xFFFFF380  }
0x412: {  	_ =	swait.ge [sflag:s0], $0xC80  }
0x413: {  	[sflag:s0] =	ssyncset.done $0x0  }
0x414: {  	[sflag:s0] =	ssyncadd.s32 $0xFFFFF380  }
0x415: {  	_ =	swait.ge [sflag:s0], $0xC80  }
0x416: {  	[sflag:s0] =	ssyncset.done $0x0  }
0x417: {  	[sflag:s0] =	ssyncadd.s32 $0xFFFFF380  }
0x418: {  	_ =	swait.ge [sflag:s0], $0xC80  }
0x419: {  	[sflag:s0] =	ssyncset.done $0x0  }
0x41a: {  	s16 =	sadd.s32 $0x1, s16;
	[sflag:s0] =	ssyncadd.s32 $0xFFFFF380  }
0x41b: {  	p0 =	sne.s32 s16, s13;
	_ =	swait.ge [sflag:s0], $0xC80  }
.Ltmp8:
0x41c: {  	[sflag:s0] =	ssyncset.done $0x0;
	(pc) =	sbr.rel @p0 .LBB2_1-.Ltmp8, $4  }
0x41d: {  	[sflag:s0] =	ssyncadd.s32 $0xFFFFF380  }
0x41e: {  	_ =	swait.ge [sflag:s0], $0xC80  }
0x41f: {  	[sflag:s0] =	ssyncset.done $0x0  }
0x420: {  	[sflag:s0] =	ssyncadd.s32 $0xFFFFF380  }
0x421: {  	_ =	sfence.sel $0x180000  }
0x422: {  	[bflag:$0x0] =	sbarrier.arrive $0xFFFF  }
0x423: {  	_ =	strace $0x90000047  }
0x424: {  	s0 =	stileid.u32;
	[bflag:$0x2] =	sbarrier.arrive $0xFFFF  }
0x425: {  	p0 =	sne.s32 s0, $0x0;
	s0 =	rddreg [dreg:$0x2]  }
0x426: {  	s0 =	sadd.s32 @!p0 $0x100000, s0  }
0x427: {  	[sflag:s0] =	ssyncadd.tile.s32 @!p0 $0x1;
	_ =	shalt  }
.Lfunc_end2:
_tile_overlayer_lowered:
.L_overlay_start_2:
0x428: {  	(tag) =	ssettag $0x2  }
0x429: {  	s0 =	rddreg [dreg:$0x0];
	s2 =	stileid.u32  }
0x42a: {  	s1 =	rddreg [dreg:$0x1];
	p0 =	sne.s32 s2, $0x0  }
0x42b: {  	s3 =	rddreg [dreg:$0x2];
	[bflag:$0x3] =	sbarrier.arrive $0xFFFF;
	s2 =	simm.s32 @!p0 $0x1C03  }
0x42c: {  	[timem:s3], [sflag:s2] =	dma.local @!p0 [hbm:s0], s1  }
0x42d: {  	s0 =	simm.s32 @!p0 $0x3  }
0x42e: {  	_ =	swait.ge @!p0 [sflag:s0], s1  }
0x42f: {  	s1 =	ssub.s32 @!p0 $0x0, s1;
	[sflag:s0] =	ssyncset.done @!p0 $0x0  }
0x430: {  	[sflag:s0] =	ssyncadd.s32 @!p0 s1  }
0x431: {  	[bflag:$0x3] =	sbarrier.arrive $0xFFFF  }
0x432: {  	_ =	shalt  }

// kernel: sparse-core-data-format-call.cloned.1.call-start
scs
called_computation_lowered:
.L_overlay_start_0:
0x0: {  	s2 =	sld [smem:$0x3FD9]  }
0x1: {  	s3 =	sld [smem:$0x3FFE];
	_ =	sdelay $0x1  }
0x2: {  	s1 =	srdreg.scid  }
0x3: {  	s0 =	sand.u32 $0x1, s1  }
0x4: {  	s18 =	sshll.u32 s0, $0xA;
	s2 =	sadd.s32 s3, s2  }
0x5: {  	s2 =	sadd.s32 s2, s18  }
0x6: {  	[smem:$0x3FC6] =	sst s2  }
0x7: {  	_ = 	snop  }
0x8: {  	s2 =	sld [smem:$0x3FD0];
	(tm) =	ssettm $0x1  }
0x9: {  	s19 =	sld [smem:$0x3FFB];
	_ =	sdelay $0x3  }
0xa: {  	_ =	strace s19  }
0xb: {  	s3 =	sld [smem:$0x3FFC];
	_ =	sdelay $0x3  }
0xc: {  	_ =	strace s3  }
0xd: {  	s3 =	sld [smem:$0x3FFD];
	_ =	sdelay $0x3  }
0xe: {  	_ =	strace s3  }
0xf: {  	_ =	strace $0x8FFFFFFF  }
0x10: {  	s20 =	sld [smem:$0x3FDB];
	_ =	sdelay $0x1  }
0x11: {  	s4 =	simm.s32 $_scs_section_size  }
0x12: {  	s5 =	simm.s32 $_size__tile_overlayer_lowered;
	s6 =	simm.s32 $_tile_overlayer_lowered  }
0x13: {  	s23 =	simm.s32 $0x1BFF;
	s22 =	sshll.u32 s6, $0x1;
	s3 =	sadd.s32 s4, s20  }
0x14: {  	s7 =	simm.s32 $0x0;
	s21 =	sshll.u32 s5, $0x1;
	s5 =	sadd.s32 s22, s3  }
0x15: {  	[timem:s7], [sflag:s23] =	dma.local [hbm:s5], s21  }
0x16: {  	_ =	swait.ge [sflag:s23], s21  }
0x17: {  	s4 =	ssub.s32 $0x0, s21;
	[sflag:s23] =	ssyncset.done $0x0  }
0x18: {  	[sflag:s23] =	ssyncadd.s32 s4;
	_ =	sdelay $0x1  }
0x19: {  	s24 =	simm.s32 $0x1B8B  }
0x1a: {  	_ =	swait.ge [sflag:s24], $0x1  }
0x1b: {  	[sflag:s24] =	ssyncset.done $0x0  }
0x1c: {  	s26 =	simm.s32 $0x1B8E;
	s25 =	sld [smem:$0x3FFE];
	[sflag:s24] =	ssyncadd.s32 $0xFFFFFFFF  }
0x1d: {  	s27 =	simm.s32 $execute0_lowered;
	[smem:$0x3FD2] =	sst s26  }
0x1e: {  	s5 =	sshll.u32 s27, $0x1;
	_ =	strace $0x80000049;
	[dreg:$0x1] =	wrdreg $0xFFFFFFFF  }
0x1f: {  	s28 =	simm.s32 $_size_execute0_lowered;
	s3 =	sadd.s32 s3, s5;
	[dreg:$0x0] =	wrdreg $0x0  }
0x20: {  	s5 =	sshll.u32 s28, $0x1;
	[dreg:$0x2] =	wrdreg s3  }
0x21: {  	[dreg:$0x3] =	wrdreg s5  }
0x22: {  	[dreg:$0x4] =	wrdreg $0xC0  }
0x23: {  	_ =	task [dreg:s7], $0x5FFFF  }
0x24: {  	[dreg:$0x1] =	wrdreg $0xFFFFFFFF  }
0x25: {  	[dreg:$0x0] =	wrdreg $0x60  }
0x26: {  	[dreg:$0x2] =	wrdreg s25  }
0x27: {  	[dreg:$0x3] =	wrdreg s2  }
0x28: {  	[dreg:$0x4] =	wrdreg $0x9  }
0x29: {  	_ =	task.clear_ibuf [dreg:s7], $0x5FFFF;
	_ =	strace $0x90000049  }
0x2a: {  	s29 =	simm.s32 $0x9;
	_ =	strace $0x8000004B  }
0x2b: {  	_ =	swait.ge [sflag:s29], $0x1  }
0x2c: {  	[sflag:s29] =	ssyncadd.s32 $0xFFFFFFFF  }
0x2d: {  	_ =	strace $0x9000004B  }
0x2e: {  	_ =	sfence  }
0x2f: {  	s30 =	sld [smem:$0x0];
	_ =	sdelay $0x2  }
0x30: {  	s31 =	sshll.u32 s1, $0xD;
	s1 =	sshrl.u32 s1, $0x2  }
0x31: {  	s3 =	sand.u32 $0x4000, s31;
	s1 =	sadd.s32 s1, s30  }
0x32: {  	s0 =	sor.u32 s3, s0;
	s1 =	sshll.u32 s1, $0x11  }
0x33: {  	s0 =	sor.u32 s1, s0  }
0x34: {  	s0 =	sadd.s32 $0x8F2B, s0  }
0x35: {  	[sflag:s0] =	ssyncadd.remote.s32 $0x1  }
0x36: {  	_ =	sfence.sel $0xFFFF  }
0x37: {  	[dreg:$0x0] =	wrdreg $0xFFFFFFFF;
	(pc) =	sbr.abs _section_cstart, $3  }
0x38: {  	[dreg:$0x1] =	wrdreg $0xFFFFFFFF  }
0x39: {  	_ =	task.clear_ibuf [dreg:s7], $0x2FFFF;
	_ =	strace $0x9FFFFFFF  }
0x3a: {  	(tm) =	ssettm $0x7FFFFFFF  }
0x3b: {  	_ =	shalt  }
tec
execute0_lowered:
.L_overlay_start_1:
0x0: {  	(tag) =	ssettag $0x1  }
0x1: {  	s0 =	srdreg.scid  }
0x2: {  	s1 =	sshll.u32 s0, $0x4  }
0x3: {  	s0 =	stileid.u32;
	s1 =	sand.u32 $0x10, s1  }
0x4: {  	s1 =	sor.u32 s0, s1  }
0x5: {  	s6 =	rddreg [dreg:$0x0];
	s4 =	simm.s32 $0x1;
	s2 =	sshll.u32 s1, $0x7  }
0x6: {  	s7 =	simm.s32 $0x2;
	s12 =	simm.s32 $0x0;
	s1 =	ssub.s32 $0x4000, s2  }
0x7: {  	s8 =	simm.s32 $0x20000;
	s13 =	simm.s32 $0x0;
	s3 =	sand.u32 $0xF80, s1  }
0x8: {  	s9 =	simm.s32 $0x0;
	s5 =	sshrl.u32 s1, $0xC;
	p0 =	sne.s32 s3, $0x0  }
.Ltmp0:
0x9: {  	s1 =	rddreg [dreg:$0x2];
	s4 =	simm.s32 @!p0 $0x0;
	(pc) =	sbr.rel .LBB1_1-.Ltmp0, $4  }
0xa: {  	s11 =	simm.s32 $0x0;
	s3 =	rddreg [dreg:$0x1];
	s5 =	sadd.s32 s4, s5  }
0xb: {  	_ =	strace $0x8000004A;
	s4 =	simm.s32 $0x1;
	s5 =	smul.u32 $0x32, s5  }
0xc: {  	s6 =	sadd.s32 $0xA00, s6;
	s10 =	smov.u32 s2;
	[sflag:s4] =	ssyncpa.u1 $0x0  }
0xd: {  	p0 =	por $0x0, $0x0;
	[sflag:s7] =	ssyncpa.u1 $0x0;
	s7 =	sor.u32 $0x1, s5  }
.LBB1_4:
0xe: {  	s16 =	sshll.u32 s13, $0x3;
	s17 =	sand.u32 $0x78, s13  }
0xf: {  	s30 =	sand.u32 $0x1F800, s13;
	s12 =	sshll.u32 s12, $0x11;
	s16 =	sand.u32 $0x3C00, s16  }
0x10: {  	[tilespmem:s15+$0x810 ss:$0x81] =	vst.msk $0xffff, v2;
	s31 =	sand.u32 $0x7, s13;
	s16 =	sor.u32 s17, s16;
	s17 =	sadd.s32 s3, s30  }
0x11: {  	[tilespmem:s15+$0x1020 ss:$0x81] =	vst.msk $0xffff, v0;
	s13 =	sshll.u32 s31, $0x12;
	s12 =	sadd.s32 s12, s17;
	s16 =	sshrl.u32 s16, $0x3  }
0x12: {  	[tilespmem:s15+$0x0 ss:$0x81] =	vst.msk $0xffff, v1;
	s13 =	sor.u32 $0x400, s13;
	s12 =	sadd.s32 s16, s12  }
0x13: {  	[hbm4b:s12+s13] =	stream.strided.scatter [tilespmem:s14], [sflag:$0x2], $0x2000, s8, s13, $0x20;
	[tilespmem:$0x8080] =	vst v63  }
.LBB1_5:
0x14: {  	s14 =	sadd.s32 $0x1, s9  }
0x15: {  	s12 =	sadd.s32 $0x1000, s10;
	s16 =	smov.u32 s10;
	p2 =	sgt.s32 s14, $0x31  }
0x16: {  	s16 =	smov.u32 @p2 s12  }
0x17: {  	s14 =	simm.s32 @p2 $0x0;
	p2 =	sgt.s32 s16, $0x3FFF  }
0x18: {  	s16 =	smov.u32 @p2 s2;
	p2 =	sne.s32 s11, s7  }
.Ltmp1:
0x19: {  	p1 =	slt.u32 s11, $0x2;
	(pc) =	sbr.rel @!p2 .LBB1_6-.Ltmp1, $4  }
0x1a: {  	s15 =	simm.s32 @!p1 $0x2  }
0x1b: {  	s13 =	smov.u32 s10;
	p0 =	por !p0, !p0;
	_ =	swait.ge @!p1 [sflag:s15], $0x2000  }
0x1c: {  	s12 =	smov.u32 s9;
	[sflag:s15] =	ssyncset.done @!p1 $0x0;
	s9 =	smov.u32 s14  }
0x1d: {  	s11 =	sadd.s32 $0x1, s11;
	[sflag:s15] =	ssyncadd.s32 @!p1 $0xFFFFE000;
	s10 =	smov.u32 s16  }
.LBB1_1:
0x1e: {  	p1 =	sge.u32 s11, s5  }
0x1f: {  	s14 =	sand.u32 @!p1 $0x1FFFFFF, s9  }
0x20: {  	s15 =	smulhi.u32 @!p1 $0x4924925, s14;
	_ =	sdelay $0x1  }
0x21: {  	s15 =	smul.u32 @!p1 $0x38, s15  }
0x22: {  	s16 =	sxor.u32 @!p1 $0xFFFFFFFF, s11;
	s17 =	smul.u32 @!p1 $0x380, s10  }
0x23: {  	s31 =	sadd.s32 $0xFFFFFFFF, s11;
	s16 =	sshll.u32 @!p1 s16, $0xD;
	s14 =	ssub.s32 @!p1 s14, s15  }
0x24: {  	s15 =	sand.u32 @!p1 $0x2000, s16;
	s16 =	sadd.s32 @!p1 s6, s17;
	s14 =	sshll.u32 @!p1 s14, $0x4  }
0x25: {  	s17 =	simm.s32 @!p1 $0x1C00;
	s14 =	sadd.s32 @!p1 s14, s16;
	s16 =	simm.s32 @!p1 $0x40  }
0x26: {  	[tilespmem:s15], [sflag:$0x1] =	stream.strided.gather @!p1 [hbm4b:s14+s16], $0x2000, s17, s16, $0x38;
	[tilespmem:$0x8080] =	vst v63  }
0x27: {  	p1 =	sge.u32 s31, s5  }
.Ltmp2:
0x28: {  	_ = 	snop;
	(pc) =	sbr.rel @p1 .LBB1_5-.Ltmp2, $1  }
0x29: {  	_ =	sdelay $0x3  }
0x2a: {  	s14 =	simm.s32 $0x1  }
0x2b: {  	_ =	swait.ge [sflag:s4], $0x2000;
	s14 =	simm.s32 @!p0 $0x0  }
0x2c: {  	[sflag:s4] =	ssyncset.done $0x0;
	s15 =	sshll.u32 s14, $0xD  }
0x2d: {  	[sflag:s4] =	ssyncadd.s32 $0xFFFFE000;
	s18 =	sor.u32 $0x20, s15  }
0x2e: {  	s14 =	smul.u32 $0x8100, s14;
	v3 =	vld [tilespmem:s18+$0x10]  }
0x2f: {  	s30 =	sand.u32 $0x1, s11;
	v2 =	vld [tilespmem:s18+$0xFFFFFFF0]  }
0x30: {  	s15 =	smul.u32 $0x8100, s30;
	s14 =	sshrl.u32 s14, $0x2;
	v0 =	vld [tilespmem:s18+$0x0]  }
0x31: {  	v1 =	vld [tilespmem:s18+$0xFFFFFFE0];
	s16 =	sor.u32 $0x4000, s14  }
0x32: {  	s31 =	sshrl.u32 s15, $0x2;
	s15 =	sadd.s32 $0x0, s16  }
0x33: {  	s17 =	simm.s32 $0x4;
	s18 =	sadd.s32 $0x40, s18;
	s14 =	sor.u32 $0x4000, s31;
	[tilespmem:s15+$0x1830 ss:$0x81] =	vst.msk $0xffff, v3  }
.LBB1_3:
0x34: {  	v3 =	vld [tilespmem:s18+$0x10];
	p1 =	sne.s32 s17, $0x1FC;
	[tilespmem:s15+$0x810 ss:$0x81] =	vst.msk $0xffff, v2;
	s19 =	smov.u32 s17;
	s17 =	sadd.s32 $0x4, s17  }
.Ltmp3:
0x35: {  	v2 =	vld [tilespmem:s18+$0xFFFFFFF0];
	[tilespmem:s15+$0x1020 ss:$0x81] =	vst.msk $0xffff, v0;
	(pc) =	sbr.rel @p1 .LBB1_3-.Ltmp3, $4  }
0x36: {  	v0 =	vld [tilespmem:s18+$0x0];
	[tilespmem:s15+$0x0 ss:$0x81] =	vst.msk $0xffff, v1  }
0x37: {  	s15 =	sshra.s32 s19, $0x2;
	v1 =	vld [tilespmem:s18+$0xFFFFFFE0]  }
0x38: {  	s15 =	sadd.s32 s15, s16  }
0x39: {  	s18 =	sadd.s32 $0x40, s18;
	[tilespmem:s15+$0x1830 ss:$0x81] =	vst.msk $0xffff, v3  }
.Ltmp4:
0x3a: {  	_ = 	snop;
	(pc) =	sbr.rel .LBB1_4-.Ltmp4, $1  }
0x3b: {  	_ =	sdelay $0x3  }
.LBB1_6:
0x3c: {  	_ =	sfence.sel $0x180000  }
0x3d: {  	s2 =	simm.s32 $0x1;
	[bflag:$0x0] =	sbarrier.arrive $0xFFFF  }
0x3e: {  	s31 =	simm.s32 $0x2;
	[sflag:s2] =	ssyncpa.u1 $0x1  }
0x3f: {  	[sflag:s31] =	ssyncpa.u1 $0x1  }
0x40: {  	p0 =	sne.s32 s0, $0x0;
	_ =	strace $0x9000004A  }
0x41: {  	s0 =	sadd.s32 @!p0 $0x100000, s1;
	[bflag:$0x2] =	sbarrier.arrive $0xFFFF  }
0x42: {  	[sflag:s0] =	ssyncadd.tile.s32 @!p0 $0x1;
	_ =	shalt  }
.Lfunc_end1:
_tile_overlayer_lowered:
.L_overlay_start_2:
0x43: {  	(tag) =	ssettag $0x2  }
0x44: {  	s0 =	rddreg [dreg:$0x0];
	s2 =	stileid.u32  }
0x45: {  	s1 =	rddreg [dreg:$0x1];
	p0 =	sne.s32 s2, $0x0  }
0x46: {  	s3 =	rddreg [dreg:$0x2];
	[bflag:$0x3] =	sbarrier.arrive $0xFFFF;
	s2 =	simm.s32 @!p0 $0x1C01  }
0x47: {  	[timem:s3], [sflag:s2] =	dma.local @!p0 [hbm:s0], s1  }
0x48: {  	s0 =	simm.s32 @!p0 $0x1  }
0x49: {  	_ =	swait.ge @!p0 [sflag:s0], s1  }
0x4a: {  	s1 =	ssub.s32 @!p0 $0x0, s1;
	[sflag:s0] =	ssyncset.done @!p0 $0x0  }
0x4b: {  	[sflag:s0] =	ssyncadd.s32 @!p0 s1  }
0x4c: {  	[bflag:$0x3] =	sbarrier.arrive $0xFFFF  }
0x4d: {  	_ =	shalt  }

</sc_bundles>
